<compile_context>
chip_gen: v7x
topology: tpu7x:2x2x1
jax: 0.10.2.dev20260603
libtpu: 0.0.44.dev20260713+nightly
codegen_flags: <defaults>
</compile_context>

<pallas_src>
import jax
import jax.numpy as jnp
from jax import lax
from jax.experimental import pallas as pl
from jax.experimental.pallas import tpu as pltpu
from jax.experimental.pallas import tpu_sc as plsc

D_MODEL = 64
SCALE = float(D_MODEL) ** 0.5
NUM_WORKERS = 32
NTC = 128 // NUM_WORKERS
SEQ = 50
NBLK = SEQ * NTC


def _emb_body(xt_hbm, table_hbm, out_hbm, idx2, gbufs, tbufs, sems_g, sems_o):
    w = lax.axis_index("s") * 2 + lax.axis_index("c")
    tc0 = w * NTC

    pltpu.sync_copy(xt_hbm.at[:, pl.ds(tc0 * 128, NTC * 128)], idx2)

    base16 = lax.iota(jnp.int32, 16)

    def gather_desc(blk, j, g):
        return pltpu.make_async_copy(
            table_hbm.at[idx2.at[blk, pl.ds(j * 128, 128)]], gbufs[g],
            sems_g[g])

    def out_descs(blk, tcj, p):
        return [
            pltpu.make_async_copy(
                tbufs[p].at[:, :, pl.ds(0, 128)],
                out_hbm.at[blk, :, tc0 + tcj], sems_o[p])
        ]

    dvecs = [base16 + 16 * j for j in range(D_MODEL // 16)]
    trvecs = [lax.shift_right_logical(d, 3) for d in dvecs]
    rvecs = [d & 7 for d in dvecs]

    def transpose_scale(g, p):
        @plsc.parallel_loop(0, 128, unroll=4)
        def tbody(t):
            tvec = jnp.zeros((16,), jnp.int32) + t
            for j in range(D_MODEL // 16):
                vals = gbufs[g][t, pl.ds(j * 16, 16)] * SCALE
                plsc.store_scatter(
                    tbufs[p], [trvecs[j], rvecs[j], tvec], vals)

    def step(blk, j, skip_wait_out=False, skip_gather=False):
        p = j % 2
        if not skip_gather:
            if j < 2:
                gather_desc(blk, j + 2, j + 2).start()
            else:
                gather_desc(blk + 1, j - 2, j - 2).start()
        gather_desc(blk, j, j).wait()
        if not skip_wait_out:
            if j < 2:
                for dsc in out_descs(blk - 1, j + 2, p):
                    dsc.wait()
            else:
                for dsc in out_descs(blk, j - 2, p):
                    dsc.wait()
        transpose_scale(j, p)
        for dsc in out_descs(blk, j, p):
            dsc.start()

    gather_desc(0, 0, 0).start()
    gather_desc(0, 1, 1).start()

    step(0, 0, skip_wait_out=True)
    step(0, 1, skip_wait_out=True)
    step(0, 2)
    step(0, 3)

    def sb_body(blk, carry):
        for j in range(NTC):
            step(blk, j)
        return carry

    lax.fori_loop(1, SEQ - 1, sb_body, 0)

    step(SEQ - 1, 0)
    step(SEQ - 1, 1)
    step(SEQ - 1, 2, skip_gather=True)
    step(SEQ - 1, 3, skip_gather=True)

    for dsc in out_descs(SEQ - 1, 2, 0):
        dsc.wait()
    for dsc in out_descs(SEQ - 1, 3, 1):
        dsc.wait()


@jax.jit
def kernel(x, embedding):
    batch, seq = x.shape
    xt = jnp.swapaxes(x, 0, 1).astype(jnp.int32)

    mesh = plsc.VectorSubcoreMesh(core_axis_name="c", subcore_axis_name="s")
    v5 = pl.kernel(
        _emb_body,
        out_type=jax.ShapeDtypeStruct(
            (seq, D_MODEL // 8, batch // 128, 8, 128), jnp.float32),
        mesh=mesh,
        scratch_types=[
            pltpu.VMEM((SEQ, NTC * 128), jnp.int32),
            [pltpu.VMEM((128, D_MODEL), jnp.float32) for _ in range(4)],
            [pltpu.VMEM((8, 8, 129), jnp.float32) for _ in range(2)],
            [pltpu.SemaphoreType.DMA for _ in range(4)],
            [pltpu.SemaphoreType.DMA for _ in range(2)],
        ],
        compiler_params=pltpu.CompilerParams(
            use_tc_tiling_on_sc=False, needs_layout_passes=False),
    )(xt, embedding)
    out = jnp.transpose(v5, (2, 4, 0, 1, 3)).reshape(batch, seq, D_MODEL)
    return out

# --- scband reference (transcript-rebuilt; emitter-appended) ---
"""Pipeline reference for scband-input-embeddings-47313359733201 (READ-ONLY COPY).

The authoritative reference and input builder live on the scoring server;
editing this copy changes nothing except your own understanding.
"""

import jax, jax.numpy as jnp
import numpy as np

D_MODEL = 64
VOCAB_SIZE = 1000000

def setup_inputs(seed: int = 0) -> dict:
    key = jax.random.key(seed)
    k_idx, k_tab = jax.random.split(key)
    x = jax.random.randint(k_idx, (16384, 50), 0, VOCAB_SIZE, dtype=jnp.int64 if jax.config.jax_enable_x64 else jnp.int32)
    # embedding table initialized ~ Normal(0, d_model^-0.5), per nnx.initializers.normal(stddev=d_model**-0.5)
    embedding = jax.random.normal(k_tab, (VOCAB_SIZE, D_MODEL), dtype=jnp.float32) * (D_MODEL ** -0.5)
    return {"x": x, "embedding": embedding}

def reference(x, embedding):
    # InputEmbeddings.__call__: embed lookup then scale by sqrt(d_model)
    out = jnp.take(embedding, x, axis=0) * (D_MODEL ** 0.5)
    return out

if __name__ == "__main__":
    import jax
    _d = setup_inputs()
    print(jax.jit(kernel)(*tuple(_d.values())))

</pallas_src>

<mosaic_0001>
#map = affine_map<(d0, d1) -> (0, 0)>
#map1 = affine_map<(d0, d1) -> (0, 0, 0, 0, 0)>
module attributes {stable_mosaic.version = 14 : i64} {
  func.func @_emb_body(%arg0: i32, %arg1: i32, %arg2: memref<50x16384xi32, #tpu.memory_space<hbm>>, %arg3: memref<1000000x64xf32, #tpu.memory_space<hbm>>, %arg4: memref<50x8x128x8x128xf32, #tpu.memory_space<hbm>>, %arg5: memref<50x512xi32, #tpu.memory_space<vmem>>, %arg6: memref<128x64xf32, #tpu.memory_space<vmem>>, %arg7: memref<128x64xf32, #tpu.memory_space<vmem>>, %arg8: memref<128x64xf32, #tpu.memory_space<vmem>>, %arg9: memref<128x64xf32, #tpu.memory_space<vmem>>, %arg10: memref<8x8x129xf32, #tpu.memory_space<vmem>>, %arg11: memref<8x8x129xf32, #tpu.memory_space<vmem>>, %arg12: memref<!tpu.dma_semaphore, #tpu.memory_space<semaphore_mem>>, %arg13: memref<!tpu.dma_semaphore, #tpu.memory_space<semaphore_mem>>, %arg14: memref<!tpu.dma_semaphore, #tpu.memory_space<semaphore_mem>>, %arg15: memref<!tpu.dma_semaphore, #tpu.memory_space<semaphore_mem>>, %arg16: memref<!tpu.dma_semaphore, #tpu.memory_space<semaphore_mem>>, %arg17: memref<!tpu.dma_semaphore, #tpu.memory_space<semaphore_mem>>) attributes {dimension_semantics = [#tpu.dimension_semantics<core_parallel>, #tpu.dimension_semantics<subcore_parallel>], iteration_bounds = array<i64: 2, 16>, scalar_prefetch = 0 : i64, scratch_operands = 13 : i64, tpu.core_type = #tpu.core_type<sc_vector_subcore>, window_params = [{transform_indices = #map}, {transform_indices = #map}, {transform_indices = #map1}]} {
    %mul3A = arith.constant 2 : i32
    %mul3A_0 = arith.muli %arg1, %mul3A : i32
    %add3A = arith.addi %mul3A_0, %arg0 : i32
    %mul3A_1 = arith.constant 4 : i32
    %mul3A_2 = arith.muli %add3A, %mul3A_1 : i32
    %mul3A_3 = arith.constant 128 : i32
    %mul3A_4 = arith.muli %mul3A_2, %mul3A_3 : i32
    "tpu.region"() ({
      %run_scoped3A = tpu.sem_alloc : memref<!tpu.dma_semaphore, #tpu.memory_space<semaphore_mem>>
      %dma_start3A_513 = arith.constant 0 : i32
      %dma_start3A_514 = tpu.memref_slice %arg2[%dma_start3A_513, %mul3A_4] : memref<50x16384xi32, #tpu.memory_space<hbm>> -> memref<50x512xi32, #tpu.memory_space<hbm>>
      %dma_start3A_515 = arith.constant 0 : i32
      %dma_start3A_516 = tpu.memref_slice %arg2[%dma_start3A_515, %mul3A_4] : memref<50x16384xi32, #tpu.memory_space<hbm>> -> memref<50x512xi32, #tpu.memory_space<hbm>>
      tpu.enqueue_dma source(%dma_start3A_516 : memref<50x512xi32, #tpu.memory_space<hbm>>) target(%arg5 : memref<50x512xi32, #tpu.memory_space<vmem>>) target_semaphore(%run_scoped3A : memref<!tpu.dma_semaphore, #tpu.memory_space<semaphore_mem>>)
      %dma_wait3A_517 = arith.constant 0 : i32
      %dma_wait3A_518 = tpu.memref_slice %arg2[%dma_wait3A_517, %mul3A_4] : memref<50x16384xi32, #tpu.memory_space<hbm>> -> memref<50x512xi32, #tpu.memory_space<hbm>>
      %dma_wait3A_519 = arith.constant 0 : i32
      %dma_wait3A_520 = tpu.memref_slice %arg2[%dma_wait3A_519, %mul3A_4] : memref<50x16384xi32, #tpu.memory_space<hbm>> -> memref<50x512xi32, #tpu.memory_space<hbm>>
      tpu.wait_dma2 semaphore(%run_scoped3A : memref<!tpu.dma_semaphore, #tpu.memory_space<semaphore_mem>>) src(%dma_wait3A_520 : memref<50x512xi32, #tpu.memory_space<hbm>>) dst(%arg5 : memref<50x512xi32, #tpu.memory_space<vmem>>)
      tpu.yield
    }) : () -> ()
    %iota3A = tpu.iota {dimensions = array<i32: 0>} : vector<16xi32>
    %add3A_5 = arith.constant 0 : i32
    %add3A_6 = vector.broadcast %add3A_5 : i32 to vector<16xi32>
    %add3A_7 = arith.addi %iota3A, %add3A_6 : vector<16xi32>
    %add3A_8 = arith.constant 16 : i32
    %add3A_9 = vector.broadcast %add3A_8 : i32 to vector<16xi32>
    %add3A_10 = arith.addi %iota3A, %add3A_9 : vector<16xi32>
    %add3A_11 = arith.constant 32 : i32
    %add3A_12 = vector.broadcast %add3A_11 : i32 to vector<16xi32>
    %add3A_13 = arith.addi %iota3A, %add3A_12 : vector<16xi32>
    %add3A_14 = arith.constant 48 : i32
    %add3A_15 = vector.broadcast %add3A_14 : i32 to vector<16xi32>
    %add3A_16 = arith.addi %iota3A, %add3A_15 : vector<16xi32>
    %shift_right_logical3A = arith.constant 3 : i32
    %shift_right_logical3A_17 = vector.broadcast %shift_right_logical3A : i32 to vector<16xi32>
    %shift_right_logical3A_18 = arith.shrui %add3A_7, %shift_right_logical3A_17 : vector<16xi32>
    %shift_right_logical3A_19 = arith.constant 3 : i32
    %shift_right_logical3A_20 = vector.broadcast %shift_right_logical3A_19 : i32 to vector<16xi32>
    %shift_right_logical3A_21 = arith.shrui %add3A_10, %shift_right_logical3A_20 : vector<16xi32>
    %shift_right_logical3A_22 = arith.constant 3 : i32
    %shift_right_logical3A_23 = vector.broadcast %shift_right_logical3A_22 : i32 to vector<16xi32>
    %shift_right_logical3A_24 = arith.shrui %add3A_13, %shift_right_logical3A_23 : vector<16xi32>
    %shift_right_logical3A_25 = arith.constant 3 : i32
    %shift_right_logical3A_26 = vector.broadcast %shift_right_logical3A_25 : i32 to vector<16xi32>
    %shift_right_logical3A_27 = arith.shrui %add3A_16, %shift_right_logical3A_26 : vector<16xi32>
    %and3A = arith.constant 7 : i32
    %and3A_28 = vector.broadcast %and3A : i32 to vector<16xi32>
    %and3A_29 = arith.andi %add3A_7, %and3A_28 : vector<16xi32>
    %and3A_30 = arith.constant 7 : i32
    %and3A_31 = vector.broadcast %and3A_30 : i32 to vector<16xi32>
    %and3A_32 = arith.andi %add3A_10, %and3A_31 : vector<16xi32>
    %and3A_33 = arith.constant 7 : i32
    %and3A_34 = vector.broadcast %and3A_33 : i32 to vector<16xi32>
    %and3A_35 = arith.andi %add3A_13, %and3A_34 : vector<16xi32>
    %and3A_36 = arith.constant 7 : i32
    %and3A_37 = vector.broadcast %and3A_36 : i32 to vector<16xi32>
    %and3A_38 = arith.andi %add3A_16, %and3A_37 : vector<16xi32>
    %dma_start3A = arith.constant 0 : i32
    %dma_start3A_39 = arith.constant 0 : i32
    %dma_start3A_40 = tpu.memref_slice %arg5[%dma_start3A, %dma_start3A_39] : memref<50x512xi32, #tpu.memory_space<vmem>> -> memref<1x128xi32, #tpu.memory_space<vmem>>
    %dma_start3A_41 = tpu.memref_squeeze %dma_start3A_40 : memref<1x128xi32, #tpu.memory_space<vmem>> -> memref<128xi32, #tpu.memory_space<vmem>>
    %dma_start3A_42 = arith.constant 0 : i32
    %dma_start3A_43 = arith.constant 0 : i32
    %dma_start3A_44 = tpu.memref_slice %arg3[%dma_start3A_42, %dma_start3A_43] : memref<1000000x64xf32, #tpu.memory_space<hbm>> -> memref<1000000x64xf32, #tpu.memory_space<hbm>>
    tpu.enqueue_indirect_dma source(%dma_start3A_44 : memref<1000000x64xf32, #tpu.memory_space<hbm>>) target(%arg6 : memref<128x64xf32, #tpu.memory_space<vmem>>) offsets(%dma_start3A_41 : memref<128xi32, #tpu.memory_space<vmem>>) semaphore(%arg12 : memref<!tpu.dma_semaphore, #tpu.memory_space<semaphore_mem>>)
    %dma_start3A_45 = arith.constant 0 : i32
    %dma_start3A_46 = arith.constant 128 : i32
    %dma_start3A_47 = tpu.memref_slice %arg5[%dma_start3A_45, %dma_start3A_46] : memref<50x512xi32, #tpu.memory_space<vmem>> -> memref<1x128xi32, #tpu.memory_space<vmem>>
    %dma_start3A_48 = tpu.memref_squeeze %dma_start3A_47 : memref<1x128xi32, #tpu.memory_space<vmem>> -> memref<128xi32, #tpu.memory_space<vmem>>
    %dma_start3A_49 = arith.constant 0 : i32
    %dma_start3A_50 = arith.constant 0 : i32
    %dma_start3A_51 = tpu.memref_slice %arg3[%dma_start3A_49, %dma_start3A_50] : memref<1000000x64xf32, #tpu.memory_space<hbm>> -> memref<1000000x64xf32, #tpu.memory_space<hbm>>
    tpu.enqueue_indirect_dma source(%dma_start3A_51 : memref<1000000x64xf32, #tpu.memory_space<hbm>>) target(%arg7 : memref<128x64xf32, #tpu.memory_space<vmem>>) offsets(%dma_start3A_48 : memref<128xi32, #tpu.memory_space<vmem>>) semaphore(%arg13 : memref<!tpu.dma_semaphore, #tpu.memory_space<semaphore_mem>>)
    %dma_start3A_52 = arith.constant 0 : i32
    %dma_start3A_53 = arith.constant 256 : i32
    %dma_start3A_54 = tpu.memref_slice %arg5[%dma_start3A_52, %dma_start3A_53] : memref<50x512xi32, #tpu.memory_space<vmem>> -> memref<1x128xi32, #tpu.memory_space<vmem>>
    %dma_start3A_55 = tpu.memref_squeeze %dma_start3A_54 : memref<1x128xi32, #tpu.memory_space<vmem>> -> memref<128xi32, #tpu.memory_space<vmem>>
    %dma_start3A_56 = arith.constant 0 : i32
    %dma_start3A_57 = arith.constant 0 : i32
    %dma_start3A_58 = tpu.memref_slice %arg3[%dma_start3A_56, %dma_start3A_57] : memref<1000000x64xf32, #tpu.memory_space<hbm>> -> memref<1000000x64xf32, #tpu.memory_space<hbm>>
    tpu.enqueue_indirect_dma source(%dma_start3A_58 : memref<1000000x64xf32, #tpu.memory_space<hbm>>) target(%arg8 : memref<128x64xf32, #tpu.memory_space<vmem>>) offsets(%dma_start3A_55 : memref<128xi32, #tpu.memory_space<vmem>>) semaphore(%arg14 : memref<!tpu.dma_semaphore, #tpu.memory_space<semaphore_mem>>)
    %dma_wait3A = arith.constant 0 : i32
    %dma_wait3A_59 = arith.constant 0 : i32
    %dma_wait3A_60 = tpu.memref_slice %arg5[%dma_wait3A, %dma_wait3A_59] : memref<50x512xi32, #tpu.memory_space<vmem>> -> memref<1x128xi32, #tpu.memory_space<vmem>>
    %dma_wait3A_61 = tpu.memref_squeeze %dma_wait3A_60 : memref<1x128xi32, #tpu.memory_space<vmem>> -> memref<128xi32, #tpu.memory_space<vmem>>
    %dma_wait3A_62 = arith.constant 0 : i32
    %dma_wait3A_63 = arith.constant 0 : i32
    %dma_wait3A_64 = tpu.memref_slice %arg3[%dma_wait3A_62, %dma_wait3A_63] : memref<1000000x64xf32, #tpu.memory_space<hbm>> -> memref<1000000x64xf32, #tpu.memory_space<hbm>>
    tpu.wait_indirect_dma semaphore(%arg12 : memref<!tpu.dma_semaphore, #tpu.memory_space<semaphore_mem>>) src(%dma_wait3A_64 : memref<1000000x64xf32, #tpu.memory_space<hbm>>) dst(%arg6 : memref<128x64xf32, #tpu.memory_space<vmem>>)
    %parallel_loop3A = arith.constant 0 : i32
    %parallel_loop3A_65 = arith.constant 128 : i32
    %parallel_loop3A_66 = arith.constant 1 : i32
    scf.for %parallel_loop3A_513 = %parallel_loop3A to %parallel_loop3A_65 step %parallel_loop3A_66  : i32 {
      %parallel_loop3A_514 = arith.constant 0 : i32
      %parallel_loop3A_515 = vector.broadcast %parallel_loop3A_514 : i32 to vector<16xi32>
      %parallel_loop3A_516 = vector.broadcast %parallel_loop3A_513 : i32 to vector<16xi32>
      %parallel_loop3A_517 = arith.addi %parallel_loop3A_515, %parallel_loop3A_516 : vector<16xi32>
      %parallel_loop3A_518 = arith.index_cast %parallel_loop3A_513 : i32 to index
      %parallel_loop3A_519 = arith.constant 0 : index
      %parallel_loop3A_520 = tpu.vector_load %arg6[%parallel_loop3A_518, %parallel_loop3A_519] {strides = array<i32>} : memref<128x64xf32, #tpu.memory_space<vmem>>, vector<16xf32>,
      %parallel_loop3A_521 = arith.constant 8.000000e+00 : f32
      %parallel_loop3A_522 = vector.broadcast %parallel_loop3A_521 : f32 to vector<16xf32>
      %parallel_loop3A_523 = arith.mulf %parallel_loop3A_520, %parallel_loop3A_522 : vector<16xf32>
      tpu.vector_store_idx %arg10[%shift_right_logical3A_18, %and3A_29, %parallel_loop3A_517], %parallel_loop3A_523 : memref<8x8x129xf32, #tpu.memory_space<vmem>>[vector<16xi32>, vector<16xi32>, vector<16xi32>], vector<16xf32>,
      %parallel_loop3A_524 = arith.index_cast %parallel_loop3A_513 : i32 to index
      %parallel_loop3A_525 = arith.constant 16 : index
      %parallel_loop3A_526 = tpu.vector_load %arg6[%parallel_loop3A_524, %parallel_loop3A_525] {strides = array<i32>} : memref<128x64xf32, #tpu.memory_space<vmem>>, vector<16xf32>,
      %parallel_loop3A_527 = arith.constant 8.000000e+00 : f32
      %parallel_loop3A_528 = vector.broadcast %parallel_loop3A_527 : f32 to vector<16xf32>
      %parallel_loop3A_529 = arith.mulf %parallel_loop3A_526, %parallel_loop3A_528 : vector<16xf32>
      tpu.vector_store_idx %arg10[%shift_right_logical3A_21, %and3A_32, %parallel_loop3A_517], %parallel_loop3A_529 : memref<8x8x129xf32, #tpu.memory_space<vmem>>[vector<16xi32>, vector<16xi32>, vector<16xi32>], vector<16xf32>,
      %parallel_loop3A_530 = arith.index_cast %parallel_loop3A_513 : i32 to index
      %parallel_loop3A_531 = arith.constant 32 : index
      %parallel_loop3A_532 = tpu.vector_load %arg6[%parallel_loop3A_530, %parallel_loop3A_531] {strides = array<i32>} : memref<128x64xf32, #tpu.memory_space<vmem>>, vector<16xf32>,
      %parallel_loop3A_533 = arith.constant 8.000000e+00 : f32
      %parallel_loop3A_534 = vector.broadcast %parallel_loop3A_533 : f32 to vector<16xf32>
      %parallel_loop3A_535 = arith.mulf %parallel_loop3A_532, %parallel_loop3A_534 : vector<16xf32>
      tpu.vector_store_idx %arg10[%shift_right_logical3A_24, %and3A_35, %parallel_loop3A_517], %parallel_loop3A_535 : memref<8x8x129xf32, #tpu.memory_space<vmem>>[vector<16xi32>, vector<16xi32>, vector<16xi32>], vector<16xf32>,
      %parallel_loop3A_536 = arith.index_cast %parallel_loop3A_513 : i32 to index
      %parallel_loop3A_537 = arith.constant 48 : index
      %parallel_loop3A_538 = tpu.vector_load %arg6[%parallel_loop3A_536, %parallel_loop3A_537] {strides = array<i32>} : memref<128x64xf32, #tpu.memory_space<vmem>>, vector<16xf32>,
      %parallel_loop3A_539 = arith.constant 8.000000e+00 : f32
      %parallel_loop3A_540 = vector.broadcast %parallel_loop3A_539 : f32 to vector<16xf32>
      %parallel_loop3A_541 = arith.mulf %parallel_loop3A_538, %parallel_loop3A_540 : vector<16xf32>
      tpu.vector_store_idx %arg10[%shift_right_logical3A_27, %and3A_38, %parallel_loop3A_517], %parallel_loop3A_541 : memref<8x8x129xf32, #tpu.memory_space<vmem>>[vector<16xi32>, vector<16xi32>, vector<16xi32>], vector<16xf32>,
    } {sc.loop_unroll_factor = 4 : i64, sc.parallel_access}
    %add3A_67 = arith.constant 0 : i32
    %add3A_68 = arith.addi %mul3A_2, %add3A_67 : i32
    %dma_start3A_69 = arith.constant 0 : i32
    %dma_start3A_70 = arith.constant 0 : i32
    %dma_start3A_71 = arith.constant 0 : i32
    %dma_start3A_72 = arith.constant 0 : i32
    %dma_start3A_73 = tpu.memref_slice %arg10[%dma_start3A_70, %dma_start3A_71, %dma_start3A_72] : memref<8x8x129xf32, #tpu.memory_space<vmem>> -> memref<8x8x128xf32, #tpu.memory_space<vmem>>
    %dma_start3A_74 = arith.constant 0 : i32
    %dma_start3A_75 = arith.constant 0 : i32
    %dma_start3A_76 = arith.constant 0 : i32
    %dma_start3A_77 = tpu.memref_slice %arg4[%dma_start3A_69, %dma_start3A_74, %add3A_68, %dma_start3A_75, %dma_start3A_76] : memref<50x8x128x8x128xf32, #tpu.memory_space<hbm>> -> memref<1x8x1x8x128xf32, #tpu.memory_space<hbm>>
    %dma_start3A_78 = tpu.memref_squeeze %dma_start3A_77 : memref<1x8x1x8x128xf32, #tpu.memory_space<hbm>> -> memref<8x8x128xf32, #tpu.memory_space<hbm>>
    %dma_start3A_79 = arith.constant 0 : i32
    %dma_start3A_80 = arith.constant 0 : i32
    %dma_start3A_81 = arith.constant 0 : i32
    %dma_start3A_82 = tpu.memref_slice %arg4[%dma_start3A_69, %dma_start3A_79, %add3A_68, %dma_start3A_80, %dma_start3A_81] : memref<50x8x128x8x128xf32, #tpu.memory_space<hbm>> -> memref<1x8x1x8x128xf32, #tpu.memory_space<hbm>>
    %dma_start3A_83 = tpu.memref_squeeze %dma_start3A_82 : memref<1x8x1x8x128xf32, #tpu.memory_space<hbm>> -> memref<8x8x128xf32, #tpu.memory_space<hbm>>
    %dma_start3A_84 = arith.constant 0 : i32
    %dma_start3A_85 = arith.constant 0 : i32
    %dma_start3A_86 = arith.constant 0 : i32
    %dma_start3A_87 = tpu.memref_slice %arg10[%dma_start3A_84, %dma_start3A_85, %dma_start3A_86] : memref<8x8x129xf32, #tpu.memory_space<vmem>> -> memref<8x8x128xf32, #tpu.memory_space<vmem>>
    tpu.enqueue_dma source(%dma_start3A_87 : memref<8x8x128xf32, #tpu.memory_space<vmem>>) target(%dma_start3A_83 : memref<8x8x128xf32, #tpu.memory_space<hbm>>) target_semaphore(%arg16 : memref<!tpu.dma_semaphore, #tpu.memory_space<semaphore_mem>>)
    %dma_start3A_88 = arith.constant 0 : i32
    %dma_start3A_89 = arith.constant 384 : i32
    %dma_start3A_90 = tpu.memref_slice %arg5[%dma_start3A_88, %dma_start3A_89] : memref<50x512xi32, #tpu.memory_space<vmem>> -> memref<1x128xi32, #tpu.memory_space<vmem>>
    %dma_start3A_91 = tpu.memref_squeeze %dma_start3A_90 : memref<1x128xi32, #tpu.memory_space<vmem>> -> memref<128xi32, #tpu.memory_space<vmem>>
    %dma_start3A_92 = arith.constant 0 : i32
    %dma_start3A_93 = arith.constant 0 : i32
    %dma_start3A_94 = tpu.memref_slice %arg3[%dma_start3A_92, %dma_start3A_93] : memref<1000000x64xf32, #tpu.memory_space<hbm>> -> memref<1000000x64xf32, #tpu.memory_space<hbm>>
    tpu.enqueue_indirect_dma source(%dma_start3A_94 : memref<1000000x64xf32, #tpu.memory_space<hbm>>) target(%arg9 : memref<128x64xf32, #tpu.memory_space<vmem>>) offsets(%dma_start3A_91 : memref<128xi32, #tpu.memory_space<vmem>>) semaphore(%arg15 : memref<!tpu.dma_semaphore, #tpu.memory_space<semaphore_mem>>)
    %dma_wait3A_95 = arith.constant 0 : i32
    %dma_wait3A_96 = arith.constant 128 : i32
    %dma_wait3A_97 = tpu.memref_slice %arg5[%dma_wait3A_95, %dma_wait3A_96] : memref<50x512xi32, #tpu.memory_space<vmem>> -> memref<1x128xi32, #tpu.memory_space<vmem>>
    %dma_wait3A_98 = tpu.memref_squeeze %dma_wait3A_97 : memref<1x128xi32, #tpu.memory_space<vmem>> -> memref<128xi32, #tpu.memory_space<vmem>>
    %dma_wait3A_99 = arith.constant 0 : i32
    %dma_wait3A_100 = arith.constant 0 : i32
    %dma_wait3A_101 = tpu.memref_slice %arg3[%dma_wait3A_99, %dma_wait3A_100] : memref<1000000x64xf32, #tpu.memory_space<hbm>> -> memref<1000000x64xf32, #tpu.memory_space<hbm>>
    tpu.wait_indirect_dma semaphore(%arg13 : memref<!tpu.dma_semaphore, #tpu.memory_space<semaphore_mem>>) src(%dma_wait3A_101 : memref<1000000x64xf32, #tpu.memory_space<hbm>>) dst(%arg7 : memref<128x64xf32, #tpu.memory_space<vmem>>)
    %parallel_loop3A_102 = arith.constant 0 : i32
    %parallel_loop3A_103 = arith.constant 128 : i32
    %parallel_loop3A_104 = arith.constant 1 : i32
    scf.for %parallel_loop3A_513 = %parallel_loop3A_102 to %parallel_loop3A_103 step %parallel_loop3A_104  : i32 {
      %parallel_loop3A_514 = arith.constant 0 : i32
      %parallel_loop3A_515 = vector.broadcast %parallel_loop3A_514 : i32 to vector<16xi32>
      %parallel_loop3A_516 = vector.broadcast %parallel_loop3A_513 : i32 to vector<16xi32>
      %parallel_loop3A_517 = arith.addi %parallel_loop3A_515, %parallel_loop3A_516 : vector<16xi32>
      %parallel_loop3A_518 = arith.index_cast %parallel_loop3A_513 : i32 to index
      %parallel_loop3A_519 = arith.constant 0 : index
      %parallel_loop3A_520 = tpu.vector_load %arg7[%parallel_loop3A_518, %parallel_loop3A_519] {strides = array<i32>} : memref<128x64xf32, #tpu.memory_space<vmem>>, vector<16xf32>,
      %parallel_loop3A_521 = arith.constant 8.000000e+00 : f32
      %parallel_loop3A_522 = vector.broadcast %parallel_loop3A_521 : f32 to vector<16xf32>
      %parallel_loop3A_523 = arith.mulf %parallel_loop3A_520, %parallel_loop3A_522 : vector<16xf32>
      tpu.vector_store_idx %arg11[%shift_right_logical3A_18, %and3A_29, %parallel_loop3A_517], %parallel_loop3A_523 : memref<8x8x129xf32, #tpu.memory_space<vmem>>[vector<16xi32>, vector<16xi32>, vector<16xi32>], vector<16xf32>,
      %parallel_loop3A_524 = arith.index_cast %parallel_loop3A_513 : i32 to index
      %parallel_loop3A_525 = arith.constant 16 : index
      %parallel_loop3A_526 = tpu.vector_load %arg7[%parallel_loop3A_524, %parallel_loop3A_525] {strides = array<i32>} : memref<128x64xf32, #tpu.memory_space<vmem>>, vector<16xf32>,
      %parallel_loop3A_527 = arith.constant 8.000000e+00 : f32
      %parallel_loop3A_528 = vector.broadcast %parallel_loop3A_527 : f32 to vector<16xf32>
      %parallel_loop3A_529 = arith.mulf %parallel_loop3A_526, %parallel_loop3A_528 : vector<16xf32>
      tpu.vector_store_idx %arg11[%shift_right_logical3A_21, %and3A_32, %parallel_loop3A_517], %parallel_loop3A_529 : memref<8x8x129xf32, #tpu.memory_space<vmem>>[vector<16xi32>, vector<16xi32>, vector<16xi32>], vector<16xf32>,
      %parallel_loop3A_530 = arith.index_cast %parallel_loop3A_513 : i32 to index
      %parallel_loop3A_531 = arith.constant 32 : index
      %parallel_loop3A_532 = tpu.vector_load %arg7[%parallel_loop3A_530, %parallel_loop3A_531] {strides = array<i32>} : memref<128x64xf32, #tpu.memory_space<vmem>>, vector<16xf32>,
      %parallel_loop3A_533 = arith.constant 8.000000e+00 : f32
      %parallel_loop3A_534 = vector.broadcast %parallel_loop3A_533 : f32 to vector<16xf32>
      %parallel_loop3A_535 = arith.mulf %parallel_loop3A_532, %parallel_loop3A_534 : vector<16xf32>
      tpu.vector_store_idx %arg11[%shift_right_logical3A_24, %and3A_35, %parallel_loop3A_517], %parallel_loop3A_535 : memref<8x8x129xf32, #tpu.memory_space<vmem>>[vector<16xi32>, vector<16xi32>, vector<16xi32>], vector<16xf32>,
      %parallel_loop3A_536 = arith.index_cast %parallel_loop3A_513 : i32 to index
      %parallel_loop3A_537 = arith.constant 48 : index
      %parallel_loop3A_538 = tpu.vector_load %arg7[%parallel_loop3A_536, %parallel_loop3A_537] {strides = array<i32>} : memref<128x64xf32, #tpu.memory_space<vmem>>, vector<16xf32>,
      %parallel_loop3A_539 = arith.constant 8.000000e+00 : f32
      %parallel_loop3A_540 = vector.broadcast %parallel_loop3A_539 : f32 to vector<16xf32>
      %parallel_loop3A_541 = arith.mulf %parallel_loop3A_538, %parallel_loop3A_540 : vector<16xf32>
      tpu.vector_store_idx %arg11[%shift_right_logical3A_27, %and3A_38, %parallel_loop3A_517], %parallel_loop3A_541 : memref<8x8x129xf32, #tpu.memory_space<vmem>>[vector<16xi32>, vector<16xi32>, vector<16xi32>], vector<16xf32>,
    } {sc.loop_unroll_factor = 4 : i64, sc.parallel_access}
    %add3A_105 = arith.constant 1 : i32
    %add3A_106 = arith.addi %mul3A_2, %add3A_105 : i32
    %dma_start3A_107 = arith.constant 0 : i32
    %dma_start3A_108 = arith.constant 0 : i32
    %dma_start3A_109 = arith.constant 0 : i32
    %dma_start3A_110 = arith.constant 0 : i32
    %dma_start3A_111 = tpu.memref_slice %arg11[%dma_start3A_108, %dma_start3A_109, %dma_start3A_110] : memref<8x8x129xf32, #tpu.memory_space<vmem>> -> memref<8x8x128xf32, #tpu.memory_space<vmem>>
    %dma_start3A_112 = arith.constant 0 : i32
    %dma_start3A_113 = arith.constant 0 : i32
    %dma_start3A_114 = arith.constant 0 : i32
    %dma_start3A_115 = tpu.memref_slice %arg4[%dma_start3A_107, %dma_start3A_112, %add3A_106, %dma_start3A_113, %dma_start3A_114] : memref<50x8x128x8x128xf32, #tpu.memory_space<hbm>> -> memref<1x8x1x8x128xf32, #tpu.memory_space<hbm>>
    %dma_start3A_116 = tpu.memref_squeeze %dma_start3A_115 : memref<1x8x1x8x128xf32, #tpu.memory_space<hbm>> -> memref<8x8x128xf32, #tpu.memory_space<hbm>>
    %dma_start3A_117 = arith.constant 0 : i32
    %dma_start3A_118 = arith.constant 0 : i32
    %dma_start3A_119 = arith.constant 0 : i32
    %dma_start3A_120 = tpu.memref_slice %arg4[%dma_start3A_107, %dma_start3A_117, %add3A_106, %dma_start3A_118, %dma_start3A_119] : memref<50x8x128x8x128xf32, #tpu.memory_space<hbm>> -> memref<1x8x1x8x128xf32, #tpu.memory_space<hbm>>
    %dma_start3A_121 = tpu.memref_squeeze %dma_start3A_120 : memref<1x8x1x8x128xf32, #tpu.memory_space<hbm>> -> memref<8x8x128xf32, #tpu.memory_space<hbm>>
    %dma_start3A_122 = arith.constant 0 : i32
    %dma_start3A_123 = arith.constant 0 : i32
    %dma_start3A_124 = arith.constant 0 : i32
    %dma_start3A_125 = tpu.memref_slice %arg11[%dma_start3A_122, %dma_start3A_123, %dma_start3A_124] : memref<8x8x129xf32, #tpu.memory_space<vmem>> -> memref<8x8x128xf32, #tpu.memory_space<vmem>>
    tpu.enqueue_dma source(%dma_start3A_125 : memref<8x8x128xf32, #tpu.memory_space<vmem>>) target(%dma_start3A_121 : memref<8x8x128xf32, #tpu.memory_space<hbm>>) target_semaphore(%arg17 : memref<!tpu.dma_semaphore, #tpu.memory_space<semaphore_mem>>)
    %dma_start3A_126 = arith.constant 1 : i32
    %dma_start3A_127 = arith.constant 0 : i32
    %dma_start3A_128 = tpu.memref_slice %arg5[%dma_start3A_126, %dma_start3A_127] : memref<50x512xi32, #tpu.memory_space<vmem>> -> memref<1x128xi32, #tpu.memory_space<vmem>>
    %dma_start3A_129 = tpu.memref_squeeze %dma_start3A_128 : memref<1x128xi32, #tpu.memory_space<vmem>> -> memref<128xi32, #tpu.memory_space<vmem>>
    %dma_start3A_130 = arith.constant 0 : i32
    %dma_start3A_131 = arith.constant 0 : i32
    %dma_start3A_132 = tpu.memref_slice %arg3[%dma_start3A_130, %dma_start3A_131] : memref<1000000x64xf32, #tpu.memory_space<hbm>> -> memref<1000000x64xf32, #tpu.memory_space<hbm>>
    tpu.enqueue_indirect_dma source(%dma_start3A_132 : memref<1000000x64xf32, #tpu.memory_space<hbm>>) target(%arg6 : memref<128x64xf32, #tpu.memory_space<vmem>>) offsets(%dma_start3A_129 : memref<128xi32, #tpu.memory_space<vmem>>) semaphore(%arg12 : memref<!tpu.dma_semaphore, #tpu.memory_space<semaphore_mem>>)
    %dma_wait3A_133 = arith.constant 0 : i32
    %dma_wait3A_134 = arith.constant 256 : i32
    %dma_wait3A_135 = tpu.memref_slice %arg5[%dma_wait3A_133, %dma_wait3A_134] : memref<50x512xi32, #tpu.memory_space<vmem>> -> memref<1x128xi32, #tpu.memory_space<vmem>>
    %dma_wait3A_136 = tpu.memref_squeeze %dma_wait3A_135 : memref<1x128xi32, #tpu.memory_space<vmem>> -> memref<128xi32, #tpu.memory_space<vmem>>
    %dma_wait3A_137 = arith.constant 0 : i32
    %dma_wait3A_138 = arith.constant 0 : i32
    %dma_wait3A_139 = tpu.memref_slice %arg3[%dma_wait3A_137, %dma_wait3A_138] : memref<1000000x64xf32, #tpu.memory_space<hbm>> -> memref<1000000x64xf32, #tpu.memory_space<hbm>>
    tpu.wait_indirect_dma semaphore(%arg14 : memref<!tpu.dma_semaphore, #tpu.memory_space<semaphore_mem>>) src(%dma_wait3A_139 : memref<1000000x64xf32, #tpu.memory_space<hbm>>) dst(%arg8 : memref<128x64xf32, #tpu.memory_space<vmem>>)
    %add3A_140 = arith.constant 0 : i32
    %add3A_141 = arith.addi %mul3A_2, %add3A_140 : i32
    %dma_wait3A_142 = arith.constant 0 : i32
    %dma_wait3A_143 = arith.constant 0 : i32
    %dma_wait3A_144 = arith.constant 0 : i32
    %dma_wait3A_145 = arith.constant 0 : i32
    %dma_wait3A_146 = tpu.memref_slice %arg10[%dma_wait3A_143, %dma_wait3A_144, %dma_wait3A_145] : memref<8x8x129xf32, #tpu.memory_space<vmem>> -> memref<8x8x128xf32, #tpu.memory_space<vmem>>
    %dma_wait3A_147 = arith.constant 0 : i32
    %dma_wait3A_148 = arith.constant 0 : i32
    %dma_wait3A_149 = arith.constant 0 : i32
    %dma_wait3A_150 = tpu.memref_slice %arg4[%dma_wait3A_142, %dma_wait3A_147, %add3A_141, %dma_wait3A_148, %dma_wait3A_149] : memref<50x8x128x8x128xf32, #tpu.memory_space<hbm>> -> memref<1x8x1x8x128xf32, #tpu.memory_space<hbm>>
    %dma_wait3A_151 = tpu.memref_squeeze %dma_wait3A_150 : memref<1x8x1x8x128xf32, #tpu.memory_space<hbm>> -> memref<8x8x128xf32, #tpu.memory_space<hbm>>
    %dma_wait3A_152 = arith.constant 0 : i32
    %dma_wait3A_153 = arith.constant 0 : i32
    %dma_wait3A_154 = arith.constant 0 : i32
    %dma_wait3A_155 = tpu.memref_slice %arg4[%dma_wait3A_142, %dma_wait3A_152, %add3A_141, %dma_wait3A_153, %dma_wait3A_154] : memref<50x8x128x8x128xf32, #tpu.memory_space<hbm>> -> memref<1x8x1x8x128xf32, #tpu.memory_space<hbm>>
    %dma_wait3A_156 = tpu.memref_squeeze %dma_wait3A_155 : memref<1x8x1x8x128xf32, #tpu.memory_space<hbm>> -> memref<8x8x128xf32, #tpu.memory_space<hbm>>
    %dma_wait3A_157 = arith.constant 0 : i32
    %dma_wait3A_158 = arith.constant 0 : i32
    %dma_wait3A_159 = arith.constant 0 : i32
    %dma_wait3A_160 = tpu.memref_slice %arg10[%dma_wait3A_157, %dma_wait3A_158, %dma_wait3A_159] : memref<8x8x129xf32, #tpu.memory_space<vmem>> -> memref<8x8x128xf32, #tpu.memory_space<vmem>>
    tpu.wait_dma2 semaphore(%arg16 : memref<!tpu.dma_semaphore, #tpu.memory_space<semaphore_mem>>) src(%dma_wait3A_160 : memref<8x8x128xf32, #tpu.memory_space<vmem>>) dst(%dma_wait3A_156 : memref<8x8x128xf32, #tpu.memory_space<hbm>>)
    %parallel_loop3A_161 = arith.constant 0 : i32
    %parallel_loop3A_162 = arith.constant 128 : i32
    %parallel_loop3A_163 = arith.constant 1 : i32
    scf.for %parallel_loop3A_513 = %parallel_loop3A_161 to %parallel_loop3A_162 step %parallel_loop3A_163  : i32 {
      %parallel_loop3A_514 = arith.constant 0 : i32
      %parallel_loop3A_515 = vector.broadcast %parallel_loop3A_514 : i32 to vector<16xi32>
      %parallel_loop3A_516 = vector.broadcast %parallel_loop3A_513 : i32 to vector<16xi32>
      %parallel_loop3A_517 = arith.addi %parallel_loop3A_515, %parallel_loop3A_516 : vector<16xi32>
      %parallel_loop3A_518 = arith.index_cast %parallel_loop3A_513 : i32 to index
      %parallel_loop3A_519 = arith.constant 0 : index
      %parallel_loop3A_520 = tpu.vector_load %arg8[%parallel_loop3A_518, %parallel_loop3A_519] {strides = array<i32>} : memref<128x64xf32, #tpu.memory_space<vmem>>, vector<16xf32>,
      %parallel_loop3A_521 = arith.constant 8.000000e+00 : f32
      %parallel_loop3A_522 = vector.broadcast %parallel_loop3A_521 : f32 to vector<16xf32>
      %parallel_loop3A_523 = arith.mulf %parallel_loop3A_520, %parallel_loop3A_522 : vector<16xf32>
      tpu.vector_store_idx %arg10[%shift_right_logical3A_18, %and3A_29, %parallel_loop3A_517], %parallel_loop3A_523 : memref<8x8x129xf32, #tpu.memory_space<vmem>>[vector<16xi32>, vector<16xi32>, vector<16xi32>], vector<16xf32>,
      %parallel_loop3A_524 = arith.index_cast %parallel_loop3A_513 : i32 to index
      %parallel_loop3A_525 = arith.constant 16 : index
      %parallel_loop3A_526 = tpu.vector_load %arg8[%parallel_loop3A_524, %parallel_loop3A_525] {strides = array<i32>} : memref<128x64xf32, #tpu.memory_space<vmem>>, vector<16xf32>,
      %parallel_loop3A_527 = arith.constant 8.000000e+00 : f32
      %parallel_loop3A_528 = vector.broadcast %parallel_loop3A_527 : f32 to vector<16xf32>
      %parallel_loop3A_529 = arith.mulf %parallel_loop3A_526, %parallel_loop3A_528 : vector<16xf32>
      tpu.vector_store_idx %arg10[%shift_right_logical3A_21, %and3A_32, %parallel_loop3A_517], %parallel_loop3A_529 : memref<8x8x129xf32, #tpu.memory_space<vmem>>[vector<16xi32>, vector<16xi32>, vector<16xi32>], vector<16xf32>,
      %parallel_loop3A_530 = arith.index_cast %parallel_loop3A_513 : i32 to index
      %parallel_loop3A_531 = arith.constant 32 : index
      %parallel_loop3A_532 = tpu.vector_load %arg8[%parallel_loop3A_530, %parallel_loop3A_531] {strides = array<i32>} : memref<128x64xf32, #tpu.memory_space<vmem>>, vector<16xf32>,
      %parallel_loop3A_533 = arith.constant 8.000000e+00 : f32
      %parallel_loop3A_534 = vector.broadcast %parallel_loop3A_533 : f32 to vector<16xf32>
      %parallel_loop3A_535 = arith.mulf %parallel_loop3A_532, %parallel_loop3A_534 : vector<16xf32>
      tpu.vector_store_idx %arg10[%shift_right_logical3A_24, %and3A_35, %parallel_loop3A_517], %parallel_loop3A_535 : memref<8x8x129xf32, #tpu.memory_space<vmem>>[vector<16xi32>, vector<16xi32>, vector<16xi32>], vector<16xf32>,
      %parallel_loop3A_536 = arith.index_cast %parallel_loop3A_513 : i32 to index
      %parallel_loop3A_537 = arith.constant 48 : index
      %parallel_loop3A_538 = tpu.vector_load %arg8[%parallel_loop3A_536, %parallel_loop3A_537] {strides = array<i32>} : memref<128x64xf32, #tpu.memory_space<vmem>>, vector<16xf32>,
      %parallel_loop3A_539 = arith.constant 8.000000e+00 : f32
      %parallel_loop3A_540 = vector.broadcast %parallel_loop3A_539 : f32 to vector<16xf32>
      %parallel_loop3A_541 = arith.mulf %parallel_loop3A_538, %parallel_loop3A_540 : vector<16xf32>
      tpu.vector_store_idx %arg10[%shift_right_logical3A_27, %and3A_38, %parallel_loop3A_517], %parallel_loop3A_541 : memref<8x8x129xf32, #tpu.memory_space<vmem>>[vector<16xi32>, vector<16xi32>, vector<16xi32>], vector<16xf32>,
    } {sc.loop_unroll_factor = 4 : i64, sc.parallel_access}
    %add3A_164 = arith.constant 2 : i32
    %add3A_165 = arith.addi %mul3A_2, %add3A_164 : i32
    %dma_start3A_166 = arith.constant 0 : i32
    %dma_start3A_167 = arith.constant 0 : i32
    %dma_start3A_168 = arith.constant 0 : i32
    %dma_start3A_169 = arith.constant 0 : i32
    %dma_start3A_170 = tpu.memref_slice %arg10[%dma_start3A_167, %dma_start3A_168, %dma_start3A_169] : memref<8x8x129xf32, #tpu.memory_space<vmem>> -> memref<8x8x128xf32, #tpu.memory_space<vmem>>
    %dma_start3A_171 = arith.constant 0 : i32
    %dma_start3A_172 = arith.constant 0 : i32
    %dma_start3A_173 = arith.constant 0 : i32
    %dma_start3A_174 = tpu.memref_slice %arg4[%dma_start3A_166, %dma_start3A_171, %add3A_165, %dma_start3A_172, %dma_start3A_173] : memref<50x8x128x8x128xf32, #tpu.memory_space<hbm>> -> memref<1x8x1x8x128xf32, #tpu.memory_space<hbm>>
    %dma_start3A_175 = tpu.memref_squeeze %dma_start3A_174 : memref<1x8x1x8x128xf32, #tpu.memory_space<hbm>> -> memref<8x8x128xf32, #tpu.memory_space<hbm>>
    %dma_start3A_176 = arith.constant 0 : i32
    %dma_start3A_177 = arith.constant 0 : i32
    %dma_start3A_178 = arith.constant 0 : i32
    %dma_start3A_179 = tpu.memref_slice %arg4[%dma_start3A_166, %dma_start3A_176, %add3A_165, %dma_start3A_177, %dma_start3A_178] : memref<50x8x128x8x128xf32, #tpu.memory_space<hbm>> -> memref<1x8x1x8x128xf32, #tpu.memory_space<hbm>>
    %dma_start3A_180 = tpu.memref_squeeze %dma_start3A_179 : memref<1x8x1x8x128xf32, #tpu.memory_space<hbm>> -> memref<8x8x128xf32, #tpu.memory_space<hbm>>
    %dma_start3A_181 = arith.constant 0 : i32
    %dma_start3A_182 = arith.constant 0 : i32
    %dma_start3A_183 = arith.constant 0 : i32
    %dma_start3A_184 = tpu.memref_slice %arg10[%dma_start3A_181, %dma_start3A_182, %dma_start3A_183] : memref<8x8x129xf32, #tpu.memory_space<vmem>> -> memref<8x8x128xf32, #tpu.memory_space<vmem>>
    tpu.enqueue_dma source(%dma_start3A_184 : memref<8x8x128xf32, #tpu.memory_space<vmem>>) target(%dma_start3A_180 : memref<8x8x128xf32, #tpu.memory_space<hbm>>) target_semaphore(%arg16 : memref<!tpu.dma_semaphore, #tpu.memory_space<semaphore_mem>>)
    %dma_start3A_185 = arith.constant 1 : i32
    %dma_start3A_186 = arith.constant 128 : i32
    %dma_start3A_187 = tpu.memref_slice %arg5[%dma_start3A_185, %dma_start3A_186] : memref<50x512xi32, #tpu.memory_space<vmem>> -> memref<1x128xi32, #tpu.memory_space<vmem>>
    %dma_start3A_188 = tpu.memref_squeeze %dma_start3A_187 : memref<1x128xi32, #tpu.memory_space<vmem>> -> memref<128xi32, #tpu.memory_space<vmem>>
    %dma_start3A_189 = arith.constant 0 : i32
    %dma_start3A_190 = arith.constant 0 : i32
    %dma_start3A_191 = tpu.memref_slice %arg3[%dma_start3A_189, %dma_start3A_190] : memref<1000000x64xf32, #tpu.memory_space<hbm>> -> memref<1000000x64xf32, #tpu.memory_space<hbm>>
    tpu.enqueue_indirect_dma source(%dma_start3A_191 : memref<1000000x64xf32, #tpu.memory_space<hbm>>) target(%arg7 : memref<128x64xf32, #tpu.memory_space<vmem>>) offsets(%dma_start3A_188 : memref<128xi32, #tpu.memory_space<vmem>>) semaphore(%arg13 : memref<!tpu.dma_semaphore, #tpu.memory_space<semaphore_mem>>)
    %dma_wait3A_192 = arith.constant 0 : i32
    %dma_wait3A_193 = arith.constant 384 : i32
    %dma_wait3A_194 = tpu.memref_slice %arg5[%dma_wait3A_192, %dma_wait3A_193] : memref<50x512xi32, #tpu.memory_space<vmem>> -> memref<1x128xi32, #tpu.memory_space<vmem>>
    %dma_wait3A_195 = tpu.memref_squeeze %dma_wait3A_194 : memref<1x128xi32, #tpu.memory_space<vmem>> -> memref<128xi32, #tpu.memory_space<vmem>>
    %dma_wait3A_196 = arith.constant 0 : i32
    %dma_wait3A_197 = arith.constant 0 : i32
    %dma_wait3A_198 = tpu.memref_slice %arg3[%dma_wait3A_196, %dma_wait3A_197] : memref<1000000x64xf32, #tpu.memory_space<hbm>> -> memref<1000000x64xf32, #tpu.memory_space<hbm>>
    tpu.wait_indirect_dma semaphore(%arg15 : memref<!tpu.dma_semaphore, #tpu.memory_space<semaphore_mem>>) src(%dma_wait3A_198 : memref<1000000x64xf32, #tpu.memory_space<hbm>>) dst(%arg9 : memref<128x64xf32, #tpu.memory_space<vmem>>)
    %add3A_199 = arith.constant 1 : i32
    %add3A_200 = arith.addi %mul3A_2, %add3A_199 : i32
    %dma_wait3A_201 = arith.constant 0 : i32
    %dma_wait3A_202 = arith.constant 0 : i32
    %dma_wait3A_203 = arith.constant 0 : i32
    %dma_wait3A_204 = arith.constant 0 : i32
    %dma_wait3A_205 = tpu.memref_slice %arg11[%dma_wait3A_202, %dma_wait3A_203, %dma_wait3A_204] : memref<8x8x129xf32, #tpu.memory_space<vmem>> -> memref<8x8x128xf32, #tpu.memory_space<vmem>>
    %dma_wait3A_206 = arith.constant 0 : i32
    %dma_wait3A_207 = arith.constant 0 : i32
    %dma_wait3A_208 = arith.constant 0 : i32
    %dma_wait3A_209 = tpu.memref_slice %arg4[%dma_wait3A_201, %dma_wait3A_206, %add3A_200, %dma_wait3A_207, %dma_wait3A_208] : memref<50x8x128x8x128xf32, #tpu.memory_space<hbm>> -> memref<1x8x1x8x128xf32, #tpu.memory_space<hbm>>
    %dma_wait3A_210 = tpu.memref_squeeze %dma_wait3A_209 : memref<1x8x1x8x128xf32, #tpu.memory_space<hbm>> -> memref<8x8x128xf32, #tpu.memory_space<hbm>>
    %dma_wait3A_211 = arith.constant 0 : i32
    %dma_wait3A_212 = arith.constant 0 : i32
    %dma_wait3A_213 = arith.constant 0 : i32
    %dma_wait3A_214 = tpu.memref_slice %arg4[%dma_wait3A_201, %dma_wait3A_211, %add3A_200, %dma_wait3A_212, %dma_wait3A_213] : memref<50x8x128x8x128xf32, #tpu.memory_space<hbm>> -> memref<1x8x1x8x128xf32, #tpu.memory_space<hbm>>
    %dma_wait3A_215 = tpu.memref_squeeze %dma_wait3A_214 : memref<1x8x1x8x128xf32, #tpu.memory_space<hbm>> -> memref<8x8x128xf32, #tpu.memory_space<hbm>>
    %dma_wait3A_216 = arith.constant 0 : i32
    %dma_wait3A_217 = arith.constant 0 : i32
    %dma_wait3A_218 = arith.constant 0 : i32
    %dma_wait3A_219 = tpu.memref_slice %arg11[%dma_wait3A_216, %dma_wait3A_217, %dma_wait3A_218] : memref<8x8x129xf32, #tpu.memory_space<vmem>> -> memref<8x8x128xf32, #tpu.memory_space<vmem>>
    tpu.wait_dma2 semaphore(%arg17 : memref<!tpu.dma_semaphore, #tpu.memory_space<semaphore_mem>>) src(%dma_wait3A_219 : memref<8x8x128xf32, #tpu.memory_space<vmem>>) dst(%dma_wait3A_215 : memref<8x8x128xf32, #tpu.memory_space<hbm>>)
    %parallel_loop3A_220 = arith.constant 0 : i32
    %parallel_loop3A_221 = arith.constant 128 : i32
    %parallel_loop3A_222 = arith.constant 1 : i32
    scf.for %parallel_loop3A_513 = %parallel_loop3A_220 to %parallel_loop3A_221 step %parallel_loop3A_222  : i32 {
      %parallel_loop3A_514 = arith.constant 0 : i32
      %parallel_loop3A_515 = vector.broadcast %parallel_loop3A_514 : i32 to vector<16xi32>
      %parallel_loop3A_516 = vector.broadcast %parallel_loop3A_513 : i32 to vector<16xi32>
      %parallel_loop3A_517 = arith.addi %parallel_loop3A_515, %parallel_loop3A_516 : vector<16xi32>
      %parallel_loop3A_518 = arith.index_cast %parallel_loop3A_513 : i32 to index
      %parallel_loop3A_519 = arith.constant 0 : index
      %parallel_loop3A_520 = tpu.vector_load %arg9[%parallel_loop3A_518, %parallel_loop3A_519] {strides = array<i32>} : memref<128x64xf32, #tpu.memory_space<vmem>>, vector<16xf32>,
      %parallel_loop3A_521 = arith.constant 8.000000e+00 : f32
      %parallel_loop3A_522 = vector.broadcast %parallel_loop3A_521 : f32 to vector<16xf32>
      %parallel_loop3A_523 = arith.mulf %parallel_loop3A_520, %parallel_loop3A_522 : vector<16xf32>
      tpu.vector_store_idx %arg11[%shift_right_logical3A_18, %and3A_29, %parallel_loop3A_517], %parallel_loop3A_523 : memref<8x8x129xf32, #tpu.memory_space<vmem>>[vector<16xi32>, vector<16xi32>, vector<16xi32>], vector<16xf32>,
      %parallel_loop3A_524 = arith.index_cast %parallel_loop3A_513 : i32 to index
      %parallel_loop3A_525 = arith.constant 16 : index
      %parallel_loop3A_526 = tpu.vector_load %arg9[%parallel_loop3A_524, %parallel_loop3A_525] {strides = array<i32>} : memref<128x64xf32, #tpu.memory_space<vmem>>, vector<16xf32>,
      %parallel_loop3A_527 = arith.constant 8.000000e+00 : f32
      %parallel_loop3A_528 = vector.broadcast %parallel_loop3A_527 : f32 to vector<16xf32>
      %parallel_loop3A_529 = arith.mulf %parallel_loop3A_526, %parallel_loop3A_528 : vector<16xf32>
      tpu.vector_store_idx %arg11[%shift_right_logical3A_21, %and3A_32, %parallel_loop3A_517], %parallel_loop3A_529 : memref<8x8x129xf32, #tpu.memory_space<vmem>>[vector<16xi32>, vector<16xi32>, vector<16xi32>], vector<16xf32>,
      %parallel_loop3A_530 = arith.index_cast %parallel_loop3A_513 : i32 to index
      %parallel_loop3A_531 = arith.constant 32 : index
      %parallel_loop3A_532 = tpu.vector_load %arg9[%parallel_loop3A_530, %parallel_loop3A_531] {strides = array<i32>} : memref<128x64xf32, #tpu.memory_space<vmem>>, vector<16xf32>,
      %parallel_loop3A_533 = arith.constant 8.000000e+00 : f32
      %parallel_loop3A_534 = vector.broadcast %parallel_loop3A_533 : f32 to vector<16xf32>
      %parallel_loop3A_535 = arith.mulf %parallel_loop3A_532, %parallel_loop3A_534 : vector<16xf32>
      tpu.vector_store_idx %arg11[%shift_right_logical3A_24, %and3A_35, %parallel_loop3A_517], %parallel_loop3A_535 : memref<8x8x129xf32, #tpu.memory_space<vmem>>[vector<16xi32>, vector<16xi32>, vector<16xi32>], vector<16xf32>,
      %parallel_loop3A_536 = arith.index_cast %parallel_loop3A_513 : i32 to index
      %parallel_loop3A_537 = arith.constant 48 : index
      %parallel_loop3A_538 = tpu.vector_load %arg9[%parallel_loop3A_536, %parallel_loop3A_537] {strides = array<i32>} : memref<128x64xf32, #tpu.memory_space<vmem>>, vector<16xf32>,
      %parallel_loop3A_539 = arith.constant 8.000000e+00 : f32
      %parallel_loop3A_540 = vector.broadcast %parallel_loop3A_539 : f32 to vector<16xf32>
      %parallel_loop3A_541 = arith.mulf %parallel_loop3A_538, %parallel_loop3A_540 : vector<16xf32>
      tpu.vector_store_idx %arg11[%shift_right_logical3A_27, %and3A_38, %parallel_loop3A_517], %parallel_loop3A_541 : memref<8x8x129xf32, #tpu.memory_space<vmem>>[vector<16xi32>, vector<16xi32>, vector<16xi32>], vector<16xf32>,
    } {sc.loop_unroll_factor = 4 : i64, sc.parallel_access}
    %add3A_223 = arith.constant 3 : i32
    %add3A_224 = arith.addi %mul3A_2, %add3A_223 : i32
    %dma_start3A_225 = arith.constant 0 : i32
    %dma_start3A_226 = arith.constant 0 : i32
    %dma_start3A_227 = arith.constant 0 : i32
    %dma_start3A_228 = arith.constant 0 : i32
    %dma_start3A_229 = tpu.memref_slice %arg11[%dma_start3A_226, %dma_start3A_227, %dma_start3A_228] : memref<8x8x129xf32, #tpu.memory_space<vmem>> -> memref<8x8x128xf32, #tpu.memory_space<vmem>>
    %dma_start3A_230 = arith.constant 0 : i32
    %dma_start3A_231 = arith.constant 0 : i32
    %dma_start3A_232 = arith.constant 0 : i32
    %dma_start3A_233 = tpu.memref_slice %arg4[%dma_start3A_225, %dma_start3A_230, %add3A_224, %dma_start3A_231, %dma_start3A_232] : memref<50x8x128x8x128xf32, #tpu.memory_space<hbm>> -> memref<1x8x1x8x128xf32, #tpu.memory_space<hbm>>
    %dma_start3A_234 = tpu.memref_squeeze %dma_start3A_233 : memref<1x8x1x8x128xf32, #tpu.memory_space<hbm>> -> memref<8x8x128xf32, #tpu.memory_space<hbm>>
    %dma_start3A_235 = arith.constant 0 : i32
    %dma_start3A_236 = arith.constant 0 : i32
    %dma_start3A_237 = arith.constant 0 : i32
    %dma_start3A_238 = tpu.memref_slice %arg4[%dma_start3A_225, %dma_start3A_235, %add3A_224, %dma_start3A_236, %dma_start3A_237] : memref<50x8x128x8x128xf32, #tpu.memory_space<hbm>> -> memref<1x8x1x8x128xf32, #tpu.memory_space<hbm>>
    %dma_start3A_239 = tpu.memref_squeeze %dma_start3A_238 : memref<1x8x1x8x128xf32, #tpu.memory_space<hbm>> -> memref<8x8x128xf32, #tpu.memory_space<hbm>>
    %dma_start3A_240 = arith.constant 0 : i32
    %dma_start3A_241 = arith.constant 0 : i32
    %dma_start3A_242 = arith.constant 0 : i32
    %dma_start3A_243 = tpu.memref_slice %arg11[%dma_start3A_240, %dma_start3A_241, %dma_start3A_242] : memref<8x8x129xf32, #tpu.memory_space<vmem>> -> memref<8x8x128xf32, #tpu.memory_space<vmem>>
    tpu.enqueue_dma source(%dma_start3A_243 : memref<8x8x128xf32, #tpu.memory_space<vmem>>) target(%dma_start3A_239 : memref<8x8x128xf32, #tpu.memory_space<hbm>>) target_semaphore(%arg17 : memref<!tpu.dma_semaphore, #tpu.memory_space<semaphore_mem>>)
    %scan3A = arith.constant 0 : i32
    %scan3A_244 = arith.constant 1 : i32
    %scan3A_245 = arith.constant 48 : i32
    %scan3A_246 = arith.addi %scan3A_244, %scan3A_245 : i32
    %scan3A_247 = arith.constant 1 : i32
    scf.for %scan3A_513 = %scan3A_244 to %scan3A_246 step %scan3A_247  : i32 {
      %dma_start3A_514 = arith.constant 256 : i32
      %dma_start3A_515 = tpu.memref_slice %arg5[%scan3A_513, %dma_start3A_514] : memref<50x512xi32, #tpu.memory_space<vmem>> -> memref<1x128xi32, #tpu.memory_space<vmem>>
      %dma_start3A_516 = tpu.memref_squeeze %dma_start3A_515 : memref<1x128xi32, #tpu.memory_space<vmem>> -> memref<128xi32, #tpu.memory_space<vmem>>
      %dma_start3A_517 = arith.constant 0 : i32
      %dma_start3A_518 = arith.constant 0 : i32
      %dma_start3A_519 = tpu.memref_slice %arg3[%dma_start3A_517, %dma_start3A_518] : memref<1000000x64xf32, #tpu.memory_space<hbm>> -> memref<1000000x64xf32, #tpu.memory_space<hbm>>
      tpu.enqueue_indirect_dma source(%dma_start3A_519 : memref<1000000x64xf32, #tpu.memory_space<hbm>>) target(%arg8 : memref<128x64xf32, #tpu.memory_space<vmem>>) offsets(%dma_start3A_516 : memref<128xi32, #tpu.memory_space<vmem>>) semaphore(%arg14 : memref<!tpu.dma_semaphore, #tpu.memory_space<semaphore_mem>>)
      %dma_wait3A_520 = arith.constant 0 : i32
      %dma_wait3A_521 = tpu.memref_slice %arg5[%scan3A_513, %dma_wait3A_520] : memref<50x512xi32, #tpu.memory_space<vmem>> -> memref<1x128xi32, #tpu.memory_space<vmem>>
      %dma_wait3A_522 = tpu.memref_squeeze %dma_wait3A_521 : memref<1x128xi32, #tpu.memory_space<vmem>> -> memref<128xi32, #tpu.memory_space<vmem>>
      %dma_wait3A_523 = arith.constant 0 : i32
      %dma_wait3A_524 = arith.constant 0 : i32
      %dma_wait3A_525 = tpu.memref_slice %arg3[%dma_wait3A_523, %dma_wait3A_524] : memref<1000000x64xf32, #tpu.memory_space<hbm>> -> memref<1000000x64xf32, #tpu.memory_space<hbm>>
      tpu.wait_indirect_dma semaphore(%arg12 : memref<!tpu.dma_semaphore, #tpu.memory_space<semaphore_mem>>) src(%dma_wait3A_525 : memref<1000000x64xf32, #tpu.memory_space<hbm>>) dst(%arg6 : memref<128x64xf32, #tpu.memory_space<vmem>>)
      %sub3A = arith.constant 1 : i32
      %sub3A_526 = arith.subi %scan3A_513, %sub3A : i32
      %add3A_527 = arith.constant 2 : i32
      %add3A_528 = arith.addi %mul3A_2, %add3A_527 : i32
      %dma_wait3A_529 = arith.constant 0 : i32
      %dma_wait3A_530 = arith.constant 0 : i32
      %dma_wait3A_531 = arith.constant 0 : i32
      %dma_wait3A_532 = tpu.memref_slice %arg10[%dma_wait3A_529, %dma_wait3A_530, %dma_wait3A_531] : memref<8x8x129xf32, #tpu.memory_space<vmem>> -> memref<8x8x128xf32, #tpu.memory_space<vmem>>
      %dma_wait3A_533 = arith.constant 0 : i32
      %dma_wait3A_534 = arith.constant 0 : i32
      %dma_wait3A_535 = arith.constant 0 : i32
      %dma_wait3A_536 = tpu.memref_slice %arg4[%sub3A_526, %dma_wait3A_533, %add3A_528, %dma_wait3A_534, %dma_wait3A_535] : memref<50x8x128x8x128xf32, #tpu.memory_space<hbm>> -> memref<1x8x1x8x128xf32, #tpu.memory_space<hbm>>
      %dma_wait3A_537 = tpu.memref_squeeze %dma_wait3A_536 : memref<1x8x1x8x128xf32, #tpu.memory_space<hbm>> -> memref<8x8x128xf32, #tpu.memory_space<hbm>>
      %dma_wait3A_538 = arith.constant 0 : i32
      %dma_wait3A_539 = arith.constant 0 : i32
      %dma_wait3A_540 = arith.constant 0 : i32
      %dma_wait3A_541 = tpu.memref_slice %arg4[%sub3A_526, %dma_wait3A_538, %add3A_528, %dma_wait3A_539, %dma_wait3A_540] : memref<50x8x128x8x128xf32, #tpu.memory_space<hbm>> -> memref<1x8x1x8x128xf32, #tpu.memory_space<hbm>>
      %dma_wait3A_542 = tpu.memref_squeeze %dma_wait3A_541 : memref<1x8x1x8x128xf32, #tpu.memory_space<hbm>> -> memref<8x8x128xf32, #tpu.memory_space<hbm>>
      %dma_wait3A_543 = arith.constant 0 : i32
      %dma_wait3A_544 = arith.constant 0 : i32
      %dma_wait3A_545 = arith.constant 0 : i32
      %dma_wait3A_546 = tpu.memref_slice %arg10[%dma_wait3A_543, %dma_wait3A_544, %dma_wait3A_545] : memref<8x8x129xf32, #tpu.memory_space<vmem>> -> memref<8x8x128xf32, #tpu.memory_space<vmem>>
      tpu.wait_dma2 semaphore(%arg16 : memref<!tpu.dma_semaphore, #tpu.memory_space<semaphore_mem>>) src(%dma_wait3A_546 : memref<8x8x128xf32, #tpu.memory_space<vmem>>) dst(%dma_wait3A_542 : memref<8x8x128xf32, #tpu.memory_space<hbm>>)
      %parallel_loop3A_547 = arith.constant 0 : i32
      %parallel_loop3A_548 = arith.constant 128 : i32
      %parallel_loop3A_549 = arith.constant 1 : i32
      scf.for %parallel_loop3A_741 = %parallel_loop3A_547 to %parallel_loop3A_548 step %parallel_loop3A_549  : i32 {
        %parallel_loop3A_742 = arith.constant 0 : i32
        %parallel_loop3A_743 = vector.broadcast %parallel_loop3A_742 : i32 to vector<16xi32>
        %parallel_loop3A_744 = vector.broadcast %parallel_loop3A_741 : i32 to vector<16xi32>
        %parallel_loop3A_745 = arith.addi %parallel_loop3A_743, %parallel_loop3A_744 : vector<16xi32>
        %parallel_loop3A_746 = arith.index_cast %parallel_loop3A_741 : i32 to index
        %parallel_loop3A_747 = arith.constant 0 : index
        %parallel_loop3A_748 = tpu.vector_load %arg6[%parallel_loop3A_746, %parallel_loop3A_747] {strides = array<i32>} : memref<128x64xf32, #tpu.memory_space<vmem>>, vector<16xf32>,
        %parallel_loop3A_749 = arith.constant 8.000000e+00 : f32
        %parallel_loop3A_750 = vector.broadcast %parallel_loop3A_749 : f32 to vector<16xf32>
        %parallel_loop3A_751 = arith.mulf %parallel_loop3A_748, %parallel_loop3A_750 : vector<16xf32>
        tpu.vector_store_idx %arg10[%shift_right_logical3A_18, %and3A_29, %parallel_loop3A_745], %parallel_loop3A_751 : memref<8x8x129xf32, #tpu.memory_space<vmem>>[vector<16xi32>, vector<16xi32>, vector<16xi32>], vector<16xf32>,
        %parallel_loop3A_752 = arith.index_cast %parallel_loop3A_741 : i32 to index
        %parallel_loop3A_753 = arith.constant 16 : index
        %parallel_loop3A_754 = tpu.vector_load %arg6[%parallel_loop3A_752, %parallel_loop3A_753] {strides = array<i32>} : memref<128x64xf32, #tpu.memory_space<vmem>>, vector<16xf32>,
        %parallel_loop3A_755 = arith.constant 8.000000e+00 : f32
        %parallel_loop3A_756 = vector.broadcast %parallel_loop3A_755 : f32 to vector<16xf32>
        %parallel_loop3A_757 = arith.mulf %parallel_loop3A_754, %parallel_loop3A_756 : vector<16xf32>
        tpu.vector_store_idx %arg10[%shift_right_logical3A_21, %and3A_32, %parallel_loop3A_745], %parallel_loop3A_757 : memref<8x8x129xf32, #tpu.memory_space<vmem>>[vector<16xi32>, vector<16xi32>, vector<16xi32>], vector<16xf32>,
        %parallel_loop3A_758 = arith.index_cast %parallel_loop3A_741 : i32 to index
        %parallel_loop3A_759 = arith.constant 32 : index
        %parallel_loop3A_760 = tpu.vector_load %arg6[%parallel_loop3A_758, %parallel_loop3A_759] {strides = array<i32>} : memref<128x64xf32, #tpu.memory_space<vmem>>, vector<16xf32>,
        %parallel_loop3A_761 = arith.constant 8.000000e+00 : f32
        %parallel_loop3A_762 = vector.broadcast %parallel_loop3A_761 : f32 to vector<16xf32>
        %parallel_loop3A_763 = arith.mulf %parallel_loop3A_760, %parallel_loop3A_762 : vector<16xf32>
        tpu.vector_store_idx %arg10[%shift_right_logical3A_24, %and3A_35, %parallel_loop3A_745], %parallel_loop3A_763 : memref<8x8x129xf32, #tpu.memory_space<vmem>>[vector<16xi32>, vector<16xi32>, vector<16xi32>], vector<16xf32>,
        %parallel_loop3A_764 = arith.index_cast %parallel_loop3A_741 : i32 to index
        %parallel_loop3A_765 = arith.constant 48 : index
        %parallel_loop3A_766 = tpu.vector_load %arg6[%parallel_loop3A_764, %parallel_loop3A_765] {strides = array<i32>} : memref<128x64xf32, #tpu.memory_space<vmem>>, vector<16xf32>,
        %parallel_loop3A_767 = arith.constant 8.000000e+00 : f32
        %parallel_loop3A_768 = vector.broadcast %parallel_loop3A_767 : f32 to vector<16xf32>
        %parallel_loop3A_769 = arith.mulf %parallel_loop3A_766, %parallel_loop3A_768 : vector<16xf32>
        tpu.vector_store_idx %arg10[%shift_right_logical3A_27, %and3A_38, %parallel_loop3A_745], %parallel_loop3A_769 : memref<8x8x129xf32, #tpu.memory_space<vmem>>[vector<16xi32>, vector<16xi32>, vector<16xi32>], vector<16xf32>,
      } {sc.loop_unroll_factor = 4 : i64, sc.parallel_access}
      %add3A_550 = arith.constant 0 : i32
      %add3A_551 = arith.addi %mul3A_2, %add3A_550 : i32
      %dma_start3A_552 = arith.constant 0 : i32
      %dma_start3A_553 = arith.constant 0 : i32
      %dma_start3A_554 = arith.constant 0 : i32
      %dma_start3A_555 = tpu.memref_slice %arg10[%dma_start3A_552, %dma_start3A_553, %dma_start3A_554] : memref<8x8x129xf32, #tpu.memory_space<vmem>> -> memref<8x8x128xf32, #tpu.memory_space<vmem>>
      %dma_start3A_556 = arith.constant 0 : i32
      %dma_start3A_557 = arith.constant 0 : i32
      %dma_start3A_558 = arith.constant 0 : i32
      %dma_start3A_559 = tpu.memref_slice %arg4[%scan3A_513, %dma_start3A_556, %add3A_551, %dma_start3A_557, %dma_start3A_558] : memref<50x8x128x8x128xf32, #tpu.memory_space<hbm>> -> memref<1x8x1x8x128xf32, #tpu.memory_space<hbm>>
      %dma_start3A_560 = tpu.memref_squeeze %dma_start3A_559 : memref<1x8x1x8x128xf32, #tpu.memory_space<hbm>> -> memref<8x8x128xf32, #tpu.memory_space<hbm>>
      %dma_start3A_561 = arith.constant 0 : i32
      %dma_start3A_562 = arith.constant 0 : i32
      %dma_start3A_563 = arith.constant 0 : i32
      %dma_start3A_564 = tpu.memref_slice %arg4[%scan3A_513, %dma_start3A_561, %add3A_551, %dma_start3A_562, %dma_start3A_563] : memref<50x8x128x8x128xf32, #tpu.memory_space<hbm>> -> memref<1x8x1x8x128xf32, #tpu.memory_space<hbm>>
      %dma_start3A_565 = tpu.memref_squeeze %dma_start3A_564 : memref<1x8x1x8x128xf32, #tpu.memory_space<hbm>> -> memref<8x8x128xf32, #tpu.memory_space<hbm>>
      %dma_start3A_566 = arith.constant 0 : i32
      %dma_start3A_567 = arith.constant 0 : i32
      %dma_start3A_568 = arith.constant 0 : i32
      %dma_start3A_569 = tpu.memref_slice %arg10[%dma_start3A_566, %dma_start3A_567, %dma_start3A_568] : memref<8x8x129xf32, #tpu.memory_space<vmem>> -> memref<8x8x128xf32, #tpu.memory_space<vmem>>
      tpu.enqueue_dma source(%dma_start3A_569 : memref<8x8x128xf32, #tpu.memory_space<vmem>>) target(%dma_start3A_565 : memref<8x8x128xf32, #tpu.memory_space<hbm>>) target_semaphore(%arg16 : memref<!tpu.dma_semaphore, #tpu.memory_space<semaphore_mem>>)
      %dma_start3A_570 = arith.constant 384 : i32
      %dma_start3A_571 = tpu.memref_slice %arg5[%scan3A_513, %dma_start3A_570] : memref<50x512xi32, #tpu.memory_space<vmem>> -> memref<1x128xi32, #tpu.memory_space<vmem>>
      %dma_start3A_572 = tpu.memref_squeeze %dma_start3A_571 : memref<1x128xi32, #tpu.memory_space<vmem>> -> memref<128xi32, #tpu.memory_space<vmem>>
      %dma_start3A_573 = arith.constant 0 : i32
      %dma_start3A_574 = arith.constant 0 : i32
      %dma_start3A_575 = tpu.memref_slice %arg3[%dma_start3A_573, %dma_start3A_574] : memref<1000000x64xf32, #tpu.memory_space<hbm>> -> memref<1000000x64xf32, #tpu.memory_space<hbm>>
      tpu.enqueue_indirect_dma source(%dma_start3A_575 : memref<1000000x64xf32, #tpu.memory_space<hbm>>) target(%arg9 : memref<128x64xf32, #tpu.memory_space<vmem>>) offsets(%dma_start3A_572 : memref<128xi32, #tpu.memory_space<vmem>>) semaphore(%arg15 : memref<!tpu.dma_semaphore, #tpu.memory_space<semaphore_mem>>)
      %dma_wait3A_576 = arith.constant 128 : i32
      %dma_wait3A_577 = tpu.memref_slice %arg5[%scan3A_513, %dma_wait3A_576] : memref<50x512xi32, #tpu.memory_space<vmem>> -> memref<1x128xi32, #tpu.memory_space<vmem>>
      %dma_wait3A_578 = tpu.memref_squeeze %dma_wait3A_577 : memref<1x128xi32, #tpu.memory_space<vmem>> -> memref<128xi32, #tpu.memory_space<vmem>>
      %dma_wait3A_579 = arith.constant 0 : i32
      %dma_wait3A_580 = arith.constant 0 : i32
      %dma_wait3A_581 = tpu.memref_slice %arg3[%dma_wait3A_579, %dma_wait3A_580] : memref<1000000x64xf32, #tpu.memory_space<hbm>> -> memref<1000000x64xf32, #tpu.memory_space<hbm>>
      tpu.wait_indirect_dma semaphore(%arg13 : memref<!tpu.dma_semaphore, #tpu.memory_space<semaphore_mem>>) src(%dma_wait3A_581 : memref<1000000x64xf32, #tpu.memory_space<hbm>>) dst(%arg7 : memref<128x64xf32, #tpu.memory_space<vmem>>)
      %sub3A_582 = arith.constant 1 : i32
      %sub3A_583 = arith.subi %scan3A_513, %sub3A_582 : i32
      %add3A_584 = arith.constant 3 : i32
      %add3A_585 = arith.addi %mul3A_2, %add3A_584 : i32
      %dma_wait3A_586 = arith.constant 0 : i32
      %dma_wait3A_587 = arith.constant 0 : i32
      %dma_wait3A_588 = arith.constant 0 : i32
      %dma_wait3A_589 = tpu.memref_slice %arg11[%dma_wait3A_586, %dma_wait3A_587, %dma_wait3A_588] : memref<8x8x129xf32, #tpu.memory_space<vmem>> -> memref<8x8x128xf32, #tpu.memory_space<vmem>>
      %dma_wait3A_590 = arith.constant 0 : i32
      %dma_wait3A_591 = arith.constant 0 : i32
      %dma_wait3A_592 = arith.constant 0 : i32
      %dma_wait3A_593 = tpu.memref_slice %arg4[%sub3A_583, %dma_wait3A_590, %add3A_585, %dma_wait3A_591, %dma_wait3A_592] : memref<50x8x128x8x128xf32, #tpu.memory_space<hbm>> -> memref<1x8x1x8x128xf32, #tpu.memory_space<hbm>>
      %dma_wait3A_594 = tpu.memref_squeeze %dma_wait3A_593 : memref<1x8x1x8x128xf32, #tpu.memory_space<hbm>> -> memref<8x8x128xf32, #tpu.memory_space<hbm>>
      %dma_wait3A_595 = arith.constant 0 : i32
      %dma_wait3A_596 = arith.constant 0 : i32
      %dma_wait3A_597 = arith.constant 0 : i32
      %dma_wait3A_598 = tpu.memref_slice %arg4[%sub3A_583, %dma_wait3A_595, %add3A_585, %dma_wait3A_596, %dma_wait3A_597] : memref<50x8x128x8x128xf32, #tpu.memory_space<hbm>> -> memref<1x8x1x8x128xf32, #tpu.memory_space<hbm>>
      %dma_wait3A_599 = tpu.memref_squeeze %dma_wait3A_598 : memref<1x8x1x8x128xf32, #tpu.memory_space<hbm>> -> memref<8x8x128xf32, #tpu.memory_space<hbm>>
      %dma_wait3A_600 = arith.constant 0 : i32
      %dma_wait3A_601 = arith.constant 0 : i32
      %dma_wait3A_602 = arith.constant 0 : i32
      %dma_wait3A_603 = tpu.memref_slice %arg11[%dma_wait3A_600, %dma_wait3A_601, %dma_wait3A_602] : memref<8x8x129xf32, #tpu.memory_space<vmem>> -> memref<8x8x128xf32, #tpu.memory_space<vmem>>
      tpu.wait_dma2 semaphore(%arg17 : memref<!tpu.dma_semaphore, #tpu.memory_space<semaphore_mem>>) src(%dma_wait3A_603 : memref<8x8x128xf32, #tpu.memory_space<vmem>>) dst(%dma_wait3A_599 : memref<8x8x128xf32, #tpu.memory_space<hbm>>)
      %parallel_loop3A_604 = arith.constant 0 : i32
      %parallel_loop3A_605 = arith.constant 128 : i32
      %parallel_loop3A_606 = arith.constant 1 : i32
      scf.for %parallel_loop3A_741 = %parallel_loop3A_604 to %parallel_loop3A_605 step %parallel_loop3A_606  : i32 {
        %parallel_loop3A_742 = arith.constant 0 : i32
        %parallel_loop3A_743 = vector.broadcast %parallel_loop3A_742 : i32 to vector<16xi32>
        %parallel_loop3A_744 = vector.broadcast %parallel_loop3A_741 : i32 to vector<16xi32>
        %parallel_loop3A_745 = arith.addi %parallel_loop3A_743, %parallel_loop3A_744 : vector<16xi32>
        %parallel_loop3A_746 = arith.index_cast %parallel_loop3A_741 : i32 to index
        %parallel_loop3A_747 = arith.constant 0 : index
        %parallel_loop3A_748 = tpu.vector_load %arg7[%parallel_loop3A_746, %parallel_loop3A_747] {strides = array<i32>} : memref<128x64xf32, #tpu.memory_space<vmem>>, vector<16xf32>,
        %parallel_loop3A_749 = arith.constant 8.000000e+00 : f32
        %parallel_loop3A_750 = vector.broadcast %parallel_loop3A_749 : f32 to vector<16xf32>
        %parallel_loop3A_751 = arith.mulf %parallel_loop3A_748, %parallel_loop3A_750 : vector<16xf32>
        tpu.vector_store_idx %arg11[%shift_right_logical3A_18, %and3A_29, %parallel_loop3A_745], %parallel_loop3A_751 : memref<8x8x129xf32, #tpu.memory_space<vmem>>[vector<16xi32>, vector<16xi32>, vector<16xi32>], vector<16xf32>,
        %parallel_loop3A_752 = arith.index_cast %parallel_loop3A_741 : i32 to index
        %parallel_loop3A_753 = arith.constant 16 : index
        %parallel_loop3A_754 = tpu.vector_load %arg7[%parallel_loop3A_752, %parallel_loop3A_753] {strides = array<i32>} : memref<128x64xf32, #tpu.memory_space<vmem>>, vector<16xf32>,
        %parallel_loop3A_755 = arith.constant 8.000000e+00 : f32
        %parallel_loop3A_756 = vector.broadcast %parallel_loop3A_755 : f32 to vector<16xf32>
        %parallel_loop3A_757 = arith.mulf %parallel_loop3A_754, %parallel_loop3A_756 : vector<16xf32>
        tpu.vector_store_idx %arg11[%shift_right_logical3A_21, %and3A_32, %parallel_loop3A_745], %parallel_loop3A_757 : memref<8x8x129xf32, #tpu.memory_space<vmem>>[vector<16xi32>, vector<16xi32>, vector<16xi32>], vector<16xf32>,
        %parallel_loop3A_758 = arith.index_cast %parallel_loop3A_741 : i32 to index
        %parallel_loop3A_759 = arith.constant 32 : index
        %parallel_loop3A_760 = tpu.vector_load %arg7[%parallel_loop3A_758, %parallel_loop3A_759] {strides = array<i32>} : memref<128x64xf32, #tpu.memory_space<vmem>>, vector<16xf32>,
        %parallel_loop3A_761 = arith.constant 8.000000e+00 : f32
        %parallel_loop3A_762 = vector.broadcast %parallel_loop3A_761 : f32 to vector<16xf32>
        %parallel_loop3A_763 = arith.mulf %parallel_loop3A_760, %parallel_loop3A_762 : vector<16xf32>
        tpu.vector_store_idx %arg11[%shift_right_logical3A_24, %and3A_35, %parallel_loop3A_745], %parallel_loop3A_763 : memref<8x8x129xf32, #tpu.memory_space<vmem>>[vector<16xi32>, vector<16xi32>, vector<16xi32>], vector<16xf32>,
        %parallel_loop3A_764 = arith.index_cast %parallel_loop3A_741 : i32 to index
        %parallel_loop3A_765 = arith.constant 48 : index
        %parallel_loop3A_766 = tpu.vector_load %arg7[%parallel_loop3A_764, %parallel_loop3A_765] {strides = array<i32>} : memref<128x64xf32, #tpu.memory_space<vmem>>, vector<16xf32>,
        %parallel_loop3A_767 = arith.constant 8.000000e+00 : f32
        %parallel_loop3A_768 = vector.broadcast %parallel_loop3A_767 : f32 to vector<16xf32>
        %parallel_loop3A_769 = arith.mulf %parallel_loop3A_766, %parallel_loop3A_768 : vector<16xf32>
        tpu.vector_store_idx %arg11[%shift_right_logical3A_27, %and3A_38, %parallel_loop3A_745], %parallel_loop3A_769 : memref<8x8x129xf32, #tpu.memory_space<vmem>>[vector<16xi32>, vector<16xi32>, vector<16xi32>], vector<16xf32>,
      } {sc.loop_unroll_factor = 4 : i64, sc.parallel_access}
      %add3A_607 = arith.constant 1 : i32
      %add3A_608 = arith.addi %mul3A_2, %add3A_607 : i32
      %dma_start3A_609 = arith.constant 0 : i32
      %dma_start3A_610 = arith.constant 0 : i32
      %dma_start3A_611 = arith.constant 0 : i32
      %dma_start3A_612 = tpu.memref_slice %arg11[%dma_start3A_609, %dma_start3A_610, %dma_start3A_611] : memref<8x8x129xf32, #tpu.memory_space<vmem>> -> memref<8x8x128xf32, #tpu.memory_space<vmem>>
      %dma_start3A_613 = arith.constant 0 : i32
      %dma_start3A_614 = arith.constant 0 : i32
      %dma_start3A_615 = arith.constant 0 : i32
      %dma_start3A_616 = tpu.memref_slice %arg4[%scan3A_513, %dma_start3A_613, %add3A_608, %dma_start3A_614, %dma_start3A_615] : memref<50x8x128x8x128xf32, #tpu.memory_space<hbm>> -> memref<1x8x1x8x128xf32, #tpu.memory_space<hbm>>
      %dma_start3A_617 = tpu.memref_squeeze %dma_start3A_616 : memref<1x8x1x8x128xf32, #tpu.memory_space<hbm>> -> memref<8x8x128xf32, #tpu.memory_space<hbm>>
      %dma_start3A_618 = arith.constant 0 : i32
      %dma_start3A_619 = arith.constant 0 : i32
      %dma_start3A_620 = arith.constant 0 : i32
      %dma_start3A_621 = tpu.memref_slice %arg4[%scan3A_513, %dma_start3A_618, %add3A_608, %dma_start3A_619, %dma_start3A_620] : memref<50x8x128x8x128xf32, #tpu.memory_space<hbm>> -> memref<1x8x1x8x128xf32, #tpu.memory_space<hbm>>
      %dma_start3A_622 = tpu.memref_squeeze %dma_start3A_621 : memref<1x8x1x8x128xf32, #tpu.memory_space<hbm>> -> memref<8x8x128xf32, #tpu.memory_space<hbm>>
      %dma_start3A_623 = arith.constant 0 : i32
      %dma_start3A_624 = arith.constant 0 : i32
      %dma_start3A_625 = arith.constant 0 : i32
      %dma_start3A_626 = tpu.memref_slice %arg11[%dma_start3A_623, %dma_start3A_624, %dma_start3A_625] : memref<8x8x129xf32, #tpu.memory_space<vmem>> -> memref<8x8x128xf32, #tpu.memory_space<vmem>>
      tpu.enqueue_dma source(%dma_start3A_626 : memref<8x8x128xf32, #tpu.memory_space<vmem>>) target(%dma_start3A_622 : memref<8x8x128xf32, #tpu.memory_space<hbm>>) target_semaphore(%arg17 : memref<!tpu.dma_semaphore, #tpu.memory_space<semaphore_mem>>)
      %add3A_627 = arith.constant 1 : i32
      %add3A_628 = arith.addi %scan3A_513, %add3A_627 : i32
      %dma_start3A_629 = arith.constant 0 : i32
      %dma_start3A_630 = tpu.memref_slice %arg5[%add3A_628, %dma_start3A_629] : memref<50x512xi32, #tpu.memory_space<vmem>> -> memref<1x128xi32, #tpu.memory_space<vmem>>
      %dma_start3A_631 = tpu.memref_squeeze %dma_start3A_630 : memref<1x128xi32, #tpu.memory_space<vmem>> -> memref<128xi32, #tpu.memory_space<vmem>>
      %dma_start3A_632 = arith.constant 0 : i32
      %dma_start3A_633 = arith.constant 0 : i32
      %dma_start3A_634 = tpu.memref_slice %arg3[%dma_start3A_632, %dma_start3A_633] : memref<1000000x64xf32, #tpu.memory_space<hbm>> -> memref<1000000x64xf32, #tpu.memory_space<hbm>>
      tpu.enqueue_indirect_dma source(%dma_start3A_634 : memref<1000000x64xf32, #tpu.memory_space<hbm>>) target(%arg6 : memref<128x64xf32, #tpu.memory_space<vmem>>) offsets(%dma_start3A_631 : memref<128xi32, #tpu.memory_space<vmem>>) semaphore(%arg12 : memref<!tpu.dma_semaphore, #tpu.memory_space<semaphore_mem>>)
      %dma_wait3A_635 = arith.constant 256 : i32
      %dma_wait3A_636 = tpu.memref_slice %arg5[%scan3A_513, %dma_wait3A_635] : memref<50x512xi32, #tpu.memory_space<vmem>> -> memref<1x128xi32, #tpu.memory_space<vmem>>
      %dma_wait3A_637 = tpu.memref_squeeze %dma_wait3A_636 : memref<1x128xi32, #tpu.memory_space<vmem>> -> memref<128xi32, #tpu.memory_space<vmem>>
      %dma_wait3A_638 = arith.constant 0 : i32
      %dma_wait3A_639 = arith.constant 0 : i32
      %dma_wait3A_640 = tpu.memref_slice %arg3[%dma_wait3A_638, %dma_wait3A_639] : memref<1000000x64xf32, #tpu.memory_space<hbm>> -> memref<1000000x64xf32, #tpu.memory_space<hbm>>
      tpu.wait_indirect_dma semaphore(%arg14 : memref<!tpu.dma_semaphore, #tpu.memory_space<semaphore_mem>>) src(%dma_wait3A_640 : memref<1000000x64xf32, #tpu.memory_space<hbm>>) dst(%arg8 : memref<128x64xf32, #tpu.memory_space<vmem>>)
      %add3A_641 = arith.constant 0 : i32
      %add3A_642 = arith.addi %mul3A_2, %add3A_641 : i32
      %dma_wait3A_643 = arith.constant 0 : i32
      %dma_wait3A_644 = arith.constant 0 : i32
      %dma_wait3A_645 = arith.constant 0 : i32
      %dma_wait3A_646 = tpu.memref_slice %arg10[%dma_wait3A_643, %dma_wait3A_644, %dma_wait3A_645] : memref<8x8x129xf32, #tpu.memory_space<vmem>> -> memref<8x8x128xf32, #tpu.memory_space<vmem>>
      %dma_wait3A_647 = arith.constant 0 : i32
      %dma_wait3A_648 = arith.constant 0 : i32
      %dma_wait3A_649 = arith.constant 0 : i32
      %dma_wait3A_650 = tpu.memref_slice %arg4[%scan3A_513, %dma_wait3A_647, %add3A_642, %dma_wait3A_648, %dma_wait3A_649] : memref<50x8x128x8x128xf32, #tpu.memory_space<hbm>> -> memref<1x8x1x8x128xf32, #tpu.memory_space<hbm>>
      %dma_wait3A_651 = tpu.memref_squeeze %dma_wait3A_650 : memref<1x8x1x8x128xf32, #tpu.memory_space<hbm>> -> memref<8x8x128xf32, #tpu.memory_space<hbm>>
      %dma_wait3A_652 = arith.constant 0 : i32
      %dma_wait3A_653 = arith.constant 0 : i32
      %dma_wait3A_654 = arith.constant 0 : i32
      %dma_wait3A_655 = tpu.memref_slice %arg4[%scan3A_513, %dma_wait3A_652, %add3A_642, %dma_wait3A_653, %dma_wait3A_654] : memref<50x8x128x8x128xf32, #tpu.memory_space<hbm>> -> memref<1x8x1x8x128xf32, #tpu.memory_space<hbm>>
      %dma_wait3A_656 = tpu.memref_squeeze %dma_wait3A_655 : memref<1x8x1x8x128xf32, #tpu.memory_space<hbm>> -> memref<8x8x128xf32, #tpu.memory_space<hbm>>
      %dma_wait3A_657 = arith.constant 0 : i32
      %dma_wait3A_658 = arith.constant 0 : i32
      %dma_wait3A_659 = arith.constant 0 : i32
      %dma_wait3A_660 = tpu.memref_slice %arg10[%dma_wait3A_657, %dma_wait3A_658, %dma_wait3A_659] : memref<8x8x129xf32, #tpu.memory_space<vmem>> -> memref<8x8x128xf32, #tpu.memory_space<vmem>>
      tpu.wait_dma2 semaphore(%arg16 : memref<!tpu.dma_semaphore, #tpu.memory_space<semaphore_mem>>) src(%dma_wait3A_660 : memref<8x8x128xf32, #tpu.memory_space<vmem>>) dst(%dma_wait3A_656 : memref<8x8x128xf32, #tpu.memory_space<hbm>>)
      %parallel_loop3A_661 = arith.constant 0 : i32
      %parallel_loop3A_662 = arith.constant 128 : i32
      %parallel_loop3A_663 = arith.constant 1 : i32
      scf.for %parallel_loop3A_741 = %parallel_loop3A_661 to %parallel_loop3A_662 step %parallel_loop3A_663  : i32 {
        %parallel_loop3A_742 = arith.constant 0 : i32
        %parallel_loop3A_743 = vector.broadcast %parallel_loop3A_742 : i32 to vector<16xi32>
        %parallel_loop3A_744 = vector.broadcast %parallel_loop3A_741 : i32 to vector<16xi32>
        %parallel_loop3A_745 = arith.addi %parallel_loop3A_743, %parallel_loop3A_744 : vector<16xi32>
        %parallel_loop3A_746 = arith.index_cast %parallel_loop3A_741 : i32 to index
        %parallel_loop3A_747 = arith.constant 0 : index
        %parallel_loop3A_748 = tpu.vector_load %arg8[%parallel_loop3A_746, %parallel_loop3A_747] {strides = array<i32>} : memref<128x64xf32, #tpu.memory_space<vmem>>, vector<16xf32>,
        %parallel_loop3A_749 = arith.constant 8.000000e+00 : f32
        %parallel_loop3A_750 = vector.broadcast %parallel_loop3A_749 : f32 to vector<16xf32>
        %parallel_loop3A_751 = arith.mulf %parallel_loop3A_748, %parallel_loop3A_750 : vector<16xf32>
        tpu.vector_store_idx %arg10[%shift_right_logical3A_18, %and3A_29, %parallel_loop3A_745], %parallel_loop3A_751 : memref<8x8x129xf32, #tpu.memory_space<vmem>>[vector<16xi32>, vector<16xi32>, vector<16xi32>], vector<16xf32>,
        %parallel_loop3A_752 = arith.index_cast %parallel_loop3A_741 : i32 to index
        %parallel_loop3A_753 = arith.constant 16 : index
        %parallel_loop3A_754 = tpu.vector_load %arg8[%parallel_loop3A_752, %parallel_loop3A_753] {strides = array<i32>} : memref<128x64xf32, #tpu.memory_space<vmem>>, vector<16xf32>,
        %parallel_loop3A_755 = arith.constant 8.000000e+00 : f32
        %parallel_loop3A_756 = vector.broadcast %parallel_loop3A_755 : f32 to vector<16xf32>
        %parallel_loop3A_757 = arith.mulf %parallel_loop3A_754, %parallel_loop3A_756 : vector<16xf32>
        tpu.vector_store_idx %arg10[%shift_right_logical3A_21, %and3A_32, %parallel_loop3A_745], %parallel_loop3A_757 : memref<8x8x129xf32, #tpu.memory_space<vmem>>[vector<16xi32>, vector<16xi32>, vector<16xi32>], vector<16xf32>,
        %parallel_loop3A_758 = arith.index_cast %parallel_loop3A_741 : i32 to index
        %parallel_loop3A_759 = arith.constant 32 : index
        %parallel_loop3A_760 = tpu.vector_load %arg8[%parallel_loop3A_758, %parallel_loop3A_759] {strides = array<i32>} : memref<128x64xf32, #tpu.memory_space<vmem>>, vector<16xf32>,
        %parallel_loop3A_761 = arith.constant 8.000000e+00 : f32
        %parallel_loop3A_762 = vector.broadcast %parallel_loop3A_761 : f32 to vector<16xf32>
        %parallel_loop3A_763 = arith.mulf %parallel_loop3A_760, %parallel_loop3A_762 : vector<16xf32>
        tpu.vector_store_idx %arg10[%shift_right_logical3A_24, %and3A_35, %parallel_loop3A_745], %parallel_loop3A_763 : memref<8x8x129xf32, #tpu.memory_space<vmem>>[vector<16xi32>, vector<16xi32>, vector<16xi32>], vector<16xf32>,
        %parallel_loop3A_764 = arith.index_cast %parallel_loop3A_741 : i32 to index
        %parallel_loop3A_765 = arith.constant 48 : index
        %parallel_loop3A_766 = tpu.vector_load %arg8[%parallel_loop3A_764, %parallel_loop3A_765] {strides = array<i32>} : memref<128x64xf32, #tpu.memory_space<vmem>>, vector<16xf32>,
        %parallel_loop3A_767 = arith.constant 8.000000e+00 : f32
        %parallel_loop3A_768 = vector.broadcast %parallel_loop3A_767 : f32 to vector<16xf32>
        %parallel_loop3A_769 = arith.mulf %parallel_loop3A_766, %parallel_loop3A_768 : vector<16xf32>
        tpu.vector_store_idx %arg10[%shift_right_logical3A_27, %and3A_38, %parallel_loop3A_745], %parallel_loop3A_769 : memref<8x8x129xf32, #tpu.memory_space<vmem>>[vector<16xi32>, vector<16xi32>, vector<16xi32>], vector<16xf32>,
      } {sc.loop_unroll_factor = 4 : i64, sc.parallel_access}
      %add3A_664 = arith.constant 2 : i32
      %add3A_665 = arith.addi %mul3A_2, %add3A_664 : i32
      %dma_start3A_666 = arith.constant 0 : i32
      %dma_start3A_667 = arith.constant 0 : i32
      %dma_start3A_668 = arith.constant 0 : i32
      %dma_start3A_669 = tpu.memref_slice %arg10[%dma_start3A_666, %dma_start3A_667, %dma_start3A_668] : memref<8x8x129xf32, #tpu.memory_space<vmem>> -> memref<8x8x128xf32, #tpu.memory_space<vmem>>
      %dma_start3A_670 = arith.constant 0 : i32
      %dma_start3A_671 = arith.constant 0 : i32
      %dma_start3A_672 = arith.constant 0 : i32
      %dma_start3A_673 = tpu.memref_slice %arg4[%scan3A_513, %dma_start3A_670, %add3A_665, %dma_start3A_671, %dma_start3A_672] : memref<50x8x128x8x128xf32, #tpu.memory_space<hbm>> -> memref<1x8x1x8x128xf32, #tpu.memory_space<hbm>>
      %dma_start3A_674 = tpu.memref_squeeze %dma_start3A_673 : memref<1x8x1x8x128xf32, #tpu.memory_space<hbm>> -> memref<8x8x128xf32, #tpu.memory_space<hbm>>
      %dma_start3A_675 = arith.constant 0 : i32
      %dma_start3A_676 = arith.constant 0 : i32
      %dma_start3A_677 = arith.constant 0 : i32
      %dma_start3A_678 = tpu.memref_slice %arg4[%scan3A_513, %dma_start3A_675, %add3A_665, %dma_start3A_676, %dma_start3A_677] : memref<50x8x128x8x128xf32, #tpu.memory_space<hbm>> -> memref<1x8x1x8x128xf32, #tpu.memory_space<hbm>>
      %dma_start3A_679 = tpu.memref_squeeze %dma_start3A_678 : memref<1x8x1x8x128xf32, #tpu.memory_space<hbm>> -> memref<8x8x128xf32, #tpu.memory_space<hbm>>
      %dma_start3A_680 = arith.constant 0 : i32
      %dma_start3A_681 = arith.constant 0 : i32
      %dma_start3A_682 = arith.constant 0 : i32
      %dma_start3A_683 = tpu.memref_slice %arg10[%dma_start3A_680, %dma_start3A_681, %dma_start3A_682] : memref<8x8x129xf32, #tpu.memory_space<vmem>> -> memref<8x8x128xf32, #tpu.memory_space<vmem>>
      tpu.enqueue_dma source(%dma_start3A_683 : memref<8x8x128xf32, #tpu.memory_space<vmem>>) target(%dma_start3A_679 : memref<8x8x128xf32, #tpu.memory_space<hbm>>) target_semaphore(%arg16 : memref<!tpu.dma_semaphore, #tpu.memory_space<semaphore_mem>>)
      %add3A_684 = arith.constant 1 : i32
      %add3A_685 = arith.addi %scan3A_513, %add3A_684 : i32
      %dma_start3A_686 = arith.constant 128 : i32
      %dma_start3A_687 = tpu.memref_slice %arg5[%add3A_685, %dma_start3A_686] : memref<50x512xi32, #tpu.memory_space<vmem>> -> memref<1x128xi32, #tpu.memory_space<vmem>>
      %dma_start3A_688 = tpu.memref_squeeze %dma_start3A_687 : memref<1x128xi32, #tpu.memory_space<vmem>> -> memref<128xi32, #tpu.memory_space<vmem>>
      %dma_start3A_689 = arith.constant 0 : i32
      %dma_start3A_690 = arith.constant 0 : i32
      %dma_start3A_691 = tpu.memref_slice %arg3[%dma_start3A_689, %dma_start3A_690] : memref<1000000x64xf32, #tpu.memory_space<hbm>> -> memref<1000000x64xf32, #tpu.memory_space<hbm>>
      tpu.enqueue_indirect_dma source(%dma_start3A_691 : memref<1000000x64xf32, #tpu.memory_space<hbm>>) target(%arg7 : memref<128x64xf32, #tpu.memory_space<vmem>>) offsets(%dma_start3A_688 : memref<128xi32, #tpu.memory_space<vmem>>) semaphore(%arg13 : memref<!tpu.dma_semaphore, #tpu.memory_space<semaphore_mem>>)
      %dma_wait3A_692 = arith.constant 384 : i32
      %dma_wait3A_693 = tpu.memref_slice %arg5[%scan3A_513, %dma_wait3A_692] : memref<50x512xi32, #tpu.memory_space<vmem>> -> memref<1x128xi32, #tpu.memory_space<vmem>>
      %dma_wait3A_694 = tpu.memref_squeeze %dma_wait3A_693 : memref<1x128xi32, #tpu.memory_space<vmem>> -> memref<128xi32, #tpu.memory_space<vmem>>
      %dma_wait3A_695 = arith.constant 0 : i32
      %dma_wait3A_696 = arith.constant 0 : i32
      %dma_wait3A_697 = tpu.memref_slice %arg3[%dma_wait3A_695, %dma_wait3A_696] : memref<1000000x64xf32, #tpu.memory_space<hbm>> -> memref<1000000x64xf32, #tpu.memory_space<hbm>>
      tpu.wait_indirect_dma semaphore(%arg15 : memref<!tpu.dma_semaphore, #tpu.memory_space<semaphore_mem>>) src(%dma_wait3A_697 : memref<1000000x64xf32, #tpu.memory_space<hbm>>) dst(%arg9 : memref<128x64xf32, #tpu.memory_space<vmem>>)
      %add3A_698 = arith.constant 1 : i32
      %add3A_699 = arith.addi %mul3A_2, %add3A_698 : i32
      %dma_wait3A_700 = arith.constant 0 : i32
      %dma_wait3A_701 = arith.constant 0 : i32
      %dma_wait3A_702 = arith.constant 0 : i32
      %dma_wait3A_703 = tpu.memref_slice %arg11[%dma_wait3A_700, %dma_wait3A_701, %dma_wait3A_702] : memref<8x8x129xf32, #tpu.memory_space<vmem>> -> memref<8x8x128xf32, #tpu.memory_space<vmem>>
      %dma_wait3A_704 = arith.constant 0 : i32
      %dma_wait3A_705 = arith.constant 0 : i32
      %dma_wait3A_706 = arith.constant 0 : i32
      %dma_wait3A_707 = tpu.memref_slice %arg4[%scan3A_513, %dma_wait3A_704, %add3A_699, %dma_wait3A_705, %dma_wait3A_706] : memref<50x8x128x8x128xf32, #tpu.memory_space<hbm>> -> memref<1x8x1x8x128xf32, #tpu.memory_space<hbm>>
      %dma_wait3A_708 = tpu.memref_squeeze %dma_wait3A_707 : memref<1x8x1x8x128xf32, #tpu.memory_space<hbm>> -> memref<8x8x128xf32, #tpu.memory_space<hbm>>
      %dma_wait3A_709 = arith.constant 0 : i32
      %dma_wait3A_710 = arith.constant 0 : i32
      %dma_wait3A_711 = arith.constant 0 : i32
      %dma_wait3A_712 = tpu.memref_slice %arg4[%scan3A_513, %dma_wait3A_709, %add3A_699, %dma_wait3A_710, %dma_wait3A_711] : memref<50x8x128x8x128xf32, #tpu.memory_space<hbm>> -> memref<1x8x1x8x128xf32, #tpu.memory_space<hbm>>
      %dma_wait3A_713 = tpu.memref_squeeze %dma_wait3A_712 : memref<1x8x1x8x128xf32, #tpu.memory_space<hbm>> -> memref<8x8x128xf32, #tpu.memory_space<hbm>>
      %dma_wait3A_714 = arith.constant 0 : i32
      %dma_wait3A_715 = arith.constant 0 : i32
      %dma_wait3A_716 = arith.constant 0 : i32
      %dma_wait3A_717 = tpu.memref_slice %arg11[%dma_wait3A_714, %dma_wait3A_715, %dma_wait3A_716] : memref<8x8x129xf32, #tpu.memory_space<vmem>> -> memref<8x8x128xf32, #tpu.memory_space<vmem>>
      tpu.wait_dma2 semaphore(%arg17 : memref<!tpu.dma_semaphore, #tpu.memory_space<semaphore_mem>>) src(%dma_wait3A_717 : memref<8x8x128xf32, #tpu.memory_space<vmem>>) dst(%dma_wait3A_713 : memref<8x8x128xf32, #tpu.memory_space<hbm>>)
      %parallel_loop3A_718 = arith.constant 0 : i32
      %parallel_loop3A_719 = arith.constant 128 : i32
      %parallel_loop3A_720 = arith.constant 1 : i32
      scf.for %parallel_loop3A_741 = %parallel_loop3A_718 to %parallel_loop3A_719 step %parallel_loop3A_720  : i32 {
        %parallel_loop3A_742 = arith.constant 0 : i32
        %parallel_loop3A_743 = vector.broadcast %parallel_loop3A_742 : i32 to vector<16xi32>
        %parallel_loop3A_744 = vector.broadcast %parallel_loop3A_741 : i32 to vector<16xi32>
        %parallel_loop3A_745 = arith.addi %parallel_loop3A_743, %parallel_loop3A_744 : vector<16xi32>
        %parallel_loop3A_746 = arith.index_cast %parallel_loop3A_741 : i32 to index
        %parallel_loop3A_747 = arith.constant 0 : index
        %parallel_loop3A_748 = tpu.vector_load %arg9[%parallel_loop3A_746, %parallel_loop3A_747] {strides = array<i32>} : memref<128x64xf32, #tpu.memory_space<vmem>>, vector<16xf32>,
        %parallel_loop3A_749 = arith.constant 8.000000e+00 : f32
        %parallel_loop3A_750 = vector.broadcast %parallel_loop3A_749 : f32 to vector<16xf32>
        %parallel_loop3A_751 = arith.mulf %parallel_loop3A_748, %parallel_loop3A_750 : vector<16xf32>
        tpu.vector_store_idx %arg11[%shift_right_logical3A_18, %and3A_29, %parallel_loop3A_745], %parallel_loop3A_751 : memref<8x8x129xf32, #tpu.memory_space<vmem>>[vector<16xi32>, vector<16xi32>, vector<16xi32>], vector<16xf32>,
        %parallel_loop3A_752 = arith.index_cast %parallel_loop3A_741 : i32 to index
        %parallel_loop3A_753 = arith.constant 16 : index
        %parallel_loop3A_754 = tpu.vector_load %arg9[%parallel_loop3A_752, %parallel_loop3A_753] {strides = array<i32>} : memref<128x64xf32, #tpu.memory_space<vmem>>, vector<16xf32>,
        %parallel_loop3A_755 = arith.constant 8.000000e+00 : f32
        %parallel_loop3A_756 = vector.broadcast %parallel_loop3A_755 : f32 to vector<16xf32>
        %parallel_loop3A_757 = arith.mulf %parallel_loop3A_754, %parallel_loop3A_756 : vector<16xf32>
        tpu.vector_store_idx %arg11[%shift_right_logical3A_21, %and3A_32, %parallel_loop3A_745], %parallel_loop3A_757 : memref<8x8x129xf32, #tpu.memory_space<vmem>>[vector<16xi32>, vector<16xi32>, vector<16xi32>], vector<16xf32>,
        %parallel_loop3A_758 = arith.index_cast %parallel_loop3A_741 : i32 to index
        %parallel_loop3A_759 = arith.constant 32 : index
        %parallel_loop3A_760 = tpu.vector_load %arg9[%parallel_loop3A_758, %parallel_loop3A_759] {strides = array<i32>} : memref<128x64xf32, #tpu.memory_space<vmem>>, vector<16xf32>,
        %parallel_loop3A_761 = arith.constant 8.000000e+00 : f32
        %parallel_loop3A_762 = vector.broadcast %parallel_loop3A_761 : f32 to vector<16xf32>
        %parallel_loop3A_763 = arith.mulf %parallel_loop3A_760, %parallel_loop3A_762 : vector<16xf32>
        tpu.vector_store_idx %arg11[%shift_right_logical3A_24, %and3A_35, %parallel_loop3A_745], %parallel_loop3A_763 : memref<8x8x129xf32, #tpu.memory_space<vmem>>[vector<16xi32>, vector<16xi32>, vector<16xi32>], vector<16xf32>,
        %parallel_loop3A_764 = arith.index_cast %parallel_loop3A_741 : i32 to index
        %parallel_loop3A_765 = arith.constant 48 : index
        %parallel_loop3A_766 = tpu.vector_load %arg9[%parallel_loop3A_764, %parallel_loop3A_765] {strides = array<i32>} : memref<128x64xf32, #tpu.memory_space<vmem>>, vector<16xf32>,
        %parallel_loop3A_767 = arith.constant 8.000000e+00 : f32
        %parallel_loop3A_768 = vector.broadcast %parallel_loop3A_767 : f32 to vector<16xf32>
        %parallel_loop3A_769 = arith.mulf %parallel_loop3A_766, %parallel_loop3A_768 : vector<16xf32>
        tpu.vector_store_idx %arg11[%shift_right_logical3A_27, %and3A_38, %parallel_loop3A_745], %parallel_loop3A_769 : memref<8x8x129xf32, #tpu.memory_space<vmem>>[vector<16xi32>, vector<16xi32>, vector<16xi32>], vector<16xf32>,
      } {sc.loop_unroll_factor = 4 : i64, sc.parallel_access}
      %add3A_721 = arith.constant 3 : i32
      %add3A_722 = arith.addi %mul3A_2, %add3A_721 : i32
      %dma_start3A_723 = arith.constant 0 : i32
      %dma_start3A_724 = arith.constant 0 : i32
      %dma_start3A_725 = arith.constant 0 : i32
      %dma_start3A_726 = tpu.memref_slice %arg11[%dma_start3A_723, %dma_start3A_724, %dma_start3A_725] : memref<8x8x129xf32, #tpu.memory_space<vmem>> -> memref<8x8x128xf32, #tpu.memory_space<vmem>>
      %dma_start3A_727 = arith.constant 0 : i32
      %dma_start3A_728 = arith.constant 0 : i32
      %dma_start3A_729 = arith.constant 0 : i32
      %dma_start3A_730 = tpu.memref_slice %arg4[%scan3A_513, %dma_start3A_727, %add3A_722, %dma_start3A_728, %dma_start3A_729] : memref<50x8x128x8x128xf32, #tpu.memory_space<hbm>> -> memref<1x8x1x8x128xf32, #tpu.memory_space<hbm>>
      %dma_start3A_731 = tpu.memref_squeeze %dma_start3A_730 : memref<1x8x1x8x128xf32, #tpu.memory_space<hbm>> -> memref<8x8x128xf32, #tpu.memory_space<hbm>>
      %dma_start3A_732 = arith.constant 0 : i32
      %dma_start3A_733 = arith.constant 0 : i32
      %dma_start3A_734 = arith.constant 0 : i32
      %dma_start3A_735 = tpu.memref_slice %arg4[%scan3A_513, %dma_start3A_732, %add3A_722, %dma_start3A_733, %dma_start3A_734] : memref<50x8x128x8x128xf32, #tpu.memory_space<hbm>> -> memref<1x8x1x8x128xf32, #tpu.memory_space<hbm>>
      %dma_start3A_736 = tpu.memref_squeeze %dma_start3A_735 : memref<1x8x1x8x128xf32, #tpu.memory_space<hbm>> -> memref<8x8x128xf32, #tpu.memory_space<hbm>>
      %dma_start3A_737 = arith.constant 0 : i32
      %dma_start3A_738 = arith.constant 0 : i32
      %dma_start3A_739 = arith.constant 0 : i32
      %dma_start3A_740 = tpu.memref_slice %arg11[%dma_start3A_737, %dma_start3A_738, %dma_start3A_739] : memref<8x8x129xf32, #tpu.memory_space<vmem>> -> memref<8x8x128xf32, #tpu.memory_space<vmem>>
      tpu.enqueue_dma source(%dma_start3A_740 : memref<8x8x128xf32, #tpu.memory_space<vmem>>) target(%dma_start3A_736 : memref<8x8x128xf32, #tpu.memory_space<hbm>>) target_semaphore(%arg17 : memref<!tpu.dma_semaphore, #tpu.memory_space<semaphore_mem>>)
    }
    %scan3A_248 = arith.constant 48 : i32
    %dma_start3A_249 = arith.constant 49 : i32
    %dma_start3A_250 = arith.constant 256 : i32
    %dma_start3A_251 = tpu.memref_slice %arg5[%dma_start3A_249, %dma_start3A_250] : memref<50x512xi32, #tpu.memory_space<vmem>> -> memref<1x128xi32, #tpu.memory_space<vmem>>
    %dma_start3A_252 = tpu.memref_squeeze %dma_start3A_251 : memref<1x128xi32, #tpu.memory_space<vmem>> -> memref<128xi32, #tpu.memory_space<vmem>>
    %dma_start3A_253 = arith.constant 0 : i32
    %dma_start3A_254 = arith.constant 0 : i32
    %dma_start3A_255 = tpu.memref_slice %arg3[%dma_start3A_253, %dma_start3A_254] : memref<1000000x64xf32, #tpu.memory_space<hbm>> -> memref<1000000x64xf32, #tpu.memory_space<hbm>>
    tpu.enqueue_indirect_dma source(%dma_start3A_255 : memref<1000000x64xf32, #tpu.memory_space<hbm>>) target(%arg8 : memref<128x64xf32, #tpu.memory_space<vmem>>) offsets(%dma_start3A_252 : memref<128xi32, #tpu.memory_space<vmem>>) semaphore(%arg14 : memref<!tpu.dma_semaphore, #tpu.memory_space<semaphore_mem>>)
    %dma_wait3A_256 = arith.constant 49 : i32
    %dma_wait3A_257 = arith.constant 0 : i32
    %dma_wait3A_258 = tpu.memref_slice %arg5[%dma_wait3A_256, %dma_wait3A_257] : memref<50x512xi32, #tpu.memory_space<vmem>> -> memref<1x128xi32, #tpu.memory_space<vmem>>
    %dma_wait3A_259 = tpu.memref_squeeze %dma_wait3A_258 : memref<1x128xi32, #tpu.memory_space<vmem>> -> memref<128xi32, #tpu.memory_space<vmem>>
    %dma_wait3A_260 = arith.constant 0 : i32
    %dma_wait3A_261 = arith.constant 0 : i32
    %dma_wait3A_262 = tpu.memref_slice %arg3[%dma_wait3A_260, %dma_wait3A_261] : memref<1000000x64xf32, #tpu.memory_space<hbm>> -> memref<1000000x64xf32, #tpu.memory_space<hbm>>
    tpu.wait_indirect_dma semaphore(%arg12 : memref<!tpu.dma_semaphore, #tpu.memory_space<semaphore_mem>>) src(%dma_wait3A_262 : memref<1000000x64xf32, #tpu.memory_space<hbm>>) dst(%arg6 : memref<128x64xf32, #tpu.memory_space<vmem>>)
    %add3A_263 = arith.constant 2 : i32
    %add3A_264 = arith.addi %mul3A_2, %add3A_263 : i32
    %dma_wait3A_265 = arith.constant 48 : i32
    %dma_wait3A_266 = arith.constant 0 : i32
    %dma_wait3A_267 = arith.constant 0 : i32
    %dma_wait3A_268 = arith.constant 0 : i32
    %dma_wait3A_269 = tpu.memref_slice %arg10[%dma_wait3A_266, %dma_wait3A_267, %dma_wait3A_268] : memref<8x8x129xf32, #tpu.memory_space<vmem>> -> memref<8x8x128xf32, #tpu.memory_space<vmem>>
    %dma_wait3A_270 = arith.constant 0 : i32
    %dma_wait3A_271 = arith.constant 0 : i32
    %dma_wait3A_272 = arith.constant 0 : i32
    %dma_wait3A_273 = tpu.memref_slice %arg4[%dma_wait3A_265, %dma_wait3A_270, %add3A_264, %dma_wait3A_271, %dma_wait3A_272] : memref<50x8x128x8x128xf32, #tpu.memory_space<hbm>> -> memref<1x8x1x8x128xf32, #tpu.memory_space<hbm>>
    %dma_wait3A_274 = tpu.memref_squeeze %dma_wait3A_273 : memref<1x8x1x8x128xf32, #tpu.memory_space<hbm>> -> memref<8x8x128xf32, #tpu.memory_space<hbm>>
    %dma_wait3A_275 = arith.constant 0 : i32
    %dma_wait3A_276 = arith.constant 0 : i32
    %dma_wait3A_277 = arith.constant 0 : i32
    %dma_wait3A_278 = tpu.memref_slice %arg4[%dma_wait3A_265, %dma_wait3A_275, %add3A_264, %dma_wait3A_276, %dma_wait3A_277] : memref<50x8x128x8x128xf32, #tpu.memory_space<hbm>> -> memref<1x8x1x8x128xf32, #tpu.memory_space<hbm>>
    %dma_wait3A_279 = tpu.memref_squeeze %dma_wait3A_278 : memref<1x8x1x8x128xf32, #tpu.memory_space<hbm>> -> memref<8x8x128xf32, #tpu.memory_space<hbm>>
    %dma_wait3A_280 = arith.constant 0 : i32
    %dma_wait3A_281 = arith.constant 0 : i32
    %dma_wait3A_282 = arith.constant 0 : i32
    %dma_wait3A_283 = tpu.memref_slice %arg10[%dma_wait3A_280, %dma_wait3A_281, %dma_wait3A_282] : memref<8x8x129xf32, #tpu.memory_space<vmem>> -> memref<8x8x128xf32, #tpu.memory_space<vmem>>
    tpu.wait_dma2 semaphore(%arg16 : memref<!tpu.dma_semaphore, #tpu.memory_space<semaphore_mem>>) src(%dma_wait3A_283 : memref<8x8x128xf32, #tpu.memory_space<vmem>>) dst(%dma_wait3A_279 : memref<8x8x128xf32, #tpu.memory_space<hbm>>)
    %parallel_loop3A_284 = arith.constant 0 : i32
    %parallel_loop3A_285 = arith.constant 128 : i32
    %parallel_loop3A_286 = arith.constant 1 : i32
    scf.for %parallel_loop3A_513 = %parallel_loop3A_284 to %parallel_loop3A_285 step %parallel_loop3A_286  : i32 {
      %parallel_loop3A_514 = arith.constant 0 : i32
      %parallel_loop3A_515 = vector.broadcast %parallel_loop3A_514 : i32 to vector<16xi32>
      %parallel_loop3A_516 = vector.broadcast %parallel_loop3A_513 : i32 to vector<16xi32>
      %parallel_loop3A_517 = arith.addi %parallel_loop3A_515, %parallel_loop3A_516 : vector<16xi32>
      %parallel_loop3A_518 = arith.index_cast %parallel_loop3A_513 : i32 to index
      %parallel_loop3A_519 = arith.constant 0 : index
      %parallel_loop3A_520 = tpu.vector_load %arg6[%parallel_loop3A_518, %parallel_loop3A_519] {strides = array<i32>} : memref<128x64xf32, #tpu.memory_space<vmem>>, vector<16xf32>,
      %parallel_loop3A_521 = arith.constant 8.000000e+00 : f32
      %parallel_loop3A_522 = vector.broadcast %parallel_loop3A_521 : f32 to vector<16xf32>
      %parallel_loop3A_523 = arith.mulf %parallel_loop3A_520, %parallel_loop3A_522 : vector<16xf32>
      tpu.vector_store_idx %arg10[%shift_right_logical3A_18, %and3A_29, %parallel_loop3A_517], %parallel_loop3A_523 : memref<8x8x129xf32, #tpu.memory_space<vmem>>[vector<16xi32>, vector<16xi32>, vector<16xi32>], vector<16xf32>,
      %parallel_loop3A_524 = arith.index_cast %parallel_loop3A_513 : i32 to index
      %parallel_loop3A_525 = arith.constant 16 : index
      %parallel_loop3A_526 = tpu.vector_load %arg6[%parallel_loop3A_524, %parallel_loop3A_525] {strides = array<i32>} : memref<128x64xf32, #tpu.memory_space<vmem>>, vector<16xf32>,
      %parallel_loop3A_527 = arith.constant 8.000000e+00 : f32
      %parallel_loop3A_528 = vector.broadcast %parallel_loop3A_527 : f32 to vector<16xf32>
      %parallel_loop3A_529 = arith.mulf %parallel_loop3A_526, %parallel_loop3A_528 : vector<16xf32>
      tpu.vector_store_idx %arg10[%shift_right_logical3A_21, %and3A_32, %parallel_loop3A_517], %parallel_loop3A_529 : memref<8x8x129xf32, #tpu.memory_space<vmem>>[vector<16xi32>, vector<16xi32>, vector<16xi32>], vector<16xf32>,
      %parallel_loop3A_530 = arith.index_cast %parallel_loop3A_513 : i32 to index
      %parallel_loop3A_531 = arith.constant 32 : index
      %parallel_loop3A_532 = tpu.vector_load %arg6[%parallel_loop3A_530, %parallel_loop3A_531] {strides = array<i32>} : memref<128x64xf32, #tpu.memory_space<vmem>>, vector<16xf32>,
      %parallel_loop3A_533 = arith.constant 8.000000e+00 : f32
      %parallel_loop3A_534 = vector.broadcast %parallel_loop3A_533 : f32 to vector<16xf32>
      %parallel_loop3A_535 = arith.mulf %parallel_loop3A_532, %parallel_loop3A_534 : vector<16xf32>
      tpu.vector_store_idx %arg10[%shift_right_logical3A_24, %and3A_35, %parallel_loop3A_517], %parallel_loop3A_535 : memref<8x8x129xf32, #tpu.memory_space<vmem>>[vector<16xi32>, vector<16xi32>, vector<16xi32>], vector<16xf32>,
      %parallel_loop3A_536 = arith.index_cast %parallel_loop3A_513 : i32 to index
      %parallel_loop3A_537 = arith.constant 48 : index
      %parallel_loop3A_538 = tpu.vector_load %arg6[%parallel_loop3A_536, %parallel_loop3A_537] {strides = array<i32>} : memref<128x64xf32, #tpu.memory_space<vmem>>, vector<16xf32>,
      %parallel_loop3A_539 = arith.constant 8.000000e+00 : f32
      %parallel_loop3A_540 = vector.broadcast %parallel_loop3A_539 : f32 to vector<16xf32>
      %parallel_loop3A_541 = arith.mulf %parallel_loop3A_538, %parallel_loop3A_540 : vector<16xf32>
      tpu.vector_store_idx %arg10[%shift_right_logical3A_27, %and3A_38, %parallel_loop3A_517], %parallel_loop3A_541 : memref<8x8x129xf32, #tpu.memory_space<vmem>>[vector<16xi32>, vector<16xi32>, vector<16xi32>], vector<16xf32>,
    } {sc.loop_unroll_factor = 4 : i64, sc.parallel_access}
    %add3A_287 = arith.constant 0 : i32
    %add3A_288 = arith.addi %mul3A_2, %add3A_287 : i32
    %dma_start3A_289 = arith.constant 49 : i32
    %dma_start3A_290 = arith.constant 0 : i32
    %dma_start3A_291 = arith.constant 0 : i32
    %dma_start3A_292 = arith.constant 0 : i32
    %dma_start3A_293 = tpu.memref_slice %arg10[%dma_start3A_290, %dma_start3A_291, %dma_start3A_292] : memref<8x8x129xf32, #tpu.memory_space<vmem>> -> memref<8x8x128xf32, #tpu.memory_space<vmem>>
    %dma_start3A_294 = arith.constant 0 : i32
    %dma_start3A_295 = arith.constant 0 : i32
    %dma_start3A_296 = arith.constant 0 : i32
    %dma_start3A_297 = tpu.memref_slice %arg4[%dma_start3A_289, %dma_start3A_294, %add3A_288, %dma_start3A_295, %dma_start3A_296] : memref<50x8x128x8x128xf32, #tpu.memory_space<hbm>> -> memref<1x8x1x8x128xf32, #tpu.memory_space<hbm>>
    %dma_start3A_298 = tpu.memref_squeeze %dma_start3A_297 : memref<1x8x1x8x128xf32, #tpu.memory_space<hbm>> -> memref<8x8x128xf32, #tpu.memory_space<hbm>>
    %dma_start3A_299 = arith.constant 0 : i32
    %dma_start3A_300 = arith.constant 0 : i32
    %dma_start3A_301 = arith.constant 0 : i32
    %dma_start3A_302 = tpu.memref_slice %arg4[%dma_start3A_289, %dma_start3A_299, %add3A_288, %dma_start3A_300, %dma_start3A_301] : memref<50x8x128x8x128xf32, #tpu.memory_space<hbm>> -> memref<1x8x1x8x128xf32, #tpu.memory_space<hbm>>
    %dma_start3A_303 = tpu.memref_squeeze %dma_start3A_302 : memref<1x8x1x8x128xf32, #tpu.memory_space<hbm>> -> memref<8x8x128xf32, #tpu.memory_space<hbm>>
    %dma_start3A_304 = arith.constant 0 : i32
    %dma_start3A_305 = arith.constant 0 : i32
    %dma_start3A_306 = arith.constant 0 : i32
    %dma_start3A_307 = tpu.memref_slice %arg10[%dma_start3A_304, %dma_start3A_305, %dma_start3A_306] : memref<8x8x129xf32, #tpu.memory_space<vmem>> -> memref<8x8x128xf32, #tpu.memory_space<vmem>>
    tpu.enqueue_dma source(%dma_start3A_307 : memref<8x8x128xf32, #tpu.memory_space<vmem>>) target(%dma_start3A_303 : memref<8x8x128xf32, #tpu.memory_space<hbm>>) target_semaphore(%arg16 : memref<!tpu.dma_semaphore, #tpu.memory_space<semaphore_mem>>)
    %dma_start3A_308 = arith.constant 49 : i32
    %dma_start3A_309 = arith.constant 384 : i32
    %dma_start3A_310 = tpu.memref_slice %arg5[%dma_start3A_308, %dma_start3A_309] : memref<50x512xi32, #tpu.memory_space<vmem>> -> memref<1x128xi32, #tpu.memory_space<vmem>>
    %dma_start3A_311 = tpu.memref_squeeze %dma_start3A_310 : memref<1x128xi32, #tpu.memory_space<vmem>> -> memref<128xi32, #tpu.memory_space<vmem>>
    %dma_start3A_312 = arith.constant 0 : i32
    %dma_start3A_313 = arith.constant 0 : i32
    %dma_start3A_314 = tpu.memref_slice %arg3[%dma_start3A_312, %dma_start3A_313] : memref<1000000x64xf32, #tpu.memory_space<hbm>> -> memref<1000000x64xf32, #tpu.memory_space<hbm>>
    tpu.enqueue_indirect_dma source(%dma_start3A_314 : memref<1000000x64xf32, #tpu.memory_space<hbm>>) target(%arg9 : memref<128x64xf32, #tpu.memory_space<vmem>>) offsets(%dma_start3A_311 : memref<128xi32, #tpu.memory_space<vmem>>) semaphore(%arg15 : memref<!tpu.dma_semaphore, #tpu.memory_space<semaphore_mem>>)
    %dma_wait3A_315 = arith.constant 49 : i32
    %dma_wait3A_316 = arith.constant 128 : i32
    %dma_wait3A_317 = tpu.memref_slice %arg5[%dma_wait3A_315, %dma_wait3A_316] : memref<50x512xi32, #tpu.memory_space<vmem>> -> memref<1x128xi32, #tpu.memory_space<vmem>>
    %dma_wait3A_318 = tpu.memref_squeeze %dma_wait3A_317 : memref<1x128xi32, #tpu.memory_space<vmem>> -> memref<128xi32, #tpu.memory_space<vmem>>
    %dma_wait3A_319 = arith.constant 0 : i32
    %dma_wait3A_320 = arith.constant 0 : i32
    %dma_wait3A_321 = tpu.memref_slice %arg3[%dma_wait3A_319, %dma_wait3A_320] : memref<1000000x64xf32, #tpu.memory_space<hbm>> -> memref<1000000x64xf32, #tpu.memory_space<hbm>>
    tpu.wait_indirect_dma semaphore(%arg13 : memref<!tpu.dma_semaphore, #tpu.memory_space<semaphore_mem>>) src(%dma_wait3A_321 : memref<1000000x64xf32, #tpu.memory_space<hbm>>) dst(%arg7 : memref<128x64xf32, #tpu.memory_space<vmem>>)
    %add3A_322 = arith.constant 3 : i32
    %add3A_323 = arith.addi %mul3A_2, %add3A_322 : i32
    %dma_wait3A_324 = arith.constant 48 : i32
    %dma_wait3A_325 = arith.constant 0 : i32
    %dma_wait3A_326 = arith.constant 0 : i32
    %dma_wait3A_327 = arith.constant 0 : i32
    %dma_wait3A_328 = tpu.memref_slice %arg11[%dma_wait3A_325, %dma_wait3A_326, %dma_wait3A_327] : memref<8x8x129xf32, #tpu.memory_space<vmem>> -> memref<8x8x128xf32, #tpu.memory_space<vmem>>
    %dma_wait3A_329 = arith.constant 0 : i32
    %dma_wait3A_330 = arith.constant 0 : i32
    %dma_wait3A_331 = arith.constant 0 : i32
    %dma_wait3A_332 = tpu.memref_slice %arg4[%dma_wait3A_324, %dma_wait3A_329, %add3A_323, %dma_wait3A_330, %dma_wait3A_331] : memref<50x8x128x8x128xf32, #tpu.memory_space<hbm>> -> memref<1x8x1x8x128xf32, #tpu.memory_space<hbm>>
    %dma_wait3A_333 = tpu.memref_squeeze %dma_wait3A_332 : memref<1x8x1x8x128xf32, #tpu.memory_space<hbm>> -> memref<8x8x128xf32, #tpu.memory_space<hbm>>
    %dma_wait3A_334 = arith.constant 0 : i32
    %dma_wait3A_335 = arith.constant 0 : i32
    %dma_wait3A_336 = arith.constant 0 : i32
    %dma_wait3A_337 = tpu.memref_slice %arg4[%dma_wait3A_324, %dma_wait3A_334, %add3A_323, %dma_wait3A_335, %dma_wait3A_336] : memref<50x8x128x8x128xf32, #tpu.memory_space<hbm>> -> memref<1x8x1x8x128xf32, #tpu.memory_space<hbm>>
    %dma_wait3A_338 = tpu.memref_squeeze %dma_wait3A_337 : memref<1x8x1x8x128xf32, #tpu.memory_space<hbm>> -> memref<8x8x128xf32, #tpu.memory_space<hbm>>
    %dma_wait3A_339 = arith.constant 0 : i32
    %dma_wait3A_340 = arith.constant 0 : i32
    %dma_wait3A_341 = arith.constant 0 : i32
    %dma_wait3A_342 = tpu.memref_slice %arg11[%dma_wait3A_339, %dma_wait3A_340, %dma_wait3A_341] : memref<8x8x129xf32, #tpu.memory_space<vmem>> -> memref<8x8x128xf32, #tpu.memory_space<vmem>>
    tpu.wait_dma2 semaphore(%arg17 : memref<!tpu.dma_semaphore, #tpu.memory_space<semaphore_mem>>) src(%dma_wait3A_342 : memref<8x8x128xf32, #tpu.memory_space<vmem>>) dst(%dma_wait3A_338 : memref<8x8x128xf32, #tpu.memory_space<hbm>>)
    %parallel_loop3A_343 = arith.constant 0 : i32
    %parallel_loop3A_344 = arith.constant 128 : i32
    %parallel_loop3A_345 = arith.constant 1 : i32
    scf.for %parallel_loop3A_513 = %parallel_loop3A_343 to %parallel_loop3A_344 step %parallel_loop3A_345  : i32 {
      %parallel_loop3A_514 = arith.constant 0 : i32
      %parallel_loop3A_515 = vector.broadcast %parallel_loop3A_514 : i32 to vector<16xi32>
      %parallel_loop3A_516 = vector.broadcast %parallel_loop3A_513 : i32 to vector<16xi32>
      %parallel_loop3A_517 = arith.addi %parallel_loop3A_515, %parallel_loop3A_516 : vector<16xi32>
      %parallel_loop3A_518 = arith.index_cast %parallel_loop3A_513 : i32 to index
      %parallel_loop3A_519 = arith.constant 0 : index
      %parallel_loop3A_520 = tpu.vector_load %arg7[%parallel_loop3A_518, %parallel_loop3A_519] {strides = array<i32>} : memref<128x64xf32, #tpu.memory_space<vmem>>, vector<16xf32>,
      %parallel_loop3A_521 = arith.constant 8.000000e+00 : f32
      %parallel_loop3A_522 = vector.broadcast %parallel_loop3A_521 : f32 to vector<16xf32>
      %parallel_loop3A_523 = arith.mulf %parallel_loop3A_520, %parallel_loop3A_522 : vector<16xf32>
      tpu.vector_store_idx %arg11[%shift_right_logical3A_18, %and3A_29, %parallel_loop3A_517], %parallel_loop3A_523 : memref<8x8x129xf32, #tpu.memory_space<vmem>>[vector<16xi32>, vector<16xi32>, vector<16xi32>], vector<16xf32>,
      %parallel_loop3A_524 = arith.index_cast %parallel_loop3A_513 : i32 to index
      %parallel_loop3A_525 = arith.constant 16 : index
      %parallel_loop3A_526 = tpu.vector_load %arg7[%parallel_loop3A_524, %parallel_loop3A_525] {strides = array<i32>} : memref<128x64xf32, #tpu.memory_space<vmem>>, vector<16xf32>,
      %parallel_loop3A_527 = arith.constant 8.000000e+00 : f32
      %parallel_loop3A_528 = vector.broadcast %parallel_loop3A_527 : f32 to vector<16xf32>
      %parallel_loop3A_529 = arith.mulf %parallel_loop3A_526, %parallel_loop3A_528 : vector<16xf32>
      tpu.vector_store_idx %arg11[%shift_right_logical3A_21, %and3A_32, %parallel_loop3A_517], %parallel_loop3A_529 : memref<8x8x129xf32, #tpu.memory_space<vmem>>[vector<16xi32>, vector<16xi32>, vector<16xi32>], vector<16xf32>,
      %parallel_loop3A_530 = arith.index_cast %parallel_loop3A_513 : i32 to index
      %parallel_loop3A_531 = arith.constant 32 : index
      %parallel_loop3A_532 = tpu.vector_load %arg7[%parallel_loop3A_530, %parallel_loop3A_531] {strides = array<i32>} : memref<128x64xf32, #tpu.memory_space<vmem>>, vector<16xf32>,
      %parallel_loop3A_533 = arith.constant 8.000000e+00 : f32
      %parallel_loop3A_534 = vector.broadcast %parallel_loop3A_533 : f32 to vector<16xf32>
      %parallel_loop3A_535 = arith.mulf %parallel_loop3A_532, %parallel_loop3A_534 : vector<16xf32>
      tpu.vector_store_idx %arg11[%shift_right_logical3A_24, %and3A_35, %parallel_loop3A_517], %parallel_loop3A_535 : memref<8x8x129xf32, #tpu.memory_space<vmem>>[vector<16xi32>, vector<16xi32>, vector<16xi32>], vector<16xf32>,
      %parallel_loop3A_536 = arith.index_cast %parallel_loop3A_513 : i32 to index
      %parallel_loop3A_537 = arith.constant 48 : index
      %parallel_loop3A_538 = tpu.vector_load %arg7[%parallel_loop3A_536, %parallel_loop3A_537] {strides = array<i32>} : memref<128x64xf32, #tpu.memory_space<vmem>>, vector<16xf32>,
      %parallel_loop3A_539 = arith.constant 8.000000e+00 : f32
      %parallel_loop3A_540 = vector.broadcast %parallel_loop3A_539 : f32 to vector<16xf32>
      %parallel_loop3A_541 = arith.mulf %parallel_loop3A_538, %parallel_loop3A_540 : vector<16xf32>
      tpu.vector_store_idx %arg11[%shift_right_logical3A_27, %and3A_38, %parallel_loop3A_517], %parallel_loop3A_541 : memref<8x8x129xf32, #tpu.memory_space<vmem>>[vector<16xi32>, vector<16xi32>, vector<16xi32>], vector<16xf32>,
    } {sc.loop_unroll_factor = 4 : i64, sc.parallel_access}
    %add3A_346 = arith.constant 1 : i32
    %add3A_347 = arith.addi %mul3A_2, %add3A_346 : i32
    %dma_start3A_348 = arith.constant 49 : i32
    %dma_start3A_349 = arith.constant 0 : i32
    %dma_start3A_350 = arith.constant 0 : i32
    %dma_start3A_351 = arith.constant 0 : i32
    %dma_start3A_352 = tpu.memref_slice %arg11[%dma_start3A_349, %dma_start3A_350, %dma_start3A_351] : memref<8x8x129xf32, #tpu.memory_space<vmem>> -> memref<8x8x128xf32, #tpu.memory_space<vmem>>
    %dma_start3A_353 = arith.constant 0 : i32
    %dma_start3A_354 = arith.constant 0 : i32
    %dma_start3A_355 = arith.constant 0 : i32
    %dma_start3A_356 = tpu.memref_slice %arg4[%dma_start3A_348, %dma_start3A_353, %add3A_347, %dma_start3A_354, %dma_start3A_355] : memref<50x8x128x8x128xf32, #tpu.memory_space<hbm>> -> memref<1x8x1x8x128xf32, #tpu.memory_space<hbm>>
    %dma_start3A_357 = tpu.memref_squeeze %dma_start3A_356 : memref<1x8x1x8x128xf32, #tpu.memory_space<hbm>> -> memref<8x8x128xf32, #tpu.memory_space<hbm>>
    %dma_start3A_358 = arith.constant 0 : i32
    %dma_start3A_359 = arith.constant 0 : i32
    %dma_start3A_360 = arith.constant 0 : i32
    %dma_start3A_361 = tpu.memref_slice %arg4[%dma_start3A_348, %dma_start3A_358, %add3A_347, %dma_start3A_359, %dma_start3A_360] : memref<50x8x128x8x128xf32, #tpu.memory_space<hbm>> -> memref<1x8x1x8x128xf32, #tpu.memory_space<hbm>>
    %dma_start3A_362 = tpu.memref_squeeze %dma_start3A_361 : memref<1x8x1x8x128xf32, #tpu.memory_space<hbm>> -> memref<8x8x128xf32, #tpu.memory_space<hbm>>
    %dma_start3A_363 = arith.constant 0 : i32
    %dma_start3A_364 = arith.constant 0 : i32
    %dma_start3A_365 = arith.constant 0 : i32
    %dma_start3A_366 = tpu.memref_slice %arg11[%dma_start3A_363, %dma_start3A_364, %dma_start3A_365] : memref<8x8x129xf32, #tpu.memory_space<vmem>> -> memref<8x8x128xf32, #tpu.memory_space<vmem>>
    tpu.enqueue_dma source(%dma_start3A_366 : memref<8x8x128xf32, #tpu.memory_space<vmem>>) target(%dma_start3A_362 : memref<8x8x128xf32, #tpu.memory_space<hbm>>) target_semaphore(%arg17 : memref<!tpu.dma_semaphore, #tpu.memory_space<semaphore_mem>>)
    %dma_wait3A_367 = arith.constant 49 : i32
    %dma_wait3A_368 = arith.constant 256 : i32
    %dma_wait3A_369 = tpu.memref_slice %arg5[%dma_wait3A_367, %dma_wait3A_368] : memref<50x512xi32, #tpu.memory_space<vmem>> -> memref<1x128xi32, #tpu.memory_space<vmem>>
    %dma_wait3A_370 = tpu.memref_squeeze %dma_wait3A_369 : memref<1x128xi32, #tpu.memory_space<vmem>> -> memref<128xi32, #tpu.memory_space<vmem>>
    %dma_wait3A_371 = arith.constant 0 : i32
    %dma_wait3A_372 = arith.constant 0 : i32
    %dma_wait3A_373 = tpu.memref_slice %arg3[%dma_wait3A_371, %dma_wait3A_372] : memref<1000000x64xf32, #tpu.memory_space<hbm>> -> memref<1000000x64xf32, #tpu.memory_space<hbm>>
    tpu.wait_indirect_dma semaphore(%arg14 : memref<!tpu.dma_semaphore, #tpu.memory_space<semaphore_mem>>) src(%dma_wait3A_373 : memref<1000000x64xf32, #tpu.memory_space<hbm>>) dst(%arg8 : memref<128x64xf32, #tpu.memory_space<vmem>>)
    %add3A_374 = arith.constant 0 : i32
    %add3A_375 = arith.addi %mul3A_2, %add3A_374 : i32
    %dma_wait3A_376 = arith.constant 49 : i32
    %dma_wait3A_377 = arith.constant 0 : i32
    %dma_wait3A_378 = arith.constant 0 : i32
    %dma_wait3A_379 = arith.constant 0 : i32
    %dma_wait3A_380 = tpu.memref_slice %arg10[%dma_wait3A_377, %dma_wait3A_378, %dma_wait3A_379] : memref<8x8x129xf32, #tpu.memory_space<vmem>> -> memref<8x8x128xf32, #tpu.memory_space<vmem>>
    %dma_wait3A_381 = arith.constant 0 : i32
    %dma_wait3A_382 = arith.constant 0 : i32
    %dma_wait3A_383 = arith.constant 0 : i32
    %dma_wait3A_384 = tpu.memref_slice %arg4[%dma_wait3A_376, %dma_wait3A_381, %add3A_375, %dma_wait3A_382, %dma_wait3A_383] : memref<50x8x128x8x128xf32, #tpu.memory_space<hbm>> -> memref<1x8x1x8x128xf32, #tpu.memory_space<hbm>>
    %dma_wait3A_385 = tpu.memref_squeeze %dma_wait3A_384 : memref<1x8x1x8x128xf32, #tpu.memory_space<hbm>> -> memref<8x8x128xf32, #tpu.memory_space<hbm>>
    %dma_wait3A_386 = arith.constant 0 : i32
    %dma_wait3A_387 = arith.constant 0 : i32
    %dma_wait3A_388 = arith.constant 0 : i32
    %dma_wait3A_389 = tpu.memref_slice %arg4[%dma_wait3A_376, %dma_wait3A_386, %add3A_375, %dma_wait3A_387, %dma_wait3A_388] : memref<50x8x128x8x128xf32, #tpu.memory_space<hbm>> -> memref<1x8x1x8x128xf32, #tpu.memory_space<hbm>>
    %dma_wait3A_390 = tpu.memref_squeeze %dma_wait3A_389 : memref<1x8x1x8x128xf32, #tpu.memory_space<hbm>> -> memref<8x8x128xf32, #tpu.memory_space<hbm>>
    %dma_wait3A_391 = arith.constant 0 : i32
    %dma_wait3A_392 = arith.constant 0 : i32
    %dma_wait3A_393 = arith.constant 0 : i32
    %dma_wait3A_394 = tpu.memref_slice %arg10[%dma_wait3A_391, %dma_wait3A_392, %dma_wait3A_393] : memref<8x8x129xf32, #tpu.memory_space<vmem>> -> memref<8x8x128xf32, #tpu.memory_space<vmem>>
    tpu.wait_dma2 semaphore(%arg16 : memref<!tpu.dma_semaphore, #tpu.memory_space<semaphore_mem>>) src(%dma_wait3A_394 : memref<8x8x128xf32, #tpu.memory_space<vmem>>) dst(%dma_wait3A_390 : memref<8x8x128xf32, #tpu.memory_space<hbm>>)
    %parallel_loop3A_395 = arith.constant 0 : i32
    %parallel_loop3A_396 = arith.constant 128 : i32
    %parallel_loop3A_397 = arith.constant 1 : i32
    scf.for %parallel_loop3A_513 = %parallel_loop3A_395 to %parallel_loop3A_396 step %parallel_loop3A_397  : i32 {
      %parallel_loop3A_514 = arith.constant 0 : i32
      %parallel_loop3A_515 = vector.broadcast %parallel_loop3A_514 : i32 to vector<16xi32>
      %parallel_loop3A_516 = vector.broadcast %parallel_loop3A_513 : i32 to vector<16xi32>
      %parallel_loop3A_517 = arith.addi %parallel_loop3A_515, %parallel_loop3A_516 : vector<16xi32>
      %parallel_loop3A_518 = arith.index_cast %parallel_loop3A_513 : i32 to index
      %parallel_loop3A_519 = arith.constant 0 : index
      %parallel_loop3A_520 = tpu.vector_load %arg8[%parallel_loop3A_518, %parallel_loop3A_519] {strides = array<i32>} : memref<128x64xf32, #tpu.memory_space<vmem>>, vector<16xf32>,
      %parallel_loop3A_521 = arith.constant 8.000000e+00 : f32
      %parallel_loop3A_522 = vector.broadcast %parallel_loop3A_521 : f32 to vector<16xf32>
      %parallel_loop3A_523 = arith.mulf %parallel_loop3A_520, %parallel_loop3A_522 : vector<16xf32>
      tpu.vector_store_idx %arg10[%shift_right_logical3A_18, %and3A_29, %parallel_loop3A_517], %parallel_loop3A_523 : memref<8x8x129xf32, #tpu.memory_space<vmem>>[vector<16xi32>, vector<16xi32>, vector<16xi32>], vector<16xf32>,
      %parallel_loop3A_524 = arith.index_cast %parallel_loop3A_513 : i32 to index
      %parallel_loop3A_525 = arith.constant 16 : index
      %parallel_loop3A_526 = tpu.vector_load %arg8[%parallel_loop3A_524, %parallel_loop3A_525] {strides = array<i32>} : memref<128x64xf32, #tpu.memory_space<vmem>>, vector<16xf32>,
      %parallel_loop3A_527 = arith.constant 8.000000e+00 : f32
      %parallel_loop3A_528 = vector.broadcast %parallel_loop3A_527 : f32 to vector<16xf32>
      %parallel_loop3A_529 = arith.mulf %parallel_loop3A_526, %parallel_loop3A_528 : vector<16xf32>
      tpu.vector_store_idx %arg10[%shift_right_logical3A_21, %and3A_32, %parallel_loop3A_517], %parallel_loop3A_529 : memref<8x8x129xf32, #tpu.memory_space<vmem>>[vector<16xi32>, vector<16xi32>, vector<16xi32>], vector<16xf32>,
      %parallel_loop3A_530 = arith.index_cast %parallel_loop3A_513 : i32 to index
      %parallel_loop3A_531 = arith.constant 32 : index
      %parallel_loop3A_532 = tpu.vector_load %arg8[%parallel_loop3A_530, %parallel_loop3A_531] {strides = array<i32>} : memref<128x64xf32, #tpu.memory_space<vmem>>, vector<16xf32>,
      %parallel_loop3A_533 = arith.constant 8.000000e+00 : f32
      %parallel_loop3A_534 = vector.broadcast %parallel_loop3A_533 : f32 to vector<16xf32>
      %parallel_loop3A_535 = arith.mulf %parallel_loop3A_532, %parallel_loop3A_534 : vector<16xf32>
      tpu.vector_store_idx %arg10[%shift_right_logical3A_24, %and3A_35, %parallel_loop3A_517], %parallel_loop3A_535 : memref<8x8x129xf32, #tpu.memory_space<vmem>>[vector<16xi32>, vector<16xi32>, vector<16xi32>], vector<16xf32>,
      %parallel_loop3A_536 = arith.index_cast %parallel_loop3A_513 : i32 to index
      %parallel_loop3A_537 = arith.constant 48 : index
      %parallel_loop3A_538 = tpu.vector_load %arg8[%parallel_loop3A_536, %parallel_loop3A_537] {strides = array<i32>} : memref<128x64xf32, #tpu.memory_space<vmem>>, vector<16xf32>,
      %parallel_loop3A_539 = arith.constant 8.000000e+00 : f32
      %parallel_loop3A_540 = vector.broadcast %parallel_loop3A_539 : f32 to vector<16xf32>
      %parallel_loop3A_541 = arith.mulf %parallel_loop3A_538, %parallel_loop3A_540 : vector<16xf32>
      tpu.vector_store_idx %arg10[%shift_right_logical3A_27, %and3A_38, %parallel_loop3A_517], %parallel_loop3A_541 : memref<8x8x129xf32, #tpu.memory_space<vmem>>[vector<16xi32>, vector<16xi32>, vector<16xi32>], vector<16xf32>,
    } {sc.loop_unroll_factor = 4 : i64, sc.parallel_access}
    %add3A_398 = arith.constant 2 : i32
    %add3A_399 = arith.addi %mul3A_2, %add3A_398 : i32
    %dma_start3A_400 = arith.constant 49 : i32
    %dma_start3A_401 = arith.constant 0 : i32
    %dma_start3A_402 = arith.constant 0 : i32
    %dma_start3A_403 = arith.constant 0 : i32
    %dma_start3A_404 = tpu.memref_slice %arg10[%dma_start3A_401, %dma_start3A_402, %dma_start3A_403] : memref<8x8x129xf32, #tpu.memory_space<vmem>> -> memref<8x8x128xf32, #tpu.memory_space<vmem>>
    %dma_start3A_405 = arith.constant 0 : i32
    %dma_start3A_406 = arith.constant 0 : i32
    %dma_start3A_407 = arith.constant 0 : i32
    %dma_start3A_408 = tpu.memref_slice %arg4[%dma_start3A_400, %dma_start3A_405, %add3A_399, %dma_start3A_406, %dma_start3A_407] : memref<50x8x128x8x128xf32, #tpu.memory_space<hbm>> -> memref<1x8x1x8x128xf32, #tpu.memory_space<hbm>>
    %dma_start3A_409 = tpu.memref_squeeze %dma_start3A_408 : memref<1x8x1x8x128xf32, #tpu.memory_space<hbm>> -> memref<8x8x128xf32, #tpu.memory_space<hbm>>
    %dma_start3A_410 = arith.constant 0 : i32
    %dma_start3A_411 = arith.constant 0 : i32
    %dma_start3A_412 = arith.constant 0 : i32
    %dma_start3A_413 = tpu.memref_slice %arg4[%dma_start3A_400, %dma_start3A_410, %add3A_399, %dma_start3A_411, %dma_start3A_412] : memref<50x8x128x8x128xf32, #tpu.memory_space<hbm>> -> memref<1x8x1x8x128xf32, #tpu.memory_space<hbm>>
    %dma_start3A_414 = tpu.memref_squeeze %dma_start3A_413 : memref<1x8x1x8x128xf32, #tpu.memory_space<hbm>> -> memref<8x8x128xf32, #tpu.memory_space<hbm>>
    %dma_start3A_415 = arith.constant 0 : i32
    %dma_start3A_416 = arith.constant 0 : i32
    %dma_start3A_417 = arith.constant 0 : i32
    %dma_start3A_418 = tpu.memref_slice %arg10[%dma_start3A_415, %dma_start3A_416, %dma_start3A_417] : memref<8x8x129xf32, #tpu.memory_space<vmem>> -> memref<8x8x128xf32, #tpu.memory_space<vmem>>
    tpu.enqueue_dma source(%dma_start3A_418 : memref<8x8x128xf32, #tpu.memory_space<vmem>>) target(%dma_start3A_414 : memref<8x8x128xf32, #tpu.memory_space<hbm>>) target_semaphore(%arg16 : memref<!tpu.dma_semaphore, #tpu.memory_space<semaphore_mem>>)
    %dma_wait3A_419 = arith.constant 49 : i32
    %dma_wait3A_420 = arith.constant 384 : i32
    %dma_wait3A_421 = tpu.memref_slice %arg5[%dma_wait3A_419, %dma_wait3A_420] : memref<50x512xi32, #tpu.memory_space<vmem>> -> memref<1x128xi32, #tpu.memory_space<vmem>>
    %dma_wait3A_422 = tpu.memref_squeeze %dma_wait3A_421 : memref<1x128xi32, #tpu.memory_space<vmem>> -> memref<128xi32, #tpu.memory_space<vmem>>
    %dma_wait3A_423 = arith.constant 0 : i32
    %dma_wait3A_424 = arith.constant 0 : i32
    %dma_wait3A_425 = tpu.memref_slice %arg3[%dma_wait3A_423, %dma_wait3A_424] : memref<1000000x64xf32, #tpu.memory_space<hbm>> -> memref<1000000x64xf32, #tpu.memory_space<hbm>>
    tpu.wait_indirect_dma semaphore(%arg15 : memref<!tpu.dma_semaphore, #tpu.memory_space<semaphore_mem>>) src(%dma_wait3A_425 : memref<1000000x64xf32, #tpu.memory_space<hbm>>) dst(%arg9 : memref<128x64xf32, #tpu.memory_space<vmem>>)
    %add3A_426 = arith.constant 1 : i32
    %add3A_427 = arith.addi %mul3A_2, %add3A_426 : i32
    %dma_wait3A_428 = arith.constant 49 : i32
    %dma_wait3A_429 = arith.constant 0 : i32
    %dma_wait3A_430 = arith.constant 0 : i32
    %dma_wait3A_431 = arith.constant 0 : i32
    %dma_wait3A_432 = tpu.memref_slice %arg11[%dma_wait3A_429, %dma_wait3A_430, %dma_wait3A_431] : memref<8x8x129xf32, #tpu.memory_space<vmem>> -> memref<8x8x128xf32, #tpu.memory_space<vmem>>
    %dma_wait3A_433 = arith.constant 0 : i32
    %dma_wait3A_434 = arith.constant 0 : i32
    %dma_wait3A_435 = arith.constant 0 : i32
    %dma_wait3A_436 = tpu.memref_slice %arg4[%dma_wait3A_428, %dma_wait3A_433, %add3A_427, %dma_wait3A_434, %dma_wait3A_435] : memref<50x8x128x8x128xf32, #tpu.memory_space<hbm>> -> memref<1x8x1x8x128xf32, #tpu.memory_space<hbm>>
    %dma_wait3A_437 = tpu.memref_squeeze %dma_wait3A_436 : memref<1x8x1x8x128xf32, #tpu.memory_space<hbm>> -> memref<8x8x128xf32, #tpu.memory_space<hbm>>
    %dma_wait3A_438 = arith.constant 0 : i32
    %dma_wait3A_439 = arith.constant 0 : i32
    %dma_wait3A_440 = arith.constant 0 : i32
    %dma_wait3A_441 = tpu.memref_slice %arg4[%dma_wait3A_428, %dma_wait3A_438, %add3A_427, %dma_wait3A_439, %dma_wait3A_440] : memref<50x8x128x8x128xf32, #tpu.memory_space<hbm>> -> memref<1x8x1x8x128xf32, #tpu.memory_space<hbm>>
    %dma_wait3A_442 = tpu.memref_squeeze %dma_wait3A_441 : memref<1x8x1x8x128xf32, #tpu.memory_space<hbm>> -> memref<8x8x128xf32, #tpu.memory_space<hbm>>
    %dma_wait3A_443 = arith.constant 0 : i32
    %dma_wait3A_444 = arith.constant 0 : i32
    %dma_wait3A_445 = arith.constant 0 : i32
    %dma_wait3A_446 = tpu.memref_slice %arg11[%dma_wait3A_443, %dma_wait3A_444, %dma_wait3A_445] : memref<8x8x129xf32, #tpu.memory_space<vmem>> -> memref<8x8x128xf32, #tpu.memory_space<vmem>>
    tpu.wait_dma2 semaphore(%arg17 : memref<!tpu.dma_semaphore, #tpu.memory_space<semaphore_mem>>) src(%dma_wait3A_446 : memref<8x8x128xf32, #tpu.memory_space<vmem>>) dst(%dma_wait3A_442 : memref<8x8x128xf32, #tpu.memory_space<hbm>>)
    %parallel_loop3A_447 = arith.constant 0 : i32
    %parallel_loop3A_448 = arith.constant 128 : i32
    %parallel_loop3A_449 = arith.constant 1 : i32
    scf.for %parallel_loop3A_513 = %parallel_loop3A_447 to %parallel_loop3A_448 step %parallel_loop3A_449  : i32 {
      %parallel_loop3A_514 = arith.constant 0 : i32
      %parallel_loop3A_515 = vector.broadcast %parallel_loop3A_514 : i32 to vector<16xi32>
      %parallel_loop3A_516 = vector.broadcast %parallel_loop3A_513 : i32 to vector<16xi32>
      %parallel_loop3A_517 = arith.addi %parallel_loop3A_515, %parallel_loop3A_516 : vector<16xi32>
      %parallel_loop3A_518 = arith.index_cast %parallel_loop3A_513 : i32 to index
      %parallel_loop3A_519 = arith.constant 0 : index
      %parallel_loop3A_520 = tpu.vector_load %arg9[%parallel_loop3A_518, %parallel_loop3A_519] {strides = array<i32>} : memref<128x64xf32, #tpu.memory_space<vmem>>, vector<16xf32>,
      %parallel_loop3A_521 = arith.constant 8.000000e+00 : f32
      %parallel_loop3A_522 = vector.broadcast %parallel_loop3A_521 : f32 to vector<16xf32>
      %parallel_loop3A_523 = arith.mulf %parallel_loop3A_520, %parallel_loop3A_522 : vector<16xf32>
      tpu.vector_store_idx %arg11[%shift_right_logical3A_18, %and3A_29, %parallel_loop3A_517], %parallel_loop3A_523 : memref<8x8x129xf32, #tpu.memory_space<vmem>>[vector<16xi32>, vector<16xi32>, vector<16xi32>], vector<16xf32>,
      %parallel_loop3A_524 = arith.index_cast %parallel_loop3A_513 : i32 to index
      %parallel_loop3A_525 = arith.constant 16 : index
      %parallel_loop3A_526 = tpu.vector_load %arg9[%parallel_loop3A_524, %parallel_loop3A_525] {strides = array<i32>} : memref<128x64xf32, #tpu.memory_space<vmem>>, vector<16xf32>,
      %parallel_loop3A_527 = arith.constant 8.000000e+00 : f32
      %parallel_loop3A_528 = vector.broadcast %parallel_loop3A_527 : f32 to vector<16xf32>
      %parallel_loop3A_529 = arith.mulf %parallel_loop3A_526, %parallel_loop3A_528 : vector<16xf32>
      tpu.vector_store_idx %arg11[%shift_right_logical3A_21, %and3A_32, %parallel_loop3A_517], %parallel_loop3A_529 : memref<8x8x129xf32, #tpu.memory_space<vmem>>[vector<16xi32>, vector<16xi32>, vector<16xi32>], vector<16xf32>,
      %parallel_loop3A_530 = arith.index_cast %parallel_loop3A_513 : i32 to index
      %parallel_loop3A_531 = arith.constant 32 : index
      %parallel_loop3A_532 = tpu.vector_load %arg9[%parallel_loop3A_530, %parallel_loop3A_531] {strides = array<i32>} : memref<128x64xf32, #tpu.memory_space<vmem>>, vector<16xf32>,
      %parallel_loop3A_533 = arith.constant 8.000000e+00 : f32
      %parallel_loop3A_534 = vector.broadcast %parallel_loop3A_533 : f32 to vector<16xf32>
      %parallel_loop3A_535 = arith.mulf %parallel_loop3A_532, %parallel_loop3A_534 : vector<16xf32>
      tpu.vector_store_idx %arg11[%shift_right_logical3A_24, %and3A_35, %parallel_loop3A_517], %parallel_loop3A_535 : memref<8x8x129xf32, #tpu.memory_space<vmem>>[vector<16xi32>, vector<16xi32>, vector<16xi32>], vector<16xf32>,
      %parallel_loop3A_536 = arith.index_cast %parallel_loop3A_513 : i32 to index
      %parallel_loop3A_537 = arith.constant 48 : index
      %parallel_loop3A_538 = tpu.vector_load %arg9[%parallel_loop3A_536, %parallel_loop3A_537] {strides = array<i32>} : memref<128x64xf32, #tpu.memory_space<vmem>>, vector<16xf32>,
      %parallel_loop3A_539 = arith.constant 8.000000e+00 : f32
      %parallel_loop3A_540 = vector.broadcast %parallel_loop3A_539 : f32 to vector<16xf32>
      %parallel_loop3A_541 = arith.mulf %parallel_loop3A_538, %parallel_loop3A_540 : vector<16xf32>
      tpu.vector_store_idx %arg11[%shift_right_logical3A_27, %and3A_38, %parallel_loop3A_517], %parallel_loop3A_541 : memref<8x8x129xf32, #tpu.memory_space<vmem>>[vector<16xi32>, vector<16xi32>, vector<16xi32>], vector<16xf32>,
    } {sc.loop_unroll_factor = 4 : i64, sc.parallel_access}
    %add3A_450 = arith.constant 3 : i32
    %add3A_451 = arith.addi %mul3A_2, %add3A_450 : i32
    %dma_start3A_452 = arith.constant 49 : i32
    %dma_start3A_453 = arith.constant 0 : i32
    %dma_start3A_454 = arith.constant 0 : i32
    %dma_start3A_455 = arith.constant 0 : i32
    %dma_start3A_456 = tpu.memref_slice %arg11[%dma_start3A_453, %dma_start3A_454, %dma_start3A_455] : memref<8x8x129xf32, #tpu.memory_space<vmem>> -> memref<8x8x128xf32, #tpu.memory_space<vmem>>
    %dma_start3A_457 = arith.constant 0 : i32
    %dma_start3A_458 = arith.constant 0 : i32
    %dma_start3A_459 = arith.constant 0 : i32
    %dma_start3A_460 = tpu.memref_slice %arg4[%dma_start3A_452, %dma_start3A_457, %add3A_451, %dma_start3A_458, %dma_start3A_459] : memref<50x8x128x8x128xf32, #tpu.memory_space<hbm>> -> memref<1x8x1x8x128xf32, #tpu.memory_space<hbm>>
    %dma_start3A_461 = tpu.memref_squeeze %dma_start3A_460 : memref<1x8x1x8x128xf32, #tpu.memory_space<hbm>> -> memref<8x8x128xf32, #tpu.memory_space<hbm>>
    %dma_start3A_462 = arith.constant 0 : i32
    %dma_start3A_463 = arith.constant 0 : i32
    %dma_start3A_464 = arith.constant 0 : i32
    %dma_start3A_465 = tpu.memref_slice %arg4[%dma_start3A_452, %dma_start3A_462, %add3A_451, %dma_start3A_463, %dma_start3A_464] : memref<50x8x128x8x128xf32, #tpu.memory_space<hbm>> -> memref<1x8x1x8x128xf32, #tpu.memory_space<hbm>>
    %dma_start3A_466 = tpu.memref_squeeze %dma_start3A_465 : memref<1x8x1x8x128xf32, #tpu.memory_space<hbm>> -> memref<8x8x128xf32, #tpu.memory_space<hbm>>
    %dma_start3A_467 = arith.constant 0 : i32
    %dma_start3A_468 = arith.constant 0 : i32
    %dma_start3A_469 = arith.constant 0 : i32
    %dma_start3A_470 = tpu.memref_slice %arg11[%dma_start3A_467, %dma_start3A_468, %dma_start3A_469] : memref<8x8x129xf32, #tpu.memory_space<vmem>> -> memref<8x8x128xf32, #tpu.memory_space<vmem>>
    tpu.enqueue_dma source(%dma_start3A_470 : memref<8x8x128xf32, #tpu.memory_space<vmem>>) target(%dma_start3A_466 : memref<8x8x128xf32, #tpu.memory_space<hbm>>) target_semaphore(%arg17 : memref<!tpu.dma_semaphore, #tpu.memory_space<semaphore_mem>>)
    %add3A_471 = arith.constant 2 : i32
    %add3A_472 = arith.addi %mul3A_2, %add3A_471 : i32
    %dma_wait3A_473 = arith.constant 49 : i32
    %dma_wait3A_474 = arith.constant 0 : i32
    %dma_wait3A_475 = arith.constant 0 : i32
    %dma_wait3A_476 = arith.constant 0 : i32
    %dma_wait3A_477 = tpu.memref_slice %arg10[%dma_wait3A_474, %dma_wait3A_475, %dma_wait3A_476] : memref<8x8x129xf32, #tpu.memory_space<vmem>> -> memref<8x8x128xf32, #tpu.memory_space<vmem>>
    %dma_wait3A_478 = arith.constant 0 : i32
    %dma_wait3A_479 = arith.constant 0 : i32
    %dma_wait3A_480 = arith.constant 0 : i32
    %dma_wait3A_481 = tpu.memref_slice %arg4[%dma_wait3A_473, %dma_wait3A_478, %add3A_472, %dma_wait3A_479, %dma_wait3A_480] : memref<50x8x128x8x128xf32, #tpu.memory_space<hbm>> -> memref<1x8x1x8x128xf32, #tpu.memory_space<hbm>>
    %dma_wait3A_482 = tpu.memref_squeeze %dma_wait3A_481 : memref<1x8x1x8x128xf32, #tpu.memory_space<hbm>> -> memref<8x8x128xf32, #tpu.memory_space<hbm>>
    %dma_wait3A_483 = arith.constant 0 : i32
    %dma_wait3A_484 = arith.constant 0 : i32
    %dma_wait3A_485 = arith.constant 0 : i32
    %dma_wait3A_486 = tpu.memref_slice %arg4[%dma_wait3A_473, %dma_wait3A_483, %add3A_472, %dma_wait3A_484, %dma_wait3A_485] : memref<50x8x128x8x128xf32, #tpu.memory_space<hbm>> -> memref<1x8x1x8x128xf32, #tpu.memory_space<hbm>>
    %dma_wait3A_487 = tpu.memref_squeeze %dma_wait3A_486 : memref<1x8x1x8x128xf32, #tpu.memory_space<hbm>> -> memref<8x8x128xf32, #tpu.memory_space<hbm>>
    %dma_wait3A_488 = arith.constant 0 : i32
    %dma_wait3A_489 = arith.constant 0 : i32
    %dma_wait3A_490 = arith.constant 0 : i32
    %dma_wait3A_491 = tpu.memref_slice %arg10[%dma_wait3A_488, %dma_wait3A_489, %dma_wait3A_490] : memref<8x8x129xf32, #tpu.memory_space<vmem>> -> memref<8x8x128xf32, #tpu.memory_space<vmem>>
    tpu.wait_dma2 semaphore(%arg16 : memref<!tpu.dma_semaphore, #tpu.memory_space<semaphore_mem>>) src(%dma_wait3A_491 : memref<8x8x128xf32, #tpu.memory_space<vmem>>) dst(%dma_wait3A_487 : memref<8x8x128xf32, #tpu.memory_space<hbm>>)
    %add3A_492 = arith.constant 3 : i32
    %add3A_493 = arith.addi %mul3A_2, %add3A_492 : i32
    %dma_wait3A_494 = arith.constant 49 : i32
    %dma_wait3A_495 = arith.constant 0 : i32
    %dma_wait3A_496 = arith.constant 0 : i32
    %dma_wait3A_497 = arith.constant 0 : i32
    %dma_wait3A_498 = tpu.memref_slice %arg11[%dma_wait3A_495, %dma_wait3A_496, %dma_wait3A_497] : memref<8x8x129xf32, #tpu.memory_space<vmem>> -> memref<8x8x128xf32, #tpu.memory_space<vmem>>
    %dma_wait3A_499 = arith.constant 0 : i32
    %dma_wait3A_500 = arith.constant 0 : i32
    %dma_wait3A_501 = arith.constant 0 : i32
    %dma_wait3A_502 = tpu.memref_slice %arg4[%dma_wait3A_494, %dma_wait3A_499, %add3A_493, %dma_wait3A_500, %dma_wait3A_501] : memref<50x8x128x8x128xf32, #tpu.memory_space<hbm>> -> memref<1x8x1x8x128xf32, #tpu.memory_space<hbm>>
    %dma_wait3A_503 = tpu.memref_squeeze %dma_wait3A_502 : memref<1x8x1x8x128xf32, #tpu.memory_space<hbm>> -> memref<8x8x128xf32, #tpu.memory_space<hbm>>
    %dma_wait3A_504 = arith.constant 0 : i32
    %dma_wait3A_505 = arith.constant 0 : i32
    %dma_wait3A_506 = arith.constant 0 : i32
    %dma_wait3A_507 = tpu.memref_slice %arg4[%dma_wait3A_494, %dma_wait3A_504, %add3A_493, %dma_wait3A_505, %dma_wait3A_506] : memref<50x8x128x8x128xf32, #tpu.memory_space<hbm>> -> memref<1x8x1x8x128xf32, #tpu.memory_space<hbm>>
    %dma_wait3A_508 = tpu.memref_squeeze %dma_wait3A_507 : memref<1x8x1x8x128xf32, #tpu.memory_space<hbm>> -> memref<8x8x128xf32, #tpu.memory_space<hbm>>
    %dma_wait3A_509 = arith.constant 0 : i32
    %dma_wait3A_510 = arith.constant 0 : i32
    %dma_wait3A_511 = arith.constant 0 : i32
    %dma_wait3A_512 = tpu.memref_slice %arg11[%dma_wait3A_509, %dma_wait3A_510, %dma_wait3A_511] : memref<8x8x129xf32, #tpu.memory_space<vmem>> -> memref<8x8x128xf32, #tpu.memory_space<vmem>>
    tpu.wait_dma2 semaphore(%arg17 : memref<!tpu.dma_semaphore, #tpu.memory_space<semaphore_mem>>) src(%dma_wait3A_512 : memref<8x8x128xf32, #tpu.memory_space<vmem>>) dst(%dma_wait3A_508 : memref<8x8x128xf32, #tpu.memory_space<hbm>>)
    return
  }
}

</mosaic_0001>

<sc_bundles>
// kernel: kernel.3.cloned.1.call-start
scs
__scs_entry_jumppad:
0x0: {  	(pc) =	sbr.rel $0x88, $3  }
0x1: {  	(tag) =	ssettag $0x0;
	lr =	simm.s32 $0x1  }
0x2: {  	[smem:$0x3F9F] =	sst lr;
	_ =	strace $0xD0000000  }
0x3: {  	_ = 	snop  }
0x4: {  	_ = 	snop  }
0x5: {  	_ = 	snop  }
0x6: {  	_ = 	snop  }
0x7: {  	_ = 	snop  }
__scs_overlays_trampoline_lowered:
0x8: {  	[smem:$0x3FAE] =	sst s0  }
0x9: {  	[smem:$0x3FAF] =	sst s1  }
0xa: {  	[smem:$0x3FB0] =	sst s2  }
0xb: {  	[smem:$0x3FB1] =	sst s3  }
0xc: {  	[smem:$0x3FB2] =	sst s4  }
0xd: {  	[smem:$0x3FB3] =	sst s5  }
0xe: {  	[smem:$0x3FB4] =	sst s6  }
0xf: {  	[smem:$0x3FB5] =	sst s7  }
0x10: {  	[smem:$0x3FB6] =	sst s8  }
0x11: {  	[smem:$0x3FB7] =	sst s9;
	s0 =	simm.s32 @!p0 $0x0  }
0x12: {  	s1 =	sld [smem:$0x3F9D];
	s0 =	simm.s32 @p0 $0x1  }
0x13: {  	[smem:$0x3FB8] =	sst s0;
	s0 =	simm.s32 @!p1 $0x0  }
0x14: {  	s2 =	sld [smem:$0x3F9C];
	s0 =	simm.s32 @p1 $0x1  }
0x15: {  	[smem:$0x3FB9] =	sst s0;
	s0 =	simm.s32 @!p2 $0x0  }
0x16: {  	s3 =	sld [smem:$0x3FDB];
	s0 =	simm.s32 @p2 $0x1  }
0x17: {  	s4 =	simm.s32 $0x1BF5;
	[smem:$0x3FBB] =	sst s0  }
0x18: {  	s0 =	sld [smem:$0x3F9E];
	_ =	swait.ge [sflag:s4], $0x0  }
0x19: {  	s7 =	sld [smem:$0x3F9F]  }
0x1a: {  	s8 =	sadd.s32 $0xFFFFE003, lr  }
0x1b: {  	s9 =	sadd.s32 $0xFFFFFEF7, lr;
	s5 =	simm.s32 $0xFFFFFFFF;
	p2 =	slt.u32 s8, $0xFFFFF086  }
0x1c: {  	p1 =	slt.u32 s9, $0xF7A;
	s5 =	simm.s32 @!p2 $0x0  }
0x1d: {  	s5 =	simm.s32 @p1 $0x1;
	p0 =	seq.s32 s7, s2  }
0x1e: {  	s7 =	smul.u32 @!p0 $0xF7A, s2;
	p2 =	seq.s32 @!p0 s5, $0x0  }
0x1f: {  	s9 =	smul.u32 $0xF7A, s1;
	s8 =	simm.s32 @!p0 $0x1BF5;
	p2 =	por !p2, p0  }
0x20: {  	[sflag:s8] =	ssyncset.s32 @!p0 $0xFFFFF086;
	s6 =	sadd.s32 @!p0 s3, s7;
	s7 =	simm.s32 @!p0 $0x108  }
0x21: {  	s3 =	sadd.s32 s3, s9;
	s6 =	sadd.s32 @!p0 $0x88, s6;
	s7 =	simm.s32 @p2 $0x1082  }
0x22: {  	[simem:s7], [sflag:s8] =	dma.local @!p0 [hbm:s6], $0xF7A  }
0x23: {  	s9 =	sor.u32 $0xD0000000, s2;
	s6 =	simm.s32 $0x108;
	_ =	swait.ge @!p0 [sflag:s8], $0x0  }
0x24: {  	s3 =	sadd.s32 $0x88, s3;
	s6 =	simm.s32 @!p1 $0x1082;
	[sflag:s4] =	ssyncset.s32 $0xFFFFF086  }
0x25: {  	[simem:s6], [sflag:s4] =	dma.local [hbm:s3], $0xF7A  }
0x26: {  	[smem:$0x3F9F] =	sst s1;
	(tag) =	ssettag s2;
	_ =	strace s9  }
0x27: {  	s1 =	sld [smem:$0x3FAF]  }
0x28: {  	s2 =	sld [smem:$0x3FB0]  }
0x29: {  	s4 =	sld [smem:$0x3FB2]  }
0x2a: {  	p0 =	seq.s32 s5, $0x0;
	s5 =	sld [smem:$0x3FB3]  }
0x2b: {  	s6 =	sld [smem:$0x3FB4]  }
0x2c: {  	s7 =	sld [smem:$0x3FB5]  }
0x2d: {  	s3 =	simm.s32 $0x108;
	s8 =	sld [smem:$0x3FB6]  }
0x2e: {  	s3 =	simm.s32 @!p0 $0x1082;
	s9 =	sld [smem:$0x3FB7]  }
0x2f: {  	lr =	sadd.s32 s0, s3;
	s0 =	sld [smem:$0x3FAE]  }
0x30: {  	s3 =	sld [smem:$0x3FB1]  }
0x31: {  	[smem:$0x3FBA] =	sst s10  }
0x32: {  	s10 =	sld [smem:$0x3FB8];
	_ =	sdelay $0x3  }
0x33: {  	p0 =	seq.s32 s10, $0x1;
	s10 =	sld [smem:$0x3FBA];
	_ =	sdelay $0x3  }
0x34: {  	[smem:$0x3FBA] =	sst s10  }
0x35: {  	s10 =	sld [smem:$0x3FB9];
	_ =	sdelay $0x3  }
0x36: {  	p1 =	seq.s32 s10, $0x1;
	s10 =	sld [smem:$0x3FBA];
	_ =	sdelay $0x3  }
0x37: {  	[smem:$0x3FBA] =	sst s10  }
0x38: {  	s10 =	sld [smem:$0x3FBB]  }
0x39: {  	_ = 	snop;
	(pc) =	sbr.ind lr, $3  }
0x3a: {  	_ = 	snop  }
0x3b: {  	_ = 	snop  }
0x3c: {  	p2 =	seq.s32 s10, $0x1;
	s10 =	sld [smem:$0x3FBA]  }
0x3d: {  	_ =	shalt  }
0x3e: {  	_ =	shalt  }
0x3f: {  	_ =	shalt  }
0x40: {  	_ =	shalt  }
0x41: {  	_ =	shalt  }
0x42: {  	_ =	shalt  }
0x43: {  	_ =	shalt  }
0x44: {  	_ =	shalt  }
0x45: {  	_ =	shalt  }
0x46: {  	_ =	shalt  }
0x47: {  	_ =	shalt  }
0x48: {  	_ =	shalt  }
0x49: {  	_ =	shalt  }
0x4a: {  	_ =	shalt  }
0x4b: {  	_ =	shalt  }
0x4c: {  	_ =	shalt  }
0x4d: {  	_ =	shalt  }
0x4e: {  	_ =	shalt  }
0x4f: {  	_ =	shalt  }
0x50: {  	_ =	shalt  }
0x51: {  	_ =	shalt  }
0x52: {  	_ =	shalt  }
0x53: {  	_ =	shalt  }
0x54: {  	_ =	shalt  }
0x55: {  	_ =	shalt  }
0x56: {  	_ =	shalt  }
0x57: {  	_ =	shalt  }
0x58: {  	_ =	shalt  }
0x59: {  	_ =	shalt  }
0x5a: {  	_ =	shalt  }
0x5b: {  	_ =	shalt  }
0x5c: {  	_ =	shalt  }
0x5d: {  	_ =	shalt  }
0x5e: {  	_ =	shalt  }
0x5f: {  	_ =	shalt  }
0x60: {  	_ =	shalt  }
0x61: {  	_ =	shalt  }
0x62: {  	_ =	shalt  }
0x63: {  	_ =	shalt  }
0x64: {  	_ =	shalt  }
0x65: {  	_ =	shalt  }
0x66: {  	_ =	shalt  }
0x67: {  	_ =	shalt  }
0x68: {  	_ =	shalt  }
0x69: {  	_ =	shalt  }
0x6a: {  	_ =	shalt  }
0x6b: {  	_ =	shalt  }
0x6c: {  	_ =	shalt  }
0x6d: {  	_ =	shalt  }
0x6e: {  	_ =	shalt  }
0x6f: {  	_ =	shalt  }
0x70: {  	_ =	shalt  }
0x71: {  	_ =	shalt  }
0x72: {  	_ =	shalt  }
0x73: {  	_ =	shalt  }
0x74: {  	_ =	shalt  }
0x75: {  	_ =	shalt  }
0x76: {  	_ =	shalt  }
0x77: {  	_ =	shalt  }
0x78: {  	_ =	shalt  }
0x79: {  	_ =	shalt  }
0x7a: {  	_ =	shalt  }
0x7b: {  	_ =	shalt  }
0x7c: {  	_ =	shalt  }
0x7d: {  	_ =	shalt  }
0x7e: {  	_ =	shalt  }
0x7f: {  	_ =	shalt  }
0x80: {  	_ =	shalt  }
0x81: {  	_ =	shalt  }
0x82: {  	_ =	shalt  }
0x83: {  	_ =	shalt  }
0x84: {  	_ =	shalt  }
0x85: {  	_ =	shalt  }
0x86: {  	_ =	shalt  }
0x87: {  	_ =	shalt  }
.Lfunc_end0:
.L_simem_size_0:
called_computation_lowered:
.L_overlay_start_0:
0x88: {  	s2 =	sld [smem:$0x3FD9]  }
0x89: {  	s3 =	sld [smem:$0x3FFE];
	_ =	sdelay $0x1  }
0x8a: {  	s1 =	srdreg.scid  }
0x8b: {  	s0 =	sand.u32 $0x1, s1  }
0x8c: {  	s17 =	sshll.u32 s0, $0xA;
	s2 =	sadd.s32 s3, s2  }
0x8d: {  	s2 =	sadd.s32 s2, s17  }
0x8e: {  	[smem:$0x3FC6] =	sst s2  }
0x8f: {  	_ = 	snop  }
0x90: {  	s2 =	sld [smem:$0x3FD0];
	(tm) =	ssettm $0x1  }
0x91: {  	s18 =	sld [smem:$0x3FFB];
	_ =	sdelay $0x3  }
0x92: {  	_ =	strace s18  }
0x93: {  	s3 =	sld [smem:$0x3FFC];
	_ =	sdelay $0x3  }
0x94: {  	_ =	strace s3  }
0x95: {  	s3 =	sld [smem:$0x3FFD];
	_ =	sdelay $0x3  }
0x96: {  	_ =	strace s3  }
0x97: {  	_ =	strace $0x8FFFFFFF  }
0x98: {  	s19 =	sld [smem:$0x3FDB];
	_ =	sdelay $0x1  }
0x99: {  	s4 =	simm.s32 $_scs_section_size  }
0x9a: {  	s5 =	simm.s32 $_size__tile_overlayer_lowered;
	s6 =	simm.s32 $_tile_overlayer_lowered  }
0x9b: {  	s22 =	simm.s32 $0x1BFF;
	s21 =	sshll.u32 s6, $0x1;
	s3 =	sadd.s32 s4, s19  }
0x9c: {  	s7 =	simm.s32 $0x0;
	s20 =	sshll.u32 s5, $0x1;
	s5 =	sadd.s32 s21, s3  }
0x9d: {  	[timem:s7], [sflag:s22] =	dma.local [hbm:s5], s20  }
0x9e: {  	_ =	swait.ge [sflag:s22], s20  }
0x9f: {  	s4 =	ssub.s32 $0x0, s20;
	[sflag:s22] =	ssyncset.done $0x0  }
0xa0: {  	[sflag:s22] =	ssyncadd.s32 s4;
	_ =	sdelay $0x1  }
0xa1: {  	s23 =	simm.s32 $0x1B8B  }
0xa2: {  	_ =	swait.ge [sflag:s23], $0x1  }
0xa3: {  	[sflag:s23] =	ssyncset.done $0x0  }
0xa4: {  	s25 =	simm.s32 $0x1B8E;
	s24 =	sld [smem:$0x3FFE];
	[sflag:s23] =	ssyncadd.s32 $0xFFFFFFFF  }
0xa5: {  	s26 =	simm.s32 $execute0_lowered;
	[smem:$0x3FD2] =	sst s25  }
0xa6: {  	s5 =	sshll.u32 s26, $0x1;
	_ =	strace $0x80000046;
	[dreg:$0x1] =	wrdreg $0xFFFFFFFF  }
0xa7: {  	s28 =	simm.s32 $_size_execute0_lowered;
	s3 =	sadd.s32 s3, s5;
	[dreg:$0x0] =	wrdreg $0x0  }
0xa8: {  	s5 =	sshll.u32 s28, $0x1;
	[dreg:$0x2] =	wrdreg s3  }
0xa9: {  	[dreg:$0x3] =	wrdreg s5  }
0xaa: {  	[dreg:$0x4] =	wrdreg $0xC0  }
0xab: {  	_ =	task [dreg:s7], $0x5FFFF  }
0xac: {  	[dreg:$0x1] =	wrdreg $0xFFFFFFFF  }
0xad: {  	[dreg:$0x0] =	wrdreg $0x60  }
0xae: {  	[dreg:$0x2] =	wrdreg s24  }
0xaf: {  	[dreg:$0x3] =	wrdreg s2  }
0xb0: {  	[dreg:$0x4] =	wrdreg $0x9  }
0xb1: {  	_ =	task.clear_ibuf [dreg:s7], $0x5FFFF;
	_ =	strace $0x90000046  }
0xb2: {  	s29 =	simm.s32 $0x9;
	_ =	strace $0x80000048  }
0xb3: {  	_ =	swait.ge [sflag:s29], $0x1  }
0xb4: {  	[sflag:s29] =	ssyncadd.s32 $0xFFFFFFFF  }
0xb5: {  	_ =	strace $0x90000048  }
0xb6: {  	_ =	sfence  }
0xb7: {  	s30 =	sld [smem:$0x0];
	_ =	sdelay $0x2  }
0xb8: {  	s31 =	sshll.u32 s1, $0xD;
	s1 =	sshrl.u32 s1, $0x2  }
0xb9: {  	s3 =	sand.u32 $0x4000, s31;
	s1 =	sadd.s32 s1, s30  }
0xba: {  	s0 =	sor.u32 s3, s0;
	s1 =	sshll.u32 s1, $0x11  }
0xbb: {  	s0 =	sor.u32 s1, s0  }
0xbc: {  	s0 =	sadd.s32 $0x8F2B, s0  }
0xbd: {  	[sflag:s0] =	ssyncadd.remote.s32 $0x1  }
0xbe: {  	_ =	sfence.sel $0xFFFF  }
0xbf: {  	[dreg:$0x0] =	wrdreg $0xFFFFFFFF;
	(pc) =	sbr.abs _section_cstart, $3  }
0xc0: {  	[dreg:$0x1] =	wrdreg $0xFFFFFFFF  }
0xc1: {  	_ =	task.clear_ibuf [dreg:s7], $0x2FFFF;
	_ =	strace $0x9FFFFFFF  }
0xc2: {  	(tm) =	ssettm $0x7FFFFFFF  }
0xc3: {  	_ =	shalt  }
tec
execute0_lowered:
.L_overlay_start_1:
0x0: {  	(tag) =	ssettag $0x1  }
0x1: {  	s0 =	rddreg [dreg:$0x0]  }
0x2: {  	s1 =	srdreg.scid;
	s3 =	stileid.u32  }
0x3: {  	s2 =	rddreg [dreg:$0x1];
	s28 =	simm.s32 $0x1;
	s29 =	simm.s32 $0xE400  }
0x4: {  	s31 =	simm.s32 $0xC400;
	s30 =	simm.s32 $0x4;
	s10 =	simm.s32 $0x0  }
0x5: {  	s1 =	sand.u32 $0x1, s1;
	s4 =	sshll.u32 s3, $0x1;
	s3 =	simm.s32 $0x0  }
0x6: {  	s6 =	sor.u32 s1, s4;
	[smem:$0x7FF] =	sst s3;
	s1 =	ssub.s32 $0x2, s1  }
0x7: {  	s4 =	sshll.u32 s6, $0x6;
	_ =	strace $0x80000047;
	s5 =	sshrl.u32 s1, $0x1  }
0x8: {  	s19 =	sshll.u32 s6, $0x9;
	s7 =	sadd.s32 s4, s0;
	s4 =	sadd.s32 $0xF42A00, s0  }
0x9: {  	s17 =	ssub.s32 s1, s5;
	s5 =	sshll.u32 s6, $0xC;
	s8 =	sadd.s32 s2, s19  }
0xa: {  	s19 =	simm.s32 $0x6;
	s18 =	sadd.s32 $0x600, s7;
	s7 =	sor.u32 $0x400, s5  }
0xb: {  	s9 =	sor.u32 $0x800, s5;
	s23 =	sadd.s32 $0x620000, s8;
	[dreg:$0x3] =	wrdreg s18  }
0xc: {  	s11 =	sor.u32 $0xC00, s5;
	s24 =	sadd.s32 $0x620080, s8;
	[dreg:$0x6] =	wrdreg s23  }
0xd: {  	s25 =	sadd.s32 $0x620100, s8;
	s26 =	sadd.s32 $0x620180, s8;
	[dreg:$0x7] =	wrdreg s24  }
0xe: {  	s0 =	smax.u32 s17, $0x1;
	s17 =	simm.s32 $0x200;
	[dreg:$0x8] =	wrdreg s25  }
0xf: {  	s20 =	sshrl.u32 s7, $0x3;
	s21 =	sshrl.u32 s9, $0x3;
	[dreg:$0x9] =	wrdreg s26  }
0x10: {  	s22 =	sshrl.u32 s11, $0x3;
	[dreg:$0xa] =	wrdreg s0;
	s23 =	simm.s32 $0x6400  }
0x11: {  	v0 =	vlaneseq.u32;
	s24 =	simm.s32 $0x8400;
	s26 =	simm.s32 $0xA400;
	s0 =	simm.s32 $0x10600  }
0x12: {  	v0 =	vmul.u32 $0x88, v0;
	s25 =	simm.s32 $0x5;
	s1 =	sadd.s32 s2, s20;
	s14 =	sadd.s32 s2, s22  }
0x13: {  	s22 =	simm.s32 $0x80;
	[dreg:$0x4] =	wrdreg s1;
	s1 =	sadd.s32 s2, s21  }
0x14: {  	v1 =	vadd.s32 $0x880, v0;
	v2 =	vadd.s32 $0x1100, v0;
	v3 =	vadd.s32 $0x1980, v0;
	s20 =	simm.s32 $0x3;
	[dreg:$0x5] =	wrdreg s1;
	s1 =	simm.s32 $0x2  }
.LBB2_1:
0x15: {  	[dreg:$0xb] =	wrdreg s10  }
0x16: {  	s6 =	rddreg [dreg:$0x3];
	s16 =	simm.s32 $0x4000;
	s18 =	simm.s32 $0x7  }
0x17: {  	[tilespmem:s3], [sflag:$0x7] =	stream.strided.gather [hbm4b:s6+s17], $0x6400, s16, s17, $0x38;
	[tilespmem:$0x12800] =	vst v63  }
0x18: {  	_ =	swait.ge [sflag:s18], $0x6400  }
0x19: {  	[sflag:s18] =	ssyncset.done $0x0  }
0x1a: {  	[sflag:s18] =	ssyncadd.s32 $0xFFFF9C00  }
0x1b: {  	[tilespmem:s23], [sflag:$0x1] =	stream.indirect.gather [hbm4b:s4+s22], $0x40, s3, s22, $0xb8;
	[tilespmem:$0x12800] =	vst v63  }
0x1c: {  	_ = 	snop  }
0x1d: {  	[tilespmem:s24], [sflag:$0x2] =	stream.indirect.gather [hbm4b:s4+s22], $0x40, s22, s22, $0xb8;
	[tilespmem:$0x12800] =	vst v63  }
0x1e: {  	s21 =	simm.s32 $0x100  }
0x1f: {  	[tilespmem:s26], [sflag:$0x3] =	stream.indirect.gather [hbm4b:s4+s22], $0x40, s21, s22, $0xb8;
	[tilespmem:$0x12800] =	vst v63  }
0x20: {  	_ =	swait.ge [sflag:s28], $0x2000  }
0x21: {  	[sflag:s28] =	ssyncset.done $0x0  }
0x22: {  	s13 =	simm.s32 $0x6480;
	s10 =	simm.s32 $0x3;
	[sflag:s28] =	ssyncadd.s32 $0xFFFFE000  }
0x23: {  	v4 =	vmov s10;
	v5 =	vld [tilespmem:s13+$0x40]  }
0x24: {  	v9 =	vand.u32 $0x7F, v4  }
0x25: {  	v4 =	vadd.s32 v0, v9  }
0x26: {  	v6 =	vmov s3;
	s12 =	simm.s32 $0x1;
	s15 =	simm.s32 $0x2;
	v7 =	vld [tilespmem:s13+$0xFFFFFF80]  }
0x27: {  	v8 =	vand.u32 $0x7C, v6;
	v6 =	vmov s12;
	v11 =	vmov s15;
	v10 =	vld [tilespmem:s13+$0xFFFFFFC0]  }
0x28: {  	v12 =	vadd.s32 v0, v8;
	v15 =	vand.u32 $0x7D, v6;
	v6 =	vld [tilespmem:s13+$0x0];
	v5 =	vmul.f32 $8.000000000e+00, v5  }
0x29: {  	v17 =	vand.u32 $0x7E, v11;
	v13 =	vadd.s32 v0, v15  }
0x2a: {  	v11 =	vadd.s32 v0, v17;
	[tilespmem:v4+s29+$0x0] =	vst.idx.msk $0xffff, v5  }
0x2b: {  	v4 =	vmul.f32 $8.000000000e+00, v7;
	v5 =	vld [tilespmem:s13+$0x50]  }
0x2c: {  	v7 =	vmul.f32 $8.000000000e+00, v10  }
0x2d: {  	[tilespmem:v12+s29+$0x0] =	vst.idx.msk $0xffff, v4;
	v4 =	vmul.f32 $8.000000000e+00, v6;
	v6 =	vadd.s32 v1, v9  }
0x2e: {  	[tilespmem:v13+s29+$0x0] =	vst.idx.msk $0xffff, v7;
	v10 =	vld [tilespmem:s13+$0xFFFFFF90]  }
0x2f: {  	v7 =	vld [tilespmem:s13+$0xFFFFFFD0];
	[tilespmem:v11+s29+$0x0] =	vst.idx.msk $0xffff, v4  }
0x30: {  	v11 =	vld [tilespmem:s13+$0x10];
	v4 =	vmul.f32 $8.000000000e+00, v5  }
0x31: {  	s16 =	simm.s32 $0x4;
	s12 =	simm.s32 $0x7;
	s6 =	simm.s32 $0x6580;
	v12 =	vadd.s32 v1, v15  }
0x32: {  	v14 =	vld [tilespmem:s6+$0x40];
	v13 =	vadd.s32 v1, v17;
	v5 =	vmov s16;
	[tilespmem:v6+s29+$0x0] =	vst.idx.msk $0xffff, v4;
	v6 =	vmov s12  }
0x33: {  	v16 =	vadd.s32 v1, v8;
	v4 =	vand.u32 $0x7C, v5;
	v5 =	vand.u32 $0x7F, v6;
	v18 =	vld [tilespmem:s13+$0x60]  }
0x34: {  	v22 =	vadd.s32 v2, v9;
	s18 =	simm.s32 $0x5;
	v19 =	vld [tilespmem:s6+$0xFFFFFF80];
	v6 =	vmul.f32 $8.000000000e+00, v7;
	v20 =	vadd.s32 v0, v5  }
0x35: {  	s21 =	simm.s32 $0x6;
	v21 =	vld [tilespmem:s6+$0xFFFFFFC0];
	v10 =	vmul.f32 $8.000000000e+00, v10;
	v7 =	vmul.f32 $8.000000000e+00, v11;
	v11 =	vmov s18  }
0x36: {  	v23 =	vadd.s32 v0, v4;
	[tilespmem:v12+s29+$0x0] =	vst.idx.msk $0xffff, v6;
	v12 =	vmov s21;
	v6 =	vand.u32 $0x7D, v11;
	v11 =	vld [tilespmem:s6+$0x0]  }
0x37: {  	[tilespmem:v13+s29+$0x0] =	vst.idx.msk $0xffff, v7;
	v13 =	vadd.s32 v0, v6;
	v7 =	vand.u32 $0x7E, v12;
	v12 =	vmul.f32 $8.000000000e+00, v14;
	v14 =	vld [tilespmem:s13+$0xFFFFFFE0]  }
0x38: {  	[tilespmem:v16+s29+$0x0] =	vst.idx.msk $0xffff, v10;
	v10 =	vadd.s32 v0, v7;
	v16 =	vld [tilespmem:s13+$0x20];
	v18 =	vmul.f32 $8.000000000e+00, v18  }
0x39: {  	v19 =	vmul.f32 $8.000000000e+00, v19;
	[tilespmem:v20+s29+$0x0] =	vst.idx.msk $0xffff, v12;
	v12 =	vld [tilespmem:s13+$0xFFFFFFA0];
	v20 =	vadd.s32 v2, v15  }
0x3a: {  	v25 =	vadd.s32 v2, v17;
	v21 =	vmul.f32 $8.000000000e+00, v21;
	v24 =	vld [tilespmem:s6+$0x50];
	[tilespmem:v22+s29+$0x0] =	vst.idx.msk $0xffff, v18  }
0x3b: {  	[tilespmem:v23+s29+$0x0] =	vst.idx.msk $0xffff, v19;
	v19 =	vadd.s32 v2, v8;
	v11 =	vmul.f32 $8.000000000e+00, v11;
	v22 =	vld [tilespmem:s13+$0x70]  }
0x3c: {  	v23 =	vld [tilespmem:s6+$0xFFFFFF90];
	[tilespmem:v13+s29+$0x0] =	vst.idx.msk $0xffff, v21;
	v21 =	vadd.s32 v1, v5;
	v14 =	vmul.f32 $8.000000000e+00, v14  }
0x3d: {  	v27 =	vadd.s32 v3, v9;
	v26 =	vld [tilespmem:s6+$0xFFFFFFD0];
	[tilespmem:v10+s29+$0x0] =	vst.idx.msk $0xffff, v11;
	v10 =	vmul.f32 $8.000000000e+00, v16  }
0x3e: {  	v18 =	vadd.s32 v1, v4;
	v13 =	vld [tilespmem:s6+$0x10];
	v9 =	vmul.f32 $8.000000000e+00, v12;
	[tilespmem:v20+s29+$0x0] =	vst.idx.msk $0xffff, v14  }
0x3f: {  	s12 =	simm.s32 $0x8;
	v16 =	vadd.s32 v1, v6;
	[tilespmem:v25+s29+$0x0] =	vst.idx.msk $0xffff, v10;
	v14 =	vmul.f32 $8.000000000e+00, v24;
	v12 =	vld [tilespmem:s13+$0xFFFFFFF0]  }
0x40: {  	v20 =	vmov s12;
	v10 =	vadd.s32 v1, v7;
	v11 =	vld [tilespmem:s13+$0x30];
	[tilespmem:v19+s29+$0x0] =	vst.idx.msk $0xffff, v9;
	v63 =	vmul.f32 $8.000000000e+00, v22  }
0x41: {  	s15 =	simm.s32 $0xB;
	s10 =	simm.s32 $0x6680;
	v15 =	vadd.s32 v3, v15;
	v9 =	vand.u32 $0x7C, v20;
	v20 =	vmul.f32 $8.000000000e+00, v23;
	[tilespmem:v21+s29+$0x0] =	vst.idx.msk $0xffff, v14;
	v14 =	vld [tilespmem:s13+$0xFFFFFFB0]  }
0x42: {  	v17 =	vadd.s32 v3, v17;
	v22 =	vmov s15;
	v19 =	vld [tilespmem:s10+$0x40];
	s13 =	simm.s32 $0xC;
	v21 =	vmul.f32 $8.000000000e+00, v26;
	[tilespmem:v27+s29+$0x0] =	vst.idx.msk $0xffff, v63  }
.LBB2_2:
0x43: {  	p0 =	slt.u32 s13, $0x7C;
	s15 =	sadd.s32 $0x1, s12;
	v22 =	vand.u32 $0x7F, v22;
	[tilespmem:v18+s29+$0x0] =	vst.idx.msk $0xffff, v20;
	v13 =	vmul.f32 $8.000000000e+00, v13;
	v18 =	vld [tilespmem:s6+$0x60];
	v20 =	vadd.s32 v3, v8;
	v8 =	vmovc v4  }
0x44: {  	v4 =	vmovc v9;
	v23 =	vld [tilespmem:s10+$0xFFFFFF80];
	v24 =	vmov s15;
	s15 =	sadd.s32 $0x2, s12;
	v25 =	vadd.s32 v0, v22;
	[tilespmem:v16+s29+$0x0] =	vst.idx.msk $0xffff, v21;
	v12 =	vmul.f32 $8.000000000e+00, v12;
	s12 =	smov.u32 s13  }
0x45: {  	v9 =	vld [tilespmem:s10+$0xFFFFFFC0];
	v16 =	vmov s15;
	[tilespmem:v10+s29+$0x0] =	vst.idx.msk $0xffff, v13;
	v10 =	vadd.s32 v2, v5;
	v11 =	vmul.f32 $8.000000000e+00, v11  }
0x46: {  	v13 =	vadd.s32 v0, v4;
	v21 =	vand.u32 $0x7D, v24;
	v24 =	vld [tilespmem:s10+$0x0];
	v14 =	vmul.f32 $8.000000000e+00, v14;
	[tilespmem:v15+s29+$0x0] =	vst.idx.msk $0xffff, v12  }
0x47: {  	v12 =	vadd.s32 v0, v21;
	v26 =	vand.u32 $0x7E, v16;
	v15 =	vmul.f32 $8.000000000e+00, v19;
	v16 =	vld [tilespmem:s6+$0xFFFFFFE0];
	[tilespmem:v17+s29+$0x0] =	vst.idx.msk $0xffff, v11  }
0x48: {  	v11 =	vadd.s32 v0, v26;
	v17 =	vld [tilespmem:s6+$0x20];
	v18 =	vmul.f32 $8.000000000e+00, v18;
	[tilespmem:v20+s29+$0x0] =	vst.idx.msk $0xffff, v14  }
0x49: {  	v19 =	vadd.s32 v2, v6;
	v14 =	vmul.f32 $8.000000000e+00, v23;
	[tilespmem:v25+s29+$0x0] =	vst.idx.msk $0xffff, v15;
	v15 =	vld [tilespmem:s6+$0xFFFFFFA0]  }
0x4a: {  	v23 =	vadd.s32 v2, v7;
	v9 =	vmul.f32 $8.000000000e+00, v9;
	v20 =	vld [tilespmem:s10+$0x50];
	[tilespmem:v10+s29+$0x0] =	vst.idx.msk $0xffff, v18  }
0x4b: {  	[tilespmem:v13+s29+$0x0] =	vst.idx.msk $0xffff, v14;
	v10 =	vmul.f32 $8.000000000e+00, v24;
	v14 =	vadd.s32 v2, v8;
	v24 =	vld [tilespmem:s6+$0x70]  }
0x4c: {  	v27 =	vadd.s32 v1, v22;
	v25 =	vld [tilespmem:s10+$0xFFFFFF90];
	[tilespmem:v12+s29+$0x0] =	vst.idx.msk $0xffff, v9;
	v9 =	vmul.f32 $8.000000000e+00, v16  }
0x4d: {  	v29 =	vadd.s32 v3, v5;
	v5 =	vmov v22;
	v28 =	vld [tilespmem:s10+$0xFFFFFFD0];
	[tilespmem:v11+s29+$0x0] =	vst.idx.msk $0xffff, v10;
	v10 =	vmul.f32 $8.000000000e+00, v17  }
.Ltmp0:
0x4e: {  	v18 =	vadd.s32 v1, v4;
	v13 =	vld [tilespmem:s10+$0x10];
	v11 =	vmul.f32 $8.000000000e+00, v15;
	[tilespmem:v19+s29+$0x0] =	vst.idx.msk $0xffff, v9;
	(pc) =	sbr.rel @p0 .LBB2_2-.Ltmp0, $4  }
0x4f: {  	v16 =	vadd.s32 v1, v21;
	v15 =	vmul.f32 $8.000000000e+00, v20;
	v12 =	vld [tilespmem:s6+$0xFFFFFFF0];
	[tilespmem:v23+s29+$0x0] =	vst.idx.msk $0xffff, v10  }
0x50: {  	v9 =	vmov s13;
	v10 =	vadd.s32 v1, v26;
	[tilespmem:v14+s29+$0x0] =	vst.idx.msk $0xffff, v11;
	v11 =	vld [tilespmem:s6+$0x30];
	v23 =	vmul.f32 $8.000000000e+00, v24  }
0x51: {  	s15 =	sadd.s32 $0x3, s13;
	v9 =	vand.u32 $0x7C, v9;
	v20 =	vmul.f32 $8.000000000e+00, v25;
	[tilespmem:v27+s29+$0x0] =	vst.idx.msk $0xffff, v15;
	v14 =	vld [tilespmem:s6+$0xFFFFFFB0];
	v15 =	vadd.s32 v3, v6;
	v6 =	vmovc v21;
	s6 =	smov.u32 s10;
	s10 =	sadd.s32 $0x100, s10  }
0x52: {  	v22 =	vmov s15;
	v17 =	vadd.s32 v3, v7;
	v7 =	vmovc v26;
	s13 =	sadd.s32 $0x4, s13;
	v19 =	vld [tilespmem:s10+$0x40];
	v21 =	vmul.f32 $8.000000000e+00, v28;
	[tilespmem:v29+s29+$0x0] =	vst.idx.msk $0xffff, v23  }
0x53: {  	s13 =	sadd.s32 $0x1, s12;
	v22 =	vand.u32 $0x7F, v22;
	v28 =	vld [tilespmem:s10+$0xFFFFFF80]  }
0x54: {  	s21 =	sadd.s32 $0x2, s12;
	v24 =	vld [tilespmem:s10+$0xFFFFFFC0];
	v23 =	vmov s13;
	v25 =	vadd.s32 v0, v22  }
0x55: {  	v27 =	vld [tilespmem:s10+$0x0];
	v51 =	vadd.s32 v0, v9;
	v26 =	vmov s21;
	v23 =	vand.u32 $0x7D, v23  }
0x56: {  	v26 =	vand.u32 $0x7E, v26;
	v29 =	vadd.s32 v0, v23  }
0x57: {  	[tilespmem:v18+s29+$0x0] =	vst.idx.msk $0xffff, v20;
	v30 =	vadd.s32 v0, v26;
	v19 =	vmul.f32 $8.000000000e+00, v19  }
0x58: {  	[tilespmem:v16+s29+$0x0] =	vst.idx.msk $0xffff, v21;
	v54 =	vmul.f32 $8.000000000e+00, v28  }
0x59: {  	v52 =	vmul.f32 $8.000000000e+00, v24;
	[tilespmem:v25+s29+$0x0] =	vst.idx.msk $0xffff, v19  }
0x5a: {  	v53 =	vmul.f32 $8.000000000e+00, v27;
	v55 =	vld [tilespmem:s10+$0x50];
	[tilespmem:v51+s29+$0x0] =	vst.idx.msk $0xffff, v54  }
0x5b: {  	v13 =	vmul.f32 $8.000000000e+00, v13;
	v8 =	vadd.s32 v3, v8;
	[tilespmem:v29+s29+$0x0] =	vst.idx.msk $0xffff, v52;
	v59 =	vld [tilespmem:s10+$0xFFFFFF90]  }
0x5c: {  	v12 =	vmul.f32 $8.000000000e+00, v12;
	v57 =	vadd.s32 v1, v22;
	[tilespmem:v30+s29+$0x0] =	vst.idx.msk $0xffff, v53;
	v56 =	vld [tilespmem:s10+$0xFFFFFFD0]  }
0x5d: {  	[tilespmem:v10+s29+$0x0] =	vst.idx.msk $0xffff, v13;
	v58 =	vmul.f32 $8.000000000e+00, v11;
	v28 =	vadd.s32 v1, v9;
	v19 =	vld [tilespmem:s10+$0x10]  }
0x5e: {  	v61 =	vld [tilespmem:s6+$0x60];
	v60 =	vadd.s32 v1, v23;
	v14 =	vmul.f32 $8.000000000e+00, v14;
	[tilespmem:v15+s29+$0x0] =	vst.idx.msk $0xffff, v12  }
0x5f: {  	v32 =	vld [tilespmem:s6+$0xFFFFFFA0];
	v62 =	vadd.s32 v1, v26;
	[tilespmem:v17+s29+$0x0] =	vst.idx.msk $0xffff, v58;
	v16 =	vmul.f32 $8.000000000e+00, v55  }
0x60: {  	[tilespmem:v8+s29+$0x0] =	vst.idx.msk $0xffff, v14;
	v29 =	vadd.s32 v2, v5;
	v30 =	vld [tilespmem:s6+$0x20];
	v11 =	vmul.f32 $8.000000000e+00, v59  }
0x61: {  	v38 =	vadd.s32 v2, v4;
	v63 =	vld [tilespmem:s6+$0xFFFFFFE0];
	v31 =	vmul.f32 $8.000000000e+00, v56;
	[tilespmem:v57+s29+$0x0] =	vst.idx.msk $0xffff, v16  }
0x62: {  	v35 =	vadd.s32 v2, v7;
	v34 =	vmul.f32 $8.000000000e+00, v19;
	v36 =	vld [tilespmem:s10+$0x60];
	[tilespmem:v28+s29+$0x0] =	vst.idx.msk $0xffff, v11  }
0x63: {  	v33 =	vadd.s32 v2, v6;
	v37 =	vmul.f32 $8.000000000e+00, v61;
	[tilespmem:v60+s29+$0x0] =	vst.idx.msk $0xffff, v31;
	v43 =	vld [tilespmem:s10+$0xFFFFFFA0]  }
0x64: {  	v40 =	vadd.s32 v2, v22;
	v14 =	vmul.f32 $8.000000000e+00, v32;
	[tilespmem:v62+s29+$0x0] =	vst.idx.msk $0xffff, v34;
	v39 =	vld [tilespmem:s10+$0xFFFFFFE0]  }
0x65: {  	v48 =	vadd.s32 v2, v9;
	[tilespmem:v29+s29+$0x0] =	vst.idx.msk $0xffff, v37;
	v42 =	vmul.f32 $8.000000000e+00, v30;
	v41 =	vld [tilespmem:s10+$0x20]  }
0x66: {  	v44 =	vadd.s32 v2, v23;
	v15 =	vmul.f32 $8.000000000e+00, v63;
	[tilespmem:v38+s29+$0x0] =	vst.idx.msk $0xffff, v14;
	v45 =	vld [tilespmem:s6+$0x70]  }
0x67: {  	v46 =	vadd.s32 v2, v26;
	v14 =	vld [tilespmem:s6+$0xFFFFFFB0];
	[tilespmem:v35+s29+$0x0] =	vst.idx.msk $0xffff, v42;
	v47 =	vmul.f32 $8.000000000e+00, v36  }
0x68: {  	v5 =	vadd.s32 v3, v5;
	[tilespmem:v33+s29+$0x0] =	vst.idx.msk $0xffff, v15;
	v49 =	vld [tilespmem:s6+$0x30];
	v53 =	vmul.f32 $8.000000000e+00, v43  }
0x69: {  	v4 =	vadd.s32 v3, v4;
	v21 =	vld [tilespmem:s6+$0xFFFFFFF0];
	v12 =	vmul.f32 $8.000000000e+00, v39;
	[tilespmem:v40+s29+$0x0] =	vst.idx.msk $0xffff, v47  }
0x6a: {  	v52 =	vadd.s32 v3, v7;
	v51 =	vmul.f32 $8.000000000e+00, v41;
	v10 =	vld [tilespmem:s10+$0x70];
	[tilespmem:v48+s29+$0x0] =	vst.idx.msk $0xffff, v53  }
0x6b: {  	v50 =	vadd.s32 v3, v6;
	v54 =	vmul.f32 $8.000000000e+00, v45;
	[tilespmem:v44+s29+$0x0] =	vst.idx.msk $0xffff, v12;
	v59 =	vld [tilespmem:s10+$0xFFFFFFB0]  }
0x6c: {  	v57 =	vadd.s32 v3, v22;
	v14 =	vmul.f32 $8.000000000e+00, v14;
	[tilespmem:v46+s29+$0x0] =	vst.idx.msk $0xffff, v51;
	v55 =	vld [tilespmem:s10+$0xFFFFFFF0]  }
0x6d: {  	v62 =	vadd.s32 v3, v9;
	[tilespmem:v5+s29+$0x0] =	vst.idx.msk $0xffff, v54;
	v5 =	vmul.f32 $8.000000000e+00, v49;
	v58 =	vld [tilespmem:s10+$0x30]  }
0x6e: {  	v56 =	vmul.f32 $8.000000000e+00, v21;
	v60 =	vadd.s32 v3, v23;
	[tilespmem:v4+s29+$0x0] =	vst.idx.msk $0xffff, v14  }
0x6f: {  	v61 =	vadd.s32 v3, v26;
	[tilespmem:v52+s29+$0x0] =	vst.idx.msk $0xffff, v5;
	v5 =	vmul.f32 $8.000000000e+00, v10  }
0x70: {  	[tilespmem:v50+s29+$0x0] =	vst.idx.msk $0xffff, v56;
	v63 =	vmul.f32 $8.000000000e+00, v59  }
0x71: {  	v4 =	vmul.f32 $8.000000000e+00, v55;
	[tilespmem:v57+s29+$0x0] =	vst.idx.msk $0xffff, v5  }
0x72: {  	v5 =	vmul.f32 $8.000000000e+00, v58;
	[tilespmem:v62+s29+$0x0] =	vst.idx.msk $0xffff, v63  }
0x73: {  	[tilespmem:v60+s29+$0x0] =	vst.idx.msk $0xffff, v4  }
0x74: {  	s10 =	simm.s32 $0xE400;
	[tilespmem:v61+s29+$0x0] =	vst.idx.msk $0xffff, v5  }
0x75: {  	[hbm4b:s8+s3] =	stream.linear.scatter [tilespmem:s10], [sflag:$0x5], $0x80, $0x38;
	[tilespmem:$0x12800] =	vst v63  }
0x76: {  	s12 =	simm.s32 $0xE488;
	s13 =	sadd.s32 $0x10, s8  }
0x77: {  	[hbm4b:s13+s3] =	stream.linear.scatter [tilespmem:s12], [sflag:$0x5], $0x80, $0x38;
	[tilespmem:$0x12800] =	vst v63  }
0x78: {  	s15 =	simm.s32 $0xE510;
	s16 =	sadd.s32 $0x20, s8;
	s18 =	simm.s32 $0xE598  }
0x79: {  	[hbm4b:s16+s3] =	stream.linear.scatter [tilespmem:s15], [sflag:$0x5], $0x80, $0x38;
	[tilespmem:$0x12800] =	vst v63  }
0x7a: {  	s21 =	sadd.s32 $0x30, s8;
	s6 =	simm.s32 $0x440;
	s10 =	sadd.s32 $0x4000, s8  }
0x7b: {  	[hbm4b:s21+s3] =	stream.linear.scatter [tilespmem:s18], [sflag:$0x5], $0x80, $0x38;
	[tilespmem:$0x12800] =	vst v63  }
0x7c: {  	s12 =	simm.s32 $0xE620;
	s13 =	sadd.s32 $0x40, s8;
	s15 =	simm.s32 $0xE6A8  }
0x7d: {  	[hbm4b:s13+s3] =	stream.linear.scatter [tilespmem:s12], [sflag:$0x5], $0x80, $0x38;
	[tilespmem:$0x12800] =	vst v63  }
0x7e: {  	s16 =	sadd.s32 $0x50, s8;
	s18 =	simm.s32 $0xE730;
	s21 =	sadd.s32 $0x60, s8  }
0x7f: {  	[hbm4b:s16+s3] =	stream.linear.scatter [tilespmem:s15], [sflag:$0x5], $0x80, $0x38;
	[tilespmem:$0x12800] =	vst v63  }
0x80: {  	s12 =	simm.s32 $0x2200;
	s13 =	simm.s32 $0xE7B8;
	s15 =	sadd.s32 $0x70, s8  }
0x81: {  	[hbm4b:s21+s3] =	stream.linear.scatter [tilespmem:s18], [sflag:$0x5], $0x80, $0x38;
	[tilespmem:$0x12800] =	vst v63  }
.LBB2_4:
0x82: {  	[hbm4b:s15+s3] =	stream.linear.scatter [tilespmem:s13], [sflag:$0x5], $0x80, $0x38;
	[tilespmem:$0x12800] =	vst v63  }
0x83: {  	s13 =	smov.u32 s6;
	s6 =	smov.u32 s12  }
0x84: {  	s16 =	sadd.s32 $0x1100, s12;
	s6 =	sshra.s32 s6, $0x2;
	s15 =	sadd.s32 $0xE400, s13  }
0x85: {  	[hbm4b:s10+s3] =	stream.linear.scatter [tilespmem:s15], [sflag:$0x5], $0x80, $0x38;
	[tilespmem:$0x12800] =	vst v63  }
0x86: {  	p0 =	sne.s32 s12, $0x7700;
	s12 =	sadd.s32 $0xE488, s13;
	s15 =	sadd.s32 $0x10, s10  }
0x87: {  	[hbm4b:s15+s3] =	stream.linear.scatter [tilespmem:s12], [sflag:$0x5], $0x80, $0x38;
	[tilespmem:$0x12800] =	vst v63  }
0x88: {  	s12 =	sadd.s32 $0xE510, s13;
	s15 =	sadd.s32 $0x20, s10  }
0x89: {  	[hbm4b:s15+s3] =	stream.linear.scatter [tilespmem:s12], [sflag:$0x5], $0x80, $0x38;
	[tilespmem:$0x12800] =	vst v63  }
0x8a: {  	s12 =	sadd.s32 $0xE598, s13;
	s15 =	sadd.s32 $0x30, s10  }
0x8b: {  	[hbm4b:s15+s3] =	stream.linear.scatter [tilespmem:s12], [sflag:$0x5], $0x80, $0x38;
	[tilespmem:$0x12800] =	vst v63  }
0x8c: {  	s12 =	sadd.s32 $0xE620, s13;
	s15 =	sadd.s32 $0x40, s10  }
0x8d: {  	[hbm4b:s15+s3] =	stream.linear.scatter [tilespmem:s12], [sflag:$0x5], $0x80, $0x38;
	[tilespmem:$0x12800] =	vst v63  }
.Ltmp1:
0x8e: {  	s12 =	sadd.s32 $0xE6A8, s13;
	s15 =	sadd.s32 $0x50, s10;
	(pc) =	sbr.rel @p0 .LBB2_4-.Ltmp1, $4  }
0x8f: {  	[hbm4b:s15+s3] =	stream.linear.scatter [tilespmem:s12], [sflag:$0x5], $0x80, $0x38;
	[tilespmem:$0x12800] =	vst v63  }
0x90: {  	s12 =	sadd.s32 $0xE730, s13;
	s15 =	sadd.s32 $0x60, s10;
	s13 =	sadd.s32 $0xE7B8, s13  }
0x91: {  	[hbm4b:s15+s3] =	stream.linear.scatter [tilespmem:s12], [sflag:$0x5], $0x80, $0x38;
	[tilespmem:$0x12800] =	vst v63  }
0x92: {  	s15 =	sadd.s32 $0x70, s10;
	s10 =	sadd.s32 $0x4000, s10;
	s12 =	smov.u32 s16  }
0x93: {  	[hbm4b:s15+s3] =	stream.linear.scatter [tilespmem:s13], [sflag:$0x5], $0x80, $0x38;
	[tilespmem:$0x12800] =	vst v63  }
0x94: {  	s12 =	sadd.s32 $0xE400, s6  }
0x95: {  	[hbm4b:s10+s3] =	stream.linear.scatter [tilespmem:s12], [sflag:$0x5], $0x80, $0x38;
	[tilespmem:$0x12800] =	vst v63  }
0x96: {  	s15 =	sadd.s32 $0xE488, s6;
	s16 =	sadd.s32 $0x10, s10  }
0x97: {  	[hbm4b:s16+s3] =	stream.linear.scatter [tilespmem:s15], [sflag:$0x5], $0x80, $0x38;
	[tilespmem:$0x12800] =	vst v63  }
0x98: {  	s18 =	sadd.s32 $0xE510, s6;
	s21 =	sadd.s32 $0x20, s10  }
0x99: {  	[hbm4b:s21+s3] =	stream.linear.scatter [tilespmem:s18], [sflag:$0x5], $0x80, $0x38;
	[tilespmem:$0x12800] =	vst v63  }
0x9a: {  	s15 =	sadd.s32 $0xE598, s6;
	s16 =	sadd.s32 $0x30, s10  }
0x9b: {  	[hbm4b:s16+s3] =	stream.linear.scatter [tilespmem:s15], [sflag:$0x5], $0x80, $0x38;
	[tilespmem:$0x12800] =	vst v63  }
0x9c: {  	s18 =	sadd.s32 $0xE620, s6;
	s21 =	sadd.s32 $0x40, s10  }
0x9d: {  	[hbm4b:s21+s3] =	stream.linear.scatter [tilespmem:s18], [sflag:$0x5], $0x80, $0x38;
	[tilespmem:$0x12800] =	vst v63  }
0x9e: {  	s13 =	sadd.s32 $0xE6A8, s6;
	s15 =	sadd.s32 $0x50, s10  }
0x9f: {  	[hbm4b:s15+s3] =	stream.linear.scatter [tilespmem:s13], [sflag:$0x5], $0x80, $0x38;
	[tilespmem:$0x12800] =	vst v63  }
0xa0: {  	s16 =	sadd.s32 $0xE730, s6;
	s18 =	sadd.s32 $0x60, s10  }
0xa1: {  	[hbm4b:s18+s3] =	stream.linear.scatter [tilespmem:s16], [sflag:$0x5], $0x80, $0x38;
	[tilespmem:$0x12800] =	vst v63  }
0xa2: {  	s12 =	sadd.s32 $0x70, s10;
	s21 =	sadd.s32 $0xE7B8, s6  }
0xa3: {  	[hbm4b:s12+s3] =	stream.linear.scatter [tilespmem:s21], [sflag:$0x5], $0x80, $0x38;
	[tilespmem:$0x12800] =	vst v63  }
0xa4: {  	s13 =	simm.s32 $0x180  }
0xa5: {  	[tilespmem:s31], [sflag:$0x4] =	stream.indirect.gather [hbm4b:s4+s22], $0x40, s13, s22, $0xb8;
	[tilespmem:$0x12800] =	vst v63  }
0xa6: {  	_ =	swait.ge [sflag:s1], $0x2000  }
0xa7: {  	[sflag:s1] =	ssyncset.done $0x0  }
0xa8: {  	s15 =	simm.s32 $0x3;
	s13 =	simm.s32 $0x8480;
	[sflag:s1] =	ssyncadd.s32 $0xFFFFE000  }
0xa9: {  	v4 =	vmov s15;
	v5 =	vld [tilespmem:s13+$0x40]  }
0xaa: {  	v9 =	vand.u32 $0x7F, v4  }
0xab: {  	s16 =	simm.s32 $0x0;
	v4 =	vadd.s32 v0, v9  }
0xac: {  	s18 =	simm.s32 $0x1;
	v6 =	vmov s16;
	s21 =	simm.s32 $0x2;
	v7 =	vld [tilespmem:s13+$0xFFFFFF80]  }
0xad: {  	v8 =	vand.u32 $0x7C, v6;
	v6 =	vmov s18;
	v11 =	vmov s21;
	v10 =	vld [tilespmem:s13+$0xFFFFFFC0]  }
0xae: {  	v12 =	vadd.s32 v0, v8;
	v15 =	vand.u32 $0x7D, v6;
	v6 =	vld [tilespmem:s13+$0x0];
	v5 =	vmul.f32 $8.000000000e+00, v5  }
0xaf: {  	v13 =	vadd.s32 v0, v15;
	v17 =	vand.u32 $0x7E, v11  }
0xb0: {  	v11 =	vadd.s32 v0, v17;
	[tilespmem:v4+s0+$0x0] =	vst.idx.msk $0xffff, v5  }
0xb1: {  	v4 =	vmul.f32 $8.000000000e+00, v7;
	v5 =	vld [tilespmem:s13+$0x50]  }
0xb2: {  	v7 =	vmul.f32 $8.000000000e+00, v10  }
0xb3: {  	[tilespmem:v12+s0+$0x0] =	vst.idx.msk $0xffff, v4;
	v4 =	vmul.f32 $8.000000000e+00, v6;
	v6 =	vadd.s32 v1, v9  }
0xb4: {  	[tilespmem:v13+s0+$0x0] =	vst.idx.msk $0xffff, v7;
	v10 =	vld [tilespmem:s13+$0xFFFFFF90]  }
0xb5: {  	v7 =	vld [tilespmem:s13+$0xFFFFFFD0];
	[tilespmem:v11+s0+$0x0] =	vst.idx.msk $0xffff, v4  }
0xb6: {  	v11 =	vld [tilespmem:s13+$0x10];
	v4 =	vmul.f32 $8.000000000e+00, v5  }
0xb7: {  	s6 =	simm.s32 $0x8580;
	s15 =	simm.s32 $0x7;
	s12 =	simm.s32 $0x4;
	v12 =	vadd.s32 v1, v15  }
0xb8: {  	v14 =	vld [tilespmem:s6+$0x40];
	v13 =	vadd.s32 v1, v17;
	v5 =	vmov s12;
	[tilespmem:v6+s0+$0x0] =	vst.idx.msk $0xffff, v4;
	v6 =	vmov s15  }
0xb9: {  	v16 =	vadd.s32 v1, v8;
	v4 =	vand.u32 $0x7C, v5;
	v5 =	vand.u32 $0x7F, v6;
	v18 =	vld [tilespmem:s13+$0x60]  }
0xba: {  	s16 =	simm.s32 $0x5;
	v22 =	vadd.s32 v2, v9;
	v19 =	vld [tilespmem:s6+$0xFFFFFF80];
	v6 =	vmul.f32 $8.000000000e+00, v7;
	v20 =	vadd.s32 v0, v5  }
0xbb: {  	s18 =	simm.s32 $0x6;
	v21 =	vld [tilespmem:s6+$0xFFFFFFC0];
	v10 =	vmul.f32 $8.000000000e+00, v10;
	v7 =	vmul.f32 $8.000000000e+00, v11;
	v11 =	vmov s16  }
0xbc: {  	v23 =	vadd.s32 v0, v4;
	[tilespmem:v12+s0+$0x0] =	vst.idx.msk $0xffff, v6;
	v12 =	vmov s18;
	v6 =	vand.u32 $0x7D, v11;
	v11 =	vld [tilespmem:s6+$0x0]  }
0xbd: {  	[tilespmem:v13+s0+$0x0] =	vst.idx.msk $0xffff, v7;
	v13 =	vadd.s32 v0, v6;
	v7 =	vand.u32 $0x7E, v12;
	v12 =	vmul.f32 $8.000000000e+00, v14;
	v14 =	vld [tilespmem:s13+$0xFFFFFFE0]  }
0xbe: {  	[tilespmem:v16+s0+$0x0] =	vst.idx.msk $0xffff, v10;
	v10 =	vadd.s32 v0, v7;
	v16 =	vld [tilespmem:s13+$0x20];
	v18 =	vmul.f32 $8.000000000e+00, v18  }
0xbf: {  	v19 =	vmul.f32 $8.000000000e+00, v19;
	[tilespmem:v20+s0+$0x0] =	vst.idx.msk $0xffff, v12;
	v12 =	vld [tilespmem:s13+$0xFFFFFFA0];
	v20 =	vadd.s32 v2, v15  }
0xc0: {  	v25 =	vadd.s32 v2, v17;
	v21 =	vmul.f32 $8.000000000e+00, v21;
	v24 =	vld [tilespmem:s6+$0x50];
	[tilespmem:v22+s0+$0x0] =	vst.idx.msk $0xffff, v18  }
0xc1: {  	[tilespmem:v23+s0+$0x0] =	vst.idx.msk $0xffff, v19;
	v19 =	vadd.s32 v2, v8;
	v11 =	vmul.f32 $8.000000000e+00, v11;
	v22 =	vld [tilespmem:s13+$0x70]  }
0xc2: {  	v23 =	vld [tilespmem:s6+$0xFFFFFF90];
	[tilespmem:v13+s0+$0x0] =	vst.idx.msk $0xffff, v21;
	v21 =	vadd.s32 v1, v5;
	v14 =	vmul.f32 $8.000000000e+00, v14  }
0xc3: {  	v27 =	vadd.s32 v3, v9;
	v26 =	vld [tilespmem:s6+$0xFFFFFFD0];
	[tilespmem:v10+s0+$0x0] =	vst.idx.msk $0xffff, v11;
	v10 =	vmul.f32 $8.000000000e+00, v16  }
0xc4: {  	v18 =	vadd.s32 v1, v4;
	v13 =	vld [tilespmem:s6+$0x10];
	v9 =	vmul.f32 $8.000000000e+00, v12;
	[tilespmem:v20+s0+$0x0] =	vst.idx.msk $0xffff, v14  }
0xc5: {  	s12 =	simm.s32 $0x8;
	v16 =	vadd.s32 v1, v6;
	[tilespmem:v25+s0+$0x0] =	vst.idx.msk $0xffff, v10;
	v14 =	vmul.f32 $8.000000000e+00, v24;
	v12 =	vld [tilespmem:s13+$0xFFFFFFF0]  }
0xc6: {  	v20 =	vmov s12;
	v10 =	vadd.s32 v1, v7;
	v11 =	vld [tilespmem:s13+$0x30];
	[tilespmem:v19+s0+$0x0] =	vst.idx.msk $0xffff, v9;
	v63 =	vmul.f32 $8.000000000e+00, v22  }
0xc7: {  	s10 =	simm.s32 $0x8680;
	s21 =	simm.s32 $0xB;
	v15 =	vadd.s32 v3, v15;
	v9 =	vand.u32 $0x7C, v20;
	v20 =	vmul.f32 $8.000000000e+00, v23;
	[tilespmem:v21+s0+$0x0] =	vst.idx.msk $0xffff, v14;
	v14 =	vld [tilespmem:s13+$0xFFFFFFB0]  }
0xc8: {  	v17 =	vadd.s32 v3, v17;
	v22 =	vmov s21;
	v19 =	vld [tilespmem:s10+$0x40];
	s13 =	simm.s32 $0xC;
	v21 =	vmul.f32 $8.000000000e+00, v26;
	[tilespmem:v27+s0+$0x0] =	vst.idx.msk $0xffff, v63  }
.LBB2_6:
0xc9: {  	p0 =	slt.u32 s13, $0x7C;
	s15 =	sadd.s32 $0x1, s12;
	v22 =	vand.u32 $0x7F, v22;
	[tilespmem:v18+s0+$0x0] =	vst.idx.msk $0xffff, v20;
	v13 =	vmul.f32 $8.000000000e+00, v13;
	v18 =	vld [tilespmem:s6+$0x60];
	v20 =	vadd.s32 v3, v8;
	v8 =	vmovc v4  }
0xca: {  	v4 =	vmovc v9;
	v23 =	vld [tilespmem:s10+$0xFFFFFF80];
	v24 =	vmov s15;
	s15 =	sadd.s32 $0x2, s12;
	v25 =	vadd.s32 v0, v22;
	[tilespmem:v16+s0+$0x0] =	vst.idx.msk $0xffff, v21;
	v12 =	vmul.f32 $8.000000000e+00, v12;
	s12 =	smov.u32 s13  }
0xcb: {  	v9 =	vld [tilespmem:s10+$0xFFFFFFC0];
	v16 =	vmov s15;
	[tilespmem:v10+s0+$0x0] =	vst.idx.msk $0xffff, v13;
	v10 =	vadd.s32 v2, v5;
	v11 =	vmul.f32 $8.000000000e+00, v11  }
0xcc: {  	v13 =	vadd.s32 v0, v4;
	v21 =	vand.u32 $0x7D, v24;
	v24 =	vld [tilespmem:s10+$0x0];
	v14 =	vmul.f32 $8.000000000e+00, v14;
	[tilespmem:v15+s0+$0x0] =	vst.idx.msk $0xffff, v12  }
0xcd: {  	v12 =	vadd.s32 v0, v21;
	v26 =	vand.u32 $0x7E, v16;
	v15 =	vmul.f32 $8.000000000e+00, v19;
	v16 =	vld [tilespmem:s6+$0xFFFFFFE0];
	[tilespmem:v17+s0+$0x0] =	vst.idx.msk $0xffff, v11  }
0xce: {  	v11 =	vadd.s32 v0, v26;
	v17 =	vld [tilespmem:s6+$0x20];
	v18 =	vmul.f32 $8.000000000e+00, v18;
	[tilespmem:v20+s0+$0x0] =	vst.idx.msk $0xffff, v14  }
0xcf: {  	v19 =	vadd.s32 v2, v6;
	v14 =	vmul.f32 $8.000000000e+00, v23;
	[tilespmem:v25+s0+$0x0] =	vst.idx.msk $0xffff, v15;
	v15 =	vld [tilespmem:s6+$0xFFFFFFA0]  }
0xd0: {  	v23 =	vadd.s32 v2, v7;
	v9 =	vmul.f32 $8.000000000e+00, v9;
	v20 =	vld [tilespmem:s10+$0x50];
	[tilespmem:v10+s0+$0x0] =	vst.idx.msk $0xffff, v18  }
0xd1: {  	[tilespmem:v13+s0+$0x0] =	vst.idx.msk $0xffff, v14;
	v10 =	vmul.f32 $8.000000000e+00, v24;
	v14 =	vadd.s32 v2, v8;
	v24 =	vld [tilespmem:s6+$0x70]  }
0xd2: {  	v27 =	vadd.s32 v1, v22;
	v25 =	vld [tilespmem:s10+$0xFFFFFF90];
	[tilespmem:v12+s0+$0x0] =	vst.idx.msk $0xffff, v9;
	v9 =	vmul.f32 $8.000000000e+00, v16  }
0xd3: {  	v29 =	vadd.s32 v3, v5;
	v5 =	vmov v22;
	v28 =	vld [tilespmem:s10+$0xFFFFFFD0];
	[tilespmem:v11+s0+$0x0] =	vst.idx.msk $0xffff, v10;
	v10 =	vmul.f32 $8.000000000e+00, v17  }
.Ltmp2:
0xd4: {  	v18 =	vadd.s32 v1, v4;
	v13 =	vld [tilespmem:s10+$0x10];
	v11 =	vmul.f32 $8.000000000e+00, v15;
	[tilespmem:v19+s0+$0x0] =	vst.idx.msk $0xffff, v9;
	(pc) =	sbr.rel @p0 .LBB2_6-.Ltmp2, $4  }
0xd5: {  	v16 =	vadd.s32 v1, v21;
	v15 =	vmul.f32 $8.000000000e+00, v20;
	v12 =	vld [tilespmem:s6+$0xFFFFFFF0];
	[tilespmem:v23+s0+$0x0] =	vst.idx.msk $0xffff, v10  }
0xd6: {  	v9 =	vmov s13;
	v10 =	vadd.s32 v1, v26;
	[tilespmem:v14+s0+$0x0] =	vst.idx.msk $0xffff, v11;
	v11 =	vld [tilespmem:s6+$0x30];
	v23 =	vmul.f32 $8.000000000e+00, v24  }
0xd7: {  	s15 =	sadd.s32 $0x3, s13;
	v9 =	vand.u32 $0x7C, v9;
	v20 =	vmul.f32 $8.000000000e+00, v25;
	[tilespmem:v27+s0+$0x0] =	vst.idx.msk $0xffff, v15;
	v14 =	vld [tilespmem:s6+$0xFFFFFFB0];
	v15 =	vadd.s32 v3, v6;
	v6 =	vmovc v21;
	s6 =	smov.u32 s10;
	s10 =	sadd.s32 $0x100, s10  }
0xd8: {  	v22 =	vmov s15;
	v17 =	vadd.s32 v3, v7;
	v7 =	vmovc v26;
	s13 =	sadd.s32 $0x4, s13;
	v19 =	vld [tilespmem:s10+$0x40];
	v21 =	vmul.f32 $8.000000000e+00, v28;
	[tilespmem:v29+s0+$0x0] =	vst.idx.msk $0xffff, v23  }
0xd9: {  	s13 =	sadd.s32 $0x1, s12;
	v22 =	vand.u32 $0x7F, v22;
	v28 =	vld [tilespmem:s10+$0xFFFFFF80]  }
0xda: {  	s18 =	sadd.s32 $0x2, s12;
	v24 =	vld [tilespmem:s10+$0xFFFFFFC0];
	v23 =	vmov s13;
	v25 =	vadd.s32 v0, v22  }
0xdb: {  	v27 =	vld [tilespmem:s10+$0x0];
	v51 =	vadd.s32 v0, v9;
	v26 =	vmov s18;
	v23 =	vand.u32 $0x7D, v23  }
0xdc: {  	v26 =	vand.u32 $0x7E, v26;
	v29 =	vadd.s32 v0, v23  }
0xdd: {  	[tilespmem:v18+s0+$0x0] =	vst.idx.msk $0xffff, v20;
	v30 =	vadd.s32 v0, v26;
	v19 =	vmul.f32 $8.000000000e+00, v19  }
0xde: {  	[tilespmem:v16+s0+$0x0] =	vst.idx.msk $0xffff, v21;
	v54 =	vmul.f32 $8.000000000e+00, v28  }
0xdf: {  	v52 =	vmul.f32 $8.000000000e+00, v24;
	[tilespmem:v25+s0+$0x0] =	vst.idx.msk $0xffff, v19  }
0xe0: {  	v53 =	vmul.f32 $8.000000000e+00, v27;
	v55 =	vld [tilespmem:s10+$0x50];
	[tilespmem:v51+s0+$0x0] =	vst.idx.msk $0xffff, v54  }
0xe1: {  	v13 =	vmul.f32 $8.000000000e+00, v13;
	v8 =	vadd.s32 v3, v8;
	[tilespmem:v29+s0+$0x0] =	vst.idx.msk $0xffff, v52;
	v59 =	vld [tilespmem:s10+$0xFFFFFF90]  }
0xe2: {  	v12 =	vmul.f32 $8.000000000e+00, v12;
	v57 =	vadd.s32 v1, v22;
	[tilespmem:v30+s0+$0x0] =	vst.idx.msk $0xffff, v53;
	v56 =	vld [tilespmem:s10+$0xFFFFFFD0]  }
0xe3: {  	[tilespmem:v10+s0+$0x0] =	vst.idx.msk $0xffff, v13;
	v58 =	vmul.f32 $8.000000000e+00, v11;
	v28 =	vadd.s32 v1, v9;
	v19 =	vld [tilespmem:s10+$0x10]  }
0xe4: {  	v61 =	vld [tilespmem:s6+$0x60];
	v60 =	vadd.s32 v1, v23;
	v14 =	vmul.f32 $8.000000000e+00, v14;
	[tilespmem:v15+s0+$0x0] =	vst.idx.msk $0xffff, v12  }
0xe5: {  	v32 =	vld [tilespmem:s6+$0xFFFFFFA0];
	v62 =	vadd.s32 v1, v26;
	[tilespmem:v17+s0+$0x0] =	vst.idx.msk $0xffff, v58;
	v16 =	vmul.f32 $8.000000000e+00, v55  }
0xe6: {  	[tilespmem:v8+s0+$0x0] =	vst.idx.msk $0xffff, v14;
	v29 =	vadd.s32 v2, v5;
	v30 =	vld [tilespmem:s6+$0x20];
	v11 =	vmul.f32 $8.000000000e+00, v59  }
0xe7: {  	v38 =	vadd.s32 v2, v4;
	v63 =	vld [tilespmem:s6+$0xFFFFFFE0];
	v31 =	vmul.f32 $8.000000000e+00, v56;
	[tilespmem:v57+s0+$0x0] =	vst.idx.msk $0xffff, v16  }
0xe8: {  	v35 =	vadd.s32 v2, v7;
	v34 =	vmul.f32 $8.000000000e+00, v19;
	v36 =	vld [tilespmem:s10+$0x60];
	[tilespmem:v28+s0+$0x0] =	vst.idx.msk $0xffff, v11  }
0xe9: {  	v33 =	vadd.s32 v2, v6;
	v37 =	vmul.f32 $8.000000000e+00, v61;
	[tilespmem:v60+s0+$0x0] =	vst.idx.msk $0xffff, v31;
	v43 =	vld [tilespmem:s10+$0xFFFFFFA0]  }
0xea: {  	v40 =	vadd.s32 v2, v22;
	v14 =	vmul.f32 $8.000000000e+00, v32;
	[tilespmem:v62+s0+$0x0] =	vst.idx.msk $0xffff, v34;
	v39 =	vld [tilespmem:s10+$0xFFFFFFE0]  }
0xeb: {  	v48 =	vadd.s32 v2, v9;
	[tilespmem:v29+s0+$0x0] =	vst.idx.msk $0xffff, v37;
	v42 =	vmul.f32 $8.000000000e+00, v30;
	v41 =	vld [tilespmem:s10+$0x20]  }
0xec: {  	v44 =	vadd.s32 v2, v23;
	v15 =	vmul.f32 $8.000000000e+00, v63;
	[tilespmem:v38+s0+$0x0] =	vst.idx.msk $0xffff, v14;
	v45 =	vld [tilespmem:s6+$0x70]  }
0xed: {  	v46 =	vadd.s32 v2, v26;
	v14 =	vld [tilespmem:s6+$0xFFFFFFB0];
	[tilespmem:v35+s0+$0x0] =	vst.idx.msk $0xffff, v42;
	v47 =	vmul.f32 $8.000000000e+00, v36  }
0xee: {  	v5 =	vadd.s32 v3, v5;
	[tilespmem:v33+s0+$0x0] =	vst.idx.msk $0xffff, v15;
	v49 =	vld [tilespmem:s6+$0x30];
	v53 =	vmul.f32 $8.000000000e+00, v43  }
0xef: {  	v4 =	vadd.s32 v3, v4;
	v21 =	vld [tilespmem:s6+$0xFFFFFFF0];
	v12 =	vmul.f32 $8.000000000e+00, v39;
	[tilespmem:v40+s0+$0x0] =	vst.idx.msk $0xffff, v47  }
0xf0: {  	v52 =	vadd.s32 v3, v7;
	v51 =	vmul.f32 $8.000000000e+00, v41;
	v10 =	vld [tilespmem:s10+$0x70];
	[tilespmem:v48+s0+$0x0] =	vst.idx.msk $0xffff, v53  }
0xf1: {  	v50 =	vadd.s32 v3, v6;
	v54 =	vmul.f32 $8.000000000e+00, v45;
	[tilespmem:v44+s0+$0x0] =	vst.idx.msk $0xffff, v12;
	v59 =	vld [tilespmem:s10+$0xFFFFFFB0]  }
0xf2: {  	v57 =	vadd.s32 v3, v22;
	v14 =	vmul.f32 $8.000000000e+00, v14;
	[tilespmem:v46+s0+$0x0] =	vst.idx.msk $0xffff, v51;
	v55 =	vld [tilespmem:s10+$0xFFFFFFF0]  }
0xf3: {  	v62 =	vadd.s32 v3, v9;
	[tilespmem:v5+s0+$0x0] =	vst.idx.msk $0xffff, v54;
	v5 =	vmul.f32 $8.000000000e+00, v49;
	v58 =	vld [tilespmem:s10+$0x30]  }
0xf4: {  	v56 =	vmul.f32 $8.000000000e+00, v21;
	v60 =	vadd.s32 v3, v23;
	[tilespmem:v4+s0+$0x0] =	vst.idx.msk $0xffff, v14  }
0xf5: {  	v61 =	vadd.s32 v3, v26;
	[tilespmem:v52+s0+$0x0] =	vst.idx.msk $0xffff, v5;
	v5 =	vmul.f32 $8.000000000e+00, v10  }
0xf6: {  	[tilespmem:v50+s0+$0x0] =	vst.idx.msk $0xffff, v56;
	v63 =	vmul.f32 $8.000000000e+00, v59  }
0xf7: {  	v4 =	vmul.f32 $8.000000000e+00, v55;
	[tilespmem:v57+s0+$0x0] =	vst.idx.msk $0xffff, v5  }
0xf8: {  	v5 =	vmul.f32 $8.000000000e+00, v58;
	[tilespmem:v62+s0+$0x0] =	vst.idx.msk $0xffff, v63  }
0xf9: {  	[tilespmem:v60+s0+$0x0] =	vst.idx.msk $0xffff, v4  }
0xfa: {  	[tilespmem:v61+s0+$0x0] =	vst.idx.msk $0xffff, v5  }
0xfb: {  	s21 =	simm.s32 $0x10600;
	s16 =	rddreg [dreg:$0x4]  }
0xfc: {  	[hbm4b:s16+s3] =	stream.linear.scatter [tilespmem:s21], [sflag:$0x6], $0x80, $0x38;
	[tilespmem:$0x12800] =	vst v63  }
0xfd: {  	s10 =	simm.s32 $0x10688;
	s12 =	sadd.s32 $0x10, s16  }
0xfe: {  	[hbm4b:s12+s3] =	stream.linear.scatter [tilespmem:s10], [sflag:$0x6], $0x80, $0x38;
	[tilespmem:$0x12800] =	vst v63  }
0xff: {  	s13 =	simm.s32 $0x10710;
	s18 =	simm.s32 $0x10798;
	s15 =	sadd.s32 $0x20, s16  }
0x100: {  	[hbm4b:s15+s3] =	stream.linear.scatter [tilespmem:s13], [sflag:$0x6], $0x80, $0x38;
	[tilespmem:$0x12800] =	vst v63  }
0x101: {  	s6 =	simm.s32 $0x440;
	s21 =	sadd.s32 $0x30, s16;
	s10 =	simm.s32 $0x10820  }
0x102: {  	[hbm4b:s21+s3] =	stream.linear.scatter [tilespmem:s18], [sflag:$0x6], $0x80, $0x38;
	[tilespmem:$0x12800] =	vst v63  }
0x103: {  	s12 =	sadd.s32 $0x40, s16;
	s13 =	simm.s32 $0x108A8;
	s15 =	sadd.s32 $0x50, s16  }
0x104: {  	[hbm4b:s12+s3] =	stream.linear.scatter [tilespmem:s10], [sflag:$0x6], $0x80, $0x38;
	[tilespmem:$0x12800] =	vst v63  }
0x105: {  	s18 =	simm.s32 $0x10930;
	s21 =	sadd.s32 $0x60, s16;
	s12 =	simm.s32 $0x2200  }
0x106: {  	[hbm4b:s15+s3] =	stream.linear.scatter [tilespmem:s13], [sflag:$0x6], $0x80, $0x38;
	[tilespmem:$0x12800] =	vst v63  }
0x107: {  	s10 =	sadd.s32 $0x4000, s16;
	s13 =	simm.s32 $0x109B8;
	s15 =	sadd.s32 $0x70, s16  }
0x108: {  	[hbm4b:s21+s3] =	stream.linear.scatter [tilespmem:s18], [sflag:$0x6], $0x80, $0x38;
	[tilespmem:$0x12800] =	vst v63  }
.LBB2_8:
0x109: {  	[hbm4b:s15+s3] =	stream.linear.scatter [tilespmem:s13], [sflag:$0x6], $0x80, $0x38;
	[tilespmem:$0x12800] =	vst v63  }
0x10a: {  	s13 =	smov.u32 s6;
	s6 =	smov.u32 s12  }
0x10b: {  	s16 =	sadd.s32 $0x1100, s12;
	s6 =	sshra.s32 s6, $0x2;
	s15 =	sadd.s32 $0x10600, s13  }
0x10c: {  	[hbm4b:s10+s3] =	stream.linear.scatter [tilespmem:s15], [sflag:$0x6], $0x80, $0x38;
	[tilespmem:$0x12800] =	vst v63  }
0x10d: {  	p0 =	sne.s32 s12, $0x7700;
	s12 =	sadd.s32 $0x10688, s13;
	s15 =	sadd.s32 $0x10, s10  }
0x10e: {  	[hbm4b:s15+s3] =	stream.linear.scatter [tilespmem:s12], [sflag:$0x6], $0x80, $0x38;
	[tilespmem:$0x12800] =	vst v63  }
0x10f: {  	s12 =	sadd.s32 $0x10710, s13;
	s15 =	sadd.s32 $0x20, s10  }
0x110: {  	[hbm4b:s15+s3] =	stream.linear.scatter [tilespmem:s12], [sflag:$0x6], $0x80, $0x38;
	[tilespmem:$0x12800] =	vst v63  }
0x111: {  	s12 =	sadd.s32 $0x10798, s13;
	s15 =	sadd.s32 $0x30, s10  }
0x112: {  	[hbm4b:s15+s3] =	stream.linear.scatter [tilespmem:s12], [sflag:$0x6], $0x80, $0x38;
	[tilespmem:$0x12800] =	vst v63  }
0x113: {  	s12 =	sadd.s32 $0x10820, s13;
	s15 =	sadd.s32 $0x40, s10  }
0x114: {  	[hbm4b:s15+s3] =	stream.linear.scatter [tilespmem:s12], [sflag:$0x6], $0x80, $0x38;
	[tilespmem:$0x12800] =	vst v63  }
.Ltmp3:
0x115: {  	s12 =	sadd.s32 $0x108A8, s13;
	s15 =	sadd.s32 $0x50, s10;
	(pc) =	sbr.rel @p0 .LBB2_8-.Ltmp3, $4  }
0x116: {  	[hbm4b:s15+s3] =	stream.linear.scatter [tilespmem:s12], [sflag:$0x6], $0x80, $0x38;
	[tilespmem:$0x12800] =	vst v63  }
0x117: {  	s12 =	sadd.s32 $0x10930, s13;
	s15 =	sadd.s32 $0x60, s10;
	s13 =	sadd.s32 $0x109B8, s13  }
0x118: {  	[hbm4b:s15+s3] =	stream.linear.scatter [tilespmem:s12], [sflag:$0x6], $0x80, $0x38;
	[tilespmem:$0x12800] =	vst v63  }
0x119: {  	s15 =	sadd.s32 $0x70, s10;
	s10 =	sadd.s32 $0x4000, s10;
	s12 =	smov.u32 s16  }
0x11a: {  	[hbm4b:s15+s3] =	stream.linear.scatter [tilespmem:s13], [sflag:$0x6], $0x80, $0x38;
	[tilespmem:$0x12800] =	vst v63  }
0x11b: {  	s12 =	sadd.s32 $0x10600, s6  }
0x11c: {  	[hbm4b:s10+s3] =	stream.linear.scatter [tilespmem:s12], [sflag:$0x6], $0x80, $0x38;
	[tilespmem:$0x12800] =	vst v63  }
0x11d: {  	s15 =	sadd.s32 $0x10688, s6;
	s16 =	sadd.s32 $0x10, s10  }
0x11e: {  	[hbm4b:s16+s3] =	stream.linear.scatter [tilespmem:s15], [sflag:$0x6], $0x80, $0x38;
	[tilespmem:$0x12800] =	vst v63  }
0x11f: {  	s18 =	sadd.s32 $0x10710, s6;
	s21 =	sadd.s32 $0x20, s10  }
0x120: {  	[hbm4b:s21+s3] =	stream.linear.scatter [tilespmem:s18], [sflag:$0x6], $0x80, $0x38;
	[tilespmem:$0x12800] =	vst v63  }
0x121: {  	s15 =	sadd.s32 $0x10798, s6;
	s16 =	sadd.s32 $0x30, s10  }
0x122: {  	[hbm4b:s16+s3] =	stream.linear.scatter [tilespmem:s15], [sflag:$0x6], $0x80, $0x38;
	[tilespmem:$0x12800] =	vst v63  }
0x123: {  	s18 =	sadd.s32 $0x10820, s6;
	s21 =	sadd.s32 $0x40, s10  }
0x124: {  	[hbm4b:s21+s3] =	stream.linear.scatter [tilespmem:s18], [sflag:$0x6], $0x80, $0x38;
	[tilespmem:$0x12800] =	vst v63  }
0x125: {  	s15 =	sadd.s32 $0x108A8, s6;
	s16 =	sadd.s32 $0x50, s10  }
0x126: {  	[hbm4b:s16+s3] =	stream.linear.scatter [tilespmem:s15], [sflag:$0x6], $0x80, $0x38;
	[tilespmem:$0x12800] =	vst v63  }
0x127: {  	s18 =	sadd.s32 $0x10930, s6;
	s21 =	sadd.s32 $0x60, s10  }
0x128: {  	[hbm4b:s21+s3] =	stream.linear.scatter [tilespmem:s18], [sflag:$0x6], $0x80, $0x38;
	[tilespmem:$0x12800] =	vst v63  }
0x129: {  	s15 =	sadd.s32 $0x109B8, s6;
	s16 =	sadd.s32 $0x70, s10  }
0x12a: {  	[hbm4b:s16+s3] =	stream.linear.scatter [tilespmem:s15], [sflag:$0x6], $0x80, $0x38;
	[tilespmem:$0x12800] =	vst v63  }
0x12b: {  	_ = 	snop  }
0x12c: {  	[tilespmem:s23], [sflag:$0x1] =	stream.indirect.gather [hbm4b:s4+s22], $0x40, s17, s22, $0xb8;
	[tilespmem:$0x12800] =	vst v63  }
0x12d: {  	_ =	swait.ge [sflag:s20], $0x2000  }
0x12e: {  	[sflag:s20] =	ssyncset.done $0x0  }
0x12f: {  	[sflag:s20] =	ssyncadd.s32 $0xFFFFE000  }
0x130: {  	_ =	swait.ge [sflag:s25], $0x2000  }
0x131: {  	[sflag:s25] =	ssyncset.done $0x0  }
0x132: {  	s13 =	simm.s32 $0xA480;
	s18 =	simm.s32 $0x3;
	[sflag:s25] =	ssyncadd.s32 $0xFFFFE000  }
0x133: {  	v4 =	vmov s18;
	v5 =	vld [tilespmem:s13+$0x40]  }
0x134: {  	v9 =	vand.u32 $0x7F, v4  }
0x135: {  	s21 =	simm.s32 $0x0;
	v4 =	vadd.s32 v0, v9  }
0x136: {  	s12 =	simm.s32 $0x2;
	s10 =	simm.s32 $0x1;
	v6 =	vmov s21;
	v7 =	vld [tilespmem:s13+$0xFFFFFF80]  }
0x137: {  	v11 =	vmov s12;
	v8 =	vand.u32 $0x7C, v6;
	v6 =	vmov s10;
	v10 =	vld [tilespmem:s13+$0xFFFFFFC0]  }
0x138: {  	v12 =	vadd.s32 v0, v8;
	v15 =	vand.u32 $0x7D, v6;
	v6 =	vld [tilespmem:s13+$0x0];
	v5 =	vmul.f32 $8.000000000e+00, v5  }
0x139: {  	v17 =	vand.u32 $0x7E, v11;
	v13 =	vadd.s32 v0, v15  }
0x13a: {  	v11 =	vadd.s32 v0, v17;
	[tilespmem:v4+s29+$0x0] =	vst.idx.msk $0xffff, v5  }
0x13b: {  	v4 =	vmul.f32 $8.000000000e+00, v7;
	v5 =	vld [tilespmem:s13+$0x50]  }
0x13c: {  	v7 =	vmul.f32 $8.000000000e+00, v10  }
0x13d: {  	[tilespmem:v12+s29+$0x0] =	vst.idx.msk $0xffff, v4;
	v4 =	vmul.f32 $8.000000000e+00, v6;
	v6 =	vadd.s32 v1, v9  }
0x13e: {  	[tilespmem:v13+s29+$0x0] =	vst.idx.msk $0xffff, v7;
	v10 =	vld [tilespmem:s13+$0xFFFFFF90]  }
0x13f: {  	v7 =	vld [tilespmem:s13+$0xFFFFFFD0];
	[tilespmem:v11+s29+$0x0] =	vst.idx.msk $0xffff, v4  }
0x140: {  	v11 =	vld [tilespmem:s13+$0x10];
	v4 =	vmul.f32 $8.000000000e+00, v5  }
0x141: {  	s6 =	simm.s32 $0xA580;
	s15 =	simm.s32 $0x4;
	s16 =	simm.s32 $0x7;
	v12 =	vadd.s32 v1, v15  }
0x142: {  	v14 =	vld [tilespmem:s6+$0x40];
	v13 =	vadd.s32 v1, v17;
	v5 =	vmov s15;
	[tilespmem:v6+s29+$0x0] =	vst.idx.msk $0xffff, v4;
	v6 =	vmov s16  }
0x143: {  	v16 =	vadd.s32 v1, v8;
	v4 =	vand.u32 $0x7C, v5;
	v5 =	vand.u32 $0x7F, v6;
	v18 =	vld [tilespmem:s13+$0x60]  }
0x144: {  	v22 =	vadd.s32 v2, v9;
	s17 =	simm.s32 $0x5;
	v19 =	vld [tilespmem:s6+$0xFFFFFF80];
	v6 =	vmul.f32 $8.000000000e+00, v7;
	v20 =	vadd.s32 v0, v5  }
0x145: {  	s18 =	simm.s32 $0x6;
	v21 =	vld [tilespmem:s6+$0xFFFFFFC0];
	v10 =	vmul.f32 $8.000000000e+00, v10;
	v7 =	vmul.f32 $8.000000000e+00, v11;
	v11 =	vmov s17  }
0x146: {  	v23 =	vadd.s32 v0, v4;
	[tilespmem:v12+s29+$0x0] =	vst.idx.msk $0xffff, v6;
	v12 =	vmov s18;
	v6 =	vand.u32 $0x7D, v11;
	v11 =	vld [tilespmem:s6+$0x0]  }
0x147: {  	[tilespmem:v13+s29+$0x0] =	vst.idx.msk $0xffff, v7;
	v13 =	vadd.s32 v0, v6;
	v7 =	vand.u32 $0x7E, v12;
	v12 =	vmul.f32 $8.000000000e+00, v14;
	v14 =	vld [tilespmem:s13+$0xFFFFFFE0]  }
0x148: {  	[tilespmem:v16+s29+$0x0] =	vst.idx.msk $0xffff, v10;
	v10 =	vadd.s32 v0, v7;
	v16 =	vld [tilespmem:s13+$0x20];
	v18 =	vmul.f32 $8.000000000e+00, v18  }
0x149: {  	v19 =	vmul.f32 $8.000000000e+00, v19;
	[tilespmem:v20+s29+$0x0] =	vst.idx.msk $0xffff, v12;
	v12 =	vld [tilespmem:s13+$0xFFFFFFA0];
	v20 =	vadd.s32 v2, v15  }
0x14a: {  	v25 =	vadd.s32 v2, v17;
	v21 =	vmul.f32 $8.000000000e+00, v21;
	v24 =	vld [tilespmem:s6+$0x50];
	[tilespmem:v22+s29+$0x0] =	vst.idx.msk $0xffff, v18  }
0x14b: {  	[tilespmem:v23+s29+$0x0] =	vst.idx.msk $0xffff, v19;
	v19 =	vadd.s32 v2, v8;
	v11 =	vmul.f32 $8.000000000e+00, v11;
	v22 =	vld [tilespmem:s13+$0x70]  }
0x14c: {  	v23 =	vld [tilespmem:s6+$0xFFFFFF90];
	[tilespmem:v13+s29+$0x0] =	vst.idx.msk $0xffff, v21;
	v21 =	vadd.s32 v1, v5;
	v14 =	vmul.f32 $8.000000000e+00, v14  }
0x14d: {  	v27 =	vadd.s32 v3, v9;
	v26 =	vld [tilespmem:s6+$0xFFFFFFD0];
	[tilespmem:v10+s29+$0x0] =	vst.idx.msk $0xffff, v11;
	v10 =	vmul.f32 $8.000000000e+00, v16  }
0x14e: {  	v18 =	vadd.s32 v1, v4;
	v13 =	vld [tilespmem:s6+$0x10];
	v9 =	vmul.f32 $8.000000000e+00, v12;
	[tilespmem:v20+s29+$0x0] =	vst.idx.msk $0xffff, v14  }
0x14f: {  	s12 =	simm.s32 $0x8;
	v16 =	vadd.s32 v1, v6;
	[tilespmem:v25+s29+$0x0] =	vst.idx.msk $0xffff, v10;
	v14 =	vmul.f32 $8.000000000e+00, v24;
	v12 =	vld [tilespmem:s13+$0xFFFFFFF0]  }
0x150: {  	v20 =	vmov s12;
	v10 =	vadd.s32 v1, v7;
	v11 =	vld [tilespmem:s13+$0x30];
	[tilespmem:v19+s29+$0x0] =	vst.idx.msk $0xffff, v9;
	v63 =	vmul.f32 $8.000000000e+00, v22  }
0x151: {  	s21 =	simm.s32 $0xB;
	s10 =	simm.s32 $0xA680;
	v15 =	vadd.s32 v3, v15;
	v9 =	vand.u32 $0x7C, v20;
	v20 =	vmul.f32 $8.000000000e+00, v23;
	[tilespmem:v21+s29+$0x0] =	vst.idx.msk $0xffff, v14;
	v14 =	vld [tilespmem:s13+$0xFFFFFFB0]  }
0x152: {  	v17 =	vadd.s32 v3, v17;
	v22 =	vmov s21;
	v19 =	vld [tilespmem:s10+$0x40];
	s13 =	simm.s32 $0xC;
	v21 =	vmul.f32 $8.000000000e+00, v26;
	[tilespmem:v27+s29+$0x0] =	vst.idx.msk $0xffff, v63  }
.LBB2_10:
0x153: {  	p0 =	slt.u32 s13, $0x7C;
	s15 =	sadd.s32 $0x1, s12;
	v22 =	vand.u32 $0x7F, v22;
	[tilespmem:v18+s29+$0x0] =	vst.idx.msk $0xffff, v20;
	v13 =	vmul.f32 $8.000000000e+00, v13;
	v18 =	vld [tilespmem:s6+$0x60];
	v20 =	vadd.s32 v3, v8;
	v8 =	vmovc v4  }
0x154: {  	v4 =	vmovc v9;
	v23 =	vld [tilespmem:s10+$0xFFFFFF80];
	v24 =	vmov s15;
	s15 =	sadd.s32 $0x2, s12;
	v25 =	vadd.s32 v0, v22;
	[tilespmem:v16+s29+$0x0] =	vst.idx.msk $0xffff, v21;
	v12 =	vmul.f32 $8.000000000e+00, v12;
	s12 =	smov.u32 s13  }
0x155: {  	v9 =	vld [tilespmem:s10+$0xFFFFFFC0];
	v16 =	vmov s15;
	[tilespmem:v10+s29+$0x0] =	vst.idx.msk $0xffff, v13;
	v10 =	vadd.s32 v2, v5;
	v11 =	vmul.f32 $8.000000000e+00, v11  }
0x156: {  	v13 =	vadd.s32 v0, v4;
	v21 =	vand.u32 $0x7D, v24;
	v24 =	vld [tilespmem:s10+$0x0];
	v14 =	vmul.f32 $8.000000000e+00, v14;
	[tilespmem:v15+s29+$0x0] =	vst.idx.msk $0xffff, v12  }
0x157: {  	v12 =	vadd.s32 v0, v21;
	v26 =	vand.u32 $0x7E, v16;
	v15 =	vmul.f32 $8.000000000e+00, v19;
	v16 =	vld [tilespmem:s6+$0xFFFFFFE0];
	[tilespmem:v17+s29+$0x0] =	vst.idx.msk $0xffff, v11  }
0x158: {  	v11 =	vadd.s32 v0, v26;
	v17 =	vld [tilespmem:s6+$0x20];
	v18 =	vmul.f32 $8.000000000e+00, v18;
	[tilespmem:v20+s29+$0x0] =	vst.idx.msk $0xffff, v14  }
0x159: {  	v19 =	vadd.s32 v2, v6;
	v14 =	vmul.f32 $8.000000000e+00, v23;
	[tilespmem:v25+s29+$0x0] =	vst.idx.msk $0xffff, v15;
	v15 =	vld [tilespmem:s6+$0xFFFFFFA0]  }
0x15a: {  	v23 =	vadd.s32 v2, v7;
	v9 =	vmul.f32 $8.000000000e+00, v9;
	v20 =	vld [tilespmem:s10+$0x50];
	[tilespmem:v10+s29+$0x0] =	vst.idx.msk $0xffff, v18  }
0x15b: {  	[tilespmem:v13+s29+$0x0] =	vst.idx.msk $0xffff, v14;
	v10 =	vmul.f32 $8.000000000e+00, v24;
	v14 =	vadd.s32 v2, v8;
	v24 =	vld [tilespmem:s6+$0x70]  }
0x15c: {  	v27 =	vadd.s32 v1, v22;
	v25 =	vld [tilespmem:s10+$0xFFFFFF90];
	[tilespmem:v12+s29+$0x0] =	vst.idx.msk $0xffff, v9;
	v9 =	vmul.f32 $8.000000000e+00, v16  }
0x15d: {  	v29 =	vadd.s32 v3, v5;
	v5 =	vmov v22;
	v28 =	vld [tilespmem:s10+$0xFFFFFFD0];
	[tilespmem:v11+s29+$0x0] =	vst.idx.msk $0xffff, v10;
	v10 =	vmul.f32 $8.000000000e+00, v17  }
.Ltmp4:
0x15e: {  	v18 =	vadd.s32 v1, v4;
	v13 =	vld [tilespmem:s10+$0x10];
	v11 =	vmul.f32 $8.000000000e+00, v15;
	[tilespmem:v19+s29+$0x0] =	vst.idx.msk $0xffff, v9;
	(pc) =	sbr.rel @p0 .LBB2_10-.Ltmp4, $4  }
0x15f: {  	v16 =	vadd.s32 v1, v21;
	v15 =	vmul.f32 $8.000000000e+00, v20;
	v12 =	vld [tilespmem:s6+$0xFFFFFFF0];
	[tilespmem:v23+s29+$0x0] =	vst.idx.msk $0xffff, v10  }
0x160: {  	v9 =	vmov s13;
	v10 =	vadd.s32 v1, v26;
	[tilespmem:v14+s29+$0x0] =	vst.idx.msk $0xffff, v11;
	v11 =	vld [tilespmem:s6+$0x30];
	v23 =	vmul.f32 $8.000000000e+00, v24  }
0x161: {  	s15 =	sadd.s32 $0x3, s13;
	v9 =	vand.u32 $0x7C, v9;
	v20 =	vmul.f32 $8.000000000e+00, v25;
	[tilespmem:v27+s29+$0x0] =	vst.idx.msk $0xffff, v15;
	v14 =	vld [tilespmem:s6+$0xFFFFFFB0];
	v15 =	vadd.s32 v3, v6;
	v6 =	vmovc v21;
	s6 =	smov.u32 s10;
	s10 =	sadd.s32 $0x100, s10  }
0x162: {  	v22 =	vmov s15;
	v17 =	vadd.s32 v3, v7;
	v7 =	vmovc v26;
	s13 =	sadd.s32 $0x4, s13;
	v19 =	vld [tilespmem:s10+$0x40];
	v21 =	vmul.f32 $8.000000000e+00, v28;
	[tilespmem:v29+s29+$0x0] =	vst.idx.msk $0xffff, v23  }
0x163: {  	s13 =	sadd.s32 $0x1, s12;
	v22 =	vand.u32 $0x7F, v22;
	v28 =	vld [tilespmem:s10+$0xFFFFFF80]  }
0x164: {  	s21 =	sadd.s32 $0x2, s12;
	v24 =	vld [tilespmem:s10+$0xFFFFFFC0];
	v23 =	vmov s13;
	v25 =	vadd.s32 v0, v22  }
0x165: {  	v27 =	vld [tilespmem:s10+$0x0];
	v51 =	vadd.s32 v0, v9;
	v26 =	vmov s21;
	v23 =	vand.u32 $0x7D, v23  }
0x166: {  	v26 =	vand.u32 $0x7E, v26;
	v29 =	vadd.s32 v0, v23  }
0x167: {  	[tilespmem:v18+s29+$0x0] =	vst.idx.msk $0xffff, v20;
	v30 =	vadd.s32 v0, v26;
	v19 =	vmul.f32 $8.000000000e+00, v19  }
0x168: {  	[tilespmem:v16+s29+$0x0] =	vst.idx.msk $0xffff, v21;
	v54 =	vmul.f32 $8.000000000e+00, v28  }
0x169: {  	v52 =	vmul.f32 $8.000000000e+00, v24;
	[tilespmem:v25+s29+$0x0] =	vst.idx.msk $0xffff, v19  }
0x16a: {  	v53 =	vmul.f32 $8.000000000e+00, v27;
	v55 =	vld [tilespmem:s10+$0x50];
	[tilespmem:v51+s29+$0x0] =	vst.idx.msk $0xffff, v54  }
0x16b: {  	v13 =	vmul.f32 $8.000000000e+00, v13;
	v8 =	vadd.s32 v3, v8;
	[tilespmem:v29+s29+$0x0] =	vst.idx.msk $0xffff, v52;
	v59 =	vld [tilespmem:s10+$0xFFFFFF90]  }
0x16c: {  	v12 =	vmul.f32 $8.000000000e+00, v12;
	v57 =	vadd.s32 v1, v22;
	[tilespmem:v30+s29+$0x0] =	vst.idx.msk $0xffff, v53;
	v56 =	vld [tilespmem:s10+$0xFFFFFFD0]  }
0x16d: {  	[tilespmem:v10+s29+$0x0] =	vst.idx.msk $0xffff, v13;
	v58 =	vmul.f32 $8.000000000e+00, v11;
	v28 =	vadd.s32 v1, v9;
	v19 =	vld [tilespmem:s10+$0x10]  }
0x16e: {  	v61 =	vld [tilespmem:s6+$0x60];
	v60 =	vadd.s32 v1, v23;
	v14 =	vmul.f32 $8.000000000e+00, v14;
	[tilespmem:v15+s29+$0x0] =	vst.idx.msk $0xffff, v12  }
0x16f: {  	v32 =	vld [tilespmem:s6+$0xFFFFFFA0];
	v62 =	vadd.s32 v1, v26;
	[tilespmem:v17+s29+$0x0] =	vst.idx.msk $0xffff, v58;
	v16 =	vmul.f32 $8.000000000e+00, v55  }
0x170: {  	[tilespmem:v8+s29+$0x0] =	vst.idx.msk $0xffff, v14;
	v29 =	vadd.s32 v2, v5;
	v30 =	vld [tilespmem:s6+$0x20];
	v11 =	vmul.f32 $8.000000000e+00, v59  }
0x171: {  	v38 =	vadd.s32 v2, v4;
	v63 =	vld [tilespmem:s6+$0xFFFFFFE0];
	v31 =	vmul.f32 $8.000000000e+00, v56;
	[tilespmem:v57+s29+$0x0] =	vst.idx.msk $0xffff, v16  }
0x172: {  	v35 =	vadd.s32 v2, v7;
	v34 =	vmul.f32 $8.000000000e+00, v19;
	v36 =	vld [tilespmem:s10+$0x60];
	[tilespmem:v28+s29+$0x0] =	vst.idx.msk $0xffff, v11  }
0x173: {  	v33 =	vadd.s32 v2, v6;
	v37 =	vmul.f32 $8.000000000e+00, v61;
	[tilespmem:v60+s29+$0x0] =	vst.idx.msk $0xffff, v31;
	v43 =	vld [tilespmem:s10+$0xFFFFFFA0]  }
0x174: {  	v40 =	vadd.s32 v2, v22;
	v14 =	vmul.f32 $8.000000000e+00, v32;
	[tilespmem:v62+s29+$0x0] =	vst.idx.msk $0xffff, v34;
	v39 =	vld [tilespmem:s10+$0xFFFFFFE0]  }
0x175: {  	v48 =	vadd.s32 v2, v9;
	[tilespmem:v29+s29+$0x0] =	vst.idx.msk $0xffff, v37;
	v42 =	vmul.f32 $8.000000000e+00, v30;
	v41 =	vld [tilespmem:s10+$0x20]  }
0x176: {  	v44 =	vadd.s32 v2, v23;
	v15 =	vmul.f32 $8.000000000e+00, v63;
	[tilespmem:v38+s29+$0x0] =	vst.idx.msk $0xffff, v14;
	v45 =	vld [tilespmem:s6+$0x70]  }
0x177: {  	v46 =	vadd.s32 v2, v26;
	v14 =	vld [tilespmem:s6+$0xFFFFFFB0];
	[tilespmem:v35+s29+$0x0] =	vst.idx.msk $0xffff, v42;
	v47 =	vmul.f32 $8.000000000e+00, v36  }
0x178: {  	v5 =	vadd.s32 v3, v5;
	[tilespmem:v33+s29+$0x0] =	vst.idx.msk $0xffff, v15;
	v49 =	vld [tilespmem:s6+$0x30];
	v53 =	vmul.f32 $8.000000000e+00, v43  }
0x179: {  	v4 =	vadd.s32 v3, v4;
	v21 =	vld [tilespmem:s6+$0xFFFFFFF0];
	v12 =	vmul.f32 $8.000000000e+00, v39;
	[tilespmem:v40+s29+$0x0] =	vst.idx.msk $0xffff, v47  }
0x17a: {  	v52 =	vadd.s32 v3, v7;
	v51 =	vmul.f32 $8.000000000e+00, v41;
	v10 =	vld [tilespmem:s10+$0x70];
	[tilespmem:v48+s29+$0x0] =	vst.idx.msk $0xffff, v53  }
0x17b: {  	v50 =	vadd.s32 v3, v6;
	v54 =	vmul.f32 $8.000000000e+00, v45;
	[tilespmem:v44+s29+$0x0] =	vst.idx.msk $0xffff, v12;
	v59 =	vld [tilespmem:s10+$0xFFFFFFB0]  }
0x17c: {  	v57 =	vadd.s32 v3, v22;
	v14 =	vmul.f32 $8.000000000e+00, v14;
	[tilespmem:v46+s29+$0x0] =	vst.idx.msk $0xffff, v51;
	v55 =	vld [tilespmem:s10+$0xFFFFFFF0]  }
0x17d: {  	v62 =	vadd.s32 v3, v9;
	[tilespmem:v5+s29+$0x0] =	vst.idx.msk $0xffff, v54;
	v5 =	vmul.f32 $8.000000000e+00, v49;
	v58 =	vld [tilespmem:s10+$0x30]  }
0x17e: {  	v56 =	vmul.f32 $8.000000000e+00, v21;
	v60 =	vadd.s32 v3, v23;
	[tilespmem:v4+s29+$0x0] =	vst.idx.msk $0xffff, v14  }
0x17f: {  	v61 =	vadd.s32 v3, v26;
	[tilespmem:v52+s29+$0x0] =	vst.idx.msk $0xffff, v5;
	v5 =	vmul.f32 $8.000000000e+00, v10  }
0x180: {  	[tilespmem:v50+s29+$0x0] =	vst.idx.msk $0xffff, v56;
	v63 =	vmul.f32 $8.000000000e+00, v59  }
0x181: {  	v4 =	vmul.f32 $8.000000000e+00, v55;
	[tilespmem:v57+s29+$0x0] =	vst.idx.msk $0xffff, v5  }
0x182: {  	v5 =	vmul.f32 $8.000000000e+00, v58;
	[tilespmem:v62+s29+$0x0] =	vst.idx.msk $0xffff, v63  }
0x183: {  	[tilespmem:v60+s29+$0x0] =	vst.idx.msk $0xffff, v4  }
0x184: {  	[tilespmem:v61+s29+$0x0] =	vst.idx.msk $0xffff, v5  }
0x185: {  	s10 =	simm.s32 $0xE400;
	s16 =	rddreg [dreg:$0x5]  }
0x186: {  	[hbm4b:s16+s3] =	stream.linear.scatter [tilespmem:s10], [sflag:$0x5], $0x80, $0x38;
	[tilespmem:$0x12800] =	vst v63  }
0x187: {  	s12 =	simm.s32 $0xE488;
	s13 =	sadd.s32 $0x10, s16  }
0x188: {  	[hbm4b:s13+s3] =	stream.linear.scatter [tilespmem:s12], [sflag:$0x5], $0x80, $0x38;
	[tilespmem:$0x12800] =	vst v63  }
0x189: {  	s15 =	simm.s32 $0xE510;
	s18 =	simm.s32 $0xE598;
	s17 =	sadd.s32 $0x20, s16  }
0x18a: {  	[hbm4b:s17+s3] =	stream.linear.scatter [tilespmem:s15], [sflag:$0x5], $0x80, $0x38;
	[tilespmem:$0x12800] =	vst v63  }
0x18b: {  	s6 =	simm.s32 $0x440;
	s21 =	sadd.s32 $0x30, s16;
	s10 =	sadd.s32 $0x4000, s16  }
0x18c: {  	[hbm4b:s21+s3] =	stream.linear.scatter [tilespmem:s18], [sflag:$0x5], $0x80, $0x38;
	[tilespmem:$0x12800] =	vst v63  }
0x18d: {  	s12 =	simm.s32 $0xE620;
	s13 =	sadd.s32 $0x40, s16;
	s15 =	simm.s32 $0xE6A8  }
0x18e: {  	[hbm4b:s13+s3] =	stream.linear.scatter [tilespmem:s12], [sflag:$0x5], $0x80, $0x38;
	[tilespmem:$0x12800] =	vst v63  }
0x18f: {  	s17 =	sadd.s32 $0x50, s16;
	s18 =	simm.s32 $0xE730;
	s21 =	sadd.s32 $0x60, s16  }
0x190: {  	[hbm4b:s17+s3] =	stream.linear.scatter [tilespmem:s15], [sflag:$0x5], $0x80, $0x38;
	[tilespmem:$0x12800] =	vst v63  }
0x191: {  	s12 =	simm.s32 $0x2200;
	s13 =	simm.s32 $0xE7B8;
	s15 =	sadd.s32 $0x70, s16  }
0x192: {  	[hbm4b:s21+s3] =	stream.linear.scatter [tilespmem:s18], [sflag:$0x5], $0x80, $0x38;
	[tilespmem:$0x12800] =	vst v63  }
.LBB2_12:
0x193: {  	[hbm4b:s15+s3] =	stream.linear.scatter [tilespmem:s13], [sflag:$0x5], $0x80, $0x38;
	[tilespmem:$0x12800] =	vst v63  }
0x194: {  	s13 =	smov.u32 s6;
	s6 =	smov.u32 s12  }
0x195: {  	s16 =	sadd.s32 $0x1100, s12;
	s6 =	sshra.s32 s6, $0x2;
	s15 =	sadd.s32 $0xE400, s13  }
0x196: {  	[hbm4b:s10+s3] =	stream.linear.scatter [tilespmem:s15], [sflag:$0x5], $0x80, $0x38;
	[tilespmem:$0x12800] =	vst v63  }
0x197: {  	p0 =	sne.s32 s12, $0x7700;
	s12 =	sadd.s32 $0xE488, s13;
	s15 =	sadd.s32 $0x10, s10  }
0x198: {  	[hbm4b:s15+s3] =	stream.linear.scatter [tilespmem:s12], [sflag:$0x5], $0x80, $0x38;
	[tilespmem:$0x12800] =	vst v63  }
0x199: {  	s12 =	sadd.s32 $0xE510, s13;
	s15 =	sadd.s32 $0x20, s10  }
0x19a: {  	[hbm4b:s15+s3] =	stream.linear.scatter [tilespmem:s12], [sflag:$0x5], $0x80, $0x38;
	[tilespmem:$0x12800] =	vst v63  }
0x19b: {  	s12 =	sadd.s32 $0xE598, s13;
	s15 =	sadd.s32 $0x30, s10  }
0x19c: {  	[hbm4b:s15+s3] =	stream.linear.scatter [tilespmem:s12], [sflag:$0x5], $0x80, $0x38;
	[tilespmem:$0x12800] =	vst v63  }
0x19d: {  	s12 =	sadd.s32 $0xE620, s13;
	s15 =	sadd.s32 $0x40, s10  }
0x19e: {  	[hbm4b:s15+s3] =	stream.linear.scatter [tilespmem:s12], [sflag:$0x5], $0x80, $0x38;
	[tilespmem:$0x12800] =	vst v63  }
.Ltmp5:
0x19f: {  	s12 =	sadd.s32 $0xE6A8, s13;
	s15 =	sadd.s32 $0x50, s10;
	(pc) =	sbr.rel @p0 .LBB2_12-.Ltmp5, $4  }
0x1a0: {  	[hbm4b:s15+s3] =	stream.linear.scatter [tilespmem:s12], [sflag:$0x5], $0x80, $0x38;
	[tilespmem:$0x12800] =	vst v63  }
0x1a1: {  	s12 =	sadd.s32 $0xE730, s13;
	s15 =	sadd.s32 $0x60, s10;
	s13 =	sadd.s32 $0xE7B8, s13  }
0x1a2: {  	[hbm4b:s15+s3] =	stream.linear.scatter [tilespmem:s12], [sflag:$0x5], $0x80, $0x38;
	[tilespmem:$0x12800] =	vst v63  }
0x1a3: {  	s15 =	sadd.s32 $0x70, s10;
	s10 =	sadd.s32 $0x4000, s10;
	s12 =	smov.u32 s16  }
0x1a4: {  	[hbm4b:s15+s3] =	stream.linear.scatter [tilespmem:s13], [sflag:$0x5], $0x80, $0x38;
	[tilespmem:$0x12800] =	vst v63  }
0x1a5: {  	s12 =	sadd.s32 $0xE400, s6  }
0x1a6: {  	[hbm4b:s10+s3] =	stream.linear.scatter [tilespmem:s12], [sflag:$0x5], $0x80, $0x38;
	[tilespmem:$0x12800] =	vst v63  }
0x1a7: {  	s13 =	sadd.s32 $0xE488, s6;
	s15 =	sadd.s32 $0x10, s10  }
0x1a8: {  	[hbm4b:s15+s3] =	stream.linear.scatter [tilespmem:s13], [sflag:$0x5], $0x80, $0x38;
	[tilespmem:$0x12800] =	vst v63  }
0x1a9: {  	s16 =	sadd.s32 $0xE510, s6;
	s17 =	sadd.s32 $0x20, s10  }
0x1aa: {  	[hbm4b:s17+s3] =	stream.linear.scatter [tilespmem:s16], [sflag:$0x5], $0x80, $0x38;
	[tilespmem:$0x12800] =	vst v63  }
0x1ab: {  	s18 =	sadd.s32 $0xE598, s6;
	s21 =	sadd.s32 $0x30, s10  }
0x1ac: {  	[hbm4b:s21+s3] =	stream.linear.scatter [tilespmem:s18], [sflag:$0x5], $0x80, $0x38;
	[tilespmem:$0x12800] =	vst v63  }
0x1ad: {  	s13 =	sadd.s32 $0xE620, s6;
	s15 =	sadd.s32 $0x40, s10  }
0x1ae: {  	[hbm4b:s15+s3] =	stream.linear.scatter [tilespmem:s13], [sflag:$0x5], $0x80, $0x38;
	[tilespmem:$0x12800] =	vst v63  }
0x1af: {  	s16 =	sadd.s32 $0xE6A8, s6;
	s17 =	sadd.s32 $0x50, s10  }
0x1b0: {  	[hbm4b:s17+s3] =	stream.linear.scatter [tilespmem:s16], [sflag:$0x5], $0x80, $0x38;
	[tilespmem:$0x12800] =	vst v63  }
0x1b1: {  	s18 =	sadd.s32 $0xE730, s6;
	s21 =	sadd.s32 $0x60, s10  }
0x1b2: {  	[hbm4b:s21+s3] =	stream.linear.scatter [tilespmem:s18], [sflag:$0x5], $0x80, $0x38;
	[tilespmem:$0x12800] =	vst v63  }
0x1b3: {  	s15 =	sadd.s32 $0xE7B8, s6;
	s16 =	sadd.s32 $0x70, s10  }
0x1b4: {  	[hbm4b:s16+s3] =	stream.linear.scatter [tilespmem:s15], [sflag:$0x5], $0x80, $0x38;
	[tilespmem:$0x12800] =	vst v63  }
0x1b5: {  	s17 =	simm.s32 $0x280  }
0x1b6: {  	[tilespmem:s24], [sflag:$0x2] =	stream.indirect.gather [hbm4b:s4+s22], $0x40, s17, s22, $0xb8;
	[tilespmem:$0x12800] =	vst v63  }
0x1b7: {  	_ =	swait.ge [sflag:s30], $0x2000  }
0x1b8: {  	[sflag:s30] =	ssyncset.done $0x0  }
0x1b9: {  	[sflag:s30] =	ssyncadd.s32 $0xFFFFE000  }
0x1ba: {  	_ =	swait.ge [sflag:s19], $0x2000  }
0x1bb: {  	[sflag:s19] =	ssyncset.done $0x0  }
0x1bc: {  	s13 =	simm.s32 $0xC480;
	s18 =	simm.s32 $0x3;
	[sflag:s19] =	ssyncadd.s32 $0xFFFFE000  }
0x1bd: {  	v4 =	vmov s18;
	v5 =	vld [tilespmem:s13+$0x40]  }
0x1be: {  	v9 =	vand.u32 $0x7F, v4  }
0x1bf: {  	s21 =	simm.s32 $0x0;
	v4 =	vadd.s32 v0, v9  }
0x1c0: {  	s12 =	simm.s32 $0x2;
	s10 =	simm.s32 $0x1;
	v6 =	vmov s21;
	v7 =	vld [tilespmem:s13+$0xFFFFFF80]  }
0x1c1: {  	v11 =	vmov s12;
	v8 =	vand.u32 $0x7C, v6;
	v6 =	vmov s10;
	v10 =	vld [tilespmem:s13+$0xFFFFFFC0]  }
0x1c2: {  	v12 =	vadd.s32 v0, v8;
	v15 =	vand.u32 $0x7D, v6;
	v6 =	vld [tilespmem:s13+$0x0];
	v5 =	vmul.f32 $8.000000000e+00, v5  }
0x1c3: {  	v17 =	vand.u32 $0x7E, v11;
	v13 =	vadd.s32 v0, v15  }
0x1c4: {  	v11 =	vadd.s32 v0, v17;
	[tilespmem:v4+s0+$0x0] =	vst.idx.msk $0xffff, v5  }
0x1c5: {  	v4 =	vmul.f32 $8.000000000e+00, v7;
	v5 =	vld [tilespmem:s13+$0x50]  }
0x1c6: {  	v7 =	vmul.f32 $8.000000000e+00, v10  }
0x1c7: {  	[tilespmem:v12+s0+$0x0] =	vst.idx.msk $0xffff, v4;
	v4 =	vmul.f32 $8.000000000e+00, v6;
	v6 =	vadd.s32 v1, v9  }
0x1c8: {  	[tilespmem:v13+s0+$0x0] =	vst.idx.msk $0xffff, v7;
	v10 =	vld [tilespmem:s13+$0xFFFFFF90]  }
0x1c9: {  	v7 =	vld [tilespmem:s13+$0xFFFFFFD0];
	[tilespmem:v11+s0+$0x0] =	vst.idx.msk $0xffff, v4  }
0x1ca: {  	v11 =	vld [tilespmem:s13+$0x10];
	v4 =	vmul.f32 $8.000000000e+00, v5  }
0x1cb: {  	s6 =	simm.s32 $0xC580;
	s15 =	simm.s32 $0x4;
	s16 =	simm.s32 $0x7;
	v12 =	vadd.s32 v1, v15  }
0x1cc: {  	v14 =	vld [tilespmem:s6+$0x40];
	v13 =	vadd.s32 v1, v17;
	v5 =	vmov s15;
	[tilespmem:v6+s0+$0x0] =	vst.idx.msk $0xffff, v4;
	v6 =	vmov s16  }
0x1cd: {  	v16 =	vadd.s32 v1, v8;
	v4 =	vand.u32 $0x7C, v5;
	v5 =	vand.u32 $0x7F, v6;
	v18 =	vld [tilespmem:s13+$0x60]  }
0x1ce: {  	v22 =	vadd.s32 v2, v9;
	s17 =	simm.s32 $0x5;
	v19 =	vld [tilespmem:s6+$0xFFFFFF80];
	v6 =	vmul.f32 $8.000000000e+00, v7;
	v20 =	vadd.s32 v0, v5  }
0x1cf: {  	s18 =	simm.s32 $0x6;
	v21 =	vld [tilespmem:s6+$0xFFFFFFC0];
	v10 =	vmul.f32 $8.000000000e+00, v10;
	v7 =	vmul.f32 $8.000000000e+00, v11;
	v11 =	vmov s17  }
0x1d0: {  	v23 =	vadd.s32 v0, v4;
	[tilespmem:v12+s0+$0x0] =	vst.idx.msk $0xffff, v6;
	v12 =	vmov s18;
	v6 =	vand.u32 $0x7D, v11;
	v11 =	vld [tilespmem:s6+$0x0]  }
0x1d1: {  	[tilespmem:v13+s0+$0x0] =	vst.idx.msk $0xffff, v7;
	v13 =	vadd.s32 v0, v6;
	v7 =	vand.u32 $0x7E, v12;
	v12 =	vmul.f32 $8.000000000e+00, v14;
	v14 =	vld [tilespmem:s13+$0xFFFFFFE0]  }
0x1d2: {  	[tilespmem:v16+s0+$0x0] =	vst.idx.msk $0xffff, v10;
	v10 =	vadd.s32 v0, v7;
	v16 =	vld [tilespmem:s13+$0x20];
	v18 =	vmul.f32 $8.000000000e+00, v18  }
0x1d3: {  	v19 =	vmul.f32 $8.000000000e+00, v19;
	[tilespmem:v20+s0+$0x0] =	vst.idx.msk $0xffff, v12;
	v12 =	vld [tilespmem:s13+$0xFFFFFFA0];
	v20 =	vadd.s32 v2, v15  }
0x1d4: {  	v25 =	vadd.s32 v2, v17;
	v21 =	vmul.f32 $8.000000000e+00, v21;
	v24 =	vld [tilespmem:s6+$0x50];
	[tilespmem:v22+s0+$0x0] =	vst.idx.msk $0xffff, v18  }
0x1d5: {  	[tilespmem:v23+s0+$0x0] =	vst.idx.msk $0xffff, v19;
	v19 =	vadd.s32 v2, v8;
	v11 =	vmul.f32 $8.000000000e+00, v11;
	v22 =	vld [tilespmem:s13+$0x70]  }
0x1d6: {  	v23 =	vld [tilespmem:s6+$0xFFFFFF90];
	[tilespmem:v13+s0+$0x0] =	vst.idx.msk $0xffff, v21;
	v21 =	vadd.s32 v1, v5;
	v14 =	vmul.f32 $8.000000000e+00, v14  }
0x1d7: {  	v27 =	vadd.s32 v3, v9;
	v26 =	vld [tilespmem:s6+$0xFFFFFFD0];
	[tilespmem:v10+s0+$0x0] =	vst.idx.msk $0xffff, v11;
	v10 =	vmul.f32 $8.000000000e+00, v16  }
0x1d8: {  	v18 =	vadd.s32 v1, v4;
	v13 =	vld [tilespmem:s6+$0x10];
	v9 =	vmul.f32 $8.000000000e+00, v12;
	[tilespmem:v20+s0+$0x0] =	vst.idx.msk $0xffff, v14  }
0x1d9: {  	s12 =	simm.s32 $0x8;
	v16 =	vadd.s32 v1, v6;
	[tilespmem:v25+s0+$0x0] =	vst.idx.msk $0xffff, v10;
	v14 =	vmul.f32 $8.000000000e+00, v24;
	v12 =	vld [tilespmem:s13+$0xFFFFFFF0]  }
0x1da: {  	v20 =	vmov s12;
	v10 =	vadd.s32 v1, v7;
	v11 =	vld [tilespmem:s13+$0x30];
	[tilespmem:v19+s0+$0x0] =	vst.idx.msk $0xffff, v9;
	v63 =	vmul.f32 $8.000000000e+00, v22  }
0x1db: {  	s21 =	simm.s32 $0xB;
	s10 =	simm.s32 $0xC680;
	v15 =	vadd.s32 v3, v15;
	v9 =	vand.u32 $0x7C, v20;
	v20 =	vmul.f32 $8.000000000e+00, v23;
	[tilespmem:v21+s0+$0x0] =	vst.idx.msk $0xffff, v14;
	v14 =	vld [tilespmem:s13+$0xFFFFFFB0]  }
0x1dc: {  	v17 =	vadd.s32 v3, v17;
	v22 =	vmov s21;
	v19 =	vld [tilespmem:s10+$0x40];
	s13 =	simm.s32 $0xC;
	v21 =	vmul.f32 $8.000000000e+00, v26;
	[tilespmem:v27+s0+$0x0] =	vst.idx.msk $0xffff, v63  }
.LBB2_14:
0x1dd: {  	p0 =	slt.u32 s13, $0x7C;
	s15 =	sadd.s32 $0x1, s12;
	v22 =	vand.u32 $0x7F, v22;
	[tilespmem:v18+s0+$0x0] =	vst.idx.msk $0xffff, v20;
	v13 =	vmul.f32 $8.000000000e+00, v13;
	v18 =	vld [tilespmem:s6+$0x60];
	v20 =	vadd.s32 v3, v8;
	v8 =	vmovc v4  }
0x1de: {  	v4 =	vmovc v9;
	v23 =	vld [tilespmem:s10+$0xFFFFFF80];
	v24 =	vmov s15;
	s15 =	sadd.s32 $0x2, s12;
	v25 =	vadd.s32 v0, v22;
	[tilespmem:v16+s0+$0x0] =	vst.idx.msk $0xffff, v21;
	v12 =	vmul.f32 $8.000000000e+00, v12;
	s12 =	smov.u32 s13  }
0x1df: {  	v9 =	vld [tilespmem:s10+$0xFFFFFFC0];
	v16 =	vmov s15;
	[tilespmem:v10+s0+$0x0] =	vst.idx.msk $0xffff, v13;
	v10 =	vadd.s32 v2, v5;
	v11 =	vmul.f32 $8.000000000e+00, v11  }
0x1e0: {  	v13 =	vadd.s32 v0, v4;
	v21 =	vand.u32 $0x7D, v24;
	v24 =	vld [tilespmem:s10+$0x0];
	v14 =	vmul.f32 $8.000000000e+00, v14;
	[tilespmem:v15+s0+$0x0] =	vst.idx.msk $0xffff, v12  }
0x1e1: {  	v12 =	vadd.s32 v0, v21;
	v26 =	vand.u32 $0x7E, v16;
	v15 =	vmul.f32 $8.000000000e+00, v19;
	v16 =	vld [tilespmem:s6+$0xFFFFFFE0];
	[tilespmem:v17+s0+$0x0] =	vst.idx.msk $0xffff, v11  }
0x1e2: {  	v11 =	vadd.s32 v0, v26;
	v17 =	vld [tilespmem:s6+$0x20];
	v18 =	vmul.f32 $8.000000000e+00, v18;
	[tilespmem:v20+s0+$0x0] =	vst.idx.msk $0xffff, v14  }
0x1e3: {  	v19 =	vadd.s32 v2, v6;
	v14 =	vmul.f32 $8.000000000e+00, v23;
	[tilespmem:v25+s0+$0x0] =	vst.idx.msk $0xffff, v15;
	v15 =	vld [tilespmem:s6+$0xFFFFFFA0]  }
0x1e4: {  	v23 =	vadd.s32 v2, v7;
	v9 =	vmul.f32 $8.000000000e+00, v9;
	v20 =	vld [tilespmem:s10+$0x50];
	[tilespmem:v10+s0+$0x0] =	vst.idx.msk $0xffff, v18  }
0x1e5: {  	[tilespmem:v13+s0+$0x0] =	vst.idx.msk $0xffff, v14;
	v10 =	vmul.f32 $8.000000000e+00, v24;
	v14 =	vadd.s32 v2, v8;
	v24 =	vld [tilespmem:s6+$0x70]  }
0x1e6: {  	v27 =	vadd.s32 v1, v22;
	v25 =	vld [tilespmem:s10+$0xFFFFFF90];
	[tilespmem:v12+s0+$0x0] =	vst.idx.msk $0xffff, v9;
	v9 =	vmul.f32 $8.000000000e+00, v16  }
0x1e7: {  	v29 =	vadd.s32 v3, v5;
	v5 =	vmov v22;
	v28 =	vld [tilespmem:s10+$0xFFFFFFD0];
	[tilespmem:v11+s0+$0x0] =	vst.idx.msk $0xffff, v10;
	v10 =	vmul.f32 $8.000000000e+00, v17  }
.Ltmp6:
0x1e8: {  	v18 =	vadd.s32 v1, v4;
	v13 =	vld [tilespmem:s10+$0x10];
	v11 =	vmul.f32 $8.000000000e+00, v15;
	[tilespmem:v19+s0+$0x0] =	vst.idx.msk $0xffff, v9;
	(pc) =	sbr.rel @p0 .LBB2_14-.Ltmp6, $4  }
0x1e9: {  	v16 =	vadd.s32 v1, v21;
	v15 =	vmul.f32 $8.000000000e+00, v20;
	v12 =	vld [tilespmem:s6+$0xFFFFFFF0];
	[tilespmem:v23+s0+$0x0] =	vst.idx.msk $0xffff, v10  }
0x1ea: {  	v9 =	vmov s13;
	v10 =	vadd.s32 v1, v26;
	[tilespmem:v14+s0+$0x0] =	vst.idx.msk $0xffff, v11;
	v11 =	vld [tilespmem:s6+$0x30];
	v23 =	vmul.f32 $8.000000000e+00, v24  }
0x1eb: {  	s15 =	sadd.s32 $0x3, s13;
	v9 =	vand.u32 $0x7C, v9;
	v20 =	vmul.f32 $8.000000000e+00, v25;
	[tilespmem:v27+s0+$0x0] =	vst.idx.msk $0xffff, v15;
	v14 =	vld [tilespmem:s6+$0xFFFFFFB0];
	v15 =	vadd.s32 v3, v6;
	v6 =	vmovc v21;
	s6 =	smov.u32 s10;
	s10 =	sadd.s32 $0x100, s10  }
0x1ec: {  	v22 =	vmov s15;
	v17 =	vadd.s32 v3, v7;
	v7 =	vmovc v26;
	s13 =	sadd.s32 $0x4, s13;
	v19 =	vld [tilespmem:s10+$0x40];
	v21 =	vmul.f32 $8.000000000e+00, v28;
	[tilespmem:v29+s0+$0x0] =	vst.idx.msk $0xffff, v23  }
0x1ed: {  	s13 =	sadd.s32 $0x1, s12;
	v22 =	vand.u32 $0x7F, v22;
	v28 =	vld [tilespmem:s10+$0xFFFFFF80]  }
0x1ee: {  	s21 =	sadd.s32 $0x2, s12;
	v24 =	vld [tilespmem:s10+$0xFFFFFFC0];
	v23 =	vmov s13;
	v25 =	vadd.s32 v0, v22  }
0x1ef: {  	v27 =	vld [tilespmem:s10+$0x0];
	v51 =	vadd.s32 v0, v9;
	v26 =	vmov s21;
	v23 =	vand.u32 $0x7D, v23  }
0x1f0: {  	v26 =	vand.u32 $0x7E, v26;
	v29 =	vadd.s32 v0, v23  }
0x1f1: {  	[tilespmem:v18+s0+$0x0] =	vst.idx.msk $0xffff, v20;
	v30 =	vadd.s32 v0, v26;
	v19 =	vmul.f32 $8.000000000e+00, v19  }
0x1f2: {  	[tilespmem:v16+s0+$0x0] =	vst.idx.msk $0xffff, v21;
	v54 =	vmul.f32 $8.000000000e+00, v28  }
0x1f3: {  	v52 =	vmul.f32 $8.000000000e+00, v24;
	[tilespmem:v25+s0+$0x0] =	vst.idx.msk $0xffff, v19  }
0x1f4: {  	v53 =	vmul.f32 $8.000000000e+00, v27;
	v55 =	vld [tilespmem:s10+$0x50];
	[tilespmem:v51+s0+$0x0] =	vst.idx.msk $0xffff, v54  }
0x1f5: {  	v13 =	vmul.f32 $8.000000000e+00, v13;
	v8 =	vadd.s32 v3, v8;
	[tilespmem:v29+s0+$0x0] =	vst.idx.msk $0xffff, v52;
	v59 =	vld [tilespmem:s10+$0xFFFFFF90]  }
0x1f6: {  	v12 =	vmul.f32 $8.000000000e+00, v12;
	v57 =	vadd.s32 v1, v22;
	[tilespmem:v30+s0+$0x0] =	vst.idx.msk $0xffff, v53;
	v56 =	vld [tilespmem:s10+$0xFFFFFFD0]  }
0x1f7: {  	[tilespmem:v10+s0+$0x0] =	vst.idx.msk $0xffff, v13;
	v58 =	vmul.f32 $8.000000000e+00, v11;
	v28 =	vadd.s32 v1, v9;
	v19 =	vld [tilespmem:s10+$0x10]  }
0x1f8: {  	v61 =	vld [tilespmem:s6+$0x60];
	v60 =	vadd.s32 v1, v23;
	v14 =	vmul.f32 $8.000000000e+00, v14;
	[tilespmem:v15+s0+$0x0] =	vst.idx.msk $0xffff, v12  }
0x1f9: {  	v32 =	vld [tilespmem:s6+$0xFFFFFFA0];
	v62 =	vadd.s32 v1, v26;
	[tilespmem:v17+s0+$0x0] =	vst.idx.msk $0xffff, v58;
	v16 =	vmul.f32 $8.000000000e+00, v55  }
0x1fa: {  	[tilespmem:v8+s0+$0x0] =	vst.idx.msk $0xffff, v14;
	v29 =	vadd.s32 v2, v5;
	v30 =	vld [tilespmem:s6+$0x20];
	v11 =	vmul.f32 $8.000000000e+00, v59  }
0x1fb: {  	v38 =	vadd.s32 v2, v4;
	v63 =	vld [tilespmem:s6+$0xFFFFFFE0];
	v31 =	vmul.f32 $8.000000000e+00, v56;
	[tilespmem:v57+s0+$0x0] =	vst.idx.msk $0xffff, v16  }
0x1fc: {  	v35 =	vadd.s32 v2, v7;
	v34 =	vmul.f32 $8.000000000e+00, v19;
	v36 =	vld [tilespmem:s10+$0x60];
	[tilespmem:v28+s0+$0x0] =	vst.idx.msk $0xffff, v11  }
0x1fd: {  	v33 =	vadd.s32 v2, v6;
	v37 =	vmul.f32 $8.000000000e+00, v61;
	[tilespmem:v60+s0+$0x0] =	vst.idx.msk $0xffff, v31;
	v43 =	vld [tilespmem:s10+$0xFFFFFFA0]  }
0x1fe: {  	v40 =	vadd.s32 v2, v22;
	v14 =	vmul.f32 $8.000000000e+00, v32;
	[tilespmem:v62+s0+$0x0] =	vst.idx.msk $0xffff, v34;
	v39 =	vld [tilespmem:s10+$0xFFFFFFE0]  }
0x1ff: {  	v48 =	vadd.s32 v2, v9;
	[tilespmem:v29+s0+$0x0] =	vst.idx.msk $0xffff, v37;
	v42 =	vmul.f32 $8.000000000e+00, v30;
	v41 =	vld [tilespmem:s10+$0x20]  }
0x200: {  	v44 =	vadd.s32 v2, v23;
	v15 =	vmul.f32 $8.000000000e+00, v63;
	[tilespmem:v38+s0+$0x0] =	vst.idx.msk $0xffff, v14;
	v45 =	vld [tilespmem:s6+$0x70]  }
0x201: {  	v46 =	vadd.s32 v2, v26;
	v14 =	vld [tilespmem:s6+$0xFFFFFFB0];
	[tilespmem:v35+s0+$0x0] =	vst.idx.msk $0xffff, v42;
	v47 =	vmul.f32 $8.000000000e+00, v36  }
0x202: {  	v5 =	vadd.s32 v3, v5;
	[tilespmem:v33+s0+$0x0] =	vst.idx.msk $0xffff, v15;
	v49 =	vld [tilespmem:s6+$0x30];
	v53 =	vmul.f32 $8.000000000e+00, v43  }
0x203: {  	v4 =	vadd.s32 v3, v4;
	v21 =	vld [tilespmem:s6+$0xFFFFFFF0];
	v12 =	vmul.f32 $8.000000000e+00, v39;
	[tilespmem:v40+s0+$0x0] =	vst.idx.msk $0xffff, v47  }
0x204: {  	v52 =	vadd.s32 v3, v7;
	v51 =	vmul.f32 $8.000000000e+00, v41;
	v10 =	vld [tilespmem:s10+$0x70];
	[tilespmem:v48+s0+$0x0] =	vst.idx.msk $0xffff, v53  }
0x205: {  	v50 =	vadd.s32 v3, v6;
	v54 =	vmul.f32 $8.000000000e+00, v45;
	[tilespmem:v44+s0+$0x0] =	vst.idx.msk $0xffff, v12;
	v59 =	vld [tilespmem:s10+$0xFFFFFFB0]  }
0x206: {  	v57 =	vadd.s32 v3, v22;
	v14 =	vmul.f32 $8.000000000e+00, v14;
	[tilespmem:v46+s0+$0x0] =	vst.idx.msk $0xffff, v51;
	v55 =	vld [tilespmem:s10+$0xFFFFFFF0]  }
0x207: {  	v62 =	vadd.s32 v3, v9;
	[tilespmem:v5+s0+$0x0] =	vst.idx.msk $0xffff, v54;
	v5 =	vmul.f32 $8.000000000e+00, v49;
	v58 =	vld [tilespmem:s10+$0x30]  }
0x208: {  	v56 =	vmul.f32 $8.000000000e+00, v21;
	v60 =	vadd.s32 v3, v23;
	[tilespmem:v4+s0+$0x0] =	vst.idx.msk $0xffff, v14  }
0x209: {  	p1 =	por $0x0, $0x0;
	v61 =	vadd.s32 v3, v26;
	[tilespmem:v52+s0+$0x0] =	vst.idx.msk $0xffff, v5;
	v5 =	vmul.f32 $8.000000000e+00, v10  }
.Ltmp7:
0x20a: {  	[tilespmem:v50+s0+$0x0] =	vst.idx.msk $0xffff, v56;
	v63 =	vmul.f32 $8.000000000e+00, v59;
	(pc) =	sbr.rel @p1 .LBB2_18-.Ltmp7, $4  }
0x20b: {  	v4 =	vmul.f32 $8.000000000e+00, v55;
	[tilespmem:v57+s0+$0x0] =	vst.idx.msk $0xffff, v5  }
0x20c: {  	v5 =	vmul.f32 $8.000000000e+00, v58;
	[tilespmem:v62+s0+$0x0] =	vst.idx.msk $0xffff, v63  }
0x20d: {  	[tilespmem:v60+s0+$0x0] =	vst.idx.msk $0xffff, v4  }
0x20e: {  	p0 =	por $0x0, $0x0;
	s6 =	simm.s32 $0x0;
	s10 =	smov.u32 s14;
	[tilespmem:v61+s0+$0x0] =	vst.idx.msk $0xffff, v5  }
0x20f: {  	s6 =	simm.s32 $0x10600  }
0x210: {  	[hbm4b:s14+s3] =	stream.linear.scatter [tilespmem:s6], [sflag:$0x6], $0x80, $0x38;
	[tilespmem:$0x12800] =	vst v63  }
0x211: {  	s17 =	simm.s32 $0x10688;
	s10 =	sadd.s32 $0x10, s14  }
0x212: {  	[hbm4b:s10+s3] =	stream.linear.scatter [tilespmem:s17], [sflag:$0x6], $0x80, $0x38;
	[tilespmem:$0x12800] =	vst v63  }
0x213: {  	s18 =	simm.s32 $0x10710;
	s21 =	sadd.s32 $0x20, s14;
	s12 =	simm.s32 $0x10798  }
0x214: {  	[hbm4b:s21+s3] =	stream.linear.scatter [tilespmem:s18], [sflag:$0x6], $0x80, $0x38;
	[tilespmem:$0x12800] =	vst v63  }
0x215: {  	s13 =	sadd.s32 $0x30, s14;
	s15 =	simm.s32 $0x10820;
	s16 =	sadd.s32 $0x40, s14  }
0x216: {  	[hbm4b:s13+s3] =	stream.linear.scatter [tilespmem:s12], [sflag:$0x6], $0x80, $0x38;
	[tilespmem:$0x12800] =	vst v63  }
0x217: {  	p1 =	por $0x0, $0x0;
	p0 =	por $0x1, $0x1;
	s6 =	simm.s32 $0x440  }
0x218: {  	[hbm4b:s16+s3] =	stream.linear.scatter [tilespmem:s15], [sflag:$0x6], $0x80, $0x38;
	[tilespmem:$0x12800] =	vst v63  }
.Ltmp8:
0x219: {  	s17 =	simm.s32 $0x108A8;
	s18 =	sadd.s32 $0x50, s14;
	(pc) =	sbr.rel @p1 .LBB2_18-.Ltmp8, $4  }
0x21a: {  	[hbm4b:s18+s3] =	stream.linear.scatter [tilespmem:s17], [sflag:$0x6], $0x80, $0x38;
	[tilespmem:$0x12800] =	vst v63  }
0x21b: {  	s10 =	sadd.s32 $0x4000, s14;
	s21 =	simm.s32 $0x10930;
	s12 =	sadd.s32 $0x60, s14  }
0x21c: {  	[hbm4b:s12+s3] =	stream.linear.scatter [tilespmem:s21], [sflag:$0x6], $0x80, $0x38;
	[tilespmem:$0x12800] =	vst v63  }
0x21d: {  	s13 =	simm.s32 $0x109B8;
	s15 =	sadd.s32 $0x70, s14;
	s12 =	simm.s32 $0x2200  }
.LBB2_17:
0x21e: {  	[hbm4b:s15+s3] =	stream.linear.scatter [tilespmem:s13], [sflag:$0x6], $0x80, $0x38;
	[tilespmem:$0x12800] =	vst v63  }
0x21f: {  	s13 =	smov.u32 s6;
	s6 =	smov.u32 s12  }
0x220: {  	s16 =	sadd.s32 $0x1100, s12;
	s6 =	sshra.s32 s6, $0x2;
	s15 =	sadd.s32 $0x10600, s13  }
0x221: {  	[hbm4b:s10+s3] =	stream.linear.scatter [tilespmem:s15], [sflag:$0x6], $0x80, $0x38;
	[tilespmem:$0x12800] =	vst v63  }
0x222: {  	p1 =	seq.s32 s12, $0x7700;
	s12 =	sadd.s32 $0x10688, s13;
	s15 =	sadd.s32 $0x10, s10  }
0x223: {  	[hbm4b:s15+s3] =	stream.linear.scatter [tilespmem:s12], [sflag:$0x6], $0x80, $0x38;
	[tilespmem:$0x12800] =	vst v63  }
0x224: {  	s12 =	sadd.s32 $0x10710, s13;
	s15 =	sadd.s32 $0x20, s10  }
0x225: {  	[hbm4b:s15+s3] =	stream.linear.scatter [tilespmem:s12], [sflag:$0x6], $0x80, $0x38;
	[tilespmem:$0x12800] =	vst v63  }
0x226: {  	s12 =	sadd.s32 $0x10798, s13;
	s15 =	sadd.s32 $0x30, s10  }
0x227: {  	[hbm4b:s15+s3] =	stream.linear.scatter [tilespmem:s12], [sflag:$0x6], $0x80, $0x38;
	[tilespmem:$0x12800] =	vst v63  }
0x228: {  	s12 =	sadd.s32 $0x10820, s13;
	s15 =	sadd.s32 $0x40, s10  }
0x229: {  	[hbm4b:s15+s3] =	stream.linear.scatter [tilespmem:s12], [sflag:$0x6], $0x80, $0x38;
	[tilespmem:$0x12800] =	vst v63  }
.Ltmp9:
0x22a: {  	s12 =	sadd.s32 $0x108A8, s13;
	s15 =	sadd.s32 $0x50, s10;
	(pc) =	sbr.rel @!p1 .LBB2_17-.Ltmp9, $4  }
0x22b: {  	[hbm4b:s15+s3] =	stream.linear.scatter [tilespmem:s12], [sflag:$0x6], $0x80, $0x38;
	[tilespmem:$0x12800] =	vst v63  }
0x22c: {  	s12 =	sadd.s32 $0x10930, s13;
	s15 =	sadd.s32 $0x60, s10;
	s13 =	sadd.s32 $0x109B8, s13  }
0x22d: {  	[hbm4b:s15+s3] =	stream.linear.scatter [tilespmem:s12], [sflag:$0x6], $0x80, $0x38;
	[tilespmem:$0x12800] =	vst v63  }
0x22e: {  	s15 =	sadd.s32 $0x70, s10;
	s10 =	sadd.s32 $0x4000, s10;
	s12 =	smov.u32 s16  }
.LBB2_18:
0x22f: {  	[hbm4b:s15+s3] =	stream.linear.scatter @p0 [tilespmem:s13], [sflag:$0x6], $0x80, $0x38;
	[tilespmem:$0x12800] =	vst v63  }
0x230: {  	s12 =	sadd.s32 $0x10600, s6  }
0x231: {  	[hbm4b:s10+s3] =	stream.linear.scatter [tilespmem:s12], [sflag:$0x6], $0x80, $0x38;
	[tilespmem:$0x12800] =	vst v63  }
0x232: {  	s18 =	sadd.s32 $0x10688, s6;
	s21 =	sadd.s32 $0x10, s10  }
0x233: {  	[hbm4b:s21+s3] =	stream.linear.scatter [tilespmem:s18], [sflag:$0x6], $0x80, $0x38;
	[tilespmem:$0x12800] =	vst v63  }
0x234: {  	s13 =	sadd.s32 $0x10710, s6;
	s15 =	sadd.s32 $0x20, s10  }
0x235: {  	[hbm4b:s15+s3] =	stream.linear.scatter [tilespmem:s13], [sflag:$0x6], $0x80, $0x38;
	[tilespmem:$0x12800] =	vst v63  }
0x236: {  	s16 =	sadd.s32 $0x10798, s6;
	s17 =	sadd.s32 $0x30, s10  }
0x237: {  	[hbm4b:s17+s3] =	stream.linear.scatter [tilespmem:s16], [sflag:$0x6], $0x80, $0x38;
	[tilespmem:$0x12800] =	vst v63  }
0x238: {  	s18 =	sadd.s32 $0x10820, s6;
	s21 =	sadd.s32 $0x40, s10  }
0x239: {  	[hbm4b:s21+s3] =	stream.linear.scatter [tilespmem:s18], [sflag:$0x6], $0x80, $0x38;
	[tilespmem:$0x12800] =	vst v63  }
0x23a: {  	s13 =	sadd.s32 $0x108A8, s6;
	s15 =	sadd.s32 $0x50, s10  }
0x23b: {  	[hbm4b:s15+s3] =	stream.linear.scatter [tilespmem:s13], [sflag:$0x6], $0x80, $0x38;
	[tilespmem:$0x12800] =	vst v63  }
0x23c: {  	s16 =	sadd.s32 $0x10930, s6;
	s17 =	sadd.s32 $0x60, s10  }
0x23d: {  	[hbm4b:s17+s3] =	stream.linear.scatter [tilespmem:s16], [sflag:$0x6], $0x80, $0x38;
	[tilespmem:$0x12800] =	vst v63  }
0x23e: {  	s18 =	sadd.s32 $0x109B8, s6;
	s21 =	sadd.s32 $0x70, s10  }
0x23f: {  	[hbm4b:s21+s3] =	stream.linear.scatter [tilespmem:s18], [sflag:$0x6], $0x80, $0x38;
	[tilespmem:$0x12800] =	vst v63  }
0x240: {  	s18 =	simm.s32 $0x1  }
.LBB2_20:
0x241: {  	s6 =	sshll.u32 s18, $0x9  }
0x242: {  	s6 =	sand.u32 $0x3FFFFE00, s6  }
0x243: {  	s10 =	sor.u32 $0x100, s6  }
0x244: {  	[tilespmem:s26], [sflag:$0x3] =	stream.indirect.gather [hbm4b:s4+s22], $0x40, s10, s22, $0xb8;
	[tilespmem:$0x12800] =	vst v63  }
0x245: {  	_ =	swait.ge [sflag:s28], $0x2000  }
0x246: {  	[sflag:s28] =	ssyncset.done $0x0  }
0x247: {  	[sflag:s28] =	ssyncadd.s32 $0xFFFFE000  }
0x248: {  	_ =	swait.ge [sflag:s25], $0x2000  }
0x249: {  	[sflag:s25] =	ssyncset.done $0x0  }
0x24a: {  	s13 =	simm.s32 $0x6480;
	s16 =	simm.s32 $0x3;
	[sflag:s25] =	ssyncadd.s32 $0xFFFFE000  }
0x24b: {  	v4 =	vmov s16;
	v5 =	vld [tilespmem:s13+$0x40]  }
0x24c: {  	v9 =	vand.u32 $0x7F, v4  }
0x24d: {  	s17 =	simm.s32 $0x0;
	v4 =	vadd.s32 v0, v9  }
0x24e: {  	s21 =	simm.s32 $0x1;
	s12 =	simm.s32 $0x2;
	v6 =	vmov s17;
	v7 =	vld [tilespmem:s13+$0xFFFFFF80]  }
0x24f: {  	v11 =	vmov s12;
	v8 =	vand.u32 $0x7C, v6;
	v6 =	vmov s21;
	v10 =	vld [tilespmem:s13+$0xFFFFFFC0]  }
0x250: {  	v12 =	vadd.s32 v0, v8;
	v15 =	vand.u32 $0x7D, v6;
	v6 =	vld [tilespmem:s13+$0x0];
	v5 =	vmul.f32 $8.000000000e+00, v5  }
0x251: {  	v17 =	vand.u32 $0x7E, v11;
	v13 =	vadd.s32 v0, v15  }
0x252: {  	v11 =	vadd.s32 v0, v17;
	[tilespmem:v4+s29+$0x0] =	vst.idx.msk $0xffff, v5  }
0x253: {  	v4 =	vmul.f32 $8.000000000e+00, v7;
	v5 =	vld [tilespmem:s13+$0x50]  }
0x254: {  	v7 =	vmul.f32 $8.000000000e+00, v10  }
0x255: {  	[tilespmem:v12+s29+$0x0] =	vst.idx.msk $0xffff, v4;
	v4 =	vmul.f32 $8.000000000e+00, v6;
	v6 =	vadd.s32 v1, v9  }
0x256: {  	[tilespmem:v13+s29+$0x0] =	vst.idx.msk $0xffff, v7;
	v10 =	vld [tilespmem:s13+$0xFFFFFF90]  }
0x257: {  	v7 =	vld [tilespmem:s13+$0xFFFFFFD0];
	[tilespmem:v11+s29+$0x0] =	vst.idx.msk $0xffff, v4  }
0x258: {  	v11 =	vld [tilespmem:s13+$0x10];
	v4 =	vmul.f32 $8.000000000e+00, v5  }
0x259: {  	s15 =	simm.s32 $0x7;
	s12 =	simm.s32 $0x4;
	s21 =	simm.s32 $0x6580;
	v12 =	vadd.s32 v1, v15  }
0x25a: {  	v14 =	vld [tilespmem:s21+$0x40];
	v13 =	vadd.s32 v1, v17;
	v5 =	vmov s12;
	[tilespmem:v6+s29+$0x0] =	vst.idx.msk $0xffff, v4;
	v6 =	vmov s15  }
0x25b: {  	v16 =	vadd.s32 v1, v8;
	v4 =	vand.u32 $0x7C, v5;
	v5 =	vand.u32 $0x7F, v6;
	v18 =	vld [tilespmem:s13+$0x60]  }
0x25c: {  	s16 =	simm.s32 $0x5;
	v22 =	vadd.s32 v2, v9;
	v19 =	vld [tilespmem:s21+$0xFFFFFF80];
	v6 =	vmul.f32 $8.000000000e+00, v7;
	v20 =	vadd.s32 v0, v5  }
0x25d: {  	s17 =	simm.s32 $0x6;
	v21 =	vld [tilespmem:s21+$0xFFFFFFC0];
	v10 =	vmul.f32 $8.000000000e+00, v10;
	v7 =	vmul.f32 $8.000000000e+00, v11;
	v11 =	vmov s16  }
0x25e: {  	v23 =	vadd.s32 v0, v4;
	[tilespmem:v12+s29+$0x0] =	vst.idx.msk $0xffff, v6;
	v12 =	vmov s17;
	v6 =	vand.u32 $0x7D, v11;
	v11 =	vld [tilespmem:s21+$0x0]  }
0x25f: {  	[tilespmem:v13+s29+$0x0] =	vst.idx.msk $0xffff, v7;
	v13 =	vadd.s32 v0, v6;
	v7 =	vand.u32 $0x7E, v12;
	v12 =	vmul.f32 $8.000000000e+00, v14;
	v14 =	vld [tilespmem:s13+$0xFFFFFFE0]  }
0x260: {  	[tilespmem:v16+s29+$0x0] =	vst.idx.msk $0xffff, v10;
	v10 =	vadd.s32 v0, v7;
	v16 =	vld [tilespmem:s13+$0x20];
	v18 =	vmul.f32 $8.000000000e+00, v18  }
0x261: {  	v19 =	vmul.f32 $8.000000000e+00, v19;
	[tilespmem:v20+s29+$0x0] =	vst.idx.msk $0xffff, v12;
	v12 =	vld [tilespmem:s13+$0xFFFFFFA0];
	v20 =	vadd.s32 v2, v15  }
0x262: {  	v25 =	vadd.s32 v2, v17;
	v21 =	vmul.f32 $8.000000000e+00, v21;
	v24 =	vld [tilespmem:s21+$0x50];
	[tilespmem:v22+s29+$0x0] =	vst.idx.msk $0xffff, v18  }
0x263: {  	[tilespmem:v23+s29+$0x0] =	vst.idx.msk $0xffff, v19;
	v19 =	vadd.s32 v2, v8;
	v11 =	vmul.f32 $8.000000000e+00, v11;
	v22 =	vld [tilespmem:s13+$0x70]  }
0x264: {  	v23 =	vld [tilespmem:s21+$0xFFFFFF90];
	[tilespmem:v13+s29+$0x0] =	vst.idx.msk $0xffff, v21;
	v21 =	vadd.s32 v1, v5;
	v14 =	vmul.f32 $8.000000000e+00, v14  }
0x265: {  	v27 =	vadd.s32 v3, v9;
	v26 =	vld [tilespmem:s21+$0xFFFFFFD0];
	[tilespmem:v10+s29+$0x0] =	vst.idx.msk $0xffff, v11;
	v10 =	vmul.f32 $8.000000000e+00, v16  }
0x266: {  	v18 =	vadd.s32 v1, v4;
	v13 =	vld [tilespmem:s21+$0x10];
	v9 =	vmul.f32 $8.000000000e+00, v12;
	[tilespmem:v20+s29+$0x0] =	vst.idx.msk $0xffff, v14  }
0x267: {  	s12 =	simm.s32 $0x8;
	v16 =	vadd.s32 v1, v6;
	[tilespmem:v25+s29+$0x0] =	vst.idx.msk $0xffff, v10;
	v14 =	vmul.f32 $8.000000000e+00, v24;
	v12 =	vld [tilespmem:s13+$0xFFFFFFF0]  }
0x268: {  	v20 =	vmov s12;
	v10 =	vadd.s32 v1, v7;
	v11 =	vld [tilespmem:s13+$0x30];
	[tilespmem:v19+s29+$0x0] =	vst.idx.msk $0xffff, v9;
	v63 =	vmul.f32 $8.000000000e+00, v22  }
0x269: {  	s10 =	simm.s32 $0x6680;
	s15 =	simm.s32 $0xB;
	v15 =	vadd.s32 v3, v15;
	v9 =	vand.u32 $0x7C, v20;
	v20 =	vmul.f32 $8.000000000e+00, v23;
	[tilespmem:v21+s29+$0x0] =	vst.idx.msk $0xffff, v14;
	v14 =	vld [tilespmem:s13+$0xFFFFFFB0]  }
0x26a: {  	v17 =	vadd.s32 v3, v17;
	v22 =	vmov s15;
	v19 =	vld [tilespmem:s10+$0x40];
	s13 =	simm.s32 $0xC;
	v21 =	vmul.f32 $8.000000000e+00, v26;
	[tilespmem:v27+s29+$0x0] =	vst.idx.msk $0xffff, v63  }
.LBB2_21:
0x26b: {  	p0 =	slt.u32 s13, $0x7C;
	s15 =	sadd.s32 $0x1, s12;
	v22 =	vand.u32 $0x7F, v22;
	[tilespmem:v18+s29+$0x0] =	vst.idx.msk $0xffff, v20;
	v13 =	vmul.f32 $8.000000000e+00, v13;
	v18 =	vld [tilespmem:s21+$0x60];
	v20 =	vadd.s32 v3, v8;
	v8 =	vmovc v4  }
0x26c: {  	v4 =	vmovc v9;
	v23 =	vld [tilespmem:s10+$0xFFFFFF80];
	v24 =	vmov s15;
	s15 =	sadd.s32 $0x2, s12;
	v25 =	vadd.s32 v0, v22;
	[tilespmem:v16+s29+$0x0] =	vst.idx.msk $0xffff, v21;
	v12 =	vmul.f32 $8.000000000e+00, v12;
	s12 =	smov.u32 s13  }
0x26d: {  	v9 =	vld [tilespmem:s10+$0xFFFFFFC0];
	v16 =	vmov s15;
	[tilespmem:v10+s29+$0x0] =	vst.idx.msk $0xffff, v13;
	v10 =	vadd.s32 v2, v5;
	v11 =	vmul.f32 $8.000000000e+00, v11  }
0x26e: {  	v13 =	vadd.s32 v0, v4;
	v21 =	vand.u32 $0x7D, v24;
	v24 =	vld [tilespmem:s10+$0x0];
	v14 =	vmul.f32 $8.000000000e+00, v14;
	[tilespmem:v15+s29+$0x0] =	vst.idx.msk $0xffff, v12  }
0x26f: {  	v12 =	vadd.s32 v0, v21;
	v26 =	vand.u32 $0x7E, v16;
	v15 =	vmul.f32 $8.000000000e+00, v19;
	v16 =	vld [tilespmem:s21+$0xFFFFFFE0];
	[tilespmem:v17+s29+$0x0] =	vst.idx.msk $0xffff, v11  }
0x270: {  	v11 =	vadd.s32 v0, v26;
	v17 =	vld [tilespmem:s21+$0x20];
	v18 =	vmul.f32 $8.000000000e+00, v18;
	[tilespmem:v20+s29+$0x0] =	vst.idx.msk $0xffff, v14  }
0x271: {  	v19 =	vadd.s32 v2, v6;
	v14 =	vmul.f32 $8.000000000e+00, v23;
	[tilespmem:v25+s29+$0x0] =	vst.idx.msk $0xffff, v15;
	v15 =	vld [tilespmem:s21+$0xFFFFFFA0]  }
0x272: {  	v23 =	vadd.s32 v2, v7;
	v9 =	vmul.f32 $8.000000000e+00, v9;
	v20 =	vld [tilespmem:s10+$0x50];
	[tilespmem:v10+s29+$0x0] =	vst.idx.msk $0xffff, v18  }
0x273: {  	[tilespmem:v13+s29+$0x0] =	vst.idx.msk $0xffff, v14;
	v10 =	vmul.f32 $8.000000000e+00, v24;
	v14 =	vadd.s32 v2, v8;
	v24 =	vld [tilespmem:s21+$0x70]  }
0x274: {  	v27 =	vadd.s32 v1, v22;
	v25 =	vld [tilespmem:s10+$0xFFFFFF90];
	[tilespmem:v12+s29+$0x0] =	vst.idx.msk $0xffff, v9;
	v9 =	vmul.f32 $8.000000000e+00, v16  }
0x275: {  	v29 =	vadd.s32 v3, v5;
	v5 =	vmov v22;
	v28 =	vld [tilespmem:s10+$0xFFFFFFD0];
	[tilespmem:v11+s29+$0x0] =	vst.idx.msk $0xffff, v10;
	v10 =	vmul.f32 $8.000000000e+00, v17  }
.Ltmp10:
0x276: {  	v18 =	vadd.s32 v1, v4;
	v13 =	vld [tilespmem:s10+$0x10];
	v11 =	vmul.f32 $8.000000000e+00, v15;
	[tilespmem:v19+s29+$0x0] =	vst.idx.msk $0xffff, v9;
	(pc) =	sbr.rel @p0 .LBB2_21-.Ltmp10, $4  }
0x277: {  	v16 =	vadd.s32 v1, v21;
	v15 =	vmul.f32 $8.000000000e+00, v20;
	v12 =	vld [tilespmem:s21+$0xFFFFFFF0];
	[tilespmem:v23+s29+$0x0] =	vst.idx.msk $0xffff, v10  }
0x278: {  	v9 =	vmov s13;
	v10 =	vadd.s32 v1, v26;
	[tilespmem:v14+s29+$0x0] =	vst.idx.msk $0xffff, v11;
	v11 =	vld [tilespmem:s21+$0x30];
	v23 =	vmul.f32 $8.000000000e+00, v24  }
0x279: {  	s15 =	sadd.s32 $0x3, s13;
	v9 =	vand.u32 $0x7C, v9;
	v20 =	vmul.f32 $8.000000000e+00, v25;
	[tilespmem:v27+s29+$0x0] =	vst.idx.msk $0xffff, v15;
	v14 =	vld [tilespmem:s21+$0xFFFFFFB0];
	v15 =	vadd.s32 v3, v6;
	v6 =	vmovc v21;
	s21 =	smov.u32 s10;
	s10 =	sadd.s32 $0x100, s10  }
0x27a: {  	v22 =	vmov s15;
	v17 =	vadd.s32 v3, v7;
	v7 =	vmovc v26;
	s13 =	sadd.s32 $0x4, s13;
	v19 =	vld [tilespmem:s10+$0x40];
	v21 =	vmul.f32 $8.000000000e+00, v28;
	[tilespmem:v29+s29+$0x0] =	vst.idx.msk $0xffff, v23  }
0x27b: {  	s13 =	sadd.s32 $0x1, s12;
	v22 =	vand.u32 $0x7F, v22;
	v28 =	vld [tilespmem:s10+$0xFFFFFF80]  }
0x27c: {  	s15 =	sadd.s32 $0x2, s12;
	v24 =	vld [tilespmem:s10+$0xFFFFFFC0];
	v23 =	vmov s13;
	v25 =	vadd.s32 v0, v22  }
0x27d: {  	v27 =	vld [tilespmem:s10+$0x0];
	v51 =	vadd.s32 v0, v9;
	v26 =	vmov s15;
	v23 =	vand.u32 $0x7D, v23  }
0x27e: {  	v26 =	vand.u32 $0x7E, v26;
	v29 =	vadd.s32 v0, v23  }
0x27f: {  	[tilespmem:v18+s29+$0x0] =	vst.idx.msk $0xffff, v20;
	v30 =	vadd.s32 v0, v26;
	v19 =	vmul.f32 $8.000000000e+00, v19  }
0x280: {  	[tilespmem:v16+s29+$0x0] =	vst.idx.msk $0xffff, v21;
	v54 =	vmul.f32 $8.000000000e+00, v28  }
0x281: {  	v52 =	vmul.f32 $8.000000000e+00, v24;
	[tilespmem:v25+s29+$0x0] =	vst.idx.msk $0xffff, v19  }
0x282: {  	v53 =	vmul.f32 $8.000000000e+00, v27;
	v55 =	vld [tilespmem:s10+$0x50];
	[tilespmem:v51+s29+$0x0] =	vst.idx.msk $0xffff, v54  }
0x283: {  	v13 =	vmul.f32 $8.000000000e+00, v13;
	v8 =	vadd.s32 v3, v8;
	[tilespmem:v29+s29+$0x0] =	vst.idx.msk $0xffff, v52;
	v59 =	vld [tilespmem:s10+$0xFFFFFF90]  }
0x284: {  	v12 =	vmul.f32 $8.000000000e+00, v12;
	v57 =	vadd.s32 v1, v22;
	[tilespmem:v30+s29+$0x0] =	vst.idx.msk $0xffff, v53;
	v56 =	vld [tilespmem:s10+$0xFFFFFFD0]  }
0x285: {  	[tilespmem:v10+s29+$0x0] =	vst.idx.msk $0xffff, v13;
	v58 =	vmul.f32 $8.000000000e+00, v11;
	v28 =	vadd.s32 v1, v9;
	v19 =	vld [tilespmem:s10+$0x10]  }
0x286: {  	v61 =	vld [tilespmem:s21+$0x60];
	v60 =	vadd.s32 v1, v23;
	v14 =	vmul.f32 $8.000000000e+00, v14;
	[tilespmem:v15+s29+$0x0] =	vst.idx.msk $0xffff, v12  }
0x287: {  	v32 =	vld [tilespmem:s21+$0xFFFFFFA0];
	v62 =	vadd.s32 v1, v26;
	[tilespmem:v17+s29+$0x0] =	vst.idx.msk $0xffff, v58;
	v16 =	vmul.f32 $8.000000000e+00, v55  }
0x288: {  	[tilespmem:v8+s29+$0x0] =	vst.idx.msk $0xffff, v14;
	v29 =	vadd.s32 v2, v5;
	v30 =	vld [tilespmem:s21+$0x20];
	v11 =	vmul.f32 $8.000000000e+00, v59  }
0x289: {  	v38 =	vadd.s32 v2, v4;
	v63 =	vld [tilespmem:s21+$0xFFFFFFE0];
	v31 =	vmul.f32 $8.000000000e+00, v56;
	[tilespmem:v57+s29+$0x0] =	vst.idx.msk $0xffff, v16  }
0x28a: {  	v35 =	vadd.s32 v2, v7;
	v34 =	vmul.f32 $8.000000000e+00, v19;
	v36 =	vld [tilespmem:s10+$0x60];
	[tilespmem:v28+s29+$0x0] =	vst.idx.msk $0xffff, v11  }
0x28b: {  	v33 =	vadd.s32 v2, v6;
	v37 =	vmul.f32 $8.000000000e+00, v61;
	[tilespmem:v60+s29+$0x0] =	vst.idx.msk $0xffff, v31;
	v43 =	vld [tilespmem:s10+$0xFFFFFFA0]  }
0x28c: {  	v40 =	vadd.s32 v2, v22;
	v14 =	vmul.f32 $8.000000000e+00, v32;
	[tilespmem:v62+s29+$0x0] =	vst.idx.msk $0xffff, v34;
	v39 =	vld [tilespmem:s10+$0xFFFFFFE0]  }
0x28d: {  	v48 =	vadd.s32 v2, v9;
	[tilespmem:v29+s29+$0x0] =	vst.idx.msk $0xffff, v37;
	v42 =	vmul.f32 $8.000000000e+00, v30;
	v41 =	vld [tilespmem:s10+$0x20]  }
0x28e: {  	v44 =	vadd.s32 v2, v23;
	v15 =	vmul.f32 $8.000000000e+00, v63;
	[tilespmem:v38+s29+$0x0] =	vst.idx.msk $0xffff, v14;
	v45 =	vld [tilespmem:s21+$0x70]  }
0x28f: {  	v46 =	vadd.s32 v2, v26;
	v14 =	vld [tilespmem:s21+$0xFFFFFFB0];
	[tilespmem:v35+s29+$0x0] =	vst.idx.msk $0xffff, v42;
	v47 =	vmul.f32 $8.000000000e+00, v36  }
0x290: {  	v5 =	vadd.s32 v3, v5;
	[tilespmem:v33+s29+$0x0] =	vst.idx.msk $0xffff, v15;
	v49 =	vld [tilespmem:s21+$0x30];
	v53 =	vmul.f32 $8.000000000e+00, v43  }
0x291: {  	v4 =	vadd.s32 v3, v4;
	v21 =	vld [tilespmem:s21+$0xFFFFFFF0];
	v12 =	vmul.f32 $8.000000000e+00, v39;
	[tilespmem:v40+s29+$0x0] =	vst.idx.msk $0xffff, v47  }
0x292: {  	v52 =	vadd.s32 v3, v7;
	v51 =	vmul.f32 $8.000000000e+00, v41;
	v10 =	vld [tilespmem:s10+$0x70];
	[tilespmem:v48+s29+$0x0] =	vst.idx.msk $0xffff, v53  }
0x293: {  	v50 =	vadd.s32 v3, v6;
	v54 =	vmul.f32 $8.000000000e+00, v45;
	[tilespmem:v44+s29+$0x0] =	vst.idx.msk $0xffff, v12;
	v59 =	vld [tilespmem:s10+$0xFFFFFFB0]  }
0x294: {  	v57 =	vadd.s32 v3, v22;
	v14 =	vmul.f32 $8.000000000e+00, v14;
	[tilespmem:v46+s29+$0x0] =	vst.idx.msk $0xffff, v51;
	v55 =	vld [tilespmem:s10+$0xFFFFFFF0]  }
0x295: {  	v62 =	vadd.s32 v3, v9;
	[tilespmem:v5+s29+$0x0] =	vst.idx.msk $0xffff, v54;
	v5 =	vmul.f32 $8.000000000e+00, v49;
	v58 =	vld [tilespmem:s10+$0x30]  }
0x296: {  	v56 =	vmul.f32 $8.000000000e+00, v21;
	v60 =	vadd.s32 v3, v23;
	[tilespmem:v4+s29+$0x0] =	vst.idx.msk $0xffff, v14  }
0x297: {  	v61 =	vadd.s32 v3, v26;
	[tilespmem:v52+s29+$0x0] =	vst.idx.msk $0xffff, v5;
	v5 =	vmul.f32 $8.000000000e+00, v10  }
0x298: {  	[tilespmem:v50+s29+$0x0] =	vst.idx.msk $0xffff, v56;
	v63 =	vmul.f32 $8.000000000e+00, v59  }
0x299: {  	s21 =	sshll.u32 s18, $0x14;
	v4 =	vmul.f32 $8.000000000e+00, v55;
	[tilespmem:v57+s29+$0x0] =	vst.idx.msk $0xffff, v5  }
0x29a: {  	s16 =	sor.u32 s5, s21;
	v5 =	vmul.f32 $8.000000000e+00, v58;
	[tilespmem:v62+s29+$0x0] =	vst.idx.msk $0xffff, v63  }
0x29b: {  	s10 =	sshrl.u32 s16, $0x3;
	[tilespmem:v60+s29+$0x0] =	vst.idx.msk $0xffff, v4  }
0x29c: {  	s17 =	simm.s32 $0xE400;
	s12 =	sadd.s32 s2, s10;
	[tilespmem:v61+s29+$0x0] =	vst.idx.msk $0xffff, v5  }
0x29d: {  	[hbm4b:s12+s3] =	stream.linear.scatter [tilespmem:s17], [sflag:$0x5], $0x80, $0x38;
	[tilespmem:$0x12800] =	vst v63  }
0x29e: {  	s13 =	simm.s32 $0xE488;
	s15 =	sadd.s32 $0x10, s12  }
0x29f: {  	[hbm4b:s15+s3] =	stream.linear.scatter [tilespmem:s13], [sflag:$0x5], $0x80, $0x38;
	[tilespmem:$0x12800] =	vst v63  }
0x2a0: {  	s16 =	simm.s32 $0xE510;
	s17 =	sadd.s32 $0x20, s12  }
0x2a1: {  	[hbm4b:s17+s3] =	stream.linear.scatter [tilespmem:s16], [sflag:$0x5], $0x80, $0x38;
	[tilespmem:$0x12800] =	vst v63  }
0x2a2: {  	s13 =	simm.s32 $0xE598;
	s15 =	sadd.s32 $0x30, s12  }
0x2a3: {  	[hbm4b:s15+s3] =	stream.linear.scatter [tilespmem:s13], [sflag:$0x5], $0x80, $0x38;
	[tilespmem:$0x12800] =	vst v63  }
0x2a4: {  	s16 =	simm.s32 $0xE620;
	s17 =	sadd.s32 $0x40, s12  }
0x2a5: {  	[hbm4b:s17+s3] =	stream.linear.scatter [tilespmem:s16], [sflag:$0x5], $0x80, $0x38;
	[tilespmem:$0x12800] =	vst v63  }
0x2a6: {  	s10 =	simm.s32 $0x440;
	s13 =	simm.s32 $0xE6A8;
	s15 =	sadd.s32 $0x50, s12  }
0x2a7: {  	[hbm4b:s15+s3] =	stream.linear.scatter [tilespmem:s13], [sflag:$0x5], $0x80, $0x38;
	[tilespmem:$0x12800] =	vst v63  }
0x2a8: {  	s16 =	simm.s32 $0xE730;
	s17 =	sadd.s32 $0x60, s12;
	s13 =	simm.s32 $0x2200  }
0x2a9: {  	[hbm4b:s17+s3] =	stream.linear.scatter [tilespmem:s16], [sflag:$0x5], $0x80, $0x38;
	[tilespmem:$0x12800] =	vst v63  }
0x2aa: {  	s15 =	simm.s32 $0xE7B8;
	s16 =	sadd.s32 $0x70, s12;
	s12 =	sadd.s32 $0x4000, s12  }
.LBB2_23:
0x2ab: {  	[hbm4b:s16+s3] =	stream.linear.scatter [tilespmem:s15], [sflag:$0x5], $0x80, $0x38;
	[tilespmem:$0x12800] =	vst v63  }
0x2ac: {  	s15 =	smov.u32 s10;
	s10 =	smov.u32 s13  }
0x2ad: {  	s17 =	sadd.s32 $0x1100, s13;
	s10 =	sshra.s32 s10, $0x2;
	s16 =	sadd.s32 $0xE400, s15  }
0x2ae: {  	[hbm4b:s12+s3] =	stream.linear.scatter [tilespmem:s16], [sflag:$0x5], $0x80, $0x38;
	[tilespmem:$0x12800] =	vst v63  }
0x2af: {  	p0 =	sne.s32 s13, $0x7700;
	s13 =	sadd.s32 $0xE488, s15;
	s16 =	sadd.s32 $0x10, s12  }
0x2b0: {  	[hbm4b:s16+s3] =	stream.linear.scatter [tilespmem:s13], [sflag:$0x5], $0x80, $0x38;
	[tilespmem:$0x12800] =	vst v63  }
0x2b1: {  	s13 =	sadd.s32 $0xE510, s15;
	s16 =	sadd.s32 $0x20, s12  }
0x2b2: {  	[hbm4b:s16+s3] =	stream.linear.scatter [tilespmem:s13], [sflag:$0x5], $0x80, $0x38;
	[tilespmem:$0x12800] =	vst v63  }
0x2b3: {  	s13 =	sadd.s32 $0xE598, s15;
	s16 =	sadd.s32 $0x30, s12  }
0x2b4: {  	[hbm4b:s16+s3] =	stream.linear.scatter [tilespmem:s13], [sflag:$0x5], $0x80, $0x38;
	[tilespmem:$0x12800] =	vst v63  }
0x2b5: {  	s13 =	sadd.s32 $0xE620, s15;
	s16 =	sadd.s32 $0x40, s12  }
0x2b6: {  	[hbm4b:s16+s3] =	stream.linear.scatter [tilespmem:s13], [sflag:$0x5], $0x80, $0x38;
	[tilespmem:$0x12800] =	vst v63  }
.Ltmp11:
0x2b7: {  	s13 =	sadd.s32 $0xE6A8, s15;
	s16 =	sadd.s32 $0x50, s12;
	(pc) =	sbr.rel @p0 .LBB2_23-.Ltmp11, $4  }
0x2b8: {  	[hbm4b:s16+s3] =	stream.linear.scatter [tilespmem:s13], [sflag:$0x5], $0x80, $0x38;
	[tilespmem:$0x12800] =	vst v63  }
0x2b9: {  	s13 =	sadd.s32 $0xE730, s15;
	s16 =	sadd.s32 $0x60, s12;
	s15 =	sadd.s32 $0xE7B8, s15  }
0x2ba: {  	[hbm4b:s16+s3] =	stream.linear.scatter [tilespmem:s13], [sflag:$0x5], $0x80, $0x38;
	[tilespmem:$0x12800] =	vst v63  }
0x2bb: {  	s16 =	sadd.s32 $0x70, s12;
	s12 =	sadd.s32 $0x4000, s12;
	s13 =	smov.u32 s17  }
0x2bc: {  	[hbm4b:s16+s3] =	stream.linear.scatter [tilespmem:s15], [sflag:$0x5], $0x80, $0x38;
	[tilespmem:$0x12800] =	vst v63  }
0x2bd: {  	s13 =	sadd.s32 $0xE400, s10  }
0x2be: {  	[hbm4b:s12+s3] =	stream.linear.scatter [tilespmem:s13], [sflag:$0x5], $0x80, $0x38;
	[tilespmem:$0x12800] =	vst v63  }
0x2bf: {  	s16 =	sadd.s32 $0xE488, s10;
	s17 =	sadd.s32 $0x10, s12  }
0x2c0: {  	[hbm4b:s17+s3] =	stream.linear.scatter [tilespmem:s16], [sflag:$0x5], $0x80, $0x38;
	[tilespmem:$0x12800] =	vst v63  }
0x2c1: {  	s16 =	sadd.s32 $0xE510, s10;
	s17 =	sadd.s32 $0x20, s12  }
0x2c2: {  	[hbm4b:s17+s3] =	stream.linear.scatter [tilespmem:s16], [sflag:$0x5], $0x80, $0x38;
	[tilespmem:$0x12800] =	vst v63  }
0x2c3: {  	s16 =	sadd.s32 $0xE598, s10;
	s17 =	sadd.s32 $0x30, s12  }
0x2c4: {  	[hbm4b:s17+s3] =	stream.linear.scatter [tilespmem:s16], [sflag:$0x5], $0x80, $0x38;
	[tilespmem:$0x12800] =	vst v63  }
0x2c5: {  	s16 =	sadd.s32 $0xE620, s10;
	s17 =	sadd.s32 $0x40, s12  }
0x2c6: {  	[hbm4b:s17+s3] =	stream.linear.scatter [tilespmem:s16], [sflag:$0x5], $0x80, $0x38;
	[tilespmem:$0x12800] =	vst v63  }
0x2c7: {  	s16 =	sadd.s32 $0xE6A8, s10;
	s17 =	sadd.s32 $0x50, s12  }
0x2c8: {  	[hbm4b:s17+s3] =	stream.linear.scatter [tilespmem:s16], [sflag:$0x5], $0x80, $0x38;
	[tilespmem:$0x12800] =	vst v63  }
0x2c9: {  	s16 =	sadd.s32 $0xE730, s10;
	s17 =	sadd.s32 $0x60, s12  }
0x2ca: {  	[hbm4b:s17+s3] =	stream.linear.scatter [tilespmem:s16], [sflag:$0x5], $0x80, $0x38;
	[tilespmem:$0x12800] =	vst v63  }
0x2cb: {  	s15 =	sadd.s32 $0xE7B8, s10;
	s16 =	sadd.s32 $0x70, s12  }
0x2cc: {  	[hbm4b:s16+s3] =	stream.linear.scatter [tilespmem:s15], [sflag:$0x5], $0x80, $0x38;
	[tilespmem:$0x12800] =	vst v63  }
0x2cd: {  	s6 =	sadd.s32 $0x180, s6  }
0x2ce: {  	[tilespmem:s31], [sflag:$0x4] =	stream.indirect.gather [hbm4b:s4+s22], $0x40, s6, s22, $0xb8;
	[tilespmem:$0x12800] =	vst v63  }
0x2cf: {  	_ =	swait.ge [sflag:s1], $0x2000  }
0x2d0: {  	[sflag:s1] =	ssyncset.done $0x0  }
0x2d1: {  	[sflag:s1] =	ssyncadd.s32 $0xFFFFE000  }
0x2d2: {  	_ =	swait.ge [sflag:s19], $0x2000  }
0x2d3: {  	[sflag:s19] =	ssyncset.done $0x0  }
0x2d4: {  	s13 =	simm.s32 $0x8480;
	s17 =	simm.s32 $0x3;
	[sflag:s19] =	ssyncadd.s32 $0xFFFFE000  }
0x2d5: {  	v4 =	vmov s17;
	v5 =	vld [tilespmem:s13+$0x40]  }
0x2d6: {  	s10 =	simm.s32 $0x0;
	v9 =	vand.u32 $0x7F, v4  }
0x2d7: {  	v6 =	vmov s10;
	v4 =	vadd.s32 v0, v9  }
0x2d8: {  	s12 =	simm.s32 $0x1;
	v8 =	vand.u32 $0x7C, v6;
	v7 =	vld [tilespmem:s13+$0xFFFFFF80]  }
0x2d9: {  	v6 =	vmov s12;
	v12 =	vadd.s32 v0, v8;
	s15 =	simm.s32 $0x2;
	v10 =	vld [tilespmem:s13+$0xFFFFFFC0]  }
0x2da: {  	v15 =	vand.u32 $0x7D, v6;
	v11 =	vmov s15;
	v6 =	vld [tilespmem:s13+$0x0];
	v5 =	vmul.f32 $8.000000000e+00, v5  }
0x2db: {  	v13 =	vadd.s32 v0, v15;
	v17 =	vand.u32 $0x7E, v11  }
0x2dc: {  	v11 =	vadd.s32 v0, v17;
	[tilespmem:v4+s0+$0x0] =	vst.idx.msk $0xffff, v5  }
0x2dd: {  	v4 =	vmul.f32 $8.000000000e+00, v7;
	v5 =	vld [tilespmem:s13+$0x50]  }
0x2de: {  	v7 =	vmul.f32 $8.000000000e+00, v10  }
0x2df: {  	[tilespmem:v12+s0+$0x0] =	vst.idx.msk $0xffff, v4;
	v4 =	vmul.f32 $8.000000000e+00, v6;
	v6 =	vadd.s32 v1, v9  }
0x2e0: {  	[tilespmem:v13+s0+$0x0] =	vst.idx.msk $0xffff, v7;
	v10 =	vld [tilespmem:s13+$0xFFFFFF90]  }
0x2e1: {  	v7 =	vld [tilespmem:s13+$0xFFFFFFD0];
	[tilespmem:v11+s0+$0x0] =	vst.idx.msk $0xffff, v4  }
0x2e2: {  	v11 =	vld [tilespmem:s13+$0x10];
	v4 =	vmul.f32 $8.000000000e+00, v5  }
0x2e3: {  	s17 =	simm.s32 $0x7;
	s16 =	simm.s32 $0x4;
	s6 =	simm.s32 $0x8580;
	v12 =	vadd.s32 v1, v15  }
0x2e4: {  	v14 =	vld [tilespmem:s6+$0x40];
	v13 =	vadd.s32 v1, v17;
	v5 =	vmov s16;
	[tilespmem:v6+s0+$0x0] =	vst.idx.msk $0xffff, v4;
	v6 =	vmov s17  }
0x2e5: {  	v16 =	vadd.s32 v1, v8;
	v4 =	vand.u32 $0x7C, v5;
	v5 =	vand.u32 $0x7F, v6;
	v18 =	vld [tilespmem:s13+$0x60]  }
0x2e6: {  	s15 =	simm.s32 $0x5;
	v22 =	vadd.s32 v2, v9;
	v19 =	vld [tilespmem:s6+$0xFFFFFF80];
	v6 =	vmul.f32 $8.000000000e+00, v7;
	v20 =	vadd.s32 v0, v5  }
0x2e7: {  	v21 =	vld [tilespmem:s6+$0xFFFFFFC0];
	s16 =	simm.s32 $0x6;
	v10 =	vmul.f32 $8.000000000e+00, v10;
	v7 =	vmul.f32 $8.000000000e+00, v11;
	v11 =	vmov s15  }
0x2e8: {  	v23 =	vadd.s32 v0, v4;
	[tilespmem:v12+s0+$0x0] =	vst.idx.msk $0xffff, v6;
	v12 =	vmov s16;
	v6 =	vand.u32 $0x7D, v11;
	v11 =	vld [tilespmem:s6+$0x0]  }
0x2e9: {  	[tilespmem:v13+s0+$0x0] =	vst.idx.msk $0xffff, v7;
	v13 =	vadd.s32 v0, v6;
	v7 =	vand.u32 $0x7E, v12;
	v12 =	vmul.f32 $8.000000000e+00, v14;
	v14 =	vld [tilespmem:s13+$0xFFFFFFE0]  }
0x2ea: {  	[tilespmem:v16+s0+$0x0] =	vst.idx.msk $0xffff, v10;
	v10 =	vadd.s32 v0, v7;
	v16 =	vld [tilespmem:s13+$0x20];
	v18 =	vmul.f32 $8.000000000e+00, v18  }
0x2eb: {  	v19 =	vmul.f32 $8.000000000e+00, v19;
	[tilespmem:v20+s0+$0x0] =	vst.idx.msk $0xffff, v12;
	v12 =	vld [tilespmem:s13+$0xFFFFFFA0];
	v20 =	vadd.s32 v2, v15  }
0x2ec: {  	v25 =	vadd.s32 v2, v17;
	v21 =	vmul.f32 $8.000000000e+00, v21;
	v24 =	vld [tilespmem:s6+$0x50];
	[tilespmem:v22+s0+$0x0] =	vst.idx.msk $0xffff, v18  }
0x2ed: {  	[tilespmem:v23+s0+$0x0] =	vst.idx.msk $0xffff, v19;
	v19 =	vadd.s32 v2, v8;
	v11 =	vmul.f32 $8.000000000e+00, v11;
	v22 =	vld [tilespmem:s13+$0x70]  }
0x2ee: {  	v23 =	vld [tilespmem:s6+$0xFFFFFF90];
	[tilespmem:v13+s0+$0x0] =	vst.idx.msk $0xffff, v21;
	v21 =	vadd.s32 v1, v5;
	v14 =	vmul.f32 $8.000000000e+00, v14  }
0x2ef: {  	v27 =	vadd.s32 v3, v9;
	v26 =	vld [tilespmem:s6+$0xFFFFFFD0];
	[tilespmem:v10+s0+$0x0] =	vst.idx.msk $0xffff, v11;
	v10 =	vmul.f32 $8.000000000e+00, v16  }
0x2f0: {  	v18 =	vadd.s32 v1, v4;
	v13 =	vld [tilespmem:s6+$0x10];
	v9 =	vmul.f32 $8.000000000e+00, v12;
	[tilespmem:v20+s0+$0x0] =	vst.idx.msk $0xffff, v14  }
0x2f1: {  	s12 =	simm.s32 $0x8;
	v16 =	vadd.s32 v1, v6;
	[tilespmem:v25+s0+$0x0] =	vst.idx.msk $0xffff, v10;
	v14 =	vmul.f32 $8.000000000e+00, v24;
	v12 =	vld [tilespmem:s13+$0xFFFFFFF0]  }
0x2f2: {  	v20 =	vmov s12;
	v10 =	vadd.s32 v1, v7;
	v11 =	vld [tilespmem:s13+$0x30];
	[tilespmem:v19+s0+$0x0] =	vst.idx.msk $0xffff, v9;
	v63 =	vmul.f32 $8.000000000e+00, v22  }
0x2f3: {  	s10 =	simm.s32 $0x8680;
	s17 =	simm.s32 $0xB;
	v15 =	vadd.s32 v3, v15;
	v9 =	vand.u32 $0x7C, v20;
	v20 =	vmul.f32 $8.000000000e+00, v23;
	[tilespmem:v21+s0+$0x0] =	vst.idx.msk $0xffff, v14;
	v14 =	vld [tilespmem:s13+$0xFFFFFFB0]  }
0x2f4: {  	v17 =	vadd.s32 v3, v17;
	v22 =	vmov s17;
	v19 =	vld [tilespmem:s10+$0x40];
	s13 =	simm.s32 $0xC;
	v21 =	vmul.f32 $8.000000000e+00, v26;
	[tilespmem:v27+s0+$0x0] =	vst.idx.msk $0xffff, v63  }
.LBB2_25:
0x2f5: {  	p0 =	slt.u32 s13, $0x7C;
	s15 =	sadd.s32 $0x1, s12;
	v22 =	vand.u32 $0x7F, v22;
	[tilespmem:v18+s0+$0x0] =	vst.idx.msk $0xffff, v20;
	v13 =	vmul.f32 $8.000000000e+00, v13;
	v18 =	vld [tilespmem:s6+$0x60];
	v20 =	vadd.s32 v3, v8;
	v8 =	vmovc v4  }
0x2f6: {  	v4 =	vmovc v9;
	v23 =	vld [tilespmem:s10+$0xFFFFFF80];
	v24 =	vmov s15;
	s15 =	sadd.s32 $0x2, s12;
	v25 =	vadd.s32 v0, v22;
	[tilespmem:v16+s0+$0x0] =	vst.idx.msk $0xffff, v21;
	v12 =	vmul.f32 $8.000000000e+00, v12;
	s12 =	smov.u32 s13  }
0x2f7: {  	v9 =	vld [tilespmem:s10+$0xFFFFFFC0];
	v16 =	vmov s15;
	[tilespmem:v10+s0+$0x0] =	vst.idx.msk $0xffff, v13;
	v10 =	vadd.s32 v2, v5;
	v11 =	vmul.f32 $8.000000000e+00, v11  }
0x2f8: {  	v13 =	vadd.s32 v0, v4;
	v21 =	vand.u32 $0x7D, v24;
	v24 =	vld [tilespmem:s10+$0x0];
	v14 =	vmul.f32 $8.000000000e+00, v14;
	[tilespmem:v15+s0+$0x0] =	vst.idx.msk $0xffff, v12  }
0x2f9: {  	v12 =	vadd.s32 v0, v21;
	v26 =	vand.u32 $0x7E, v16;
	v15 =	vmul.f32 $8.000000000e+00, v19;
	v16 =	vld [tilespmem:s6+$0xFFFFFFE0];
	[tilespmem:v17+s0+$0x0] =	vst.idx.msk $0xffff, v11  }
0x2fa: {  	v11 =	vadd.s32 v0, v26;
	v17 =	vld [tilespmem:s6+$0x20];
	v18 =	vmul.f32 $8.000000000e+00, v18;
	[tilespmem:v20+s0+$0x0] =	vst.idx.msk $0xffff, v14  }
0x2fb: {  	v19 =	vadd.s32 v2, v6;
	v14 =	vmul.f32 $8.000000000e+00, v23;
	[tilespmem:v25+s0+$0x0] =	vst.idx.msk $0xffff, v15;
	v15 =	vld [tilespmem:s6+$0xFFFFFFA0]  }
0x2fc: {  	v23 =	vadd.s32 v2, v7;
	v9 =	vmul.f32 $8.000000000e+00, v9;
	v20 =	vld [tilespmem:s10+$0x50];
	[tilespmem:v10+s0+$0x0] =	vst.idx.msk $0xffff, v18  }
0x2fd: {  	[tilespmem:v13+s0+$0x0] =	vst.idx.msk $0xffff, v14;
	v10 =	vmul.f32 $8.000000000e+00, v24;
	v14 =	vadd.s32 v2, v8;
	v24 =	vld [tilespmem:s6+$0x70]  }
0x2fe: {  	v27 =	vadd.s32 v1, v22;
	v25 =	vld [tilespmem:s10+$0xFFFFFF90];
	[tilespmem:v12+s0+$0x0] =	vst.idx.msk $0xffff, v9;
	v9 =	vmul.f32 $8.000000000e+00, v16  }
0x2ff: {  	v29 =	vadd.s32 v3, v5;
	v5 =	vmov v22;
	v28 =	vld [tilespmem:s10+$0xFFFFFFD0];
	[tilespmem:v11+s0+$0x0] =	vst.idx.msk $0xffff, v10;
	v10 =	vmul.f32 $8.000000000e+00, v17  }
.Ltmp12:
0x300: {  	v18 =	vadd.s32 v1, v4;
	v13 =	vld [tilespmem:s10+$0x10];
	v11 =	vmul.f32 $8.000000000e+00, v15;
	[tilespmem:v19+s0+$0x0] =	vst.idx.msk $0xffff, v9;
	(pc) =	sbr.rel @p0 .LBB2_25-.Ltmp12, $4  }
0x301: {  	v16 =	vadd.s32 v1, v21;
	v15 =	vmul.f32 $8.000000000e+00, v20;
	v12 =	vld [tilespmem:s6+$0xFFFFFFF0];
	[tilespmem:v23+s0+$0x0] =	vst.idx.msk $0xffff, v10  }
0x302: {  	v9 =	vmov s13;
	v10 =	vadd.s32 v1, v26;
	[tilespmem:v14+s0+$0x0] =	vst.idx.msk $0xffff, v11;
	v11 =	vld [tilespmem:s6+$0x30];
	v23 =	vmul.f32 $8.000000000e+00, v24  }
0x303: {  	s15 =	sadd.s32 $0x3, s13;
	v9 =	vand.u32 $0x7C, v9;
	v20 =	vmul.f32 $8.000000000e+00, v25;
	[tilespmem:v27+s0+$0x0] =	vst.idx.msk $0xffff, v15;
	v14 =	vld [tilespmem:s6+$0xFFFFFFB0];
	v15 =	vadd.s32 v3, v6;
	v6 =	vmovc v21;
	s6 =	smov.u32 s10;
	s10 =	sadd.s32 $0x100, s10  }
0x304: {  	v22 =	vmov s15;
	v17 =	vadd.s32 v3, v7;
	v7 =	vmovc v26;
	s13 =	sadd.s32 $0x4, s13;
	v19 =	vld [tilespmem:s10+$0x40];
	v21 =	vmul.f32 $8.000000000e+00, v28;
	[tilespmem:v29+s0+$0x0] =	vst.idx.msk $0xffff, v23  }
0x305: {  	s13 =	sadd.s32 $0x1, s12;
	v22 =	vand.u32 $0x7F, v22;
	v28 =	vld [tilespmem:s10+$0xFFFFFF80]  }
0x306: {  	s17 =	sadd.s32 $0x2, s12;
	v24 =	vld [tilespmem:s10+$0xFFFFFFC0];
	v23 =	vmov s13;
	v25 =	vadd.s32 v0, v22  }
0x307: {  	v27 =	vld [tilespmem:s10+$0x0];
	v51 =	vadd.s32 v0, v9;
	v26 =	vmov s17;
	v23 =	vand.u32 $0x7D, v23  }
0x308: {  	v26 =	vand.u32 $0x7E, v26;
	v29 =	vadd.s32 v0, v23  }
0x309: {  	[tilespmem:v18+s0+$0x0] =	vst.idx.msk $0xffff, v20;
	v30 =	vadd.s32 v0, v26;
	v19 =	vmul.f32 $8.000000000e+00, v19  }
0x30a: {  	[tilespmem:v16+s0+$0x0] =	vst.idx.msk $0xffff, v21;
	v54 =	vmul.f32 $8.000000000e+00, v28  }
0x30b: {  	v52 =	vmul.f32 $8.000000000e+00, v24;
	[tilespmem:v25+s0+$0x0] =	vst.idx.msk $0xffff, v19  }
0x30c: {  	v53 =	vmul.f32 $8.000000000e+00, v27;
	v55 =	vld [tilespmem:s10+$0x50];
	[tilespmem:v51+s0+$0x0] =	vst.idx.msk $0xffff, v54  }
0x30d: {  	v13 =	vmul.f32 $8.000000000e+00, v13;
	v8 =	vadd.s32 v3, v8;
	[tilespmem:v29+s0+$0x0] =	vst.idx.msk $0xffff, v52;
	v59 =	vld [tilespmem:s10+$0xFFFFFF90]  }
0x30e: {  	v12 =	vmul.f32 $8.000000000e+00, v12;
	v57 =	vadd.s32 v1, v22;
	[tilespmem:v30+s0+$0x0] =	vst.idx.msk $0xffff, v53;
	v56 =	vld [tilespmem:s10+$0xFFFFFFD0]  }
0x30f: {  	[tilespmem:v10+s0+$0x0] =	vst.idx.msk $0xffff, v13;
	v58 =	vmul.f32 $8.000000000e+00, v11;
	v28 =	vadd.s32 v1, v9;
	v19 =	vld [tilespmem:s10+$0x10]  }
0x310: {  	v61 =	vld [tilespmem:s6+$0x60];
	v60 =	vadd.s32 v1, v23;
	v14 =	vmul.f32 $8.000000000e+00, v14;
	[tilespmem:v15+s0+$0x0] =	vst.idx.msk $0xffff, v12  }
0x311: {  	v32 =	vld [tilespmem:s6+$0xFFFFFFA0];
	v62 =	vadd.s32 v1, v26;
	[tilespmem:v17+s0+$0x0] =	vst.idx.msk $0xffff, v58;
	v16 =	vmul.f32 $8.000000000e+00, v55  }
0x312: {  	[tilespmem:v8+s0+$0x0] =	vst.idx.msk $0xffff, v14;
	v29 =	vadd.s32 v2, v5;
	v30 =	vld [tilespmem:s6+$0x20];
	v11 =	vmul.f32 $8.000000000e+00, v59  }
0x313: {  	v38 =	vadd.s32 v2, v4;
	v63 =	vld [tilespmem:s6+$0xFFFFFFE0];
	v31 =	vmul.f32 $8.000000000e+00, v56;
	[tilespmem:v57+s0+$0x0] =	vst.idx.msk $0xffff, v16  }
0x314: {  	v35 =	vadd.s32 v2, v7;
	v34 =	vmul.f32 $8.000000000e+00, v19;
	v36 =	vld [tilespmem:s10+$0x60];
	[tilespmem:v28+s0+$0x0] =	vst.idx.msk $0xffff, v11  }
0x315: {  	v33 =	vadd.s32 v2, v6;
	v37 =	vmul.f32 $8.000000000e+00, v61;
	[tilespmem:v60+s0+$0x0] =	vst.idx.msk $0xffff, v31;
	v43 =	vld [tilespmem:s10+$0xFFFFFFA0]  }
0x316: {  	v40 =	vadd.s32 v2, v22;
	v14 =	vmul.f32 $8.000000000e+00, v32;
	[tilespmem:v62+s0+$0x0] =	vst.idx.msk $0xffff, v34;
	v39 =	vld [tilespmem:s10+$0xFFFFFFE0]  }
0x317: {  	v48 =	vadd.s32 v2, v9;
	[tilespmem:v29+s0+$0x0] =	vst.idx.msk $0xffff, v37;
	v42 =	vmul.f32 $8.000000000e+00, v30;
	v41 =	vld [tilespmem:s10+$0x20]  }
0x318: {  	v44 =	vadd.s32 v2, v23;
	v15 =	vmul.f32 $8.000000000e+00, v63;
	[tilespmem:v38+s0+$0x0] =	vst.idx.msk $0xffff, v14;
	v45 =	vld [tilespmem:s6+$0x70]  }
0x319: {  	v46 =	vadd.s32 v2, v26;
	v14 =	vld [tilespmem:s6+$0xFFFFFFB0];
	[tilespmem:v35+s0+$0x0] =	vst.idx.msk $0xffff, v42;
	v47 =	vmul.f32 $8.000000000e+00, v36  }
0x31a: {  	v5 =	vadd.s32 v3, v5;
	[tilespmem:v33+s0+$0x0] =	vst.idx.msk $0xffff, v15;
	v49 =	vld [tilespmem:s6+$0x30];
	v53 =	vmul.f32 $8.000000000e+00, v43  }
0x31b: {  	v4 =	vadd.s32 v3, v4;
	v21 =	vld [tilespmem:s6+$0xFFFFFFF0];
	v12 =	vmul.f32 $8.000000000e+00, v39;
	[tilespmem:v40+s0+$0x0] =	vst.idx.msk $0xffff, v47  }
0x31c: {  	v52 =	vadd.s32 v3, v7;
	v51 =	vmul.f32 $8.000000000e+00, v41;
	v10 =	vld [tilespmem:s10+$0x70];
	[tilespmem:v48+s0+$0x0] =	vst.idx.msk $0xffff, v53  }
0x31d: {  	v50 =	vadd.s32 v3, v6;
	v54 =	vmul.f32 $8.000000000e+00, v45;
	[tilespmem:v44+s0+$0x0] =	vst.idx.msk $0xffff, v12;
	v59 =	vld [tilespmem:s10+$0xFFFFFFB0]  }
0x31e: {  	v57 =	vadd.s32 v3, v22;
	v14 =	vmul.f32 $8.000000000e+00, v14;
	[tilespmem:v46+s0+$0x0] =	vst.idx.msk $0xffff, v51;
	v55 =	vld [tilespmem:s10+$0xFFFFFFF0]  }
0x31f: {  	v62 =	vadd.s32 v3, v9;
	[tilespmem:v5+s0+$0x0] =	vst.idx.msk $0xffff, v54;
	v5 =	vmul.f32 $8.000000000e+00, v49;
	v58 =	vld [tilespmem:s10+$0x30]  }
0x320: {  	v56 =	vmul.f32 $8.000000000e+00, v21;
	v60 =	vadd.s32 v3, v23;
	[tilespmem:v4+s0+$0x0] =	vst.idx.msk $0xffff, v14  }
0x321: {  	v61 =	vadd.s32 v3, v26;
	[tilespmem:v52+s0+$0x0] =	vst.idx.msk $0xffff, v5;
	v5 =	vmul.f32 $8.000000000e+00, v10  }
0x322: {  	[tilespmem:v50+s0+$0x0] =	vst.idx.msk $0xffff, v56;
	v63 =	vmul.f32 $8.000000000e+00, v59  }
0x323: {  	v4 =	vmul.f32 $8.000000000e+00, v55;
	[tilespmem:v57+s0+$0x0] =	vst.idx.msk $0xffff, v5  }
0x324: {  	s10 =	sor.u32 s7, s21;
	v5 =	vmul.f32 $8.000000000e+00, v58;
	[tilespmem:v62+s0+$0x0] =	vst.idx.msk $0xffff, v63  }
0x325: {  	s6 =	sshrl.u32 s10, $0x3;
	[tilespmem:v60+s0+$0x0] =	vst.idx.msk $0xffff, v4  }
0x326: {  	s12 =	simm.s32 $0x10600;
	s10 =	sadd.s32 s2, s6;
	[tilespmem:v61+s0+$0x0] =	vst.idx.msk $0xffff, v5  }
0x327: {  	[hbm4b:s10+s3] =	stream.linear.scatter [tilespmem:s12], [sflag:$0x6], $0x80, $0x38;
	[tilespmem:$0x12800] =	vst v63  }
0x328: {  	s13 =	simm.s32 $0x10688;
	s15 =	sadd.s32 $0x10, s10  }
0x329: {  	[hbm4b:s15+s3] =	stream.linear.scatter [tilespmem:s13], [sflag:$0x6], $0x80, $0x38;
	[tilespmem:$0x12800] =	vst v63  }
0x32a: {  	s16 =	simm.s32 $0x10710;
	s6 =	simm.s32 $0x440;
	s17 =	sadd.s32 $0x20, s10  }
0x32b: {  	[hbm4b:s17+s3] =	stream.linear.scatter [tilespmem:s16], [sflag:$0x6], $0x80, $0x38;
	[tilespmem:$0x12800] =	vst v63  }
0x32c: {  	s12 =	simm.s32 $0x2200;
	s13 =	simm.s32 $0x10798;
	s15 =	sadd.s32 $0x30, s10  }
0x32d: {  	[hbm4b:s15+s3] =	stream.linear.scatter [tilespmem:s13], [sflag:$0x6], $0x80, $0x38;
	[tilespmem:$0x12800] =	vst v63  }
0x32e: {  	s16 =	simm.s32 $0x10820;
	s17 =	sadd.s32 $0x40, s10;
	s13 =	simm.s32 $0x108A8  }
0x32f: {  	[hbm4b:s17+s3] =	stream.linear.scatter [tilespmem:s16], [sflag:$0x6], $0x80, $0x38;
	[tilespmem:$0x12800] =	vst v63  }
0x330: {  	s15 =	sadd.s32 $0x50, s10;
	s16 =	simm.s32 $0x10930;
	s17 =	sadd.s32 $0x60, s10  }
0x331: {  	[hbm4b:s15+s3] =	stream.linear.scatter [tilespmem:s13], [sflag:$0x6], $0x80, $0x38;
	[tilespmem:$0x12800] =	vst v63  }
0x332: {  	s13 =	simm.s32 $0x109B8;
	s15 =	sadd.s32 $0x70, s10;
	s10 =	sadd.s32 $0x4000, s10  }
0x333: {  	[hbm4b:s17+s3] =	stream.linear.scatter [tilespmem:s16], [sflag:$0x6], $0x80, $0x38;
	[tilespmem:$0x12800] =	vst v63  }
.LBB2_27:
0x334: {  	[hbm4b:s15+s3] =	stream.linear.scatter [tilespmem:s13], [sflag:$0x6], $0x80, $0x38;
	[tilespmem:$0x12800] =	vst v63  }
0x335: {  	s13 =	smov.u32 s6;
	s6 =	smov.u32 s12  }
0x336: {  	s16 =	sadd.s32 $0x1100, s12;
	s6 =	sshra.s32 s6, $0x2;
	s15 =	sadd.s32 $0x10600, s13  }
0x337: {  	[hbm4b:s10+s3] =	stream.linear.scatter [tilespmem:s15], [sflag:$0x6], $0x80, $0x38;
	[tilespmem:$0x12800] =	vst v63  }
0x338: {  	p0 =	sne.s32 s12, $0x7700;
	s12 =	sadd.s32 $0x10688, s13;
	s15 =	sadd.s32 $0x10, s10  }
0x339: {  	[hbm4b:s15+s3] =	stream.linear.scatter [tilespmem:s12], [sflag:$0x6], $0x80, $0x38;
	[tilespmem:$0x12800] =	vst v63  }
0x33a: {  	s12 =	sadd.s32 $0x10710, s13;
	s15 =	sadd.s32 $0x20, s10  }
0x33b: {  	[hbm4b:s15+s3] =	stream.linear.scatter [tilespmem:s12], [sflag:$0x6], $0x80, $0x38;
	[tilespmem:$0x12800] =	vst v63  }
0x33c: {  	s12 =	sadd.s32 $0x10798, s13;
	s15 =	sadd.s32 $0x30, s10  }
0x33d: {  	[hbm4b:s15+s3] =	stream.linear.scatter [tilespmem:s12], [sflag:$0x6], $0x80, $0x38;
	[tilespmem:$0x12800] =	vst v63  }
0x33e: {  	s12 =	sadd.s32 $0x10820, s13;
	s15 =	sadd.s32 $0x40, s10  }
0x33f: {  	[hbm4b:s15+s3] =	stream.linear.scatter [tilespmem:s12], [sflag:$0x6], $0x80, $0x38;
	[tilespmem:$0x12800] =	vst v63  }
.Ltmp13:
0x340: {  	s12 =	sadd.s32 $0x108A8, s13;
	s15 =	sadd.s32 $0x50, s10;
	(pc) =	sbr.rel @p0 .LBB2_27-.Ltmp13, $4  }
0x341: {  	[hbm4b:s15+s3] =	stream.linear.scatter [tilespmem:s12], [sflag:$0x6], $0x80, $0x38;
	[tilespmem:$0x12800] =	vst v63  }
0x342: {  	s12 =	sadd.s32 $0x10930, s13;
	s15 =	sadd.s32 $0x60, s10;
	s13 =	sadd.s32 $0x109B8, s13  }
0x343: {  	[hbm4b:s15+s3] =	stream.linear.scatter [tilespmem:s12], [sflag:$0x6], $0x80, $0x38;
	[tilespmem:$0x12800] =	vst v63  }
0x344: {  	s15 =	sadd.s32 $0x70, s10;
	s10 =	sadd.s32 $0x4000, s10;
	s12 =	smov.u32 s16  }
0x345: {  	[hbm4b:s15+s3] =	stream.linear.scatter [tilespmem:s13], [sflag:$0x6], $0x80, $0x38;
	[tilespmem:$0x12800] =	vst v63  }
0x346: {  	s12 =	sadd.s32 $0x10600, s6  }
0x347: {  	[hbm4b:s10+s3] =	stream.linear.scatter [tilespmem:s12], [sflag:$0x6], $0x80, $0x38;
	[tilespmem:$0x12800] =	vst v63  }
0x348: {  	s13 =	sadd.s32 $0x10688, s6;
	s15 =	sadd.s32 $0x10, s10  }
0x349: {  	[hbm4b:s15+s3] =	stream.linear.scatter [tilespmem:s13], [sflag:$0x6], $0x80, $0x38;
	[tilespmem:$0x12800] =	vst v63  }
0x34a: {  	s16 =	sadd.s32 $0x10710, s6;
	s17 =	sadd.s32 $0x20, s10  }
0x34b: {  	[hbm4b:s17+s3] =	stream.linear.scatter [tilespmem:s16], [sflag:$0x6], $0x80, $0x38;
	[tilespmem:$0x12800] =	vst v63  }
0x34c: {  	s13 =	sadd.s32 $0x10798, s6;
	s15 =	sadd.s32 $0x30, s10  }
0x34d: {  	[hbm4b:s15+s3] =	stream.linear.scatter [tilespmem:s13], [sflag:$0x6], $0x80, $0x38;
	[tilespmem:$0x12800] =	vst v63  }
0x34e: {  	s16 =	sadd.s32 $0x10820, s6;
	s17 =	sadd.s32 $0x40, s10  }
0x34f: {  	[hbm4b:s17+s3] =	stream.linear.scatter [tilespmem:s16], [sflag:$0x6], $0x80, $0x38;
	[tilespmem:$0x12800] =	vst v63  }
0x350: {  	s13 =	sadd.s32 $0x108A8, s6;
	s15 =	sadd.s32 $0x50, s10  }
0x351: {  	[hbm4b:s15+s3] =	stream.linear.scatter [tilespmem:s13], [sflag:$0x6], $0x80, $0x38;
	[tilespmem:$0x12800] =	vst v63  }
0x352: {  	s18 =	sadd.s32 $0x1, s18;
	s16 =	sadd.s32 $0x10930, s6;
	s17 =	sadd.s32 $0x60, s10  }
0x353: {  	[hbm4b:s17+s3] =	stream.linear.scatter [tilespmem:s16], [sflag:$0x6], $0x80, $0x38;
	[tilespmem:$0x12800] =	vst v63  }
0x354: {  	s12 =	sadd.s32 $0x109B8, s6;
	s13 =	sadd.s32 $0x70, s10;
	s15 =	sshll.u32 s18, $0x9  }
0x355: {  	[hbm4b:s13+s3] =	stream.linear.scatter [tilespmem:s12], [sflag:$0x6], $0x80, $0x38;
	[tilespmem:$0x12800] =	vst v63  }
0x356: {  	s6 =	sand.u32 $0x3FFFFE00, s15  }
0x357: {  	[tilespmem:s23], [sflag:$0x1] =	stream.indirect.gather [hbm4b:s4+s22], $0x40, s6, s22, $0xb8;
	[tilespmem:$0x12800] =	vst v63  }
0x358: {  	_ =	swait.ge [sflag:s20], $0x2000  }
0x359: {  	[sflag:s20] =	ssyncset.done $0x0  }
0x35a: {  	[sflag:s20] =	ssyncadd.s32 $0xFFFFE000  }
0x35b: {  	_ =	swait.ge [sflag:s25], $0x2000  }
0x35c: {  	[sflag:s25] =	ssyncset.done $0x0  }
0x35d: {  	s15 =	simm.s32 $0xA480;
	s16 =	simm.s32 $0x3;
	[sflag:s25] =	ssyncadd.s32 $0xFFFFE000  }
0x35e: {  	v4 =	vmov s16;
	v5 =	vld [tilespmem:s15+$0x40]  }
0x35f: {  	v9 =	vand.u32 $0x7F, v4  }
0x360: {  	s17 =	simm.s32 $0x0;
	v4 =	vadd.s32 v0, v9  }
0x361: {  	v6 =	vmov s17;
	s12 =	simm.s32 $0x1;
	s13 =	simm.s32 $0x2;
	v7 =	vld [tilespmem:s15+$0xFFFFFF80]  }
0x362: {  	v8 =	vand.u32 $0x7C, v6;
	v6 =	vmov s12;
	v11 =	vmov s13;
	v10 =	vld [tilespmem:s15+$0xFFFFFFC0]  }
0x363: {  	v12 =	vadd.s32 v0, v8;
	v15 =	vand.u32 $0x7D, v6;
	v6 =	vld [tilespmem:s15+$0x0];
	v5 =	vmul.f32 $8.000000000e+00, v5  }
0x364: {  	v17 =	vand.u32 $0x7E, v11;
	v13 =	vadd.s32 v0, v15  }
0x365: {  	v11 =	vadd.s32 v0, v17;
	[tilespmem:v4+s29+$0x0] =	vst.idx.msk $0xffff, v5  }
0x366: {  	v4 =	vmul.f32 $8.000000000e+00, v7;
	v5 =	vld [tilespmem:s15+$0x50]  }
0x367: {  	v7 =	vmul.f32 $8.000000000e+00, v10  }
0x368: {  	[tilespmem:v12+s29+$0x0] =	vst.idx.msk $0xffff, v4;
	v4 =	vmul.f32 $8.000000000e+00, v6;
	v6 =	vadd.s32 v1, v9  }
0x369: {  	[tilespmem:v13+s29+$0x0] =	vst.idx.msk $0xffff, v7;
	v10 =	vld [tilespmem:s15+$0xFFFFFF90]  }
0x36a: {  	v7 =	vld [tilespmem:s15+$0xFFFFFFD0];
	[tilespmem:v11+s29+$0x0] =	vst.idx.msk $0xffff, v4  }
0x36b: {  	v11 =	vld [tilespmem:s15+$0x10];
	v4 =	vmul.f32 $8.000000000e+00, v5  }
0x36c: {  	s10 =	simm.s32 $0xA580;
	s16 =	simm.s32 $0x4;
	s17 =	simm.s32 $0x7;
	v12 =	vadd.s32 v1, v15  }
0x36d: {  	v14 =	vld [tilespmem:s10+$0x40];
	v13 =	vadd.s32 v1, v17;
	v5 =	vmov s16;
	[tilespmem:v6+s29+$0x0] =	vst.idx.msk $0xffff, v4;
	v6 =	vmov s17  }
0x36e: {  	v16 =	vadd.s32 v1, v8;
	v4 =	vand.u32 $0x7C, v5;
	v5 =	vand.u32 $0x7F, v6;
	v18 =	vld [tilespmem:s15+$0x60]  }
0x36f: {  	v22 =	vadd.s32 v2, v9;
	v19 =	vld [tilespmem:s10+$0xFFFFFF80];
	s16 =	simm.s32 $0x5;
	v6 =	vmul.f32 $8.000000000e+00, v7;
	v20 =	vadd.s32 v0, v5  }
0x370: {  	v21 =	vld [tilespmem:s10+$0xFFFFFFC0];
	v10 =	vmul.f32 $8.000000000e+00, v10;
	s17 =	simm.s32 $0x6;
	v7 =	vmul.f32 $8.000000000e+00, v11;
	v11 =	vmov s16  }
0x371: {  	v23 =	vadd.s32 v0, v4;
	[tilespmem:v12+s29+$0x0] =	vst.idx.msk $0xffff, v6;
	v12 =	vmov s17;
	v6 =	vand.u32 $0x7D, v11;
	v11 =	vld [tilespmem:s10+$0x0]  }
0x372: {  	[tilespmem:v13+s29+$0x0] =	vst.idx.msk $0xffff, v7;
	v13 =	vadd.s32 v0, v6;
	v7 =	vand.u32 $0x7E, v12;
	v12 =	vmul.f32 $8.000000000e+00, v14;
	v14 =	vld [tilespmem:s15+$0xFFFFFFE0]  }
0x373: {  	[tilespmem:v16+s29+$0x0] =	vst.idx.msk $0xffff, v10;
	v10 =	vadd.s32 v0, v7;
	v16 =	vld [tilespmem:s15+$0x20];
	v18 =	vmul.f32 $8.000000000e+00, v18  }
0x374: {  	v19 =	vmul.f32 $8.000000000e+00, v19;
	[tilespmem:v20+s29+$0x0] =	vst.idx.msk $0xffff, v12;
	v12 =	vld [tilespmem:s15+$0xFFFFFFA0];
	v20 =	vadd.s32 v2, v15  }
0x375: {  	v25 =	vadd.s32 v2, v17;
	v21 =	vmul.f32 $8.000000000e+00, v21;
	v24 =	vld [tilespmem:s10+$0x50];
	[tilespmem:v22+s29+$0x0] =	vst.idx.msk $0xffff, v18  }
0x376: {  	[tilespmem:v23+s29+$0x0] =	vst.idx.msk $0xffff, v19;
	v19 =	vadd.s32 v2, v8;
	v11 =	vmul.f32 $8.000000000e+00, v11;
	v22 =	vld [tilespmem:s15+$0x70]  }
0x377: {  	v23 =	vld [tilespmem:s10+$0xFFFFFF90];
	[tilespmem:v13+s29+$0x0] =	vst.idx.msk $0xffff, v21;
	v21 =	vadd.s32 v1, v5;
	v14 =	vmul.f32 $8.000000000e+00, v14  }
0x378: {  	v27 =	vadd.s32 v3, v9;
	v26 =	vld [tilespmem:s10+$0xFFFFFFD0];
	[tilespmem:v10+s29+$0x0] =	vst.idx.msk $0xffff, v11;
	v10 =	vmul.f32 $8.000000000e+00, v16  }
0x379: {  	v18 =	vadd.s32 v1, v4;
	v13 =	vld [tilespmem:s10+$0x10];
	v9 =	vmul.f32 $8.000000000e+00, v12;
	[tilespmem:v20+s29+$0x0] =	vst.idx.msk $0xffff, v14  }
0x37a: {  	s13 =	simm.s32 $0x8;
	v16 =	vadd.s32 v1, v6;
	[tilespmem:v25+s29+$0x0] =	vst.idx.msk $0xffff, v10;
	v14 =	vmul.f32 $8.000000000e+00, v24;
	v12 =	vld [tilespmem:s15+$0xFFFFFFF0]  }
0x37b: {  	v20 =	vmov s13;
	v10 =	vadd.s32 v1, v7;
	v11 =	vld [tilespmem:s15+$0x30];
	[tilespmem:v19+s29+$0x0] =	vst.idx.msk $0xffff, v9;
	v63 =	vmul.f32 $8.000000000e+00, v22  }
0x37c: {  	s12 =	simm.s32 $0xA680;
	s16 =	simm.s32 $0xB;
	v15 =	vadd.s32 v3, v15;
	v9 =	vand.u32 $0x7C, v20;
	v20 =	vmul.f32 $8.000000000e+00, v23;
	[tilespmem:v21+s29+$0x0] =	vst.idx.msk $0xffff, v14;
	v14 =	vld [tilespmem:s15+$0xFFFFFFB0]  }
0x37d: {  	v17 =	vadd.s32 v3, v17;
	v22 =	vmov s16;
	v19 =	vld [tilespmem:s12+$0x40];
	s15 =	simm.s32 $0xC;
	v21 =	vmul.f32 $8.000000000e+00, v26;
	[tilespmem:v27+s29+$0x0] =	vst.idx.msk $0xffff, v63  }
.LBB2_29:
0x37e: {  	p0 =	slt.u32 s15, $0x7C;
	s16 =	sadd.s32 $0x1, s13;
	v22 =	vand.u32 $0x7F, v22;
	[tilespmem:v18+s29+$0x0] =	vst.idx.msk $0xffff, v20;
	v13 =	vmul.f32 $8.000000000e+00, v13;
	v18 =	vld [tilespmem:s10+$0x60];
	v20 =	vadd.s32 v3, v8;
	v8 =	vmovc v4  }
0x37f: {  	v4 =	vmovc v9;
	v23 =	vld [tilespmem:s12+$0xFFFFFF80];
	v24 =	vmov s16;
	s16 =	sadd.s32 $0x2, s13;
	v25 =	vadd.s32 v0, v22;
	[tilespmem:v16+s29+$0x0] =	vst.idx.msk $0xffff, v21;
	v12 =	vmul.f32 $8.000000000e+00, v12;
	s13 =	smov.u32 s15  }
0x380: {  	v9 =	vld [tilespmem:s12+$0xFFFFFFC0];
	v16 =	vmov s16;
	[tilespmem:v10+s29+$0x0] =	vst.idx.msk $0xffff, v13;
	v10 =	vadd.s32 v2, v5;
	v11 =	vmul.f32 $8.000000000e+00, v11  }
0x381: {  	v13 =	vadd.s32 v0, v4;
	v21 =	vand.u32 $0x7D, v24;
	v24 =	vld [tilespmem:s12+$0x0];
	v14 =	vmul.f32 $8.000000000e+00, v14;
	[tilespmem:v15+s29+$0x0] =	vst.idx.msk $0xffff, v12  }
0x382: {  	v12 =	vadd.s32 v0, v21;
	v26 =	vand.u32 $0x7E, v16;
	v15 =	vmul.f32 $8.000000000e+00, v19;
	v16 =	vld [tilespmem:s10+$0xFFFFFFE0];
	[tilespmem:v17+s29+$0x0] =	vst.idx.msk $0xffff, v11  }
0x383: {  	v11 =	vadd.s32 v0, v26;
	v17 =	vld [tilespmem:s10+$0x20];
	v18 =	vmul.f32 $8.000000000e+00, v18;
	[tilespmem:v20+s29+$0x0] =	vst.idx.msk $0xffff, v14  }
0x384: {  	v19 =	vadd.s32 v2, v6;
	v14 =	vmul.f32 $8.000000000e+00, v23;
	[tilespmem:v25+s29+$0x0] =	vst.idx.msk $0xffff, v15;
	v15 =	vld [tilespmem:s10+$0xFFFFFFA0]  }
0x385: {  	v23 =	vadd.s32 v2, v7;
	v9 =	vmul.f32 $8.000000000e+00, v9;
	v20 =	vld [tilespmem:s12+$0x50];
	[tilespmem:v10+s29+$0x0] =	vst.idx.msk $0xffff, v18  }
0x386: {  	[tilespmem:v13+s29+$0x0] =	vst.idx.msk $0xffff, v14;
	v10 =	vmul.f32 $8.000000000e+00, v24;
	v14 =	vadd.s32 v2, v8;
	v24 =	vld [tilespmem:s10+$0x70]  }
0x387: {  	v27 =	vadd.s32 v1, v22;
	v25 =	vld [tilespmem:s12+$0xFFFFFF90];
	[tilespmem:v12+s29+$0x0] =	vst.idx.msk $0xffff, v9;
	v9 =	vmul.f32 $8.000000000e+00, v16  }
0x388: {  	v29 =	vadd.s32 v3, v5;
	v5 =	vmov v22;
	v28 =	vld [tilespmem:s12+$0xFFFFFFD0];
	[tilespmem:v11+s29+$0x0] =	vst.idx.msk $0xffff, v10;
	v10 =	vmul.f32 $8.000000000e+00, v17  }
.Ltmp14:
0x389: {  	v18 =	vadd.s32 v1, v4;
	v13 =	vld [tilespmem:s12+$0x10];
	v11 =	vmul.f32 $8.000000000e+00, v15;
	[tilespmem:v19+s29+$0x0] =	vst.idx.msk $0xffff, v9;
	(pc) =	sbr.rel @p0 .LBB2_29-.Ltmp14, $4  }
0x38a: {  	v16 =	vadd.s32 v1, v21;
	v15 =	vmul.f32 $8.000000000e+00, v20;
	v12 =	vld [tilespmem:s10+$0xFFFFFFF0];
	[tilespmem:v23+s29+$0x0] =	vst.idx.msk $0xffff, v10  }
0x38b: {  	v9 =	vmov s15;
	v10 =	vadd.s32 v1, v26;
	[tilespmem:v14+s29+$0x0] =	vst.idx.msk $0xffff, v11;
	v11 =	vld [tilespmem:s10+$0x30];
	v23 =	vmul.f32 $8.000000000e+00, v24  }
0x38c: {  	s16 =	sadd.s32 $0x3, s15;
	v9 =	vand.u32 $0x7C, v9;
	v20 =	vmul.f32 $8.000000000e+00, v25;
	[tilespmem:v27+s29+$0x0] =	vst.idx.msk $0xffff, v15;
	v14 =	vld [tilespmem:s10+$0xFFFFFFB0];
	v15 =	vadd.s32 v3, v6;
	v6 =	vmovc v21;
	s10 =	smov.u32 s12;
	s12 =	sadd.s32 $0x100, s12  }
0x38d: {  	v22 =	vmov s16;
	v17 =	vadd.s32 v3, v7;
	v7 =	vmovc v26;
	s15 =	sadd.s32 $0x4, s15;
	v19 =	vld [tilespmem:s12+$0x40];
	v21 =	vmul.f32 $8.000000000e+00, v28;
	[tilespmem:v29+s29+$0x0] =	vst.idx.msk $0xffff, v23  }
0x38e: {  	s15 =	sadd.s32 $0x1, s13;
	v22 =	vand.u32 $0x7F, v22;
	v28 =	vld [tilespmem:s12+$0xFFFFFF80]  }
0x38f: {  	v24 =	vld [tilespmem:s12+$0xFFFFFFC0];
	v23 =	vmov s15;
	s15 =	sadd.s32 $0x2, s13;
	v25 =	vadd.s32 v0, v22  }
0x390: {  	v27 =	vld [tilespmem:s12+$0x0];
	v51 =	vadd.s32 v0, v9;
	v26 =	vmov s15;
	v23 =	vand.u32 $0x7D, v23  }
0x391: {  	v29 =	vadd.s32 v0, v23;
	v26 =	vand.u32 $0x7E, v26  }
0x392: {  	[tilespmem:v18+s29+$0x0] =	vst.idx.msk $0xffff, v20;
	v30 =	vadd.s32 v0, v26;
	v19 =	vmul.f32 $8.000000000e+00, v19  }
0x393: {  	[tilespmem:v16+s29+$0x0] =	vst.idx.msk $0xffff, v21;
	v54 =	vmul.f32 $8.000000000e+00, v28  }
0x394: {  	v52 =	vmul.f32 $8.000000000e+00, v24;
	[tilespmem:v25+s29+$0x0] =	vst.idx.msk $0xffff, v19  }
0x395: {  	v53 =	vmul.f32 $8.000000000e+00, v27;
	v55 =	vld [tilespmem:s12+$0x50];
	[tilespmem:v51+s29+$0x0] =	vst.idx.msk $0xffff, v54  }
0x396: {  	v13 =	vmul.f32 $8.000000000e+00, v13;
	v8 =	vadd.s32 v3, v8;
	[tilespmem:v29+s29+$0x0] =	vst.idx.msk $0xffff, v52;
	v59 =	vld [tilespmem:s12+$0xFFFFFF90]  }
0x397: {  	v12 =	vmul.f32 $8.000000000e+00, v12;
	v57 =	vadd.s32 v1, v22;
	v56 =	vld [tilespmem:s12+$0xFFFFFFD0];
	[tilespmem:v30+s29+$0x0] =	vst.idx.msk $0xffff, v53  }
0x398: {  	[tilespmem:v10+s29+$0x0] =	vst.idx.msk $0xffff, v13;
	v58 =	vmul.f32 $8.000000000e+00, v11;
	v28 =	vadd.s32 v1, v9;
	v19 =	vld [tilespmem:s12+$0x10]  }
0x399: {  	v61 =	vld [tilespmem:s10+$0x60];
	v60 =	vadd.s32 v1, v23;
	v14 =	vmul.f32 $8.000000000e+00, v14;
	[tilespmem:v15+s29+$0x0] =	vst.idx.msk $0xffff, v12  }
0x39a: {  	v32 =	vld [tilespmem:s10+$0xFFFFFFA0];
	v62 =	vadd.s32 v1, v26;
	[tilespmem:v17+s29+$0x0] =	vst.idx.msk $0xffff, v58;
	v16 =	vmul.f32 $8.000000000e+00, v55  }
0x39b: {  	[tilespmem:v8+s29+$0x0] =	vst.idx.msk $0xffff, v14;
	v29 =	vadd.s32 v2, v5;
	v30 =	vld [tilespmem:s10+$0x20];
	v11 =	vmul.f32 $8.000000000e+00, v59  }
0x39c: {  	v38 =	vadd.s32 v2, v4;
	v63 =	vld [tilespmem:s10+$0xFFFFFFE0];
	v31 =	vmul.f32 $8.000000000e+00, v56;
	[tilespmem:v57+s29+$0x0] =	vst.idx.msk $0xffff, v16  }
0x39d: {  	v35 =	vadd.s32 v2, v7;
	v34 =	vmul.f32 $8.000000000e+00, v19;
	v36 =	vld [tilespmem:s12+$0x60];
	[tilespmem:v28+s29+$0x0] =	vst.idx.msk $0xffff, v11  }
0x39e: {  	v33 =	vadd.s32 v2, v6;
	v37 =	vmul.f32 $8.000000000e+00, v61;
	[tilespmem:v60+s29+$0x0] =	vst.idx.msk $0xffff, v31;
	v43 =	vld [tilespmem:s12+$0xFFFFFFA0]  }
0x39f: {  	v40 =	vadd.s32 v2, v22;
	v14 =	vmul.f32 $8.000000000e+00, v32;
	[tilespmem:v62+s29+$0x0] =	vst.idx.msk $0xffff, v34;
	v39 =	vld [tilespmem:s12+$0xFFFFFFE0]  }
0x3a0: {  	v48 =	vadd.s32 v2, v9;
	[tilespmem:v29+s29+$0x0] =	vst.idx.msk $0xffff, v37;
	v42 =	vmul.f32 $8.000000000e+00, v30;
	v41 =	vld [tilespmem:s12+$0x20]  }
0x3a1: {  	v44 =	vadd.s32 v2, v23;
	v15 =	vmul.f32 $8.000000000e+00, v63;
	[tilespmem:v38+s29+$0x0] =	vst.idx.msk $0xffff, v14;
	v45 =	vld [tilespmem:s10+$0x70]  }
0x3a2: {  	v46 =	vadd.s32 v2, v26;
	v14 =	vld [tilespmem:s10+$0xFFFFFFB0];
	[tilespmem:v35+s29+$0x0] =	vst.idx.msk $0xffff, v42;
	v47 =	vmul.f32 $8.000000000e+00, v36  }
0x3a3: {  	v5 =	vadd.s32 v3, v5;
	[tilespmem:v33+s29+$0x0] =	vst.idx.msk $0xffff, v15;
	v49 =	vld [tilespmem:s10+$0x30];
	v53 =	vmul.f32 $8.000000000e+00, v43  }
0x3a4: {  	v4 =	vadd.s32 v3, v4;
	v21 =	vld [tilespmem:s10+$0xFFFFFFF0];
	v12 =	vmul.f32 $8.000000000e+00, v39;
	[tilespmem:v40+s29+$0x0] =	vst.idx.msk $0xffff, v47  }
0x3a5: {  	v52 =	vadd.s32 v3, v7;
	v51 =	vmul.f32 $8.000000000e+00, v41;
	v10 =	vld [tilespmem:s12+$0x70];
	[tilespmem:v48+s29+$0x0] =	vst.idx.msk $0xffff, v53  }
0x3a6: {  	v50 =	vadd.s32 v3, v6;
	v54 =	vmul.f32 $8.000000000e+00, v45;
	[tilespmem:v44+s29+$0x0] =	vst.idx.msk $0xffff, v12;
	v59 =	vld [tilespmem:s12+$0xFFFFFFB0]  }
0x3a7: {  	v57 =	vadd.s32 v3, v22;
	v14 =	vmul.f32 $8.000000000e+00, v14;
	v55 =	vld [tilespmem:s12+$0xFFFFFFF0];
	[tilespmem:v46+s29+$0x0] =	vst.idx.msk $0xffff, v51  }
0x3a8: {  	v62 =	vadd.s32 v3, v9;
	[tilespmem:v5+s29+$0x0] =	vst.idx.msk $0xffff, v54;
	v5 =	vmul.f32 $8.000000000e+00, v49;
	v58 =	vld [tilespmem:s12+$0x30]  }
0x3a9: {  	v56 =	vmul.f32 $8.000000000e+00, v21;
	v60 =	vadd.s32 v3, v23;
	[tilespmem:v4+s29+$0x0] =	vst.idx.msk $0xffff, v14  }
0x3aa: {  	v61 =	vadd.s32 v3, v26;
	[tilespmem:v52+s29+$0x0] =	vst.idx.msk $0xffff, v5;
	v5 =	vmul.f32 $8.000000000e+00, v10  }
0x3ab: {  	[tilespmem:v50+s29+$0x0] =	vst.idx.msk $0xffff, v56;
	v63 =	vmul.f32 $8.000000000e+00, v59  }
0x3ac: {  	v4 =	vmul.f32 $8.000000000e+00, v55;
	[tilespmem:v57+s29+$0x0] =	vst.idx.msk $0xffff, v5  }
0x3ad: {  	s16 =	sor.u32 s9, s21;
	v5 =	vmul.f32 $8.000000000e+00, v58;
	[tilespmem:v62+s29+$0x0] =	vst.idx.msk $0xffff, v63  }
0x3ae: {  	s10 =	sshrl.u32 s16, $0x3;
	[tilespmem:v60+s29+$0x0] =	vst.idx.msk $0xffff, v4  }
0x3af: {  	s17 =	simm.s32 $0xE400;
	s12 =	sadd.s32 s2, s10;
	[tilespmem:v61+s29+$0x0] =	vst.idx.msk $0xffff, v5  }
0x3b0: {  	[hbm4b:s12+s3] =	stream.linear.scatter [tilespmem:s17], [sflag:$0x5], $0x80, $0x38;
	[tilespmem:$0x12800] =	vst v63  }
0x3b1: {  	s13 =	simm.s32 $0xE488;
	s15 =	sadd.s32 $0x10, s12  }
0x3b2: {  	[hbm4b:s15+s3] =	stream.linear.scatter [tilespmem:s13], [sflag:$0x5], $0x80, $0x38;
	[tilespmem:$0x12800] =	vst v63  }
0x3b3: {  	s16 =	simm.s32 $0xE510;
	s17 =	sadd.s32 $0x20, s12  }
0x3b4: {  	[hbm4b:s17+s3] =	stream.linear.scatter [tilespmem:s16], [sflag:$0x5], $0x80, $0x38;
	[tilespmem:$0x12800] =	vst v63  }
0x3b5: {  	s13 =	simm.s32 $0xE598;
	s15 =	sadd.s32 $0x30, s12  }
0x3b6: {  	[hbm4b:s15+s3] =	stream.linear.scatter [tilespmem:s13], [sflag:$0x5], $0x80, $0x38;
	[tilespmem:$0x12800] =	vst v63  }
0x3b7: {  	s16 =	simm.s32 $0xE620;
	s17 =	sadd.s32 $0x40, s12  }
0x3b8: {  	[hbm4b:s17+s3] =	stream.linear.scatter [tilespmem:s16], [sflag:$0x5], $0x80, $0x38;
	[tilespmem:$0x12800] =	vst v63  }
0x3b9: {  	s10 =	simm.s32 $0x440;
	s13 =	simm.s32 $0xE6A8;
	s15 =	sadd.s32 $0x50, s12  }
0x3ba: {  	[hbm4b:s15+s3] =	stream.linear.scatter [tilespmem:s13], [sflag:$0x5], $0x80, $0x38;
	[tilespmem:$0x12800] =	vst v63  }
0x3bb: {  	s16 =	simm.s32 $0xE730;
	s17 =	sadd.s32 $0x60, s12;
	s13 =	simm.s32 $0x2200  }
0x3bc: {  	[hbm4b:s17+s3] =	stream.linear.scatter [tilespmem:s16], [sflag:$0x5], $0x80, $0x38;
	[tilespmem:$0x12800] =	vst v63  }
0x3bd: {  	s15 =	simm.s32 $0xE7B8;
	s16 =	sadd.s32 $0x70, s12;
	s12 =	sadd.s32 $0x4000, s12  }
.LBB2_31:
0x3be: {  	[hbm4b:s16+s3] =	stream.linear.scatter [tilespmem:s15], [sflag:$0x5], $0x80, $0x38;
	[tilespmem:$0x12800] =	vst v63  }
0x3bf: {  	s15 =	smov.u32 s10;
	s10 =	smov.u32 s13  }
0x3c0: {  	s17 =	sadd.s32 $0x1100, s13;
	s10 =	sshra.s32 s10, $0x2;
	s16 =	sadd.s32 $0xE400, s15  }
0x3c1: {  	[hbm4b:s12+s3] =	stream.linear.scatter [tilespmem:s16], [sflag:$0x5], $0x80, $0x38;
	[tilespmem:$0x12800] =	vst v63  }
0x3c2: {  	p0 =	sne.s32 s13, $0x7700;
	s13 =	sadd.s32 $0xE488, s15;
	s16 =	sadd.s32 $0x10, s12  }
0x3c3: {  	[hbm4b:s16+s3] =	stream.linear.scatter [tilespmem:s13], [sflag:$0x5], $0x80, $0x38;
	[tilespmem:$0x12800] =	vst v63  }
0x3c4: {  	s13 =	sadd.s32 $0xE510, s15;
	s16 =	sadd.s32 $0x20, s12  }
0x3c5: {  	[hbm4b:s16+s3] =	stream.linear.scatter [tilespmem:s13], [sflag:$0x5], $0x80, $0x38;
	[tilespmem:$0x12800] =	vst v63  }
0x3c6: {  	s13 =	sadd.s32 $0xE598, s15;
	s16 =	sadd.s32 $0x30, s12  }
0x3c7: {  	[hbm4b:s16+s3] =	stream.linear.scatter [tilespmem:s13], [sflag:$0x5], $0x80, $0x38;
	[tilespmem:$0x12800] =	vst v63  }
0x3c8: {  	s13 =	sadd.s32 $0xE620, s15;
	s16 =	sadd.s32 $0x40, s12  }
0x3c9: {  	[hbm4b:s16+s3] =	stream.linear.scatter [tilespmem:s13], [sflag:$0x5], $0x80, $0x38;
	[tilespmem:$0x12800] =	vst v63  }
.Ltmp15:
0x3ca: {  	s13 =	sadd.s32 $0xE6A8, s15;
	s16 =	sadd.s32 $0x50, s12;
	(pc) =	sbr.rel @p0 .LBB2_31-.Ltmp15, $4  }
0x3cb: {  	[hbm4b:s16+s3] =	stream.linear.scatter [tilespmem:s13], [sflag:$0x5], $0x80, $0x38;
	[tilespmem:$0x12800] =	vst v63  }
0x3cc: {  	s13 =	sadd.s32 $0xE730, s15;
	s16 =	sadd.s32 $0x60, s12;
	s15 =	sadd.s32 $0xE7B8, s15  }
0x3cd: {  	[hbm4b:s16+s3] =	stream.linear.scatter [tilespmem:s13], [sflag:$0x5], $0x80, $0x38;
	[tilespmem:$0x12800] =	vst v63  }
0x3ce: {  	s16 =	sadd.s32 $0x70, s12;
	s12 =	sadd.s32 $0x4000, s12;
	s13 =	smov.u32 s17  }
0x3cf: {  	[hbm4b:s16+s3] =	stream.linear.scatter [tilespmem:s15], [sflag:$0x5], $0x80, $0x38;
	[tilespmem:$0x12800] =	vst v63  }
0x3d0: {  	s13 =	sadd.s32 $0xE400, s10  }
0x3d1: {  	[hbm4b:s12+s3] =	stream.linear.scatter [tilespmem:s13], [sflag:$0x5], $0x80, $0x38;
	[tilespmem:$0x12800] =	vst v63  }
0x3d2: {  	s16 =	sadd.s32 $0xE488, s10;
	s17 =	sadd.s32 $0x10, s12  }
0x3d3: {  	[hbm4b:s17+s3] =	stream.linear.scatter [tilespmem:s16], [sflag:$0x5], $0x80, $0x38;
	[tilespmem:$0x12800] =	vst v63  }
0x3d4: {  	s16 =	sadd.s32 $0xE510, s10;
	s17 =	sadd.s32 $0x20, s12  }
0x3d5: {  	[hbm4b:s17+s3] =	stream.linear.scatter [tilespmem:s16], [sflag:$0x5], $0x80, $0x38;
	[tilespmem:$0x12800] =	vst v63  }
0x3d6: {  	s16 =	sadd.s32 $0xE598, s10;
	s17 =	sadd.s32 $0x30, s12  }
0x3d7: {  	[hbm4b:s17+s3] =	stream.linear.scatter [tilespmem:s16], [sflag:$0x5], $0x80, $0x38;
	[tilespmem:$0x12800] =	vst v63  }
0x3d8: {  	s16 =	sadd.s32 $0xE620, s10;
	s17 =	sadd.s32 $0x40, s12  }
0x3d9: {  	[hbm4b:s17+s3] =	stream.linear.scatter [tilespmem:s16], [sflag:$0x5], $0x80, $0x38;
	[tilespmem:$0x12800] =	vst v63  }
0x3da: {  	s16 =	sadd.s32 $0xE6A8, s10;
	s17 =	sadd.s32 $0x50, s12  }
0x3db: {  	[hbm4b:s17+s3] =	stream.linear.scatter [tilespmem:s16], [sflag:$0x5], $0x80, $0x38;
	[tilespmem:$0x12800] =	vst v63  }
0x3dc: {  	s16 =	sadd.s32 $0xE730, s10;
	s17 =	sadd.s32 $0x60, s12  }
0x3dd: {  	[hbm4b:s17+s3] =	stream.linear.scatter [tilespmem:s16], [sflag:$0x5], $0x80, $0x38;
	[tilespmem:$0x12800] =	vst v63  }
0x3de: {  	s15 =	sadd.s32 $0xE7B8, s10;
	s16 =	sadd.s32 $0x70, s12  }
0x3df: {  	[hbm4b:s16+s3] =	stream.linear.scatter [tilespmem:s15], [sflag:$0x5], $0x80, $0x38;
	[tilespmem:$0x12800] =	vst v63  }
0x3e0: {  	s6 =	sadd.s32 $0x80, s6  }
0x3e1: {  	[tilespmem:s24], [sflag:$0x2] =	stream.indirect.gather [hbm4b:s4+s22], $0x40, s6, s22, $0xb8;
	[tilespmem:$0x12800] =	vst v63  }
0x3e2: {  	_ =	swait.ge [sflag:s30], $0x2000  }
0x3e3: {  	[sflag:s30] =	ssyncset.done $0x0  }
0x3e4: {  	[sflag:s30] =	ssyncadd.s32 $0xFFFFE000  }
0x3e5: {  	_ =	swait.ge [sflag:s19], $0x2000  }
0x3e6: {  	[sflag:s19] =	ssyncset.done $0x0  }
0x3e7: {  	s13 =	simm.s32 $0xC480;
	s17 =	simm.s32 $0x3;
	[sflag:s19] =	ssyncadd.s32 $0xFFFFE000  }
0x3e8: {  	v4 =	vmov s17;
	v5 =	vld [tilespmem:s13+$0x40]  }
0x3e9: {  	s10 =	simm.s32 $0x0;
	v9 =	vand.u32 $0x7F, v4  }
0x3ea: {  	v6 =	vmov s10;
	v4 =	vadd.s32 v0, v9  }
0x3eb: {  	s12 =	simm.s32 $0x1;
	v8 =	vand.u32 $0x7C, v6;
	v7 =	vld [tilespmem:s13+$0xFFFFFF80]  }
0x3ec: {  	v6 =	vmov s12;
	v12 =	vadd.s32 v0, v8;
	s15 =	simm.s32 $0x2;
	v10 =	vld [tilespmem:s13+$0xFFFFFFC0]  }
0x3ed: {  	v15 =	vand.u32 $0x7D, v6;
	v11 =	vmov s15;
	v6 =	vld [tilespmem:s13+$0x0];
	v5 =	vmul.f32 $8.000000000e+00, v5  }
0x3ee: {  	v13 =	vadd.s32 v0, v15;
	v17 =	vand.u32 $0x7E, v11  }
0x3ef: {  	v11 =	vadd.s32 v0, v17;
	[tilespmem:v4+s0+$0x0] =	vst.idx.msk $0xffff, v5  }
0x3f0: {  	v4 =	vmul.f32 $8.000000000e+00, v7;
	v5 =	vld [tilespmem:s13+$0x50]  }
0x3f1: {  	v7 =	vmul.f32 $8.000000000e+00, v10  }
0x3f2: {  	[tilespmem:v12+s0+$0x0] =	vst.idx.msk $0xffff, v4;
	v4 =	vmul.f32 $8.000000000e+00, v6;
	v6 =	vadd.s32 v1, v9  }
0x3f3: {  	[tilespmem:v13+s0+$0x0] =	vst.idx.msk $0xffff, v7;
	v10 =	vld [tilespmem:s13+$0xFFFFFF90]  }
0x3f4: {  	v7 =	vld [tilespmem:s13+$0xFFFFFFD0];
	[tilespmem:v11+s0+$0x0] =	vst.idx.msk $0xffff, v4  }
0x3f5: {  	v11 =	vld [tilespmem:s13+$0x10];
	v4 =	vmul.f32 $8.000000000e+00, v5  }
0x3f6: {  	s17 =	simm.s32 $0x7;
	s16 =	simm.s32 $0x4;
	s6 =	simm.s32 $0xC580;
	v12 =	vadd.s32 v1, v15  }
0x3f7: {  	v14 =	vld [tilespmem:s6+$0x40];
	v13 =	vadd.s32 v1, v17;
	v5 =	vmov s16;
	[tilespmem:v6+s0+$0x0] =	vst.idx.msk $0xffff, v4;
	v6 =	vmov s17  }
0x3f8: {  	v16 =	vadd.s32 v1, v8;
	v4 =	vand.u32 $0x7C, v5;
	v5 =	vand.u32 $0x7F, v6;
	v18 =	vld [tilespmem:s13+$0x60]  }
0x3f9: {  	s15 =	simm.s32 $0x5;
	v22 =	vadd.s32 v2, v9;
	v19 =	vld [tilespmem:s6+$0xFFFFFF80];
	v6 =	vmul.f32 $8.000000000e+00, v7;
	v20 =	vadd.s32 v0, v5  }
0x3fa: {  	v21 =	vld [tilespmem:s6+$0xFFFFFFC0];
	s16 =	simm.s32 $0x6;
	v10 =	vmul.f32 $8.000000000e+00, v10;
	v7 =	vmul.f32 $8.000000000e+00, v11;
	v11 =	vmov s15  }
0x3fb: {  	v23 =	vadd.s32 v0, v4;
	[tilespmem:v12+s0+$0x0] =	vst.idx.msk $0xffff, v6;
	v12 =	vmov s16;
	v6 =	vand.u32 $0x7D, v11;
	v11 =	vld [tilespmem:s6+$0x0]  }
0x3fc: {  	[tilespmem:v13+s0+$0x0] =	vst.idx.msk $0xffff, v7;
	v13 =	vadd.s32 v0, v6;
	v7 =	vand.u32 $0x7E, v12;
	v12 =	vmul.f32 $8.000000000e+00, v14;
	v14 =	vld [tilespmem:s13+$0xFFFFFFE0]  }
0x3fd: {  	[tilespmem:v16+s0+$0x0] =	vst.idx.msk $0xffff, v10;
	v10 =	vadd.s32 v0, v7;
	v16 =	vld [tilespmem:s13+$0x20];
	v18 =	vmul.f32 $8.000000000e+00, v18  }
0x3fe: {  	v19 =	vmul.f32 $8.000000000e+00, v19;
	[tilespmem:v20+s0+$0x0] =	vst.idx.msk $0xffff, v12;
	v12 =	vld [tilespmem:s13+$0xFFFFFFA0];
	v20 =	vadd.s32 v2, v15  }
0x3ff: {  	v25 =	vadd.s32 v2, v17;
	v21 =	vmul.f32 $8.000000000e+00, v21;
	v24 =	vld [tilespmem:s6+$0x50];
	[tilespmem:v22+s0+$0x0] =	vst.idx.msk $0xffff, v18  }
0x400: {  	[tilespmem:v23+s0+$0x0] =	vst.idx.msk $0xffff, v19;
	v19 =	vadd.s32 v2, v8;
	v11 =	vmul.f32 $8.000000000e+00, v11;
	v22 =	vld [tilespmem:s13+$0x70]  }
0x401: {  	v23 =	vld [tilespmem:s6+$0xFFFFFF90];
	[tilespmem:v13+s0+$0x0] =	vst.idx.msk $0xffff, v21;
	v21 =	vadd.s32 v1, v5;
	v14 =	vmul.f32 $8.000000000e+00, v14  }
0x402: {  	v27 =	vadd.s32 v3, v9;
	v26 =	vld [tilespmem:s6+$0xFFFFFFD0];
	[tilespmem:v10+s0+$0x0] =	vst.idx.msk $0xffff, v11;
	v10 =	vmul.f32 $8.000000000e+00, v16  }
0x403: {  	v18 =	vadd.s32 v1, v4;
	v13 =	vld [tilespmem:s6+$0x10];
	v9 =	vmul.f32 $8.000000000e+00, v12;
	[tilespmem:v20+s0+$0x0] =	vst.idx.msk $0xffff, v14  }
0x404: {  	s12 =	simm.s32 $0x8;
	v16 =	vadd.s32 v1, v6;
	[tilespmem:v25+s0+$0x0] =	vst.idx.msk $0xffff, v10;
	v14 =	vmul.f32 $8.000000000e+00, v24;
	v12 =	vld [tilespmem:s13+$0xFFFFFFF0]  }
0x405: {  	v20 =	vmov s12;
	v10 =	vadd.s32 v1, v7;
	v11 =	vld [tilespmem:s13+$0x30];
	[tilespmem:v19+s0+$0x0] =	vst.idx.msk $0xffff, v9;
	v63 =	vmul.f32 $8.000000000e+00, v22  }
0x406: {  	s10 =	simm.s32 $0xC680;
	s17 =	simm.s32 $0xB;
	v15 =	vadd.s32 v3, v15;
	v9 =	vand.u32 $0x7C, v20;
	v20 =	vmul.f32 $8.000000000e+00, v23;
	[tilespmem:v21+s0+$0x0] =	vst.idx.msk $0xffff, v14;
	v14 =	vld [tilespmem:s13+$0xFFFFFFB0]  }
0x407: {  	v17 =	vadd.s32 v3, v17;
	v22 =	vmov s17;
	v19 =	vld [tilespmem:s10+$0x40];
	s13 =	simm.s32 $0xC;
	v21 =	vmul.f32 $8.000000000e+00, v26;
	[tilespmem:v27+s0+$0x0] =	vst.idx.msk $0xffff, v63  }
.LBB2_33:
0x408: {  	p0 =	slt.u32 s13, $0x7C;
	s15 =	sadd.s32 $0x1, s12;
	v22 =	vand.u32 $0x7F, v22;
	[tilespmem:v18+s0+$0x0] =	vst.idx.msk $0xffff, v20;
	v13 =	vmul.f32 $8.000000000e+00, v13;
	v18 =	vld [tilespmem:s6+$0x60];
	v20 =	vadd.s32 v3, v8;
	v8 =	vmovc v4  }
0x409: {  	v4 =	vmovc v9;
	v23 =	vld [tilespmem:s10+$0xFFFFFF80];
	v24 =	vmov s15;
	s15 =	sadd.s32 $0x2, s12;
	v25 =	vadd.s32 v0, v22;
	[tilespmem:v16+s0+$0x0] =	vst.idx.msk $0xffff, v21;
	v12 =	vmul.f32 $8.000000000e+00, v12;
	s12 =	smov.u32 s13  }
0x40a: {  	v9 =	vld [tilespmem:s10+$0xFFFFFFC0];
	v16 =	vmov s15;
	[tilespmem:v10+s0+$0x0] =	vst.idx.msk $0xffff, v13;
	v10 =	vadd.s32 v2, v5;
	v11 =	vmul.f32 $8.000000000e+00, v11  }
0x40b: {  	v13 =	vadd.s32 v0, v4;
	v21 =	vand.u32 $0x7D, v24;
	v24 =	vld [tilespmem:s10+$0x0];
	v14 =	vmul.f32 $8.000000000e+00, v14;
	[tilespmem:v15+s0+$0x0] =	vst.idx.msk $0xffff, v12  }
0x40c: {  	v12 =	vadd.s32 v0, v21;
	v26 =	vand.u32 $0x7E, v16;
	v15 =	vmul.f32 $8.000000000e+00, v19;
	v16 =	vld [tilespmem:s6+$0xFFFFFFE0];
	[tilespmem:v17+s0+$0x0] =	vst.idx.msk $0xffff, v11  }
0x40d: {  	v11 =	vadd.s32 v0, v26;
	v17 =	vld [tilespmem:s6+$0x20];
	v18 =	vmul.f32 $8.000000000e+00, v18;
	[tilespmem:v20+s0+$0x0] =	vst.idx.msk $0xffff, v14  }
0x40e: {  	v19 =	vadd.s32 v2, v6;
	v14 =	vmul.f32 $8.000000000e+00, v23;
	[tilespmem:v25+s0+$0x0] =	vst.idx.msk $0xffff, v15;
	v15 =	vld [tilespmem:s6+$0xFFFFFFA0]  }
0x40f: {  	v23 =	vadd.s32 v2, v7;
	v9 =	vmul.f32 $8.000000000e+00, v9;
	v20 =	vld [tilespmem:s10+$0x50];
	[tilespmem:v10+s0+$0x0] =	vst.idx.msk $0xffff, v18  }
0x410: {  	[tilespmem:v13+s0+$0x0] =	vst.idx.msk $0xffff, v14;
	v10 =	vmul.f32 $8.000000000e+00, v24;
	v14 =	vadd.s32 v2, v8;
	v24 =	vld [tilespmem:s6+$0x70]  }
0x411: {  	v27 =	vadd.s32 v1, v22;
	v25 =	vld [tilespmem:s10+$0xFFFFFF90];
	[tilespmem:v12+s0+$0x0] =	vst.idx.msk $0xffff, v9;
	v9 =	vmul.f32 $8.000000000e+00, v16  }
0x412: {  	v29 =	vadd.s32 v3, v5;
	v5 =	vmov v22;
	v28 =	vld [tilespmem:s10+$0xFFFFFFD0];
	[tilespmem:v11+s0+$0x0] =	vst.idx.msk $0xffff, v10;
	v10 =	vmul.f32 $8.000000000e+00, v17  }
.Ltmp16:
0x413: {  	v18 =	vadd.s32 v1, v4;
	v13 =	vld [tilespmem:s10+$0x10];
	v11 =	vmul.f32 $8.000000000e+00, v15;
	[tilespmem:v19+s0+$0x0] =	vst.idx.msk $0xffff, v9;
	(pc) =	sbr.rel @p0 .LBB2_33-.Ltmp16, $4  }
0x414: {  	v16 =	vadd.s32 v1, v21;
	v15 =	vmul.f32 $8.000000000e+00, v20;
	v12 =	vld [tilespmem:s6+$0xFFFFFFF0];
	[tilespmem:v23+s0+$0x0] =	vst.idx.msk $0xffff, v10  }
0x415: {  	v9 =	vmov s13;
	v10 =	vadd.s32 v1, v26;
	[tilespmem:v14+s0+$0x0] =	vst.idx.msk $0xffff, v11;
	v11 =	vld [tilespmem:s6+$0x30];
	v23 =	vmul.f32 $8.000000000e+00, v24  }
0x416: {  	s15 =	sadd.s32 $0x3, s13;
	v9 =	vand.u32 $0x7C, v9;
	v20 =	vmul.f32 $8.000000000e+00, v25;
	[tilespmem:v27+s0+$0x0] =	vst.idx.msk $0xffff, v15;
	v14 =	vld [tilespmem:s6+$0xFFFFFFB0];
	v15 =	vadd.s32 v3, v6;
	v6 =	vmovc v21;
	s6 =	smov.u32 s10;
	s10 =	sadd.s32 $0x100, s10  }
0x417: {  	v22 =	vmov s15;
	v17 =	vadd.s32 v3, v7;
	v7 =	vmovc v26;
	s13 =	sadd.s32 $0x4, s13;
	v19 =	vld [tilespmem:s10+$0x40];
	v21 =	vmul.f32 $8.000000000e+00, v28;
	[tilespmem:v29+s0+$0x0] =	vst.idx.msk $0xffff, v23  }
0x418: {  	s13 =	sadd.s32 $0x1, s12;
	v22 =	vand.u32 $0x7F, v22;
	v28 =	vld [tilespmem:s10+$0xFFFFFF80]  }
0x419: {  	s16 =	sadd.s32 $0x2, s12;
	v24 =	vld [tilespmem:s10+$0xFFFFFFC0];
	v23 =	vmov s13;
	v25 =	vadd.s32 v0, v22  }
0x41a: {  	v27 =	vld [tilespmem:s10+$0x0];
	v51 =	vadd.s32 v0, v9;
	v26 =	vmov s16;
	v23 =	vand.u32 $0x7D, v23  }
0x41b: {  	v26 =	vand.u32 $0x7E, v26;
	v29 =	vadd.s32 v0, v23  }
0x41c: {  	[tilespmem:v18+s0+$0x0] =	vst.idx.msk $0xffff, v20;
	v30 =	vadd.s32 v0, v26;
	v19 =	vmul.f32 $8.000000000e+00, v19  }
0x41d: {  	[tilespmem:v16+s0+$0x0] =	vst.idx.msk $0xffff, v21;
	v54 =	vmul.f32 $8.000000000e+00, v28  }
0x41e: {  	v52 =	vmul.f32 $8.000000000e+00, v24;
	[tilespmem:v25+s0+$0x0] =	vst.idx.msk $0xffff, v19  }
0x41f: {  	v53 =	vmul.f32 $8.000000000e+00, v27;
	v55 =	vld [tilespmem:s10+$0x50];
	[tilespmem:v51+s0+$0x0] =	vst.idx.msk $0xffff, v54  }
0x420: {  	v13 =	vmul.f32 $8.000000000e+00, v13;
	v8 =	vadd.s32 v3, v8;
	[tilespmem:v29+s0+$0x0] =	vst.idx.msk $0xffff, v52;
	v59 =	vld [tilespmem:s10+$0xFFFFFF90]  }
0x421: {  	v12 =	vmul.f32 $8.000000000e+00, v12;
	v57 =	vadd.s32 v1, v22;
	[tilespmem:v30+s0+$0x0] =	vst.idx.msk $0xffff, v53;
	v56 =	vld [tilespmem:s10+$0xFFFFFFD0]  }
0x422: {  	[tilespmem:v10+s0+$0x0] =	vst.idx.msk $0xffff, v13;
	v58 =	vmul.f32 $8.000000000e+00, v11;
	v28 =	vadd.s32 v1, v9;
	v19 =	vld [tilespmem:s10+$0x10]  }
0x423: {  	v61 =	vld [tilespmem:s6+$0x60];
	v60 =	vadd.s32 v1, v23;
	v14 =	vmul.f32 $8.000000000e+00, v14;
	[tilespmem:v15+s0+$0x0] =	vst.idx.msk $0xffff, v12  }
0x424: {  	v32 =	vld [tilespmem:s6+$0xFFFFFFA0];
	v62 =	vadd.s32 v1, v26;
	[tilespmem:v17+s0+$0x0] =	vst.idx.msk $0xffff, v58;
	v16 =	vmul.f32 $8.000000000e+00, v55  }
0x425: {  	[tilespmem:v8+s0+$0x0] =	vst.idx.msk $0xffff, v14;
	v29 =	vadd.s32 v2, v5;
	v30 =	vld [tilespmem:s6+$0x20];
	v11 =	vmul.f32 $8.000000000e+00, v59  }
0x426: {  	v38 =	vadd.s32 v2, v4;
	v63 =	vld [tilespmem:s6+$0xFFFFFFE0];
	v31 =	vmul.f32 $8.000000000e+00, v56;
	[tilespmem:v57+s0+$0x0] =	vst.idx.msk $0xffff, v16  }
0x427: {  	v35 =	vadd.s32 v2, v7;
	v34 =	vmul.f32 $8.000000000e+00, v19;
	v36 =	vld [tilespmem:s10+$0x60];
	[tilespmem:v28+s0+$0x0] =	vst.idx.msk $0xffff, v11  }
0x428: {  	v33 =	vadd.s32 v2, v6;
	v37 =	vmul.f32 $8.000000000e+00, v61;
	[tilespmem:v60+s0+$0x0] =	vst.idx.msk $0xffff, v31;
	v43 =	vld [tilespmem:s10+$0xFFFFFFA0]  }
0x429: {  	v40 =	vadd.s32 v2, v22;
	v14 =	vmul.f32 $8.000000000e+00, v32;
	[tilespmem:v62+s0+$0x0] =	vst.idx.msk $0xffff, v34;
	v39 =	vld [tilespmem:s10+$0xFFFFFFE0]  }
0x42a: {  	v48 =	vadd.s32 v2, v9;
	[tilespmem:v29+s0+$0x0] =	vst.idx.msk $0xffff, v37;
	v42 =	vmul.f32 $8.000000000e+00, v30;
	v41 =	vld [tilespmem:s10+$0x20]  }
0x42b: {  	v44 =	vadd.s32 v2, v23;
	v15 =	vmul.f32 $8.000000000e+00, v63;
	[tilespmem:v38+s0+$0x0] =	vst.idx.msk $0xffff, v14;
	v45 =	vld [tilespmem:s6+$0x70]  }
0x42c: {  	v46 =	vadd.s32 v2, v26;
	v14 =	vld [tilespmem:s6+$0xFFFFFFB0];
	[tilespmem:v35+s0+$0x0] =	vst.idx.msk $0xffff, v42;
	v47 =	vmul.f32 $8.000000000e+00, v36  }
0x42d: {  	v5 =	vadd.s32 v3, v5;
	[tilespmem:v33+s0+$0x0] =	vst.idx.msk $0xffff, v15;
	v49 =	vld [tilespmem:s6+$0x30];
	v53 =	vmul.f32 $8.000000000e+00, v43  }
0x42e: {  	v4 =	vadd.s32 v3, v4;
	v21 =	vld [tilespmem:s6+$0xFFFFFFF0];
	v12 =	vmul.f32 $8.000000000e+00, v39;
	[tilespmem:v40+s0+$0x0] =	vst.idx.msk $0xffff, v47  }
0x42f: {  	v52 =	vadd.s32 v3, v7;
	v51 =	vmul.f32 $8.000000000e+00, v41;
	v10 =	vld [tilespmem:s10+$0x70];
	[tilespmem:v48+s0+$0x0] =	vst.idx.msk $0xffff, v53  }
0x430: {  	v50 =	vadd.s32 v3, v6;
	v54 =	vmul.f32 $8.000000000e+00, v45;
	[tilespmem:v44+s0+$0x0] =	vst.idx.msk $0xffff, v12;
	v59 =	vld [tilespmem:s10+$0xFFFFFFB0]  }
0x431: {  	v57 =	vadd.s32 v3, v22;
	v14 =	vmul.f32 $8.000000000e+00, v14;
	[tilespmem:v46+s0+$0x0] =	vst.idx.msk $0xffff, v51;
	v55 =	vld [tilespmem:s10+$0xFFFFFFF0]  }
0x432: {  	v62 =	vadd.s32 v3, v9;
	[tilespmem:v5+s0+$0x0] =	vst.idx.msk $0xffff, v54;
	v5 =	vmul.f32 $8.000000000e+00, v49;
	v58 =	vld [tilespmem:s10+$0x30]  }
0x433: {  	v56 =	vmul.f32 $8.000000000e+00, v21;
	v60 =	vadd.s32 v3, v23;
	[tilespmem:v4+s0+$0x0] =	vst.idx.msk $0xffff, v14  }
0x434: {  	v61 =	vadd.s32 v3, v26;
	[tilespmem:v52+s0+$0x0] =	vst.idx.msk $0xffff, v5;
	v5 =	vmul.f32 $8.000000000e+00, v10  }
0x435: {  	[tilespmem:v50+s0+$0x0] =	vst.idx.msk $0xffff, v56;
	v63 =	vmul.f32 $8.000000000e+00, v59  }
0x436: {  	v4 =	vmul.f32 $8.000000000e+00, v55;
	[tilespmem:v57+s0+$0x0] =	vst.idx.msk $0xffff, v5  }
0x437: {  	s17 =	sor.u32 s11, s21;
	v5 =	vmul.f32 $8.000000000e+00, v58;
	[tilespmem:v62+s0+$0x0] =	vst.idx.msk $0xffff, v63  }
0x438: {  	s6 =	sshrl.u32 s17, $0x3;
	[tilespmem:v60+s0+$0x0] =	vst.idx.msk $0xffff, v4  }
0x439: {  	s21 =	simm.s32 $0x10600;
	s10 =	sadd.s32 s2, s6;
	[tilespmem:v61+s0+$0x0] =	vst.idx.msk $0xffff, v5  }
0x43a: {  	[hbm4b:s10+s3] =	stream.linear.scatter [tilespmem:s21], [sflag:$0x6], $0x80, $0x38;
	[tilespmem:$0x12800] =	vst v63  }
0x43b: {  	s12 =	simm.s32 $0x10688;
	s13 =	sadd.s32 $0x10, s10  }
0x43c: {  	[hbm4b:s13+s3] =	stream.linear.scatter [tilespmem:s12], [sflag:$0x6], $0x80, $0x38;
	[tilespmem:$0x12800] =	vst v63  }
0x43d: {  	s15 =	simm.s32 $0x10710;
	s17 =	simm.s32 $0x10798;
	s16 =	sadd.s32 $0x20, s10  }
0x43e: {  	[hbm4b:s16+s3] =	stream.linear.scatter [tilespmem:s15], [sflag:$0x6], $0x80, $0x38;
	[tilespmem:$0x12800] =	vst v63  }
0x43f: {  	s6 =	simm.s32 $0x440;
	s21 =	sadd.s32 $0x30, s10;
	s12 =	simm.s32 $0x10820  }
0x440: {  	[hbm4b:s21+s3] =	stream.linear.scatter [tilespmem:s17], [sflag:$0x6], $0x80, $0x38;
	[tilespmem:$0x12800] =	vst v63  }
0x441: {  	s13 =	sadd.s32 $0x40, s10;
	s15 =	simm.s32 $0x108A8;
	s16 =	sadd.s32 $0x50, s10  }
0x442: {  	[hbm4b:s13+s3] =	stream.linear.scatter [tilespmem:s12], [sflag:$0x6], $0x80, $0x38;
	[tilespmem:$0x12800] =	vst v63  }
0x443: {  	s17 =	simm.s32 $0x10930;
	s21 =	sadd.s32 $0x60, s10;
	s12 =	simm.s32 $0x2200  }
0x444: {  	[hbm4b:s16+s3] =	stream.linear.scatter [tilespmem:s15], [sflag:$0x6], $0x80, $0x38;
	[tilespmem:$0x12800] =	vst v63  }
0x445: {  	s13 =	simm.s32 $0x109B8;
	s15 =	sadd.s32 $0x70, s10;
	s10 =	sadd.s32 $0x4000, s10  }
0x446: {  	[hbm4b:s21+s3] =	stream.linear.scatter [tilespmem:s17], [sflag:$0x6], $0x80, $0x38;
	[tilespmem:$0x12800] =	vst v63  }
.LBB2_35:
0x447: {  	[hbm4b:s15+s3] =	stream.linear.scatter [tilespmem:s13], [sflag:$0x6], $0x80, $0x38;
	[tilespmem:$0x12800] =	vst v63  }
0x448: {  	s13 =	smov.u32 s6;
	s6 =	smov.u32 s12  }
0x449: {  	s16 =	sadd.s32 $0x1100, s12;
	s6 =	sshra.s32 s6, $0x2;
	s15 =	sadd.s32 $0x10600, s13  }
0x44a: {  	[hbm4b:s10+s3] =	stream.linear.scatter [tilespmem:s15], [sflag:$0x6], $0x80, $0x38;
	[tilespmem:$0x12800] =	vst v63  }
0x44b: {  	p0 =	seq.s32 s12, $0x7700;
	s12 =	sadd.s32 $0x10688, s13;
	s15 =	sadd.s32 $0x10, s10  }
0x44c: {  	[hbm4b:s15+s3] =	stream.linear.scatter [tilespmem:s12], [sflag:$0x6], $0x80, $0x38;
	[tilespmem:$0x12800] =	vst v63  }
0x44d: {  	s12 =	sadd.s32 $0x10710, s13;
	s15 =	sadd.s32 $0x20, s10  }
0x44e: {  	[hbm4b:s15+s3] =	stream.linear.scatter [tilespmem:s12], [sflag:$0x6], $0x80, $0x38;
	[tilespmem:$0x12800] =	vst v63  }
0x44f: {  	s12 =	sadd.s32 $0x10798, s13;
	s15 =	sadd.s32 $0x30, s10  }
0x450: {  	[hbm4b:s15+s3] =	stream.linear.scatter [tilespmem:s12], [sflag:$0x6], $0x80, $0x38;
	[tilespmem:$0x12800] =	vst v63  }
0x451: {  	s12 =	sadd.s32 $0x10820, s13;
	s15 =	sadd.s32 $0x40, s10  }
0x452: {  	[hbm4b:s15+s3] =	stream.linear.scatter [tilespmem:s12], [sflag:$0x6], $0x80, $0x38;
	[tilespmem:$0x12800] =	vst v63  }
.Ltmp17:
0x453: {  	s12 =	sadd.s32 $0x108A8, s13;
	s15 =	sadd.s32 $0x50, s10;
	(pc) =	sbr.rel @!p0 .LBB2_35-.Ltmp17, $4  }
0x454: {  	[hbm4b:s15+s3] =	stream.linear.scatter [tilespmem:s12], [sflag:$0x6], $0x80, $0x38;
	[tilespmem:$0x12800] =	vst v63  }
0x455: {  	s12 =	sadd.s32 $0x10930, s13;
	s15 =	sadd.s32 $0x60, s10;
	s13 =	sadd.s32 $0x109B8, s13  }
0x456: {  	[hbm4b:s15+s3] =	stream.linear.scatter [tilespmem:s12], [sflag:$0x6], $0x80, $0x38;
	[tilespmem:$0x12800] =	vst v63  }
0x457: {  	s15 =	sadd.s32 $0x70, s10;
	s10 =	sadd.s32 $0x4000, s10;
	s12 =	smov.u32 s16  }
0x458: {  	[hbm4b:s15+s3] =	stream.linear.scatter [tilespmem:s13], [sflag:$0x6], $0x80, $0x38;
	[tilespmem:$0x12800] =	vst v63  }
0x459: {  	s12 =	sadd.s32 $0x10600, s6  }
0x45a: {  	[hbm4b:s10+s3] =	stream.linear.scatter [tilespmem:s12], [sflag:$0x6], $0x80, $0x38;
	[tilespmem:$0x12800] =	vst v63  }
0x45b: {  	s17 =	sadd.s32 $0x10688, s6;
	s21 =	sadd.s32 $0x10, s10  }
0x45c: {  	[hbm4b:s21+s3] =	stream.linear.scatter [tilespmem:s17], [sflag:$0x6], $0x80, $0x38;
	[tilespmem:$0x12800] =	vst v63  }
0x45d: {  	s15 =	sadd.s32 $0x10710, s6;
	s16 =	sadd.s32 $0x20, s10  }
0x45e: {  	[hbm4b:s16+s3] =	stream.linear.scatter [tilespmem:s15], [sflag:$0x6], $0x80, $0x38;
	[tilespmem:$0x12800] =	vst v63  }
0x45f: {  	s17 =	sadd.s32 $0x10798, s6;
	s21 =	sadd.s32 $0x30, s10  }
0x460: {  	[hbm4b:s21+s3] =	stream.linear.scatter [tilespmem:s17], [sflag:$0x6], $0x80, $0x38;
	[tilespmem:$0x12800] =	vst v63  }
0x461: {  	s15 =	sadd.s32 $0x10820, s6;
	s16 =	sadd.s32 $0x40, s10  }
0x462: {  	[hbm4b:s16+s3] =	stream.linear.scatter [tilespmem:s15], [sflag:$0x6], $0x80, $0x38;
	[tilespmem:$0x12800] =	vst v63  }
0x463: {  	s17 =	sadd.s32 $0x108A8, s6;
	s21 =	sadd.s32 $0x50, s10  }
0x464: {  	[hbm4b:s21+s3] =	stream.linear.scatter [tilespmem:s17], [sflag:$0x6], $0x80, $0x38;
	[tilespmem:$0x12800] =	vst v63  }
0x465: {  	s15 =	sadd.s32 $0x10930, s6;
	s16 =	sadd.s32 $0x60, s10  }
0x466: {  	[hbm4b:s16+s3] =	stream.linear.scatter [tilespmem:s15], [sflag:$0x6], $0x80, $0x38;
	[tilespmem:$0x12800] =	vst v63  }
0x467: {  	s17 =	sadd.s32 $0x109B8, s6;
	s21 =	sadd.s32 $0x70, s10  }
0x468: {  	[hbm4b:s21+s3] =	stream.linear.scatter [tilespmem:s17], [sflag:$0x6], $0x80, $0x38;
	[tilespmem:$0x12800] =	vst v63  }
0x469: {  	p0 =	seq.s32 s18, $0x31  }
.Ltmp18:
0x46a: {  	_ = 	snop;
	(pc) =	sbr.rel @!p0 .LBB2_20-.Ltmp18, $1  }
0x46b: {  	_ =	sdelay $0x3  }
0x46c: {  	s6 =	simm.s32 $0x6300  }
0x46d: {  	[tilespmem:s26], [sflag:$0x3] =	stream.indirect.gather [hbm4b:s4+s22], $0x40, s6, s22, $0xb8;
	[tilespmem:$0x12800] =	vst v63  }
0x46e: {  	_ =	swait.ge [sflag:s28], $0x2000  }
0x46f: {  	[sflag:s28] =	ssyncset.done $0x0  }
0x470: {  	[sflag:s28] =	ssyncadd.s32 $0xFFFFE000  }
0x471: {  	_ =	swait.ge [sflag:s25], $0x2000  }
0x472: {  	[sflag:s25] =	ssyncset.done $0x0  }
0x473: {  	s13 =	simm.s32 $0x6480;
	s12 =	simm.s32 $0x3;
	[sflag:s25] =	ssyncadd.s32 $0xFFFFE000  }
0x474: {  	v4 =	vmov s12;
	v5 =	vld [tilespmem:s13+$0x40]  }
0x475: {  	v9 =	vand.u32 $0x7F, v4  }
0x476: {  	s15 =	simm.s32 $0x0;
	v4 =	vadd.s32 v0, v9  }
0x477: {  	s16 =	simm.s32 $0x1;
	s10 =	simm.s32 $0x2;
	v6 =	vmov s15;
	v7 =	vld [tilespmem:s13+$0xFFFFFF80]  }
0x478: {  	v11 =	vmov s10;
	v8 =	vand.u32 $0x7C, v6;
	v6 =	vmov s16;
	v10 =	vld [tilespmem:s13+$0xFFFFFFC0]  }
0x479: {  	v12 =	vadd.s32 v0, v8;
	v15 =	vand.u32 $0x7D, v6;
	v6 =	vld [tilespmem:s13+$0x0];
	v5 =	vmul.f32 $8.000000000e+00, v5  }
0x47a: {  	v17 =	vand.u32 $0x7E, v11;
	v13 =	vadd.s32 v0, v15  }
0x47b: {  	v11 =	vadd.s32 v0, v17;
	[tilespmem:v4+s29+$0x0] =	vst.idx.msk $0xffff, v5  }
0x47c: {  	v4 =	vmul.f32 $8.000000000e+00, v7;
	v5 =	vld [tilespmem:s13+$0x50]  }
0x47d: {  	v7 =	vmul.f32 $8.000000000e+00, v10  }
0x47e: {  	[tilespmem:v12+s29+$0x0] =	vst.idx.msk $0xffff, v4;
	v4 =	vmul.f32 $8.000000000e+00, v6;
	v6 =	vadd.s32 v1, v9  }
0x47f: {  	[tilespmem:v13+s29+$0x0] =	vst.idx.msk $0xffff, v7;
	v10 =	vld [tilespmem:s13+$0xFFFFFF90]  }
0x480: {  	v7 =	vld [tilespmem:s13+$0xFFFFFFD0];
	[tilespmem:v11+s29+$0x0] =	vst.idx.msk $0xffff, v4  }
0x481: {  	v11 =	vld [tilespmem:s13+$0x10];
	v4 =	vmul.f32 $8.000000000e+00, v5  }
0x482: {  	s17 =	simm.s32 $0x4;
	s12 =	simm.s32 $0x7;
	s6 =	simm.s32 $0x6580;
	v12 =	vadd.s32 v1, v15  }
0x483: {  	v14 =	vld [tilespmem:s6+$0x40];
	v13 =	vadd.s32 v1, v17;
	v5 =	vmov s17;
	[tilespmem:v6+s29+$0x0] =	vst.idx.msk $0xffff, v4;
	v6 =	vmov s12  }
0x484: {  	v16 =	vadd.s32 v1, v8;
	v4 =	vand.u32 $0x7C, v5;
	v5 =	vand.u32 $0x7F, v6;
	v18 =	vld [tilespmem:s13+$0x60]  }
0x485: {  	s18 =	simm.s32 $0x5;
	v22 =	vadd.s32 v2, v9;
	v19 =	vld [tilespmem:s6+$0xFFFFFF80];
	v6 =	vmul.f32 $8.000000000e+00, v7;
	v20 =	vadd.s32 v0, v5  }
0x486: {  	s21 =	simm.s32 $0x6;
	v21 =	vld [tilespmem:s6+$0xFFFFFFC0];
	v10 =	vmul.f32 $8.000000000e+00, v10;
	v7 =	vmul.f32 $8.000000000e+00, v11;
	v11 =	vmov s18  }
0x487: {  	v23 =	vadd.s32 v0, v4;
	[tilespmem:v12+s29+$0x0] =	vst.idx.msk $0xffff, v6;
	v12 =	vmov s21;
	v6 =	vand.u32 $0x7D, v11;
	v11 =	vld [tilespmem:s6+$0x0]  }
0x488: {  	[tilespmem:v13+s29+$0x0] =	vst.idx.msk $0xffff, v7;
	v13 =	vadd.s32 v0, v6;
	v7 =	vand.u32 $0x7E, v12;
	v12 =	vmul.f32 $8.000000000e+00, v14;
	v14 =	vld [tilespmem:s13+$0xFFFFFFE0]  }
0x489: {  	[tilespmem:v16+s29+$0x0] =	vst.idx.msk $0xffff, v10;
	v10 =	vadd.s32 v0, v7;
	v16 =	vld [tilespmem:s13+$0x20];
	v18 =	vmul.f32 $8.000000000e+00, v18  }
0x48a: {  	v19 =	vmul.f32 $8.000000000e+00, v19;
	[tilespmem:v20+s29+$0x0] =	vst.idx.msk $0xffff, v12;
	v12 =	vld [tilespmem:s13+$0xFFFFFFA0];
	v20 =	vadd.s32 v2, v15  }
0x48b: {  	v25 =	vadd.s32 v2, v17;
	v21 =	vmul.f32 $8.000000000e+00, v21;
	v24 =	vld [tilespmem:s6+$0x50];
	[tilespmem:v22+s29+$0x0] =	vst.idx.msk $0xffff, v18  }
0x48c: {  	[tilespmem:v23+s29+$0x0] =	vst.idx.msk $0xffff, v19;
	v19 =	vadd.s32 v2, v8;
	v11 =	vmul.f32 $8.000000000e+00, v11;
	v22 =	vld [tilespmem:s13+$0x70]  }
0x48d: {  	v23 =	vld [tilespmem:s6+$0xFFFFFF90];
	[tilespmem:v13+s29+$0x0] =	vst.idx.msk $0xffff, v21;
	v21 =	vadd.s32 v1, v5;
	v14 =	vmul.f32 $8.000000000e+00, v14  }
0x48e: {  	v27 =	vadd.s32 v3, v9;
	v26 =	vld [tilespmem:s6+$0xFFFFFFD0];
	[tilespmem:v10+s29+$0x0] =	vst.idx.msk $0xffff, v11;
	v10 =	vmul.f32 $8.000000000e+00, v16  }
0x48f: {  	v18 =	vadd.s32 v1, v4;
	v13 =	vld [tilespmem:s6+$0x10];
	v9 =	vmul.f32 $8.000000000e+00, v12;
	[tilespmem:v20+s29+$0x0] =	vst.idx.msk $0xffff, v14  }
0x490: {  	s12 =	simm.s32 $0x8;
	v16 =	vadd.s32 v1, v6;
	[tilespmem:v25+s29+$0x0] =	vst.idx.msk $0xffff, v10;
	v14 =	vmul.f32 $8.000000000e+00, v24;
	v12 =	vld [tilespmem:s13+$0xFFFFFFF0]  }
0x491: {  	v20 =	vmov s12;
	v10 =	vadd.s32 v1, v7;
	v11 =	vld [tilespmem:s13+$0x30];
	[tilespmem:v19+s29+$0x0] =	vst.idx.msk $0xffff, v9;
	v63 =	vmul.f32 $8.000000000e+00, v22  }
0x492: {  	s15 =	simm.s32 $0xB;
	s10 =	simm.s32 $0x6680;
	v15 =	vadd.s32 v3, v15;
	v9 =	vand.u32 $0x7C, v20;
	v20 =	vmul.f32 $8.000000000e+00, v23;
	[tilespmem:v21+s29+$0x0] =	vst.idx.msk $0xffff, v14;
	v14 =	vld [tilespmem:s13+$0xFFFFFFB0]  }
0x493: {  	v17 =	vadd.s32 v3, v17;
	v22 =	vmov s15;
	v19 =	vld [tilespmem:s10+$0x40];
	s13 =	simm.s32 $0xC;
	v21 =	vmul.f32 $8.000000000e+00, v26;
	[tilespmem:v27+s29+$0x0] =	vst.idx.msk $0xffff, v63  }
.LBB2_38:
0x494: {  	p0 =	slt.u32 s13, $0x7C;
	s15 =	sadd.s32 $0x1, s12;
	v22 =	vand.u32 $0x7F, v22;
	[tilespmem:v18+s29+$0x0] =	vst.idx.msk $0xffff, v20;
	v13 =	vmul.f32 $8.000000000e+00, v13;
	v18 =	vld [tilespmem:s6+$0x60];
	v20 =	vadd.s32 v3, v8;
	v8 =	vmovc v4  }
0x495: {  	v4 =	vmovc v9;
	v23 =	vld [tilespmem:s10+$0xFFFFFF80];
	v24 =	vmov s15;
	s15 =	sadd.s32 $0x2, s12;
	v25 =	vadd.s32 v0, v22;
	[tilespmem:v16+s29+$0x0] =	vst.idx.msk $0xffff, v21;
	v12 =	vmul.f32 $8.000000000e+00, v12;
	s12 =	smov.u32 s13  }
0x496: {  	v9 =	vld [tilespmem:s10+$0xFFFFFFC0];
	v16 =	vmov s15;
	[tilespmem:v10+s29+$0x0] =	vst.idx.msk $0xffff, v13;
	v10 =	vadd.s32 v2, v5;
	v11 =	vmul.f32 $8.000000000e+00, v11  }
0x497: {  	v13 =	vadd.s32 v0, v4;
	v21 =	vand.u32 $0x7D, v24;
	v24 =	vld [tilespmem:s10+$0x0];
	v14 =	vmul.f32 $8.000000000e+00, v14;
	[tilespmem:v15+s29+$0x0] =	vst.idx.msk $0xffff, v12  }
0x498: {  	v12 =	vadd.s32 v0, v21;
	v26 =	vand.u32 $0x7E, v16;
	v15 =	vmul.f32 $8.000000000e+00, v19;
	v16 =	vld [tilespmem:s6+$0xFFFFFFE0];
	[tilespmem:v17+s29+$0x0] =	vst.idx.msk $0xffff, v11  }
0x499: {  	v11 =	vadd.s32 v0, v26;
	v17 =	vld [tilespmem:s6+$0x20];
	v18 =	vmul.f32 $8.000000000e+00, v18;
	[tilespmem:v20+s29+$0x0] =	vst.idx.msk $0xffff, v14  }
0x49a: {  	v19 =	vadd.s32 v2, v6;
	v14 =	vmul.f32 $8.000000000e+00, v23;
	[tilespmem:v25+s29+$0x0] =	vst.idx.msk $0xffff, v15;
	v15 =	vld [tilespmem:s6+$0xFFFFFFA0]  }
0x49b: {  	v23 =	vadd.s32 v2, v7;
	v9 =	vmul.f32 $8.000000000e+00, v9;
	v20 =	vld [tilespmem:s10+$0x50];
	[tilespmem:v10+s29+$0x0] =	vst.idx.msk $0xffff, v18  }
0x49c: {  	[tilespmem:v13+s29+$0x0] =	vst.idx.msk $0xffff, v14;
	v10 =	vmul.f32 $8.000000000e+00, v24;
	v14 =	vadd.s32 v2, v8;
	v24 =	vld [tilespmem:s6+$0x70]  }
0x49d: {  	v27 =	vadd.s32 v1, v22;
	v25 =	vld [tilespmem:s10+$0xFFFFFF90];
	[tilespmem:v12+s29+$0x0] =	vst.idx.msk $0xffff, v9;
	v9 =	vmul.f32 $8.000000000e+00, v16  }
0x49e: {  	v29 =	vadd.s32 v3, v5;
	v5 =	vmov v22;
	v28 =	vld [tilespmem:s10+$0xFFFFFFD0];
	[tilespmem:v11+s29+$0x0] =	vst.idx.msk $0xffff, v10;
	v10 =	vmul.f32 $8.000000000e+00, v17  }
.Ltmp19:
0x49f: {  	v18 =	vadd.s32 v1, v4;
	v13 =	vld [tilespmem:s10+$0x10];
	v11 =	vmul.f32 $8.000000000e+00, v15;
	[tilespmem:v19+s29+$0x0] =	vst.idx.msk $0xffff, v9;
	(pc) =	sbr.rel @p0 .LBB2_38-.Ltmp19, $4  }
0x4a0: {  	v16 =	vadd.s32 v1, v21;
	v15 =	vmul.f32 $8.000000000e+00, v20;
	v12 =	vld [tilespmem:s6+$0xFFFFFFF0];
	[tilespmem:v23+s29+$0x0] =	vst.idx.msk $0xffff, v10  }
0x4a1: {  	v9 =	vmov s13;
	v10 =	vadd.s32 v1, v26;
	[tilespmem:v14+s29+$0x0] =	vst.idx.msk $0xffff, v11;
	v11 =	vld [tilespmem:s6+$0x30];
	v23 =	vmul.f32 $8.000000000e+00, v24  }
0x4a2: {  	s15 =	sadd.s32 $0x3, s13;
	v9 =	vand.u32 $0x7C, v9;
	v20 =	vmul.f32 $8.000000000e+00, v25;
	[tilespmem:v27+s29+$0x0] =	vst.idx.msk $0xffff, v15;
	v14 =	vld [tilespmem:s6+$0xFFFFFFB0];
	v15 =	vadd.s32 v3, v6;
	v6 =	vmovc v21;
	s6 =	smov.u32 s10;
	s10 =	sadd.s32 $0x100, s10  }
0x4a3: {  	v22 =	vmov s15;
	v17 =	vadd.s32 v3, v7;
	v7 =	vmovc v26;
	s13 =	sadd.s32 $0x4, s13;
	v19 =	vld [tilespmem:s10+$0x40];
	v21 =	vmul.f32 $8.000000000e+00, v28;
	[tilespmem:v29+s29+$0x0] =	vst.idx.msk $0xffff, v23  }
0x4a4: {  	s13 =	sadd.s32 $0x1, s12;
	v22 =	vand.u32 $0x7F, v22;
	v28 =	vld [tilespmem:s10+$0xFFFFFF80]  }
0x4a5: {  	s21 =	sadd.s32 $0x2, s12;
	v24 =	vld [tilespmem:s10+$0xFFFFFFC0];
	v23 =	vmov s13;
	v25 =	vadd.s32 v0, v22  }
0x4a6: {  	v27 =	vld [tilespmem:s10+$0x0];
	v51 =	vadd.s32 v0, v9;
	v26 =	vmov s21;
	v23 =	vand.u32 $0x7D, v23  }
0x4a7: {  	v26 =	vand.u32 $0x7E, v26;
	v29 =	vadd.s32 v0, v23  }
0x4a8: {  	[tilespmem:v18+s29+$0x0] =	vst.idx.msk $0xffff, v20;
	v30 =	vadd.s32 v0, v26;
	v19 =	vmul.f32 $8.000000000e+00, v19  }
0x4a9: {  	[tilespmem:v16+s29+$0x0] =	vst.idx.msk $0xffff, v21;
	v54 =	vmul.f32 $8.000000000e+00, v28  }
0x4aa: {  	v52 =	vmul.f32 $8.000000000e+00, v24;
	[tilespmem:v25+s29+$0x0] =	vst.idx.msk $0xffff, v19  }
0x4ab: {  	v53 =	vmul.f32 $8.000000000e+00, v27;
	v55 =	vld [tilespmem:s10+$0x50];
	[tilespmem:v51+s29+$0x0] =	vst.idx.msk $0xffff, v54  }
0x4ac: {  	v13 =	vmul.f32 $8.000000000e+00, v13;
	v8 =	vadd.s32 v3, v8;
	[tilespmem:v29+s29+$0x0] =	vst.idx.msk $0xffff, v52;
	v59 =	vld [tilespmem:s10+$0xFFFFFF90]  }
0x4ad: {  	v12 =	vmul.f32 $8.000000000e+00, v12;
	v57 =	vadd.s32 v1, v22;
	[tilespmem:v30+s29+$0x0] =	vst.idx.msk $0xffff, v53;
	v56 =	vld [tilespmem:s10+$0xFFFFFFD0]  }
0x4ae: {  	[tilespmem:v10+s29+$0x0] =	vst.idx.msk $0xffff, v13;
	v58 =	vmul.f32 $8.000000000e+00, v11;
	v28 =	vadd.s32 v1, v9;
	v19 =	vld [tilespmem:s10+$0x10]  }
0x4af: {  	v61 =	vld [tilespmem:s6+$0x60];
	v60 =	vadd.s32 v1, v23;
	v14 =	vmul.f32 $8.000000000e+00, v14;
	[tilespmem:v15+s29+$0x0] =	vst.idx.msk $0xffff, v12  }
0x4b0: {  	v32 =	vld [tilespmem:s6+$0xFFFFFFA0];
	v62 =	vadd.s32 v1, v26;
	[tilespmem:v17+s29+$0x0] =	vst.idx.msk $0xffff, v58;
	v16 =	vmul.f32 $8.000000000e+00, v55  }
0x4b1: {  	[tilespmem:v8+s29+$0x0] =	vst.idx.msk $0xffff, v14;
	v29 =	vadd.s32 v2, v5;
	v30 =	vld [tilespmem:s6+$0x20];
	v11 =	vmul.f32 $8.000000000e+00, v59  }
0x4b2: {  	v38 =	vadd.s32 v2, v4;
	v63 =	vld [tilespmem:s6+$0xFFFFFFE0];
	v31 =	vmul.f32 $8.000000000e+00, v56;
	[tilespmem:v57+s29+$0x0] =	vst.idx.msk $0xffff, v16  }
0x4b3: {  	v35 =	vadd.s32 v2, v7;
	v34 =	vmul.f32 $8.000000000e+00, v19;
	v36 =	vld [tilespmem:s10+$0x60];
	[tilespmem:v28+s29+$0x0] =	vst.idx.msk $0xffff, v11  }
0x4b4: {  	v33 =	vadd.s32 v2, v6;
	v37 =	vmul.f32 $8.000000000e+00, v61;
	[tilespmem:v60+s29+$0x0] =	vst.idx.msk $0xffff, v31;
	v43 =	vld [tilespmem:s10+$0xFFFFFFA0]  }
0x4b5: {  	v40 =	vadd.s32 v2, v22;
	v14 =	vmul.f32 $8.000000000e+00, v32;
	[tilespmem:v62+s29+$0x0] =	vst.idx.msk $0xffff, v34;
	v39 =	vld [tilespmem:s10+$0xFFFFFFE0]  }
0x4b6: {  	v48 =	vadd.s32 v2, v9;
	[tilespmem:v29+s29+$0x0] =	vst.idx.msk $0xffff, v37;
	v42 =	vmul.f32 $8.000000000e+00, v30;
	v41 =	vld [tilespmem:s10+$0x20]  }
0x4b7: {  	v44 =	vadd.s32 v2, v23;
	v15 =	vmul.f32 $8.000000000e+00, v63;
	[tilespmem:v38+s29+$0x0] =	vst.idx.msk $0xffff, v14;
	v45 =	vld [tilespmem:s6+$0x70]  }
0x4b8: {  	v46 =	vadd.s32 v2, v26;
	v14 =	vld [tilespmem:s6+$0xFFFFFFB0];
	[tilespmem:v35+s29+$0x0] =	vst.idx.msk $0xffff, v42;
	v47 =	vmul.f32 $8.000000000e+00, v36  }
0x4b9: {  	v5 =	vadd.s32 v3, v5;
	[tilespmem:v33+s29+$0x0] =	vst.idx.msk $0xffff, v15;
	v49 =	vld [tilespmem:s6+$0x30];
	v53 =	vmul.f32 $8.000000000e+00, v43  }
0x4ba: {  	v4 =	vadd.s32 v3, v4;
	v21 =	vld [tilespmem:s6+$0xFFFFFFF0];
	v12 =	vmul.f32 $8.000000000e+00, v39;
	[tilespmem:v40+s29+$0x0] =	vst.idx.msk $0xffff, v47  }
0x4bb: {  	v52 =	vadd.s32 v3, v7;
	v51 =	vmul.f32 $8.000000000e+00, v41;
	v10 =	vld [tilespmem:s10+$0x70];
	[tilespmem:v48+s29+$0x0] =	vst.idx.msk $0xffff, v53  }
0x4bc: {  	v50 =	vadd.s32 v3, v6;
	v54 =	vmul.f32 $8.000000000e+00, v45;
	[tilespmem:v44+s29+$0x0] =	vst.idx.msk $0xffff, v12;
	v59 =	vld [tilespmem:s10+$0xFFFFFFB0]  }
0x4bd: {  	v57 =	vadd.s32 v3, v22;
	v14 =	vmul.f32 $8.000000000e+00, v14;
	[tilespmem:v46+s29+$0x0] =	vst.idx.msk $0xffff, v51;
	v55 =	vld [tilespmem:s10+$0xFFFFFFF0]  }
0x4be: {  	v62 =	vadd.s32 v3, v9;
	[tilespmem:v5+s29+$0x0] =	vst.idx.msk $0xffff, v54;
	v5 =	vmul.f32 $8.000000000e+00, v49;
	v58 =	vld [tilespmem:s10+$0x30]  }
0x4bf: {  	v56 =	vmul.f32 $8.000000000e+00, v21;
	v60 =	vadd.s32 v3, v23;
	[tilespmem:v4+s29+$0x0] =	vst.idx.msk $0xffff, v14  }
0x4c0: {  	v61 =	vadd.s32 v3, v26;
	[tilespmem:v52+s29+$0x0] =	vst.idx.msk $0xffff, v5;
	v5 =	vmul.f32 $8.000000000e+00, v10  }
0x4c1: {  	[tilespmem:v50+s29+$0x0] =	vst.idx.msk $0xffff, v56;
	v63 =	vmul.f32 $8.000000000e+00, v59  }
0x4c2: {  	v4 =	vmul.f32 $8.000000000e+00, v55;
	[tilespmem:v57+s29+$0x0] =	vst.idx.msk $0xffff, v5  }
0x4c3: {  	v5 =	vmul.f32 $8.000000000e+00, v58;
	[tilespmem:v62+s29+$0x0] =	vst.idx.msk $0xffff, v63  }
0x4c4: {  	[tilespmem:v60+s29+$0x0] =	vst.idx.msk $0xffff, v4  }
0x4c5: {  	[tilespmem:v61+s29+$0x0] =	vst.idx.msk $0xffff, v5  }
0x4c6: {  	s10 =	simm.s32 $0xE400;
	s16 =	rddreg [dreg:$0x6]  }
0x4c7: {  	[hbm4b:s16+s3] =	stream.linear.scatter [tilespmem:s10], [sflag:$0x5], $0x80, $0x38;
	[tilespmem:$0x12800] =	vst v63  }
0x4c8: {  	s12 =	simm.s32 $0xE488;
	s15 =	simm.s32 $0xE510;
	s13 =	sadd.s32 $0x10, s16  }
0x4c9: {  	[hbm4b:s13+s3] =	stream.linear.scatter [tilespmem:s12], [sflag:$0x5], $0x80, $0x38;
	[tilespmem:$0x12800] =	vst v63  }
0x4ca: {  	s18 =	simm.s32 $0xE598;
	s6 =	simm.s32 $0x440;
	s17 =	sadd.s32 $0x20, s16  }
0x4cb: {  	[hbm4b:s17+s3] =	stream.linear.scatter [tilespmem:s15], [sflag:$0x5], $0x80, $0x38;
	[tilespmem:$0x12800] =	vst v63  }
0x4cc: {  	s21 =	sadd.s32 $0x30, s16;
	s10 =	sadd.s32 $0x4000, s16;
	s12 =	simm.s32 $0xE620  }
0x4cd: {  	[hbm4b:s21+s3] =	stream.linear.scatter [tilespmem:s18], [sflag:$0x5], $0x80, $0x38;
	[tilespmem:$0x12800] =	vst v63  }
0x4ce: {  	s13 =	sadd.s32 $0x40, s16;
	s15 =	simm.s32 $0xE6A8;
	s17 =	sadd.s32 $0x50, s16  }
0x4cf: {  	[hbm4b:s13+s3] =	stream.linear.scatter [tilespmem:s12], [sflag:$0x5], $0x80, $0x38;
	[tilespmem:$0x12800] =	vst v63  }
0x4d0: {  	s18 =	simm.s32 $0xE730;
	s21 =	sadd.s32 $0x60, s16;
	s12 =	simm.s32 $0x2200  }
0x4d1: {  	[hbm4b:s17+s3] =	stream.linear.scatter [tilespmem:s15], [sflag:$0x5], $0x80, $0x38;
	[tilespmem:$0x12800] =	vst v63  }
0x4d2: {  	s13 =	simm.s32 $0xE7B8;
	s15 =	sadd.s32 $0x70, s16;
	s17 =	simm.s32 $0x200  }
0x4d3: {  	[hbm4b:s21+s3] =	stream.linear.scatter [tilespmem:s18], [sflag:$0x5], $0x80, $0x38;
	[tilespmem:$0x12800] =	vst v63  }
.LBB2_40:
0x4d4: {  	[hbm4b:s15+s3] =	stream.linear.scatter [tilespmem:s13], [sflag:$0x5], $0x80, $0x38;
	[tilespmem:$0x12800] =	vst v63  }
0x4d5: {  	s13 =	smov.u32 s6;
	s6 =	smov.u32 s12  }
0x4d6: {  	s16 =	sadd.s32 $0x1100, s12;
	s6 =	sshra.s32 s6, $0x2;
	s15 =	sadd.s32 $0xE400, s13  }
0x4d7: {  	[hbm4b:s10+s3] =	stream.linear.scatter [tilespmem:s15], [sflag:$0x5], $0x80, $0x38;
	[tilespmem:$0x12800] =	vst v63  }
0x4d8: {  	p0 =	sne.s32 s12, $0x7700;
	s12 =	sadd.s32 $0xE488, s13;
	s15 =	sadd.s32 $0x10, s10  }
0x4d9: {  	[hbm4b:s15+s3] =	stream.linear.scatter [tilespmem:s12], [sflag:$0x5], $0x80, $0x38;
	[tilespmem:$0x12800] =	vst v63  }
0x4da: {  	s12 =	sadd.s32 $0xE510, s13;
	s15 =	sadd.s32 $0x20, s10  }
0x4db: {  	[hbm4b:s15+s3] =	stream.linear.scatter [tilespmem:s12], [sflag:$0x5], $0x80, $0x38;
	[tilespmem:$0x12800] =	vst v63  }
0x4dc: {  	s12 =	sadd.s32 $0xE598, s13;
	s15 =	sadd.s32 $0x30, s10  }
0x4dd: {  	[hbm4b:s15+s3] =	stream.linear.scatter [tilespmem:s12], [sflag:$0x5], $0x80, $0x38;
	[tilespmem:$0x12800] =	vst v63  }
0x4de: {  	s12 =	sadd.s32 $0xE620, s13;
	s15 =	sadd.s32 $0x40, s10  }
0x4df: {  	[hbm4b:s15+s3] =	stream.linear.scatter [tilespmem:s12], [sflag:$0x5], $0x80, $0x38;
	[tilespmem:$0x12800] =	vst v63  }
.Ltmp20:
0x4e0: {  	s12 =	sadd.s32 $0xE6A8, s13;
	s15 =	sadd.s32 $0x50, s10;
	(pc) =	sbr.rel @p0 .LBB2_40-.Ltmp20, $4  }
0x4e1: {  	[hbm4b:s15+s3] =	stream.linear.scatter [tilespmem:s12], [sflag:$0x5], $0x80, $0x38;
	[tilespmem:$0x12800] =	vst v63  }
0x4e2: {  	s12 =	sadd.s32 $0xE730, s13;
	s15 =	sadd.s32 $0x60, s10;
	s13 =	sadd.s32 $0xE7B8, s13  }
0x4e3: {  	[hbm4b:s15+s3] =	stream.linear.scatter [tilespmem:s12], [sflag:$0x5], $0x80, $0x38;
	[tilespmem:$0x12800] =	vst v63  }
0x4e4: {  	s15 =	sadd.s32 $0x70, s10;
	s10 =	sadd.s32 $0x4000, s10;
	s12 =	smov.u32 s16  }
0x4e5: {  	[hbm4b:s15+s3] =	stream.linear.scatter [tilespmem:s13], [sflag:$0x5], $0x80, $0x38;
	[tilespmem:$0x12800] =	vst v63  }
0x4e6: {  	s12 =	sadd.s32 $0xE400, s6  }
0x4e7: {  	[hbm4b:s10+s3] =	stream.linear.scatter [tilespmem:s12], [sflag:$0x5], $0x80, $0x38;
	[tilespmem:$0x12800] =	vst v63  }
0x4e8: {  	s15 =	sadd.s32 $0xE488, s6;
	s16 =	sadd.s32 $0x10, s10  }
0x4e9: {  	[hbm4b:s16+s3] =	stream.linear.scatter [tilespmem:s15], [sflag:$0x5], $0x80, $0x38;
	[tilespmem:$0x12800] =	vst v63  }
0x4ea: {  	s18 =	sadd.s32 $0xE510, s6;
	s21 =	sadd.s32 $0x20, s10  }
0x4eb: {  	[hbm4b:s21+s3] =	stream.linear.scatter [tilespmem:s18], [sflag:$0x5], $0x80, $0x38;
	[tilespmem:$0x12800] =	vst v63  }
0x4ec: {  	s15 =	sadd.s32 $0xE598, s6;
	s16 =	sadd.s32 $0x30, s10  }
0x4ed: {  	[hbm4b:s16+s3] =	stream.linear.scatter [tilespmem:s15], [sflag:$0x5], $0x80, $0x38;
	[tilespmem:$0x12800] =	vst v63  }
0x4ee: {  	s18 =	sadd.s32 $0xE620, s6;
	s21 =	sadd.s32 $0x40, s10  }
0x4ef: {  	[hbm4b:s21+s3] =	stream.linear.scatter [tilespmem:s18], [sflag:$0x5], $0x80, $0x38;
	[tilespmem:$0x12800] =	vst v63  }
0x4f0: {  	s13 =	sadd.s32 $0xE6A8, s6;
	s15 =	sadd.s32 $0x50, s10  }
0x4f1: {  	[hbm4b:s15+s3] =	stream.linear.scatter [tilespmem:s13], [sflag:$0x5], $0x80, $0x38;
	[tilespmem:$0x12800] =	vst v63  }
0x4f2: {  	s16 =	sadd.s32 $0xE730, s6;
	s18 =	sadd.s32 $0x60, s10  }
0x4f3: {  	[hbm4b:s18+s3] =	stream.linear.scatter [tilespmem:s16], [sflag:$0x5], $0x80, $0x38;
	[tilespmem:$0x12800] =	vst v63  }
0x4f4: {  	s12 =	sadd.s32 $0x70, s10;
	s21 =	sadd.s32 $0xE7B8, s6  }
0x4f5: {  	[hbm4b:s12+s3] =	stream.linear.scatter [tilespmem:s21], [sflag:$0x5], $0x80, $0x38;
	[tilespmem:$0x12800] =	vst v63  }
0x4f6: {  	s13 =	simm.s32 $0x6380  }
0x4f7: {  	[tilespmem:s31], [sflag:$0x4] =	stream.indirect.gather [hbm4b:s4+s22], $0x40, s13, s22, $0xb8;
	[tilespmem:$0x12800] =	vst v63  }
0x4f8: {  	_ =	swait.ge [sflag:s1], $0x2000  }
0x4f9: {  	[sflag:s1] =	ssyncset.done $0x0  }
0x4fa: {  	[sflag:s1] =	ssyncadd.s32 $0xFFFFE000  }
0x4fb: {  	_ =	swait.ge [sflag:s19], $0x2000  }
0x4fc: {  	[sflag:s19] =	ssyncset.done $0x0  }
0x4fd: {  	s15 =	simm.s32 $0x3;
	s13 =	simm.s32 $0x8480;
	[sflag:s19] =	ssyncadd.s32 $0xFFFFE000  }
0x4fe: {  	v4 =	vmov s15;
	v5 =	vld [tilespmem:s13+$0x40]  }
0x4ff: {  	v9 =	vand.u32 $0x7F, v4  }
0x500: {  	s16 =	simm.s32 $0x0;
	v4 =	vadd.s32 v0, v9  }
0x501: {  	s18 =	simm.s32 $0x1;
	v6 =	vmov s16;
	s21 =	simm.s32 $0x2;
	v7 =	vld [tilespmem:s13+$0xFFFFFF80]  }
0x502: {  	v8 =	vand.u32 $0x7C, v6;
	v6 =	vmov s18;
	v11 =	vmov s21;
	v10 =	vld [tilespmem:s13+$0xFFFFFFC0]  }
0x503: {  	v12 =	vadd.s32 v0, v8;
	v15 =	vand.u32 $0x7D, v6;
	v6 =	vld [tilespmem:s13+$0x0];
	v5 =	vmul.f32 $8.000000000e+00, v5  }
0x504: {  	v13 =	vadd.s32 v0, v15;
	v17 =	vand.u32 $0x7E, v11  }
0x505: {  	v11 =	vadd.s32 v0, v17;
	[tilespmem:v4+s0+$0x0] =	vst.idx.msk $0xffff, v5  }
0x506: {  	v4 =	vmul.f32 $8.000000000e+00, v7;
	v5 =	vld [tilespmem:s13+$0x50]  }
0x507: {  	v7 =	vmul.f32 $8.000000000e+00, v10  }
0x508: {  	[tilespmem:v12+s0+$0x0] =	vst.idx.msk $0xffff, v4;
	v4 =	vmul.f32 $8.000000000e+00, v6;
	v6 =	vadd.s32 v1, v9  }
0x509: {  	[tilespmem:v13+s0+$0x0] =	vst.idx.msk $0xffff, v7;
	v10 =	vld [tilespmem:s13+$0xFFFFFF90]  }
0x50a: {  	v7 =	vld [tilespmem:s13+$0xFFFFFFD0];
	[tilespmem:v11+s0+$0x0] =	vst.idx.msk $0xffff, v4  }
0x50b: {  	v11 =	vld [tilespmem:s13+$0x10];
	v4 =	vmul.f32 $8.000000000e+00, v5  }
0x50c: {  	s6 =	simm.s32 $0x8580;
	s15 =	simm.s32 $0x7;
	s12 =	simm.s32 $0x4;
	v12 =	vadd.s32 v1, v15  }
0x50d: {  	v14 =	vld [tilespmem:s6+$0x40];
	v13 =	vadd.s32 v1, v17;
	v5 =	vmov s12;
	[tilespmem:v6+s0+$0x0] =	vst.idx.msk $0xffff, v4;
	v6 =	vmov s15  }
0x50e: {  	v16 =	vadd.s32 v1, v8;
	v4 =	vand.u32 $0x7C, v5;
	v5 =	vand.u32 $0x7F, v6;
	v18 =	vld [tilespmem:s13+$0x60]  }
0x50f: {  	s16 =	simm.s32 $0x5;
	v22 =	vadd.s32 v2, v9;
	v19 =	vld [tilespmem:s6+$0xFFFFFF80];
	v6 =	vmul.f32 $8.000000000e+00, v7;
	v20 =	vadd.s32 v0, v5  }
0x510: {  	s18 =	simm.s32 $0x6;
	v21 =	vld [tilespmem:s6+$0xFFFFFFC0];
	v10 =	vmul.f32 $8.000000000e+00, v10;
	v7 =	vmul.f32 $8.000000000e+00, v11;
	v11 =	vmov s16  }
0x511: {  	v23 =	vadd.s32 v0, v4;
	[tilespmem:v12+s0+$0x0] =	vst.idx.msk $0xffff, v6;
	v12 =	vmov s18;
	v6 =	vand.u32 $0x7D, v11;
	v11 =	vld [tilespmem:s6+$0x0]  }
0x512: {  	[tilespmem:v13+s0+$0x0] =	vst.idx.msk $0xffff, v7;
	v13 =	vadd.s32 v0, v6;
	v7 =	vand.u32 $0x7E, v12;
	v12 =	vmul.f32 $8.000000000e+00, v14;
	v14 =	vld [tilespmem:s13+$0xFFFFFFE0]  }
0x513: {  	[tilespmem:v16+s0+$0x0] =	vst.idx.msk $0xffff, v10;
	v10 =	vadd.s32 v0, v7;
	v16 =	vld [tilespmem:s13+$0x20];
	v18 =	vmul.f32 $8.000000000e+00, v18  }
0x514: {  	v19 =	vmul.f32 $8.000000000e+00, v19;
	[tilespmem:v20+s0+$0x0] =	vst.idx.msk $0xffff, v12;
	v12 =	vld [tilespmem:s13+$0xFFFFFFA0];
	v20 =	vadd.s32 v2, v15  }
0x515: {  	v25 =	vadd.s32 v2, v17;
	v21 =	vmul.f32 $8.000000000e+00, v21;
	v24 =	vld [tilespmem:s6+$0x50];
	[tilespmem:v22+s0+$0x0] =	vst.idx.msk $0xffff, v18  }
0x516: {  	[tilespmem:v23+s0+$0x0] =	vst.idx.msk $0xffff, v19;
	v19 =	vadd.s32 v2, v8;
	v11 =	vmul.f32 $8.000000000e+00, v11;
	v22 =	vld [tilespmem:s13+$0x70]  }
0x517: {  	v23 =	vld [tilespmem:s6+$0xFFFFFF90];
	[tilespmem:v13+s0+$0x0] =	vst.idx.msk $0xffff, v21;
	v21 =	vadd.s32 v1, v5;
	v14 =	vmul.f32 $8.000000000e+00, v14  }
0x518: {  	v27 =	vadd.s32 v3, v9;
	v26 =	vld [tilespmem:s6+$0xFFFFFFD0];
	[tilespmem:v10+s0+$0x0] =	vst.idx.msk $0xffff, v11;
	v10 =	vmul.f32 $8.000000000e+00, v16  }
0x519: {  	v18 =	vadd.s32 v1, v4;
	v13 =	vld [tilespmem:s6+$0x10];
	v9 =	vmul.f32 $8.000000000e+00, v12;
	[tilespmem:v20+s0+$0x0] =	vst.idx.msk $0xffff, v14  }
0x51a: {  	s12 =	simm.s32 $0x8;
	v16 =	vadd.s32 v1, v6;
	[tilespmem:v25+s0+$0x0] =	vst.idx.msk $0xffff, v10;
	v14 =	vmul.f32 $8.000000000e+00, v24;
	v12 =	vld [tilespmem:s13+$0xFFFFFFF0]  }
0x51b: {  	v20 =	vmov s12;
	v10 =	vadd.s32 v1, v7;
	v11 =	vld [tilespmem:s13+$0x30];
	[tilespmem:v19+s0+$0x0] =	vst.idx.msk $0xffff, v9;
	v63 =	vmul.f32 $8.000000000e+00, v22  }
0x51c: {  	s10 =	simm.s32 $0x8680;
	s21 =	simm.s32 $0xB;
	v15 =	vadd.s32 v3, v15;
	v9 =	vand.u32 $0x7C, v20;
	v20 =	vmul.f32 $8.000000000e+00, v23;
	[tilespmem:v21+s0+$0x0] =	vst.idx.msk $0xffff, v14;
	v14 =	vld [tilespmem:s13+$0xFFFFFFB0]  }
0x51d: {  	v17 =	vadd.s32 v3, v17;
	v22 =	vmov s21;
	v19 =	vld [tilespmem:s10+$0x40];
	s13 =	simm.s32 $0xC;
	v21 =	vmul.f32 $8.000000000e+00, v26;
	[tilespmem:v27+s0+$0x0] =	vst.idx.msk $0xffff, v63  }
.LBB2_42:
0x51e: {  	p0 =	slt.u32 s13, $0x7C;
	s15 =	sadd.s32 $0x1, s12;
	v22 =	vand.u32 $0x7F, v22;
	[tilespmem:v18+s0+$0x0] =	vst.idx.msk $0xffff, v20;
	v13 =	vmul.f32 $8.000000000e+00, v13;
	v18 =	vld [tilespmem:s6+$0x60];
	v20 =	vadd.s32 v3, v8;
	v8 =	vmovc v4  }
0x51f: {  	v4 =	vmovc v9;
	v23 =	vld [tilespmem:s10+$0xFFFFFF80];
	v24 =	vmov s15;
	s15 =	sadd.s32 $0x2, s12;
	v25 =	vadd.s32 v0, v22;
	[tilespmem:v16+s0+$0x0] =	vst.idx.msk $0xffff, v21;
	v12 =	vmul.f32 $8.000000000e+00, v12;
	s12 =	smov.u32 s13  }
0x520: {  	v9 =	vld [tilespmem:s10+$0xFFFFFFC0];
	v16 =	vmov s15;
	[tilespmem:v10+s0+$0x0] =	vst.idx.msk $0xffff, v13;
	v10 =	vadd.s32 v2, v5;
	v11 =	vmul.f32 $8.000000000e+00, v11  }
0x521: {  	v13 =	vadd.s32 v0, v4;
	v21 =	vand.u32 $0x7D, v24;
	v24 =	vld [tilespmem:s10+$0x0];
	v14 =	vmul.f32 $8.000000000e+00, v14;
	[tilespmem:v15+s0+$0x0] =	vst.idx.msk $0xffff, v12  }
0x522: {  	v12 =	vadd.s32 v0, v21;
	v26 =	vand.u32 $0x7E, v16;
	v15 =	vmul.f32 $8.000000000e+00, v19;
	v16 =	vld [tilespmem:s6+$0xFFFFFFE0];
	[tilespmem:v17+s0+$0x0] =	vst.idx.msk $0xffff, v11  }
0x523: {  	v11 =	vadd.s32 v0, v26;
	v17 =	vld [tilespmem:s6+$0x20];
	v18 =	vmul.f32 $8.000000000e+00, v18;
	[tilespmem:v20+s0+$0x0] =	vst.idx.msk $0xffff, v14  }
0x524: {  	v19 =	vadd.s32 v2, v6;
	v14 =	vmul.f32 $8.000000000e+00, v23;
	[tilespmem:v25+s0+$0x0] =	vst.idx.msk $0xffff, v15;
	v15 =	vld [tilespmem:s6+$0xFFFFFFA0]  }
0x525: {  	v23 =	vadd.s32 v2, v7;
	v9 =	vmul.f32 $8.000000000e+00, v9;
	v20 =	vld [tilespmem:s10+$0x50];
	[tilespmem:v10+s0+$0x0] =	vst.idx.msk $0xffff, v18  }
0x526: {  	[tilespmem:v13+s0+$0x0] =	vst.idx.msk $0xffff, v14;
	v10 =	vmul.f32 $8.000000000e+00, v24;
	v14 =	vadd.s32 v2, v8;
	v24 =	vld [tilespmem:s6+$0x70]  }
0x527: {  	v27 =	vadd.s32 v1, v22;
	v25 =	vld [tilespmem:s10+$0xFFFFFF90];
	[tilespmem:v12+s0+$0x0] =	vst.idx.msk $0xffff, v9;
	v9 =	vmul.f32 $8.000000000e+00, v16  }
0x528: {  	v29 =	vadd.s32 v3, v5;
	v5 =	vmov v22;
	v28 =	vld [tilespmem:s10+$0xFFFFFFD0];
	[tilespmem:v11+s0+$0x0] =	vst.idx.msk $0xffff, v10;
	v10 =	vmul.f32 $8.000000000e+00, v17  }
.Ltmp21:
0x529: {  	v18 =	vadd.s32 v1, v4;
	v13 =	vld [tilespmem:s10+$0x10];
	v11 =	vmul.f32 $8.000000000e+00, v15;
	[tilespmem:v19+s0+$0x0] =	vst.idx.msk $0xffff, v9;
	(pc) =	sbr.rel @p0 .LBB2_42-.Ltmp21, $4  }
0x52a: {  	v16 =	vadd.s32 v1, v21;
	v15 =	vmul.f32 $8.000000000e+00, v20;
	v12 =	vld [tilespmem:s6+$0xFFFFFFF0];
	[tilespmem:v23+s0+$0x0] =	vst.idx.msk $0xffff, v10  }
0x52b: {  	v9 =	vmov s13;
	v10 =	vadd.s32 v1, v26;
	[tilespmem:v14+s0+$0x0] =	vst.idx.msk $0xffff, v11;
	v11 =	vld [tilespmem:s6+$0x30];
	v23 =	vmul.f32 $8.000000000e+00, v24  }
0x52c: {  	s15 =	sadd.s32 $0x3, s13;
	v9 =	vand.u32 $0x7C, v9;
	v20 =	vmul.f32 $8.000000000e+00, v25;
	[tilespmem:v27+s0+$0x0] =	vst.idx.msk $0xffff, v15;
	v14 =	vld [tilespmem:s6+$0xFFFFFFB0];
	v15 =	vadd.s32 v3, v6;
	v6 =	vmovc v21;
	s6 =	smov.u32 s10;
	s10 =	sadd.s32 $0x100, s10  }
0x52d: {  	v22 =	vmov s15;
	v17 =	vadd.s32 v3, v7;
	v7 =	vmovc v26;
	s13 =	sadd.s32 $0x4, s13;
	v19 =	vld [tilespmem:s10+$0x40];
	v21 =	vmul.f32 $8.000000000e+00, v28;
	[tilespmem:v29+s0+$0x0] =	vst.idx.msk $0xffff, v23  }
0x52e: {  	s13 =	sadd.s32 $0x1, s12;
	v22 =	vand.u32 $0x7F, v22;
	v28 =	vld [tilespmem:s10+$0xFFFFFF80]  }
0x52f: {  	s18 =	sadd.s32 $0x2, s12;
	v24 =	vld [tilespmem:s10+$0xFFFFFFC0];
	v23 =	vmov s13;
	v25 =	vadd.s32 v0, v22  }
0x530: {  	v27 =	vld [tilespmem:s10+$0x0];
	v51 =	vadd.s32 v0, v9;
	v26 =	vmov s18;
	v23 =	vand.u32 $0x7D, v23  }
0x531: {  	v26 =	vand.u32 $0x7E, v26;
	v29 =	vadd.s32 v0, v23  }
0x532: {  	[tilespmem:v18+s0+$0x0] =	vst.idx.msk $0xffff, v20;
	v30 =	vadd.s32 v0, v26;
	v19 =	vmul.f32 $8.000000000e+00, v19  }
0x533: {  	[tilespmem:v16+s0+$0x0] =	vst.idx.msk $0xffff, v21;
	v54 =	vmul.f32 $8.000000000e+00, v28  }
0x534: {  	v52 =	vmul.f32 $8.000000000e+00, v24;
	[tilespmem:v25+s0+$0x0] =	vst.idx.msk $0xffff, v19  }
0x535: {  	v53 =	vmul.f32 $8.000000000e+00, v27;
	v55 =	vld [tilespmem:s10+$0x50];
	[tilespmem:v51+s0+$0x0] =	vst.idx.msk $0xffff, v54  }
0x536: {  	v13 =	vmul.f32 $8.000000000e+00, v13;
	v8 =	vadd.s32 v3, v8;
	[tilespmem:v29+s0+$0x0] =	vst.idx.msk $0xffff, v52;
	v59 =	vld [tilespmem:s10+$0xFFFFFF90]  }
0x537: {  	v12 =	vmul.f32 $8.000000000e+00, v12;
	v57 =	vadd.s32 v1, v22;
	[tilespmem:v30+s0+$0x0] =	vst.idx.msk $0xffff, v53;
	v56 =	vld [tilespmem:s10+$0xFFFFFFD0]  }
0x538: {  	[tilespmem:v10+s0+$0x0] =	vst.idx.msk $0xffff, v13;
	v58 =	vmul.f32 $8.000000000e+00, v11;
	v28 =	vadd.s32 v1, v9;
	v19 =	vld [tilespmem:s10+$0x10]  }
0x539: {  	v61 =	vld [tilespmem:s6+$0x60];
	v60 =	vadd.s32 v1, v23;
	v14 =	vmul.f32 $8.000000000e+00, v14;
	[tilespmem:v15+s0+$0x0] =	vst.idx.msk $0xffff, v12  }
0x53a: {  	v32 =	vld [tilespmem:s6+$0xFFFFFFA0];
	v62 =	vadd.s32 v1, v26;
	[tilespmem:v17+s0+$0x0] =	vst.idx.msk $0xffff, v58;
	v16 =	vmul.f32 $8.000000000e+00, v55  }
0x53b: {  	[tilespmem:v8+s0+$0x0] =	vst.idx.msk $0xffff, v14;
	v29 =	vadd.s32 v2, v5;
	v30 =	vld [tilespmem:s6+$0x20];
	v11 =	vmul.f32 $8.000000000e+00, v59  }
0x53c: {  	v38 =	vadd.s32 v2, v4;
	v63 =	vld [tilespmem:s6+$0xFFFFFFE0];
	v31 =	vmul.f32 $8.000000000e+00, v56;
	[tilespmem:v57+s0+$0x0] =	vst.idx.msk $0xffff, v16  }
0x53d: {  	v35 =	vadd.s32 v2, v7;
	v34 =	vmul.f32 $8.000000000e+00, v19;
	v36 =	vld [tilespmem:s10+$0x60];
	[tilespmem:v28+s0+$0x0] =	vst.idx.msk $0xffff, v11  }
0x53e: {  	v33 =	vadd.s32 v2, v6;
	v37 =	vmul.f32 $8.000000000e+00, v61;
	[tilespmem:v60+s0+$0x0] =	vst.idx.msk $0xffff, v31;
	v43 =	vld [tilespmem:s10+$0xFFFFFFA0]  }
0x53f: {  	v40 =	vadd.s32 v2, v22;
	v14 =	vmul.f32 $8.000000000e+00, v32;
	[tilespmem:v62+s0+$0x0] =	vst.idx.msk $0xffff, v34;
	v39 =	vld [tilespmem:s10+$0xFFFFFFE0]  }
0x540: {  	v48 =	vadd.s32 v2, v9;
	[tilespmem:v29+s0+$0x0] =	vst.idx.msk $0xffff, v37;
	v42 =	vmul.f32 $8.000000000e+00, v30;
	v41 =	vld [tilespmem:s10+$0x20]  }
0x541: {  	v44 =	vadd.s32 v2, v23;
	v15 =	vmul.f32 $8.000000000e+00, v63;
	[tilespmem:v38+s0+$0x0] =	vst.idx.msk $0xffff, v14;
	v45 =	vld [tilespmem:s6+$0x70]  }
0x542: {  	v46 =	vadd.s32 v2, v26;
	v14 =	vld [tilespmem:s6+$0xFFFFFFB0];
	[tilespmem:v35+s0+$0x0] =	vst.idx.msk $0xffff, v42;
	v47 =	vmul.f32 $8.000000000e+00, v36  }
0x543: {  	v5 =	vadd.s32 v3, v5;
	[tilespmem:v33+s0+$0x0] =	vst.idx.msk $0xffff, v15;
	v49 =	vld [tilespmem:s6+$0x30];
	v53 =	vmul.f32 $8.000000000e+00, v43  }
0x544: {  	v4 =	vadd.s32 v3, v4;
	v21 =	vld [tilespmem:s6+$0xFFFFFFF0];
	v12 =	vmul.f32 $8.000000000e+00, v39;
	[tilespmem:v40+s0+$0x0] =	vst.idx.msk $0xffff, v47  }
0x545: {  	v52 =	vadd.s32 v3, v7;
	v51 =	vmul.f32 $8.000000000e+00, v41;
	v10 =	vld [tilespmem:s10+$0x70];
	[tilespmem:v48+s0+$0x0] =	vst.idx.msk $0xffff, v53  }
0x546: {  	v50 =	vadd.s32 v3, v6;
	v54 =	vmul.f32 $8.000000000e+00, v45;
	[tilespmem:v44+s0+$0x0] =	vst.idx.msk $0xffff, v12;
	v59 =	vld [tilespmem:s10+$0xFFFFFFB0]  }
0x547: {  	v57 =	vadd.s32 v3, v22;
	v14 =	vmul.f32 $8.000000000e+00, v14;
	[tilespmem:v46+s0+$0x0] =	vst.idx.msk $0xffff, v51;
	v55 =	vld [tilespmem:s10+$0xFFFFFFF0]  }
0x548: {  	v62 =	vadd.s32 v3, v9;
	[tilespmem:v5+s0+$0x0] =	vst.idx.msk $0xffff, v54;
	v5 =	vmul.f32 $8.000000000e+00, v49;
	v58 =	vld [tilespmem:s10+$0x30]  }
0x549: {  	v56 =	vmul.f32 $8.000000000e+00, v21;
	v60 =	vadd.s32 v3, v23;
	[tilespmem:v4+s0+$0x0] =	vst.idx.msk $0xffff, v14  }
0x54a: {  	v61 =	vadd.s32 v3, v26;
	[tilespmem:v52+s0+$0x0] =	vst.idx.msk $0xffff, v5;
	v5 =	vmul.f32 $8.000000000e+00, v10  }
0x54b: {  	[tilespmem:v50+s0+$0x0] =	vst.idx.msk $0xffff, v56;
	v63 =	vmul.f32 $8.000000000e+00, v59  }
0x54c: {  	v4 =	vmul.f32 $8.000000000e+00, v55;
	[tilespmem:v57+s0+$0x0] =	vst.idx.msk $0xffff, v5  }
0x54d: {  	v5 =	vmul.f32 $8.000000000e+00, v58;
	[tilespmem:v62+s0+$0x0] =	vst.idx.msk $0xffff, v63  }
0x54e: {  	[tilespmem:v60+s0+$0x0] =	vst.idx.msk $0xffff, v4  }
0x54f: {  	[tilespmem:v61+s0+$0x0] =	vst.idx.msk $0xffff, v5  }
0x550: {  	s21 =	simm.s32 $0x10600;
	s16 =	rddreg [dreg:$0x7]  }
0x551: {  	[hbm4b:s16+s3] =	stream.linear.scatter [tilespmem:s21], [sflag:$0x6], $0x80, $0x38;
	[tilespmem:$0x12800] =	vst v63  }
0x552: {  	s10 =	simm.s32 $0x10688;
	s12 =	sadd.s32 $0x10, s16  }
0x553: {  	[hbm4b:s12+s3] =	stream.linear.scatter [tilespmem:s10], [sflag:$0x6], $0x80, $0x38;
	[tilespmem:$0x12800] =	vst v63  }
0x554: {  	s13 =	simm.s32 $0x10710;
	s18 =	simm.s32 $0x10798;
	s15 =	sadd.s32 $0x20, s16  }
0x555: {  	[hbm4b:s15+s3] =	stream.linear.scatter [tilespmem:s13], [sflag:$0x6], $0x80, $0x38;
	[tilespmem:$0x12800] =	vst v63  }
0x556: {  	s6 =	simm.s32 $0x440;
	s21 =	sadd.s32 $0x30, s16;
	s10 =	simm.s32 $0x10820  }
0x557: {  	[hbm4b:s21+s3] =	stream.linear.scatter [tilespmem:s18], [sflag:$0x6], $0x80, $0x38;
	[tilespmem:$0x12800] =	vst v63  }
0x558: {  	s12 =	sadd.s32 $0x40, s16;
	s13 =	simm.s32 $0x108A8;
	s15 =	sadd.s32 $0x50, s16  }
0x559: {  	[hbm4b:s12+s3] =	stream.linear.scatter [tilespmem:s10], [sflag:$0x6], $0x80, $0x38;
	[tilespmem:$0x12800] =	vst v63  }
0x55a: {  	s18 =	simm.s32 $0x10930;
	s21 =	sadd.s32 $0x60, s16;
	s12 =	simm.s32 $0x2200  }
0x55b: {  	[hbm4b:s15+s3] =	stream.linear.scatter [tilespmem:s13], [sflag:$0x6], $0x80, $0x38;
	[tilespmem:$0x12800] =	vst v63  }
0x55c: {  	s10 =	sadd.s32 $0x4000, s16;
	s13 =	simm.s32 $0x109B8;
	s15 =	sadd.s32 $0x70, s16  }
0x55d: {  	[hbm4b:s21+s3] =	stream.linear.scatter [tilespmem:s18], [sflag:$0x6], $0x80, $0x38;
	[tilespmem:$0x12800] =	vst v63  }
.LBB2_44:
0x55e: {  	[hbm4b:s15+s3] =	stream.linear.scatter [tilespmem:s13], [sflag:$0x6], $0x80, $0x38;
	[tilespmem:$0x12800] =	vst v63  }
0x55f: {  	s13 =	smov.u32 s6;
	s6 =	smov.u32 s12  }
0x560: {  	s16 =	sadd.s32 $0x1100, s12;
	s6 =	sshra.s32 s6, $0x2;
	s15 =	sadd.s32 $0x10600, s13  }
0x561: {  	[hbm4b:s10+s3] =	stream.linear.scatter [tilespmem:s15], [sflag:$0x6], $0x80, $0x38;
	[tilespmem:$0x12800] =	vst v63  }
0x562: {  	p0 =	sne.s32 s12, $0x7700;
	s12 =	sadd.s32 $0x10688, s13;
	s15 =	sadd.s32 $0x10, s10  }
0x563: {  	[hbm4b:s15+s3] =	stream.linear.scatter [tilespmem:s12], [sflag:$0x6], $0x80, $0x38;
	[tilespmem:$0x12800] =	vst v63  }
0x564: {  	s12 =	sadd.s32 $0x10710, s13;
	s15 =	sadd.s32 $0x20, s10  }
0x565: {  	[hbm4b:s15+s3] =	stream.linear.scatter [tilespmem:s12], [sflag:$0x6], $0x80, $0x38;
	[tilespmem:$0x12800] =	vst v63  }
0x566: {  	s12 =	sadd.s32 $0x10798, s13;
	s15 =	sadd.s32 $0x30, s10  }
0x567: {  	[hbm4b:s15+s3] =	stream.linear.scatter [tilespmem:s12], [sflag:$0x6], $0x80, $0x38;
	[tilespmem:$0x12800] =	vst v63  }
0x568: {  	s12 =	sadd.s32 $0x10820, s13;
	s15 =	sadd.s32 $0x40, s10  }
0x569: {  	[hbm4b:s15+s3] =	stream.linear.scatter [tilespmem:s12], [sflag:$0x6], $0x80, $0x38;
	[tilespmem:$0x12800] =	vst v63  }
.Ltmp22:
0x56a: {  	s12 =	sadd.s32 $0x108A8, s13;
	s15 =	sadd.s32 $0x50, s10;
	(pc) =	sbr.rel @p0 .LBB2_44-.Ltmp22, $4  }
0x56b: {  	[hbm4b:s15+s3] =	stream.linear.scatter [tilespmem:s12], [sflag:$0x6], $0x80, $0x38;
	[tilespmem:$0x12800] =	vst v63  }
0x56c: {  	s12 =	sadd.s32 $0x10930, s13;
	s15 =	sadd.s32 $0x60, s10;
	s13 =	sadd.s32 $0x109B8, s13  }
0x56d: {  	[hbm4b:s15+s3] =	stream.linear.scatter [tilespmem:s12], [sflag:$0x6], $0x80, $0x38;
	[tilespmem:$0x12800] =	vst v63  }
0x56e: {  	s15 =	sadd.s32 $0x70, s10;
	s10 =	sadd.s32 $0x4000, s10;
	s12 =	smov.u32 s16  }
0x56f: {  	[hbm4b:s15+s3] =	stream.linear.scatter [tilespmem:s13], [sflag:$0x6], $0x80, $0x38;
	[tilespmem:$0x12800] =	vst v63  }
0x570: {  	s12 =	sadd.s32 $0x10600, s6  }
0x571: {  	[hbm4b:s10+s3] =	stream.linear.scatter [tilespmem:s12], [sflag:$0x6], $0x80, $0x38;
	[tilespmem:$0x12800] =	vst v63  }
0x572: {  	s15 =	sadd.s32 $0x10688, s6;
	s16 =	sadd.s32 $0x10, s10  }
0x573: {  	[hbm4b:s16+s3] =	stream.linear.scatter [tilespmem:s15], [sflag:$0x6], $0x80, $0x38;
	[tilespmem:$0x12800] =	vst v63  }
0x574: {  	s18 =	sadd.s32 $0x10710, s6;
	s21 =	sadd.s32 $0x20, s10  }
0x575: {  	[hbm4b:s21+s3] =	stream.linear.scatter [tilespmem:s18], [sflag:$0x6], $0x80, $0x38;
	[tilespmem:$0x12800] =	vst v63  }
0x576: {  	s15 =	sadd.s32 $0x10798, s6;
	s16 =	sadd.s32 $0x30, s10  }
0x577: {  	[hbm4b:s16+s3] =	stream.linear.scatter [tilespmem:s15], [sflag:$0x6], $0x80, $0x38;
	[tilespmem:$0x12800] =	vst v63  }
0x578: {  	s18 =	sadd.s32 $0x10820, s6;
	s21 =	sadd.s32 $0x40, s10  }
0x579: {  	[hbm4b:s21+s3] =	stream.linear.scatter [tilespmem:s18], [sflag:$0x6], $0x80, $0x38;
	[tilespmem:$0x12800] =	vst v63  }
0x57a: {  	s15 =	sadd.s32 $0x108A8, s6;
	s16 =	sadd.s32 $0x50, s10  }
0x57b: {  	[hbm4b:s16+s3] =	stream.linear.scatter [tilespmem:s15], [sflag:$0x6], $0x80, $0x38;
	[tilespmem:$0x12800] =	vst v63  }
0x57c: {  	s18 =	sadd.s32 $0x10930, s6;
	s21 =	sadd.s32 $0x60, s10  }
0x57d: {  	[hbm4b:s21+s3] =	stream.linear.scatter [tilespmem:s18], [sflag:$0x6], $0x80, $0x38;
	[tilespmem:$0x12800] =	vst v63  }
0x57e: {  	s13 =	sadd.s32 $0x70, s10;
	s12 =	sadd.s32 $0x109B8, s6  }
0x57f: {  	[hbm4b:s13+s3] =	stream.linear.scatter [tilespmem:s12], [sflag:$0x6], $0x80, $0x38;
	[tilespmem:$0x12800] =	vst v63  }
0x580: {  	_ =	swait.ge [sflag:s20], $0x2000  }
0x581: {  	[sflag:s20] =	ssyncset.done $0x0  }
0x582: {  	[sflag:s20] =	ssyncadd.s32 $0xFFFFE000  }
0x583: {  	_ =	swait.ge [sflag:s25], $0x2000  }
0x584: {  	[sflag:s25] =	ssyncset.done $0x0  }
0x585: {  	s15 =	simm.s32 $0x3;
	s13 =	simm.s32 $0xA480;
	[sflag:s25] =	ssyncadd.s32 $0xFFFFE000  }
0x586: {  	v4 =	vmov s15;
	v5 =	vld [tilespmem:s13+$0x40]  }
0x587: {  	v9 =	vand.u32 $0x7F, v4  }
0x588: {  	s16 =	simm.s32 $0x0;
	v4 =	vadd.s32 v0, v9  }
0x589: {  	v6 =	vmov s16;
	s18 =	simm.s32 $0x1;
	s21 =	simm.s32 $0x2;
	v7 =	vld [tilespmem:s13+$0xFFFFFF80]  }
0x58a: {  	v8 =	vand.u32 $0x7C, v6;
	v6 =	vmov s18;
	v11 =	vmov s21;
	v10 =	vld [tilespmem:s13+$0xFFFFFFC0]  }
0x58b: {  	v12 =	vadd.s32 v0, v8;
	v15 =	vand.u32 $0x7D, v6;
	v6 =	vld [tilespmem:s13+$0x0];
	v5 =	vmul.f32 $8.000000000e+00, v5  }
0x58c: {  	v17 =	vand.u32 $0x7E, v11;
	v13 =	vadd.s32 v0, v15  }
0x58d: {  	v11 =	vadd.s32 v0, v17;
	[tilespmem:v4+s29+$0x0] =	vst.idx.msk $0xffff, v5  }
0x58e: {  	v4 =	vmul.f32 $8.000000000e+00, v7;
	v5 =	vld [tilespmem:s13+$0x50]  }
0x58f: {  	v7 =	vmul.f32 $8.000000000e+00, v10  }
0x590: {  	[tilespmem:v12+s29+$0x0] =	vst.idx.msk $0xffff, v4;
	v4 =	vmul.f32 $8.000000000e+00, v6;
	v6 =	vadd.s32 v1, v9  }
0x591: {  	[tilespmem:v13+s29+$0x0] =	vst.idx.msk $0xffff, v7;
	v10 =	vld [tilespmem:s13+$0xFFFFFF90]  }
0x592: {  	v7 =	vld [tilespmem:s13+$0xFFFFFFD0];
	[tilespmem:v11+s29+$0x0] =	vst.idx.msk $0xffff, v4  }
0x593: {  	v11 =	vld [tilespmem:s13+$0x10];
	v4 =	vmul.f32 $8.000000000e+00, v5  }
0x594: {  	s6 =	simm.s32 $0xA580;
	s15 =	simm.s32 $0x7;
	s12 =	simm.s32 $0x4;
	v12 =	vadd.s32 v1, v15  }
0x595: {  	v14 =	vld [tilespmem:s6+$0x40];
	v13 =	vadd.s32 v1, v17;
	v5 =	vmov s12;
	[tilespmem:v6+s29+$0x0] =	vst.idx.msk $0xffff, v4;
	v6 =	vmov s15  }
0x596: {  	v16 =	vadd.s32 v1, v8;
	v4 =	vand.u32 $0x7C, v5;
	v5 =	vand.u32 $0x7F, v6;
	v18 =	vld [tilespmem:s13+$0x60]  }
0x597: {  	s16 =	simm.s32 $0x5;
	v22 =	vadd.s32 v2, v9;
	v19 =	vld [tilespmem:s6+$0xFFFFFF80];
	v6 =	vmul.f32 $8.000000000e+00, v7;
	v20 =	vadd.s32 v0, v5  }
0x598: {  	s18 =	simm.s32 $0x6;
	v21 =	vld [tilespmem:s6+$0xFFFFFFC0];
	v10 =	vmul.f32 $8.000000000e+00, v10;
	v7 =	vmul.f32 $8.000000000e+00, v11;
	v11 =	vmov s16  }
0x599: {  	v23 =	vadd.s32 v0, v4;
	[tilespmem:v12+s29+$0x0] =	vst.idx.msk $0xffff, v6;
	v12 =	vmov s18;
	v6 =	vand.u32 $0x7D, v11;
	v11 =	vld [tilespmem:s6+$0x0]  }
0x59a: {  	[tilespmem:v13+s29+$0x0] =	vst.idx.msk $0xffff, v7;
	v13 =	vadd.s32 v0, v6;
	v7 =	vand.u32 $0x7E, v12;
	v12 =	vmul.f32 $8.000000000e+00, v14;
	v14 =	vld [tilespmem:s13+$0xFFFFFFE0]  }
0x59b: {  	[tilespmem:v16+s29+$0x0] =	vst.idx.msk $0xffff, v10;
	v10 =	vadd.s32 v0, v7;
	v16 =	vld [tilespmem:s13+$0x20];
	v18 =	vmul.f32 $8.000000000e+00, v18  }
0x59c: {  	v19 =	vmul.f32 $8.000000000e+00, v19;
	[tilespmem:v20+s29+$0x0] =	vst.idx.msk $0xffff, v12;
	v12 =	vld [tilespmem:s13+$0xFFFFFFA0];
	v20 =	vadd.s32 v2, v15  }
0x59d: {  	v25 =	vadd.s32 v2, v17;
	v21 =	vmul.f32 $8.000000000e+00, v21;
	v24 =	vld [tilespmem:s6+$0x50];
	[tilespmem:v22+s29+$0x0] =	vst.idx.msk $0xffff, v18  }
0x59e: {  	[tilespmem:v23+s29+$0x0] =	vst.idx.msk $0xffff, v19;
	v19 =	vadd.s32 v2, v8;
	v11 =	vmul.f32 $8.000000000e+00, v11;
	v22 =	vld [tilespmem:s13+$0x70]  }
0x59f: {  	v23 =	vld [tilespmem:s6+$0xFFFFFF90];
	[tilespmem:v13+s29+$0x0] =	vst.idx.msk $0xffff, v21;
	v21 =	vadd.s32 v1, v5;
	v14 =	vmul.f32 $8.000000000e+00, v14  }
0x5a0: {  	v27 =	vadd.s32 v3, v9;
	v26 =	vld [tilespmem:s6+$0xFFFFFFD0];
	[tilespmem:v10+s29+$0x0] =	vst.idx.msk $0xffff, v11;
	v10 =	vmul.f32 $8.000000000e+00, v16  }
0x5a1: {  	v18 =	vadd.s32 v1, v4;
	v13 =	vld [tilespmem:s6+$0x10];
	v9 =	vmul.f32 $8.000000000e+00, v12;
	[tilespmem:v20+s29+$0x0] =	vst.idx.msk $0xffff, v14  }
0x5a2: {  	s12 =	simm.s32 $0x8;
	v16 =	vadd.s32 v1, v6;
	[tilespmem:v25+s29+$0x0] =	vst.idx.msk $0xffff, v10;
	v14 =	vmul.f32 $8.000000000e+00, v24;
	v12 =	vld [tilespmem:s13+$0xFFFFFFF0]  }
0x5a3: {  	v20 =	vmov s12;
	v10 =	vadd.s32 v1, v7;
	v11 =	vld [tilespmem:s13+$0x30];
	[tilespmem:v19+s29+$0x0] =	vst.idx.msk $0xffff, v9;
	v63 =	vmul.f32 $8.000000000e+00, v22  }
0x5a4: {  	s10 =	simm.s32 $0xA680;
	s21 =	simm.s32 $0xB;
	v15 =	vadd.s32 v3, v15;
	v9 =	vand.u32 $0x7C, v20;
	v20 =	vmul.f32 $8.000000000e+00, v23;
	[tilespmem:v21+s29+$0x0] =	vst.idx.msk $0xffff, v14;
	v14 =	vld [tilespmem:s13+$0xFFFFFFB0]  }
0x5a5: {  	v17 =	vadd.s32 v3, v17;
	v22 =	vmov s21;
	v19 =	vld [tilespmem:s10+$0x40];
	s13 =	simm.s32 $0xC;
	v21 =	vmul.f32 $8.000000000e+00, v26;
	[tilespmem:v27+s29+$0x0] =	vst.idx.msk $0xffff, v63  }
.LBB2_46:
0x5a6: {  	p0 =	slt.u32 s13, $0x7C;
	s15 =	sadd.s32 $0x1, s12;
	v22 =	vand.u32 $0x7F, v22;
	[tilespmem:v18+s29+$0x0] =	vst.idx.msk $0xffff, v20;
	v13 =	vmul.f32 $8.000000000e+00, v13;
	v18 =	vld [tilespmem:s6+$0x60];
	v20 =	vadd.s32 v3, v8;
	v8 =	vmovc v4  }
0x5a7: {  	v4 =	vmovc v9;
	v23 =	vld [tilespmem:s10+$0xFFFFFF80];
	v24 =	vmov s15;
	s15 =	sadd.s32 $0x2, s12;
	v25 =	vadd.s32 v0, v22;
	[tilespmem:v16+s29+$0x0] =	vst.idx.msk $0xffff, v21;
	v12 =	vmul.f32 $8.000000000e+00, v12;
	s12 =	smov.u32 s13  }
0x5a8: {  	v9 =	vld [tilespmem:s10+$0xFFFFFFC0];
	v16 =	vmov s15;
	[tilespmem:v10+s29+$0x0] =	vst.idx.msk $0xffff, v13;
	v10 =	vadd.s32 v2, v5;
	v11 =	vmul.f32 $8.000000000e+00, v11  }
0x5a9: {  	v13 =	vadd.s32 v0, v4;
	v21 =	vand.u32 $0x7D, v24;
	v24 =	vld [tilespmem:s10+$0x0];
	v14 =	vmul.f32 $8.000000000e+00, v14;
	[tilespmem:v15+s29+$0x0] =	vst.idx.msk $0xffff, v12  }
0x5aa: {  	v12 =	vadd.s32 v0, v21;
	v26 =	vand.u32 $0x7E, v16;
	v15 =	vmul.f32 $8.000000000e+00, v19;
	v16 =	vld [tilespmem:s6+$0xFFFFFFE0];
	[tilespmem:v17+s29+$0x0] =	vst.idx.msk $0xffff, v11  }
0x5ab: {  	v11 =	vadd.s32 v0, v26;
	v17 =	vld [tilespmem:s6+$0x20];
	v18 =	vmul.f32 $8.000000000e+00, v18;
	[tilespmem:v20+s29+$0x0] =	vst.idx.msk $0xffff, v14  }
0x5ac: {  	v19 =	vadd.s32 v2, v6;
	v14 =	vmul.f32 $8.000000000e+00, v23;
	[tilespmem:v25+s29+$0x0] =	vst.idx.msk $0xffff, v15;
	v15 =	vld [tilespmem:s6+$0xFFFFFFA0]  }
0x5ad: {  	v23 =	vadd.s32 v2, v7;
	v9 =	vmul.f32 $8.000000000e+00, v9;
	v20 =	vld [tilespmem:s10+$0x50];
	[tilespmem:v10+s29+$0x0] =	vst.idx.msk $0xffff, v18  }
0x5ae: {  	[tilespmem:v13+s29+$0x0] =	vst.idx.msk $0xffff, v14;
	v10 =	vmul.f32 $8.000000000e+00, v24;
	v14 =	vadd.s32 v2, v8;
	v24 =	vld [tilespmem:s6+$0x70]  }
0x5af: {  	v27 =	vadd.s32 v1, v22;
	v25 =	vld [tilespmem:s10+$0xFFFFFF90];
	[tilespmem:v12+s29+$0x0] =	vst.idx.msk $0xffff, v9;
	v9 =	vmul.f32 $8.000000000e+00, v16  }
0x5b0: {  	v29 =	vadd.s32 v3, v5;
	v5 =	vmov v22;
	v28 =	vld [tilespmem:s10+$0xFFFFFFD0];
	[tilespmem:v11+s29+$0x0] =	vst.idx.msk $0xffff, v10;
	v10 =	vmul.f32 $8.000000000e+00, v17  }
.Ltmp23:
0x5b1: {  	v18 =	vadd.s32 v1, v4;
	v13 =	vld [tilespmem:s10+$0x10];
	v11 =	vmul.f32 $8.000000000e+00, v15;
	[tilespmem:v19+s29+$0x0] =	vst.idx.msk $0xffff, v9;
	(pc) =	sbr.rel @p0 .LBB2_46-.Ltmp23, $4  }
0x5b2: {  	v16 =	vadd.s32 v1, v21;
	v15 =	vmul.f32 $8.000000000e+00, v20;
	v12 =	vld [tilespmem:s6+$0xFFFFFFF0];
	[tilespmem:v23+s29+$0x0] =	vst.idx.msk $0xffff, v10  }
0x5b3: {  	v9 =	vmov s13;
	v10 =	vadd.s32 v1, v26;
	[tilespmem:v14+s29+$0x0] =	vst.idx.msk $0xffff, v11;
	v11 =	vld [tilespmem:s6+$0x30];
	v23 =	vmul.f32 $8.000000000e+00, v24  }
0x5b4: {  	s15 =	sadd.s32 $0x3, s13;
	v9 =	vand.u32 $0x7C, v9;
	v20 =	vmul.f32 $8.000000000e+00, v25;
	[tilespmem:v27+s29+$0x0] =	vst.idx.msk $0xffff, v15;
	v14 =	vld [tilespmem:s6+$0xFFFFFFB0];
	v15 =	vadd.s32 v3, v6;
	v6 =	vmovc v21;
	s6 =	smov.u32 s10;
	s10 =	sadd.s32 $0x100, s10  }
0x5b5: {  	v22 =	vmov s15;
	v17 =	vadd.s32 v3, v7;
	v7 =	vmovc v26;
	s13 =	sadd.s32 $0x4, s13;
	v19 =	vld [tilespmem:s10+$0x40];
	v21 =	vmul.f32 $8.000000000e+00, v28;
	[tilespmem:v29+s29+$0x0] =	vst.idx.msk $0xffff, v23  }
0x5b6: {  	s13 =	sadd.s32 $0x1, s12;
	v22 =	vand.u32 $0x7F, v22;
	v28 =	vld [tilespmem:s10+$0xFFFFFF80]  }
0x5b7: {  	s18 =	sadd.s32 $0x2, s12;
	v24 =	vld [tilespmem:s10+$0xFFFFFFC0];
	v23 =	vmov s13;
	v25 =	vadd.s32 v0, v22  }
0x5b8: {  	v27 =	vld [tilespmem:s10+$0x0];
	v51 =	vadd.s32 v0, v9;
	v26 =	vmov s18;
	v23 =	vand.u32 $0x7D, v23  }
0x5b9: {  	v26 =	vand.u32 $0x7E, v26;
	v29 =	vadd.s32 v0, v23  }
0x5ba: {  	[tilespmem:v18+s29+$0x0] =	vst.idx.msk $0xffff, v20;
	v30 =	vadd.s32 v0, v26;
	v19 =	vmul.f32 $8.000000000e+00, v19  }
0x5bb: {  	[tilespmem:v16+s29+$0x0] =	vst.idx.msk $0xffff, v21;
	v54 =	vmul.f32 $8.000000000e+00, v28  }
0x5bc: {  	v52 =	vmul.f32 $8.000000000e+00, v24;
	[tilespmem:v25+s29+$0x0] =	vst.idx.msk $0xffff, v19  }
0x5bd: {  	v53 =	vmul.f32 $8.000000000e+00, v27;
	v55 =	vld [tilespmem:s10+$0x50];
	[tilespmem:v51+s29+$0x0] =	vst.idx.msk $0xffff, v54  }
0x5be: {  	v13 =	vmul.f32 $8.000000000e+00, v13;
	v8 =	vadd.s32 v3, v8;
	[tilespmem:v29+s29+$0x0] =	vst.idx.msk $0xffff, v52;
	v59 =	vld [tilespmem:s10+$0xFFFFFF90]  }
0x5bf: {  	v12 =	vmul.f32 $8.000000000e+00, v12;
	v57 =	vadd.s32 v1, v22;
	[tilespmem:v30+s29+$0x0] =	vst.idx.msk $0xffff, v53;
	v56 =	vld [tilespmem:s10+$0xFFFFFFD0]  }
0x5c0: {  	[tilespmem:v10+s29+$0x0] =	vst.idx.msk $0xffff, v13;
	v58 =	vmul.f32 $8.000000000e+00, v11;
	v28 =	vadd.s32 v1, v9;
	v19 =	vld [tilespmem:s10+$0x10]  }
0x5c1: {  	v61 =	vld [tilespmem:s6+$0x60];
	v60 =	vadd.s32 v1, v23;
	v14 =	vmul.f32 $8.000000000e+00, v14;
	[tilespmem:v15+s29+$0x0] =	vst.idx.msk $0xffff, v12  }
0x5c2: {  	v32 =	vld [tilespmem:s6+$0xFFFFFFA0];
	v62 =	vadd.s32 v1, v26;
	[tilespmem:v17+s29+$0x0] =	vst.idx.msk $0xffff, v58;
	v16 =	vmul.f32 $8.000000000e+00, v55  }
0x5c3: {  	[tilespmem:v8+s29+$0x0] =	vst.idx.msk $0xffff, v14;
	v29 =	vadd.s32 v2, v5;
	v30 =	vld [tilespmem:s6+$0x20];
	v11 =	vmul.f32 $8.000000000e+00, v59  }
0x5c4: {  	v38 =	vadd.s32 v2, v4;
	v63 =	vld [tilespmem:s6+$0xFFFFFFE0];
	v31 =	vmul.f32 $8.000000000e+00, v56;
	[tilespmem:v57+s29+$0x0] =	vst.idx.msk $0xffff, v16  }
0x5c5: {  	v35 =	vadd.s32 v2, v7;
	v34 =	vmul.f32 $8.000000000e+00, v19;
	v36 =	vld [tilespmem:s10+$0x60];
	[tilespmem:v28+s29+$0x0] =	vst.idx.msk $0xffff, v11  }
0x5c6: {  	v33 =	vadd.s32 v2, v6;
	v37 =	vmul.f32 $8.000000000e+00, v61;
	[tilespmem:v60+s29+$0x0] =	vst.idx.msk $0xffff, v31;
	v43 =	vld [tilespmem:s10+$0xFFFFFFA0]  }
0x5c7: {  	v40 =	vadd.s32 v2, v22;
	v14 =	vmul.f32 $8.000000000e+00, v32;
	[tilespmem:v62+s29+$0x0] =	vst.idx.msk $0xffff, v34;
	v39 =	vld [tilespmem:s10+$0xFFFFFFE0]  }
0x5c8: {  	v48 =	vadd.s32 v2, v9;
	[tilespmem:v29+s29+$0x0] =	vst.idx.msk $0xffff, v37;
	v42 =	vmul.f32 $8.000000000e+00, v30;
	v41 =	vld [tilespmem:s10+$0x20]  }
0x5c9: {  	v44 =	vadd.s32 v2, v23;
	v15 =	vmul.f32 $8.000000000e+00, v63;
	[tilespmem:v38+s29+$0x0] =	vst.idx.msk $0xffff, v14;
	v45 =	vld [tilespmem:s6+$0x70]  }
0x5ca: {  	v46 =	vadd.s32 v2, v26;
	v14 =	vld [tilespmem:s6+$0xFFFFFFB0];
	[tilespmem:v35+s29+$0x0] =	vst.idx.msk $0xffff, v42;
	v47 =	vmul.f32 $8.000000000e+00, v36  }
0x5cb: {  	v5 =	vadd.s32 v3, v5;
	[tilespmem:v33+s29+$0x0] =	vst.idx.msk $0xffff, v15;
	v49 =	vld [tilespmem:s6+$0x30];
	v53 =	vmul.f32 $8.000000000e+00, v43  }
0x5cc: {  	v4 =	vadd.s32 v3, v4;
	v21 =	vld [tilespmem:s6+$0xFFFFFFF0];
	v12 =	vmul.f32 $8.000000000e+00, v39;
	[tilespmem:v40+s29+$0x0] =	vst.idx.msk $0xffff, v47  }
0x5cd: {  	v52 =	vadd.s32 v3, v7;
	v51 =	vmul.f32 $8.000000000e+00, v41;
	v10 =	vld [tilespmem:s10+$0x70];
	[tilespmem:v48+s29+$0x0] =	vst.idx.msk $0xffff, v53  }
0x5ce: {  	v50 =	vadd.s32 v3, v6;
	v54 =	vmul.f32 $8.000000000e+00, v45;
	[tilespmem:v44+s29+$0x0] =	vst.idx.msk $0xffff, v12;
	v59 =	vld [tilespmem:s10+$0xFFFFFFB0]  }
0x5cf: {  	v57 =	vadd.s32 v3, v22;
	v14 =	vmul.f32 $8.000000000e+00, v14;
	[tilespmem:v46+s29+$0x0] =	vst.idx.msk $0xffff, v51;
	v55 =	vld [tilespmem:s10+$0xFFFFFFF0]  }
0x5d0: {  	v62 =	vadd.s32 v3, v9;
	[tilespmem:v5+s29+$0x0] =	vst.idx.msk $0xffff, v54;
	v5 =	vmul.f32 $8.000000000e+00, v49;
	v58 =	vld [tilespmem:s10+$0x30]  }
0x5d1: {  	v56 =	vmul.f32 $8.000000000e+00, v21;
	v60 =	vadd.s32 v3, v23;
	[tilespmem:v4+s29+$0x0] =	vst.idx.msk $0xffff, v14  }
0x5d2: {  	v61 =	vadd.s32 v3, v26;
	[tilespmem:v52+s29+$0x0] =	vst.idx.msk $0xffff, v5;
	v5 =	vmul.f32 $8.000000000e+00, v10  }
0x5d3: {  	[tilespmem:v50+s29+$0x0] =	vst.idx.msk $0xffff, v56;
	v63 =	vmul.f32 $8.000000000e+00, v59  }
0x5d4: {  	v4 =	vmul.f32 $8.000000000e+00, v55;
	[tilespmem:v57+s29+$0x0] =	vst.idx.msk $0xffff, v5  }
0x5d5: {  	v5 =	vmul.f32 $8.000000000e+00, v58;
	[tilespmem:v62+s29+$0x0] =	vst.idx.msk $0xffff, v63  }
0x5d6: {  	[tilespmem:v60+s29+$0x0] =	vst.idx.msk $0xffff, v4  }
0x5d7: {  	[tilespmem:v61+s29+$0x0] =	vst.idx.msk $0xffff, v5  }
0x5d8: {  	s21 =	simm.s32 $0xE400;
	s16 =	rddreg [dreg:$0x8]  }
0x5d9: {  	[hbm4b:s16+s3] =	stream.linear.scatter [tilespmem:s21], [sflag:$0x5], $0x80, $0x38;
	[tilespmem:$0x12800] =	vst v63  }
0x5da: {  	s10 =	simm.s32 $0xE488;
	s12 =	sadd.s32 $0x10, s16  }
0x5db: {  	[hbm4b:s12+s3] =	stream.linear.scatter [tilespmem:s10], [sflag:$0x5], $0x80, $0x38;
	[tilespmem:$0x12800] =	vst v63  }
0x5dc: {  	s13 =	simm.s32 $0xE510;
	s18 =	simm.s32 $0xE598;
	s15 =	sadd.s32 $0x20, s16  }
0x5dd: {  	[hbm4b:s15+s3] =	stream.linear.scatter [tilespmem:s13], [sflag:$0x5], $0x80, $0x38;
	[tilespmem:$0x12800] =	vst v63  }
0x5de: {  	s6 =	simm.s32 $0x440;
	s21 =	sadd.s32 $0x30, s16;
	s10 =	simm.s32 $0xE620  }
0x5df: {  	[hbm4b:s21+s3] =	stream.linear.scatter [tilespmem:s18], [sflag:$0x5], $0x80, $0x38;
	[tilespmem:$0x12800] =	vst v63  }
0x5e0: {  	s12 =	sadd.s32 $0x40, s16;
	s13 =	simm.s32 $0xE6A8;
	s15 =	sadd.s32 $0x50, s16  }
0x5e1: {  	[hbm4b:s12+s3] =	stream.linear.scatter [tilespmem:s10], [sflag:$0x5], $0x80, $0x38;
	[tilespmem:$0x12800] =	vst v63  }
0x5e2: {  	s18 =	simm.s32 $0xE730;
	s21 =	sadd.s32 $0x60, s16;
	s12 =	simm.s32 $0x2200  }
0x5e3: {  	[hbm4b:s15+s3] =	stream.linear.scatter [tilespmem:s13], [sflag:$0x5], $0x80, $0x38;
	[tilespmem:$0x12800] =	vst v63  }
0x5e4: {  	s10 =	sadd.s32 $0x4000, s16;
	s13 =	simm.s32 $0xE7B8;
	s15 =	sadd.s32 $0x70, s16  }
0x5e5: {  	[hbm4b:s21+s3] =	stream.linear.scatter [tilespmem:s18], [sflag:$0x5], $0x80, $0x38;
	[tilespmem:$0x12800] =	vst v63  }
.LBB2_48:
0x5e6: {  	[hbm4b:s15+s3] =	stream.linear.scatter [tilespmem:s13], [sflag:$0x5], $0x80, $0x38;
	[tilespmem:$0x12800] =	vst v63  }
0x5e7: {  	s13 =	smov.u32 s6;
	s6 =	smov.u32 s12  }
0x5e8: {  	s16 =	sadd.s32 $0x1100, s12;
	s6 =	sshra.s32 s6, $0x2;
	s15 =	sadd.s32 $0xE400, s13  }
0x5e9: {  	[hbm4b:s10+s3] =	stream.linear.scatter [tilespmem:s15], [sflag:$0x5], $0x80, $0x38;
	[tilespmem:$0x12800] =	vst v63  }
0x5ea: {  	p0 =	sne.s32 s12, $0x7700;
	s12 =	sadd.s32 $0xE488, s13;
	s15 =	sadd.s32 $0x10, s10  }
0x5eb: {  	[hbm4b:s15+s3] =	stream.linear.scatter [tilespmem:s12], [sflag:$0x5], $0x80, $0x38;
	[tilespmem:$0x12800] =	vst v63  }
0x5ec: {  	s12 =	sadd.s32 $0xE510, s13;
	s15 =	sadd.s32 $0x20, s10  }
0x5ed: {  	[hbm4b:s15+s3] =	stream.linear.scatter [tilespmem:s12], [sflag:$0x5], $0x80, $0x38;
	[tilespmem:$0x12800] =	vst v63  }
0x5ee: {  	s12 =	sadd.s32 $0xE598, s13;
	s15 =	sadd.s32 $0x30, s10  }
0x5ef: {  	[hbm4b:s15+s3] =	stream.linear.scatter [tilespmem:s12], [sflag:$0x5], $0x80, $0x38;
	[tilespmem:$0x12800] =	vst v63  }
0x5f0: {  	s12 =	sadd.s32 $0xE620, s13;
	s15 =	sadd.s32 $0x40, s10  }
0x5f1: {  	[hbm4b:s15+s3] =	stream.linear.scatter [tilespmem:s12], [sflag:$0x5], $0x80, $0x38;
	[tilespmem:$0x12800] =	vst v63  }
.Ltmp24:
0x5f2: {  	s12 =	sadd.s32 $0xE6A8, s13;
	s15 =	sadd.s32 $0x50, s10;
	(pc) =	sbr.rel @p0 .LBB2_48-.Ltmp24, $4  }
0x5f3: {  	[hbm4b:s15+s3] =	stream.linear.scatter [tilespmem:s12], [sflag:$0x5], $0x80, $0x38;
	[tilespmem:$0x12800] =	vst v63  }
0x5f4: {  	s12 =	sadd.s32 $0xE730, s13;
	s15 =	sadd.s32 $0x60, s10;
	s13 =	sadd.s32 $0xE7B8, s13  }
0x5f5: {  	[hbm4b:s15+s3] =	stream.linear.scatter [tilespmem:s12], [sflag:$0x5], $0x80, $0x38;
	[tilespmem:$0x12800] =	vst v63  }
0x5f6: {  	s15 =	sadd.s32 $0x70, s10;
	s10 =	sadd.s32 $0x4000, s10;
	s12 =	smov.u32 s16  }
0x5f7: {  	[hbm4b:s15+s3] =	stream.linear.scatter [tilespmem:s13], [sflag:$0x5], $0x80, $0x38;
	[tilespmem:$0x12800] =	vst v63  }
0x5f8: {  	s12 =	sadd.s32 $0xE400, s6  }
0x5f9: {  	[hbm4b:s10+s3] =	stream.linear.scatter [tilespmem:s12], [sflag:$0x5], $0x80, $0x38;
	[tilespmem:$0x12800] =	vst v63  }
0x5fa: {  	s15 =	sadd.s32 $0xE488, s6;
	s16 =	sadd.s32 $0x10, s10  }
0x5fb: {  	[hbm4b:s16+s3] =	stream.linear.scatter [tilespmem:s15], [sflag:$0x5], $0x80, $0x38;
	[tilespmem:$0x12800] =	vst v63  }
0x5fc: {  	s18 =	sadd.s32 $0xE510, s6;
	s21 =	sadd.s32 $0x20, s10  }
0x5fd: {  	[hbm4b:s21+s3] =	stream.linear.scatter [tilespmem:s18], [sflag:$0x5], $0x80, $0x38;
	[tilespmem:$0x12800] =	vst v63  }
0x5fe: {  	s15 =	sadd.s32 $0xE598, s6;
	s16 =	sadd.s32 $0x30, s10  }
0x5ff: {  	[hbm4b:s16+s3] =	stream.linear.scatter [tilespmem:s15], [sflag:$0x5], $0x80, $0x38;
	[tilespmem:$0x12800] =	vst v63  }
0x600: {  	s18 =	sadd.s32 $0xE620, s6;
	s21 =	sadd.s32 $0x40, s10  }
0x601: {  	[hbm4b:s21+s3] =	stream.linear.scatter [tilespmem:s18], [sflag:$0x5], $0x80, $0x38;
	[tilespmem:$0x12800] =	vst v63  }
0x602: {  	s15 =	sadd.s32 $0xE6A8, s6;
	s16 =	sadd.s32 $0x50, s10  }
0x603: {  	[hbm4b:s16+s3] =	stream.linear.scatter [tilespmem:s15], [sflag:$0x5], $0x80, $0x38;
	[tilespmem:$0x12800] =	vst v63  }
0x604: {  	s18 =	sadd.s32 $0xE730, s6;
	s21 =	sadd.s32 $0x60, s10  }
0x605: {  	[hbm4b:s21+s3] =	stream.linear.scatter [tilespmem:s18], [sflag:$0x5], $0x80, $0x38;
	[tilespmem:$0x12800] =	vst v63  }
0x606: {  	s13 =	sadd.s32 $0x70, s10;
	s12 =	sadd.s32 $0xE7B8, s6  }
0x607: {  	[hbm4b:s13+s3] =	stream.linear.scatter [tilespmem:s12], [sflag:$0x5], $0x80, $0x38;
	[tilespmem:$0x12800] =	vst v63  }
0x608: {  	_ =	swait.ge [sflag:s30], $0x2000  }
0x609: {  	[sflag:s30] =	ssyncset.done $0x0  }
0x60a: {  	[sflag:s30] =	ssyncadd.s32 $0xFFFFE000  }
0x60b: {  	_ =	swait.ge [sflag:s19], $0x2000  }
0x60c: {  	[sflag:s19] =	ssyncset.done $0x0  }
0x60d: {  	s15 =	simm.s32 $0x3;
	s13 =	simm.s32 $0xC480;
	[sflag:s19] =	ssyncadd.s32 $0xFFFFE000  }
0x60e: {  	v4 =	vmov s15;
	v5 =	vld [tilespmem:s13+$0x40]  }
0x60f: {  	v9 =	vand.u32 $0x7F, v4  }
0x610: {  	s16 =	simm.s32 $0x0;
	v4 =	vadd.s32 v0, v9  }
0x611: {  	v6 =	vmov s16;
	s18 =	simm.s32 $0x1;
	s21 =	simm.s32 $0x2;
	v7 =	vld [tilespmem:s13+$0xFFFFFF80]  }
0x612: {  	v8 =	vand.u32 $0x7C, v6;
	v6 =	vmov s18;
	v11 =	vmov s21;
	v10 =	vld [tilespmem:s13+$0xFFFFFFC0]  }
0x613: {  	v12 =	vadd.s32 v0, v8;
	v15 =	vand.u32 $0x7D, v6;
	v6 =	vld [tilespmem:s13+$0x0];
	v5 =	vmul.f32 $8.000000000e+00, v5  }
0x614: {  	v17 =	vand.u32 $0x7E, v11;
	v13 =	vadd.s32 v0, v15  }
0x615: {  	v11 =	vadd.s32 v0, v17;
	[tilespmem:v4+s0+$0x0] =	vst.idx.msk $0xffff, v5  }
0x616: {  	v4 =	vmul.f32 $8.000000000e+00, v7;
	v5 =	vld [tilespmem:s13+$0x50]  }
0x617: {  	v7 =	vmul.f32 $8.000000000e+00, v10  }
0x618: {  	[tilespmem:v12+s0+$0x0] =	vst.idx.msk $0xffff, v4;
	v4 =	vmul.f32 $8.000000000e+00, v6;
	v6 =	vadd.s32 v1, v9  }
0x619: {  	[tilespmem:v13+s0+$0x0] =	vst.idx.msk $0xffff, v7;
	v10 =	vld [tilespmem:s13+$0xFFFFFF90]  }
0x61a: {  	v7 =	vld [tilespmem:s13+$0xFFFFFFD0];
	[tilespmem:v11+s0+$0x0] =	vst.idx.msk $0xffff, v4  }
0x61b: {  	v11 =	vld [tilespmem:s13+$0x10];
	v4 =	vmul.f32 $8.000000000e+00, v5  }
0x61c: {  	s6 =	simm.s32 $0xC580;
	s15 =	simm.s32 $0x7;
	s12 =	simm.s32 $0x4;
	v12 =	vadd.s32 v1, v15  }
0x61d: {  	v14 =	vld [tilespmem:s6+$0x40];
	v13 =	vadd.s32 v1, v17;
	v5 =	vmov s12;
	[tilespmem:v6+s0+$0x0] =	vst.idx.msk $0xffff, v4;
	v6 =	vmov s15  }
0x61e: {  	v16 =	vadd.s32 v1, v8;
	v4 =	vand.u32 $0x7C, v5;
	v5 =	vand.u32 $0x7F, v6;
	v18 =	vld [tilespmem:s13+$0x60]  }
0x61f: {  	s16 =	simm.s32 $0x5;
	v22 =	vadd.s32 v2, v9;
	v19 =	vld [tilespmem:s6+$0xFFFFFF80];
	v6 =	vmul.f32 $8.000000000e+00, v7;
	v20 =	vadd.s32 v0, v5  }
0x620: {  	s18 =	simm.s32 $0x6;
	v21 =	vld [tilespmem:s6+$0xFFFFFFC0];
	v10 =	vmul.f32 $8.000000000e+00, v10;
	v7 =	vmul.f32 $8.000000000e+00, v11;
	v11 =	vmov s16  }
0x621: {  	v23 =	vadd.s32 v0, v4;
	[tilespmem:v12+s0+$0x0] =	vst.idx.msk $0xffff, v6;
	v12 =	vmov s18;
	v6 =	vand.u32 $0x7D, v11;
	v11 =	vld [tilespmem:s6+$0x0]  }
0x622: {  	[tilespmem:v13+s0+$0x0] =	vst.idx.msk $0xffff, v7;
	v13 =	vadd.s32 v0, v6;
	v7 =	vand.u32 $0x7E, v12;
	v12 =	vmul.f32 $8.000000000e+00, v14;
	v14 =	vld [tilespmem:s13+$0xFFFFFFE0]  }
0x623: {  	[tilespmem:v16+s0+$0x0] =	vst.idx.msk $0xffff, v10;
	v10 =	vadd.s32 v0, v7;
	v16 =	vld [tilespmem:s13+$0x20];
	v18 =	vmul.f32 $8.000000000e+00, v18  }
0x624: {  	v19 =	vmul.f32 $8.000000000e+00, v19;
	[tilespmem:v20+s0+$0x0] =	vst.idx.msk $0xffff, v12;
	v12 =	vld [tilespmem:s13+$0xFFFFFFA0];
	v20 =	vadd.s32 v2, v15  }
0x625: {  	v25 =	vadd.s32 v2, v17;
	v21 =	vmul.f32 $8.000000000e+00, v21;
	v24 =	vld [tilespmem:s6+$0x50];
	[tilespmem:v22+s0+$0x0] =	vst.idx.msk $0xffff, v18  }
0x626: {  	[tilespmem:v23+s0+$0x0] =	vst.idx.msk $0xffff, v19;
	v19 =	vadd.s32 v2, v8;
	v11 =	vmul.f32 $8.000000000e+00, v11;
	v22 =	vld [tilespmem:s13+$0x70]  }
0x627: {  	v23 =	vld [tilespmem:s6+$0xFFFFFF90];
	[tilespmem:v13+s0+$0x0] =	vst.idx.msk $0xffff, v21;
	v21 =	vadd.s32 v1, v5;
	v14 =	vmul.f32 $8.000000000e+00, v14  }
0x628: {  	v27 =	vadd.s32 v3, v9;
	v26 =	vld [tilespmem:s6+$0xFFFFFFD0];
	[tilespmem:v10+s0+$0x0] =	vst.idx.msk $0xffff, v11;
	v10 =	vmul.f32 $8.000000000e+00, v16  }
0x629: {  	v18 =	vadd.s32 v1, v4;
	v13 =	vld [tilespmem:s6+$0x10];
	v9 =	vmul.f32 $8.000000000e+00, v12;
	[tilespmem:v20+s0+$0x0] =	vst.idx.msk $0xffff, v14  }
0x62a: {  	s12 =	simm.s32 $0x8;
	v16 =	vadd.s32 v1, v6;
	[tilespmem:v25+s0+$0x0] =	vst.idx.msk $0xffff, v10;
	v14 =	vmul.f32 $8.000000000e+00, v24;
	v12 =	vld [tilespmem:s13+$0xFFFFFFF0]  }
0x62b: {  	v20 =	vmov s12;
	v10 =	vadd.s32 v1, v7;
	v11 =	vld [tilespmem:s13+$0x30];
	[tilespmem:v19+s0+$0x0] =	vst.idx.msk $0xffff, v9;
	v63 =	vmul.f32 $8.000000000e+00, v22  }
0x62c: {  	s10 =	simm.s32 $0xC680;
	s21 =	simm.s32 $0xB;
	v15 =	vadd.s32 v3, v15;
	v9 =	vand.u32 $0x7C, v20;
	v20 =	vmul.f32 $8.000000000e+00, v23;
	[tilespmem:v21+s0+$0x0] =	vst.idx.msk $0xffff, v14;
	v14 =	vld [tilespmem:s13+$0xFFFFFFB0]  }
0x62d: {  	v17 =	vadd.s32 v3, v17;
	v22 =	vmov s21;
	v19 =	vld [tilespmem:s10+$0x40];
	s13 =	simm.s32 $0xC;
	v21 =	vmul.f32 $8.000000000e+00, v26;
	[tilespmem:v27+s0+$0x0] =	vst.idx.msk $0xffff, v63  }
.LBB2_50:
0x62e: {  	p0 =	slt.u32 s13, $0x7C;
	s15 =	sadd.s32 $0x1, s12;
	v22 =	vand.u32 $0x7F, v22;
	[tilespmem:v18+s0+$0x0] =	vst.idx.msk $0xffff, v20;
	v13 =	vmul.f32 $8.000000000e+00, v13;
	v18 =	vld [tilespmem:s6+$0x60];
	v20 =	vadd.s32 v3, v8;
	v8 =	vmovc v4  }
0x62f: {  	v4 =	vmovc v9;
	v23 =	vld [tilespmem:s10+$0xFFFFFF80];
	v24 =	vmov s15;
	s15 =	sadd.s32 $0x2, s12;
	v25 =	vadd.s32 v0, v22;
	[tilespmem:v16+s0+$0x0] =	vst.idx.msk $0xffff, v21;
	v12 =	vmul.f32 $8.000000000e+00, v12;
	s12 =	smov.u32 s13  }
0x630: {  	v9 =	vld [tilespmem:s10+$0xFFFFFFC0];
	v16 =	vmov s15;
	[tilespmem:v10+s0+$0x0] =	vst.idx.msk $0xffff, v13;
	v10 =	vadd.s32 v2, v5;
	v11 =	vmul.f32 $8.000000000e+00, v11  }
0x631: {  	v13 =	vadd.s32 v0, v4;
	v21 =	vand.u32 $0x7D, v24;
	v24 =	vld [tilespmem:s10+$0x0];
	v14 =	vmul.f32 $8.000000000e+00, v14;
	[tilespmem:v15+s0+$0x0] =	vst.idx.msk $0xffff, v12  }
0x632: {  	v12 =	vadd.s32 v0, v21;
	v26 =	vand.u32 $0x7E, v16;
	v15 =	vmul.f32 $8.000000000e+00, v19;
	v16 =	vld [tilespmem:s6+$0xFFFFFFE0];
	[tilespmem:v17+s0+$0x0] =	vst.idx.msk $0xffff, v11  }
0x633: {  	v11 =	vadd.s32 v0, v26;
	v17 =	vld [tilespmem:s6+$0x20];
	v18 =	vmul.f32 $8.000000000e+00, v18;
	[tilespmem:v20+s0+$0x0] =	vst.idx.msk $0xffff, v14  }
0x634: {  	v19 =	vadd.s32 v2, v6;
	v14 =	vmul.f32 $8.000000000e+00, v23;
	[tilespmem:v25+s0+$0x0] =	vst.idx.msk $0xffff, v15;
	v15 =	vld [tilespmem:s6+$0xFFFFFFA0]  }
0x635: {  	v23 =	vadd.s32 v2, v7;
	v9 =	vmul.f32 $8.000000000e+00, v9;
	v20 =	vld [tilespmem:s10+$0x50];
	[tilespmem:v10+s0+$0x0] =	vst.idx.msk $0xffff, v18  }
0x636: {  	[tilespmem:v13+s0+$0x0] =	vst.idx.msk $0xffff, v14;
	v10 =	vmul.f32 $8.000000000e+00, v24;
	v14 =	vadd.s32 v2, v8;
	v24 =	vld [tilespmem:s6+$0x70]  }
0x637: {  	v27 =	vadd.s32 v1, v22;
	v25 =	vld [tilespmem:s10+$0xFFFFFF90];
	[tilespmem:v12+s0+$0x0] =	vst.idx.msk $0xffff, v9;
	v9 =	vmul.f32 $8.000000000e+00, v16  }
0x638: {  	v29 =	vadd.s32 v3, v5;
	v5 =	vmov v22;
	v28 =	vld [tilespmem:s10+$0xFFFFFFD0];
	[tilespmem:v11+s0+$0x0] =	vst.idx.msk $0xffff, v10;
	v10 =	vmul.f32 $8.000000000e+00, v17  }
.Ltmp25:
0x639: {  	v18 =	vadd.s32 v1, v4;
	v13 =	vld [tilespmem:s10+$0x10];
	v11 =	vmul.f32 $8.000000000e+00, v15;
	[tilespmem:v19+s0+$0x0] =	vst.idx.msk $0xffff, v9;
	(pc) =	sbr.rel @p0 .LBB2_50-.Ltmp25, $4  }
0x63a: {  	v16 =	vadd.s32 v1, v21;
	v15 =	vmul.f32 $8.000000000e+00, v20;
	v12 =	vld [tilespmem:s6+$0xFFFFFFF0];
	[tilespmem:v23+s0+$0x0] =	vst.idx.msk $0xffff, v10  }
0x63b: {  	v9 =	vmov s13;
	v10 =	vadd.s32 v1, v26;
	[tilespmem:v14+s0+$0x0] =	vst.idx.msk $0xffff, v11;
	v11 =	vld [tilespmem:s6+$0x30];
	v23 =	vmul.f32 $8.000000000e+00, v24  }
0x63c: {  	s15 =	sadd.s32 $0x3, s13;
	v9 =	vand.u32 $0x7C, v9;
	v20 =	vmul.f32 $8.000000000e+00, v25;
	[tilespmem:v27+s0+$0x0] =	vst.idx.msk $0xffff, v15;
	v14 =	vld [tilespmem:s6+$0xFFFFFFB0];
	v15 =	vadd.s32 v3, v6;
	v6 =	vmovc v21;
	s6 =	smov.u32 s10;
	s10 =	sadd.s32 $0x100, s10  }
0x63d: {  	v22 =	vmov s15;
	v17 =	vadd.s32 v3, v7;
	v7 =	vmovc v26;
	s13 =	sadd.s32 $0x4, s13;
	v19 =	vld [tilespmem:s10+$0x40];
	v21 =	vmul.f32 $8.000000000e+00, v28;
	[tilespmem:v29+s0+$0x0] =	vst.idx.msk $0xffff, v23  }
0x63e: {  	s13 =	sadd.s32 $0x1, s12;
	v22 =	vand.u32 $0x7F, v22;
	v28 =	vld [tilespmem:s10+$0xFFFFFF80]  }
0x63f: {  	s18 =	sadd.s32 $0x2, s12;
	v24 =	vld [tilespmem:s10+$0xFFFFFFC0];
	v23 =	vmov s13;
	v25 =	vadd.s32 v0, v22  }
0x640: {  	v27 =	vld [tilespmem:s10+$0x0];
	v51 =	vadd.s32 v0, v9;
	v26 =	vmov s18;
	v23 =	vand.u32 $0x7D, v23  }
0x641: {  	v26 =	vand.u32 $0x7E, v26;
	v29 =	vadd.s32 v0, v23  }
0x642: {  	[tilespmem:v18+s0+$0x0] =	vst.idx.msk $0xffff, v20;
	v30 =	vadd.s32 v0, v26;
	v19 =	vmul.f32 $8.000000000e+00, v19  }
0x643: {  	[tilespmem:v16+s0+$0x0] =	vst.idx.msk $0xffff, v21;
	v54 =	vmul.f32 $8.000000000e+00, v28  }
0x644: {  	v52 =	vmul.f32 $8.000000000e+00, v24;
	[tilespmem:v25+s0+$0x0] =	vst.idx.msk $0xffff, v19  }
0x645: {  	v53 =	vmul.f32 $8.000000000e+00, v27;
	v55 =	vld [tilespmem:s10+$0x50];
	[tilespmem:v51+s0+$0x0] =	vst.idx.msk $0xffff, v54  }
0x646: {  	v13 =	vmul.f32 $8.000000000e+00, v13;
	v8 =	vadd.s32 v3, v8;
	[tilespmem:v29+s0+$0x0] =	vst.idx.msk $0xffff, v52;
	v59 =	vld [tilespmem:s10+$0xFFFFFF90]  }
0x647: {  	v12 =	vmul.f32 $8.000000000e+00, v12;
	v57 =	vadd.s32 v1, v22;
	[tilespmem:v30+s0+$0x0] =	vst.idx.msk $0xffff, v53;
	v56 =	vld [tilespmem:s10+$0xFFFFFFD0]  }
0x648: {  	[tilespmem:v10+s0+$0x0] =	vst.idx.msk $0xffff, v13;
	v58 =	vmul.f32 $8.000000000e+00, v11;
	v28 =	vadd.s32 v1, v9;
	v19 =	vld [tilespmem:s10+$0x10]  }
0x649: {  	v61 =	vld [tilespmem:s6+$0x60];
	v60 =	vadd.s32 v1, v23;
	v14 =	vmul.f32 $8.000000000e+00, v14;
	[tilespmem:v15+s0+$0x0] =	vst.idx.msk $0xffff, v12  }
0x64a: {  	v32 =	vld [tilespmem:s6+$0xFFFFFFA0];
	v62 =	vadd.s32 v1, v26;
	[tilespmem:v17+s0+$0x0] =	vst.idx.msk $0xffff, v58;
	v16 =	vmul.f32 $8.000000000e+00, v55  }
0x64b: {  	[tilespmem:v8+s0+$0x0] =	vst.idx.msk $0xffff, v14;
	v29 =	vadd.s32 v2, v5;
	v30 =	vld [tilespmem:s6+$0x20];
	v11 =	vmul.f32 $8.000000000e+00, v59  }
0x64c: {  	v38 =	vadd.s32 v2, v4;
	v63 =	vld [tilespmem:s6+$0xFFFFFFE0];
	v31 =	vmul.f32 $8.000000000e+00, v56;
	[tilespmem:v57+s0+$0x0] =	vst.idx.msk $0xffff, v16  }
0x64d: {  	v35 =	vadd.s32 v2, v7;
	v34 =	vmul.f32 $8.000000000e+00, v19;
	v36 =	vld [tilespmem:s10+$0x60];
	[tilespmem:v28+s0+$0x0] =	vst.idx.msk $0xffff, v11  }
0x64e: {  	v33 =	vadd.s32 v2, v6;
	v37 =	vmul.f32 $8.000000000e+00, v61;
	[tilespmem:v60+s0+$0x0] =	vst.idx.msk $0xffff, v31;
	v43 =	vld [tilespmem:s10+$0xFFFFFFA0]  }
0x64f: {  	v40 =	vadd.s32 v2, v22;
	v14 =	vmul.f32 $8.000000000e+00, v32;
	[tilespmem:v62+s0+$0x0] =	vst.idx.msk $0xffff, v34;
	v39 =	vld [tilespmem:s10+$0xFFFFFFE0]  }
0x650: {  	v48 =	vadd.s32 v2, v9;
	[tilespmem:v29+s0+$0x0] =	vst.idx.msk $0xffff, v37;
	v42 =	vmul.f32 $8.000000000e+00, v30;
	v41 =	vld [tilespmem:s10+$0x20]  }
0x651: {  	v44 =	vadd.s32 v2, v23;
	v15 =	vmul.f32 $8.000000000e+00, v63;
	[tilespmem:v38+s0+$0x0] =	vst.idx.msk $0xffff, v14;
	v45 =	vld [tilespmem:s6+$0x70]  }
0x652: {  	v46 =	vadd.s32 v2, v26;
	v14 =	vld [tilespmem:s6+$0xFFFFFFB0];
	[tilespmem:v35+s0+$0x0] =	vst.idx.msk $0xffff, v42;
	v47 =	vmul.f32 $8.000000000e+00, v36  }
0x653: {  	v5 =	vadd.s32 v3, v5;
	[tilespmem:v33+s0+$0x0] =	vst.idx.msk $0xffff, v15;
	v49 =	vld [tilespmem:s6+$0x30];
	v53 =	vmul.f32 $8.000000000e+00, v43  }
0x654: {  	v4 =	vadd.s32 v3, v4;
	v21 =	vld [tilespmem:s6+$0xFFFFFFF0];
	v12 =	vmul.f32 $8.000000000e+00, v39;
	[tilespmem:v40+s0+$0x0] =	vst.idx.msk $0xffff, v47  }
0x655: {  	v52 =	vadd.s32 v3, v7;
	v51 =	vmul.f32 $8.000000000e+00, v41;
	v10 =	vld [tilespmem:s10+$0x70];
	[tilespmem:v48+s0+$0x0] =	vst.idx.msk $0xffff, v53  }
0x656: {  	v50 =	vadd.s32 v3, v6;
	v54 =	vmul.f32 $8.000000000e+00, v45;
	[tilespmem:v44+s0+$0x0] =	vst.idx.msk $0xffff, v12;
	v59 =	vld [tilespmem:s10+$0xFFFFFFB0]  }
0x657: {  	v57 =	vadd.s32 v3, v22;
	v14 =	vmul.f32 $8.000000000e+00, v14;
	[tilespmem:v46+s0+$0x0] =	vst.idx.msk $0xffff, v51;
	v55 =	vld [tilespmem:s10+$0xFFFFFFF0]  }
0x658: {  	v62 =	vadd.s32 v3, v9;
	[tilespmem:v5+s0+$0x0] =	vst.idx.msk $0xffff, v54;
	v5 =	vmul.f32 $8.000000000e+00, v49;
	v58 =	vld [tilespmem:s10+$0x30]  }
0x659: {  	v56 =	vmul.f32 $8.000000000e+00, v21;
	v60 =	vadd.s32 v3, v23;
	[tilespmem:v4+s0+$0x0] =	vst.idx.msk $0xffff, v14  }
0x65a: {  	v61 =	vadd.s32 v3, v26;
	[tilespmem:v52+s0+$0x0] =	vst.idx.msk $0xffff, v5;
	v5 =	vmul.f32 $8.000000000e+00, v10  }
0x65b: {  	[tilespmem:v50+s0+$0x0] =	vst.idx.msk $0xffff, v56;
	v63 =	vmul.f32 $8.000000000e+00, v59  }
0x65c: {  	v4 =	vmul.f32 $8.000000000e+00, v55;
	[tilespmem:v57+s0+$0x0] =	vst.idx.msk $0xffff, v5  }
0x65d: {  	v5 =	vmul.f32 $8.000000000e+00, v58;
	[tilespmem:v62+s0+$0x0] =	vst.idx.msk $0xffff, v63  }
0x65e: {  	[tilespmem:v60+s0+$0x0] =	vst.idx.msk $0xffff, v4  }
0x65f: {  	[tilespmem:v61+s0+$0x0] =	vst.idx.msk $0xffff, v5  }
0x660: {  	s21 =	simm.s32 $0x10600;
	s16 =	rddreg [dreg:$0x9]  }
0x661: {  	[hbm4b:s16+s3] =	stream.linear.scatter [tilespmem:s21], [sflag:$0x6], $0x80, $0x38;
	[tilespmem:$0x12800] =	vst v63  }
0x662: {  	s10 =	simm.s32 $0x10688;
	s12 =	sadd.s32 $0x10, s16  }
0x663: {  	[hbm4b:s12+s3] =	stream.linear.scatter [tilespmem:s10], [sflag:$0x6], $0x80, $0x38;
	[tilespmem:$0x12800] =	vst v63  }
0x664: {  	s13 =	simm.s32 $0x10710;
	s18 =	simm.s32 $0x10798;
	s15 =	sadd.s32 $0x20, s16  }
0x665: {  	[hbm4b:s15+s3] =	stream.linear.scatter [tilespmem:s13], [sflag:$0x6], $0x80, $0x38;
	[tilespmem:$0x12800] =	vst v63  }
0x666: {  	s6 =	simm.s32 $0x440;
	s21 =	sadd.s32 $0x30, s16;
	s10 =	simm.s32 $0x10820  }
0x667: {  	[hbm4b:s21+s3] =	stream.linear.scatter [tilespmem:s18], [sflag:$0x6], $0x80, $0x38;
	[tilespmem:$0x12800] =	vst v63  }
0x668: {  	s12 =	sadd.s32 $0x40, s16;
	s13 =	simm.s32 $0x108A8;
	s15 =	sadd.s32 $0x50, s16  }
0x669: {  	[hbm4b:s12+s3] =	stream.linear.scatter [tilespmem:s10], [sflag:$0x6], $0x80, $0x38;
	[tilespmem:$0x12800] =	vst v63  }
0x66a: {  	s18 =	simm.s32 $0x10930;
	s21 =	sadd.s32 $0x60, s16;
	s12 =	simm.s32 $0x2200  }
0x66b: {  	[hbm4b:s15+s3] =	stream.linear.scatter [tilespmem:s13], [sflag:$0x6], $0x80, $0x38;
	[tilespmem:$0x12800] =	vst v63  }
0x66c: {  	s10 =	sadd.s32 $0x4000, s16;
	s13 =	simm.s32 $0x109B8;
	s15 =	sadd.s32 $0x70, s16  }
0x66d: {  	[hbm4b:s21+s3] =	stream.linear.scatter [tilespmem:s18], [sflag:$0x6], $0x80, $0x38;
	[tilespmem:$0x12800] =	vst v63  }
.LBB2_52:
0x66e: {  	[hbm4b:s15+s3] =	stream.linear.scatter [tilespmem:s13], [sflag:$0x6], $0x80, $0x38;
	[tilespmem:$0x12800] =	vst v63  }
0x66f: {  	s13 =	smov.u32 s6;
	s6 =	smov.u32 s12  }
0x670: {  	s16 =	sadd.s32 $0x1100, s12;
	s6 =	sshra.s32 s6, $0x2;
	s15 =	sadd.s32 $0x10600, s13  }
0x671: {  	[hbm4b:s10+s3] =	stream.linear.scatter [tilespmem:s15], [sflag:$0x6], $0x80, $0x38;
	[tilespmem:$0x12800] =	vst v63  }
0x672: {  	p0 =	sne.s32 s12, $0x7700;
	s12 =	sadd.s32 $0x10688, s13;
	s15 =	sadd.s32 $0x10, s10  }
0x673: {  	[hbm4b:s15+s3] =	stream.linear.scatter [tilespmem:s12], [sflag:$0x6], $0x80, $0x38;
	[tilespmem:$0x12800] =	vst v63  }
0x674: {  	s12 =	sadd.s32 $0x10710, s13;
	s15 =	sadd.s32 $0x20, s10  }
0x675: {  	[hbm4b:s15+s3] =	stream.linear.scatter [tilespmem:s12], [sflag:$0x6], $0x80, $0x38;
	[tilespmem:$0x12800] =	vst v63  }
0x676: {  	s12 =	sadd.s32 $0x10798, s13;
	s15 =	sadd.s32 $0x30, s10  }
0x677: {  	[hbm4b:s15+s3] =	stream.linear.scatter [tilespmem:s12], [sflag:$0x6], $0x80, $0x38;
	[tilespmem:$0x12800] =	vst v63  }
0x678: {  	s12 =	sadd.s32 $0x10820, s13;
	s15 =	sadd.s32 $0x40, s10  }
0x679: {  	[hbm4b:s15+s3] =	stream.linear.scatter [tilespmem:s12], [sflag:$0x6], $0x80, $0x38;
	[tilespmem:$0x12800] =	vst v63  }
.Ltmp26:
0x67a: {  	s12 =	sadd.s32 $0x108A8, s13;
	s15 =	sadd.s32 $0x50, s10;
	(pc) =	sbr.rel @p0 .LBB2_52-.Ltmp26, $4  }
0x67b: {  	[hbm4b:s15+s3] =	stream.linear.scatter [tilespmem:s12], [sflag:$0x6], $0x80, $0x38;
	[tilespmem:$0x12800] =	vst v63  }
0x67c: {  	s12 =	sadd.s32 $0x10930, s13;
	s15 =	sadd.s32 $0x60, s10;
	s13 =	sadd.s32 $0x109B8, s13  }
0x67d: {  	[hbm4b:s15+s3] =	stream.linear.scatter [tilespmem:s12], [sflag:$0x6], $0x80, $0x38;
	[tilespmem:$0x12800] =	vst v63  }
0x67e: {  	s15 =	sadd.s32 $0x70, s10;
	s10 =	sadd.s32 $0x4000, s10;
	s12 =	smov.u32 s16  }
0x67f: {  	[hbm4b:s15+s3] =	stream.linear.scatter [tilespmem:s13], [sflag:$0x6], $0x80, $0x38;
	[tilespmem:$0x12800] =	vst v63  }
0x680: {  	s12 =	sadd.s32 $0x10600, s6  }
0x681: {  	[hbm4b:s10+s3] =	stream.linear.scatter [tilespmem:s12], [sflag:$0x6], $0x80, $0x38;
	[tilespmem:$0x12800] =	vst v63  }
0x682: {  	s15 =	sadd.s32 $0x10688, s6;
	s16 =	sadd.s32 $0x10, s10  }
0x683: {  	[hbm4b:s16+s3] =	stream.linear.scatter [tilespmem:s15], [sflag:$0x6], $0x80, $0x38;
	[tilespmem:$0x12800] =	vst v63  }
0x684: {  	s18 =	sadd.s32 $0x10710, s6;
	s21 =	sadd.s32 $0x20, s10  }
0x685: {  	[hbm4b:s21+s3] =	stream.linear.scatter [tilespmem:s18], [sflag:$0x6], $0x80, $0x38;
	[tilespmem:$0x12800] =	vst v63  }
0x686: {  	s15 =	sadd.s32 $0x10798, s6;
	s16 =	sadd.s32 $0x30, s10  }
0x687: {  	[hbm4b:s16+s3] =	stream.linear.scatter [tilespmem:s15], [sflag:$0x6], $0x80, $0x38;
	[tilespmem:$0x12800] =	vst v63  }
0x688: {  	s18 =	sadd.s32 $0x10820, s6;
	s21 =	sadd.s32 $0x40, s10  }
0x689: {  	[hbm4b:s21+s3] =	stream.linear.scatter [tilespmem:s18], [sflag:$0x6], $0x80, $0x38;
	[tilespmem:$0x12800] =	vst v63  }
0x68a: {  	s15 =	sadd.s32 $0x108A8, s6;
	s16 =	sadd.s32 $0x50, s10  }
0x68b: {  	[hbm4b:s16+s3] =	stream.linear.scatter [tilespmem:s15], [sflag:$0x6], $0x80, $0x38;
	[tilespmem:$0x12800] =	vst v63  }
0x68c: {  	s18 =	sadd.s32 $0x10930, s6;
	s21 =	sadd.s32 $0x60, s10  }
0x68d: {  	[hbm4b:s21+s3] =	stream.linear.scatter [tilespmem:s18], [sflag:$0x6], $0x80, $0x38;
	[tilespmem:$0x12800] =	vst v63  }
0x68e: {  	s15 =	sadd.s32 $0x109B8, s6;
	s16 =	sadd.s32 $0x70, s10  }
0x68f: {  	[hbm4b:s16+s3] =	stream.linear.scatter [tilespmem:s15], [sflag:$0x6], $0x80, $0x38;
	[tilespmem:$0x12800] =	vst v63  }
0x690: {  	_ =	swait.ge [sflag:s25], $0x2000  }
0x691: {  	[sflag:s25] =	ssyncset.done $0x0  }
0x692: {  	[sflag:s25] =	ssyncadd.s32 $0xFFFFE000  }
0x693: {  	_ =	swait.ge [sflag:s19], $0x2000  }
0x694: {  	s18 =	rddreg [dreg:$0xb]  }
0x695: {  	s21 =	rddreg [dreg:$0xa];
	s10 =	sadd.s32 $0x1, s18  }
0x696: {  	p0 =	sne.s32 s10, s21  }
.Ltmp27:
0x697: {  	_ = 	snop;
	(pc) =	sbr.rel @p0 .LBB2_1-.Ltmp27, $3  }
0x698: {  	_ =	sdelay $0x1  }
0x699: {  	[sflag:s19] =	ssyncset.done $0x0  }
0x69a: {  	[sflag:s19] =	ssyncadd.s32 $0xFFFFE000  }
0x69b: {  	_ =	sfence.sel $0x180000  }
0x69c: {  	[bflag:$0x0] =	sbarrier.arrive $0xFFFF  }
0x69d: {  	_ =	strace $0x90000047  }
0x69e: {  	s0 =	stileid.u32;
	[bflag:$0x2] =	sbarrier.arrive $0xFFFF  }
0x69f: {  	p0 =	sne.s32 s0, $0x0;
	s0 =	rddreg [dreg:$0x2]  }
0x6a0: {  	s0 =	sadd.s32 @!p0 $0x100000, s0  }
0x6a1: {  	[sflag:s0] =	ssyncadd.tile.s32 @!p0 $0x1;
	_ =	shalt  }
.Lfunc_end2:
_tile_overlayer_lowered:
.L_overlay_start_2:
0x6a2: {  	(tag) =	ssettag $0x2  }
0x6a3: {  	s0 =	rddreg [dreg:$0x0];
	s2 =	stileid.u32  }
0x6a4: {  	s1 =	rddreg [dreg:$0x1];
	p0 =	sne.s32 s2, $0x0  }
0x6a5: {  	s3 =	rddreg [dreg:$0x2];
	[bflag:$0x3] =	sbarrier.arrive $0xFFFF;
	s2 =	simm.s32 @!p0 $0x1C07  }
0x6a6: {  	[timem:s3], [sflag:s2] =	dma.local @!p0 [hbm:s0], s1  }
0x6a7: {  	s0 =	simm.s32 @!p0 $0x7  }
0x6a8: {  	_ =	swait.ge @!p0 [sflag:s0], s1  }
0x6a9: {  	s1 =	ssub.s32 @!p0 $0x0, s1;
	[sflag:s0] =	ssyncset.done @!p0 $0x0  }
0x6aa: {  	[sflag:s0] =	ssyncadd.s32 @!p0 s1  }
0x6ab: {  	[bflag:$0x3] =	sbarrier.arrive $0xFFFF  }
0x6ac: {  	_ =	shalt  }

</sc_bundles>
